<compile_context>
chip_gen: v7x
topology: tpu7x:2x2x1
jax: 0.10.2.dev20260603
libtpu: 0.0.44.dev20260713+nightly
codegen_flags: <defaults>
</compile_context>

<pallas_src>
import functools

import jax
import jax.numpy as jnp
from jax import lax
from jax.experimental import pallas as pl
from jax.experimental.pallas import tpu as pltpu
from jax.experimental.pallas import tpu_sc as plsc

LANES = 16
TPW = 128
SEG = 32
BLK = 256


def _route_kernel(s_hbm, x_hbm, xg_hbm, be_hbm, bvc_hbm, cnts_hbm,
                  sv_ref, xrows_ref, slots_ref, cnt_ref, callf_ref,
                  tbl_ref, sem_in, sem_out, *, n_exp, n_sub, a_len):
    c = lax.axis_index("c")
    s = lax.axis_index("s")
    wid = c * n_sub + s
    nblk_mol = (a_len // BLK) + n_exp
    slot_base = c * (nblk_mol * BLK)
    lane = lax.iota(jnp.int32, LANES)
    n_chunks = TPW // LANES

    pltpu.sync_copy(s_hbm.at[c, pl.ds(s * TPW, TPW)], sv_ref)
    n_seg = TPW // SEG
    gathers = [
        pltpu.async_copy(x_hbm.at[c, pl.ds(s * TPW + k * SEG, SEG)],
                         xrows_ref.at[k], sem_in.at[k])
        for k in range(n_seg)
    ]

    lc = jnp.zeros((LANES,), jnp.int32)
    for ch in range(n_chunks):
        sv = sv_ref[pl.ds(ch * LANES, LANES)]
        for e in range(n_exp):
            pc = jnp.sum((sv == e).astype(jnp.int32))
            lc = jnp.where(lane == e, lc + pc, lc)
    cnt_ref[...] = lc

    pltpu.sync_copy(cnt_ref, cnts_hbm.at[pl.ds(wid * LANES, LANES)])
    plsc.subcore_barrier()
    pltpu.sync_copy(cnts_hbm.at[pl.ds(c * (n_sub * LANES), n_sub * LANES)],
                    callf_ref)

    tb = []
    ct = []
    bstart = []
    blk_cursor = jnp.int32(0)
    for e in range(n_exp):
        col = plsc.load_gather(callf_ref, [lane * LANES + e])
        ct_e = jnp.sum(col)
        prefix_excl = plsc.cumsum(col) - col
        mine = jnp.sum(jnp.where(lane == s, prefix_excl, 0))
        tb.append(slot_base + blk_cursor * BLK + mine)
        ct.append(ct_e)
        bstart.append(blk_cursor)
        blk_cursor = blk_cursor + (ct_e + (BLK - 1)) // BLK

    running = [jnp.full((LANES,), tb[e], jnp.int32) for e in range(n_exp)]
    for ch in range(n_chunks):
        sv = sv_ref[pl.ds(ch * LANES, LANES)]
        slot = jnp.zeros((LANES,), jnp.int32)
        for e in range(n_exp):
            m = sv == e
            csum = plsc.cumsum(m.astype(jnp.int32))
            slot = jnp.where(m, running[e] + csum - 1, slot)
            running[e] = running[e] + jnp.sum(m.astype(jnp.int32))
        slots_ref[ch // 2, pl.ds((ch % 2) * LANES, LANES)] = slot

    scatters = []
    for k in range(n_seg):
        gathers[k].wait()
        scatters.append(
            pltpu.async_copy(xrows_ref.at[k], xg_hbm.at[slots_ref.at[k]],
                             sem_out))
    for sc in scatters:
        sc.wait()

    @pl.when(s == 0)
    def _():
        blkvec = lane
        evec = jnp.zeros((LANES,), jnp.int32)
        vcvec = jnp.zeros((LANES,), jnp.int32)
        for e in range(n_exp):
            pe = (ct[e] + (BLK - 1)) // BLK
            m = (blkvec >= bstart[e]) & (blkvec < bstart[e] + pe)
            evec = jnp.where(m, e, evec)
            vc = jnp.clip(ct[e] - (blkvec - bstart[e]) * BLK, 0, BLK)
            vcvec = jnp.where(m, vc, vcvec)
        tbl_ref[pl.ds(0, LANES)] = evec
        tbl_ref[pl.ds(LANES, LANES)] = vcvec
        pltpu.sync_copy(tbl_ref.at[pl.ds(0, LANES)],
                        be_hbm.at[pl.ds(c * LANES, LANES)])
        pltpu.sync_copy(tbl_ref.at[pl.ds(LANES, LANES)],
                        bvc_hbm.at[pl.ds(c * LANES, LANES)])


def _mlp_kernel(be_ref, bvc_ref, b4_ref, xg_ref, w1_ref, b1_ref, w2_ref,
                b2_ref, w3_ref, b3_ref, w4_ref, out_ref, acc_ref,
                *, nblk_mol, nblk):
    t = pl.program_id(0)

    @pl.when(t == 0)
    def _():
        for m in range(out_ref.shape[0]):
            acc_ref[m] = 0.0

    vc = bvc_ref[t]

    @pl.when(vc > 0)
    def _():
        e = be_ref[t]
        x = xg_ref[...]
        h = jnp.maximum(
            lax.dot_general(x, w1_ref[0], (((1,), (1,)), ((), ())),
                            preferred_element_type=jnp.float32)
            + b1_ref[e][None, :], 0.0)
        h = jnp.maximum(
            lax.dot_general(h, w2_ref[e], (((1,), (0,)), ((), ())),
                            preferred_element_type=jnp.float32)
            + b2_ref[e][None, :], 0.0)
        h = jnp.maximum(
            lax.dot_general(h, w3_ref[e], (((1,), (1,)), ((), ())),
                            preferred_element_type=jnp.float32)
            + b3_ref[e][None, :], 0.0)
        rows = lax.broadcasted_iota(jnp.int32, h.shape, 0)
        hm = jnp.where(rows < vc, h, 0.0)
        ones = jnp.ones((1, BLK), jnp.float32)
        csum = lax.dot_general(ones, hm, (((1,), (0,)), ((), ())),
                               preferred_element_type=jnp.float32)
        w4r = w4_ref[e][None, :]
        total = jnp.sum(csum * w4r) \
            + vc.astype(jnp.float32) * b4_ref[e]
        mol = t // nblk_mol
        acc_ref[mol] += total

    @pl.when(t == nblk - 1)
    def _():
        ocol = lax.broadcasted_iota(jnp.int32, out_ref.shape, 1)
        res = jnp.zeros(out_ref.shape, jnp.float32)
        for m in range(out_ref.shape[1]):
            res = jnp.where(ocol == m, acc_ref[m], res)
        out_ref[...] = res


def kernel(species, input, W1, b1, W2, b2, W3, b3, W4, b4):
    B, A = species.shape
    D = input.shape[-1]
    E = W1.shape[0]
    nblk_mol = (A // BLK) + E
    nblk = B * nblk_mol
    nslots = nblk * BLK

    sp = species.astype(jnp.int32)

    mesh = plsc.VectorSubcoreMesh(core_axis_name="c", subcore_axis_name="s")
    route = functools.partial(
        pl.kernel,
        out_type=[
            jax.ShapeDtypeStruct((nslots, D), jnp.float32),
            jax.ShapeDtypeStruct((B * LANES,), jnp.int32),
            jax.ShapeDtypeStruct((B * LANES,), jnp.int32),
            jax.ShapeDtypeStruct((B * LANES * LANES,), jnp.int32),
        ],
        mesh=mesh,
        compiler_params=pltpu.CompilerParams(needs_layout_passes=False),
        scratch_types=[
            pltpu.VMEM((TPW,), jnp.int32),
            pltpu.VMEM((TPW // SEG, SEG, D), jnp.float32),
            pltpu.VMEM((TPW // SEG, SEG), jnp.int32),
            pltpu.VMEM((LANES,), jnp.int32),
            pltpu.VMEM((LANES * LANES,), jnp.int32),
            pltpu.VMEM((2 * LANES,), jnp.int32),
            pltpu.SemaphoreType.DMA((TPW // SEG,)),
            pltpu.SemaphoreType.DMA,
        ],
    )(functools.partial(_route_kernel, n_exp=E, n_sub=LANES, a_len=A))
    xg, be, bvc, _ = route(sp, input)

    def wspec(shape):
        return pl.BlockSpec((1,) + shape[1:],
                            lambda t, be_, bvc_, b4_: (be_[t],) + (0,) * (len(shape) - 1))

    def xg_map(t, be_, bvc_, b4_):
        return (jnp.where(bvc_[t] > 0, t, (t // nblk_mol) * nblk_mol), 0)

    W1s = jnp.swapaxes(W1, 1, 2)
    W3s = jnp.swapaxes(W3, 1, 2)
    W4s = W4[:, :, 0]
    b4s = b4[:, 0]

    whole = lambda shape: pl.BlockSpec(
        shape, lambda t, be_, bvc_, b4_: (0,) * len(shape))
    grid_spec = pltpu.PrefetchScalarGridSpec(
        num_scalar_prefetch=3,
        grid=(nblk,),
        in_specs=[
            pl.BlockSpec((BLK, D), xg_map),
            wspec(W1s.shape), whole(b1.shape),
            whole(W2.shape), whole(b2.shape),
            whole(W3s.shape), whole(b3.shape),
            whole(W4s.shape),
        ],
        out_specs=pl.BlockSpec((1, B), lambda t, be_, bvc_, b4_: (0, 0)),
        scratch_shapes=[pltpu.SMEM((B,), jnp.float32)],
    )
    out = pl.pallas_call(
        functools.partial(_mlp_kernel, nblk_mol=nblk_mol, nblk=nblk),
        grid_spec=grid_spec,
        out_shape=jax.ShapeDtypeStruct((1, B), jnp.float32),
    )(be, bvc, b4s, xg, W1s, b1, W2, b2, W3s, b3, W4s)
    return out.reshape(B, 1)

# --- scband reference (transcript-rebuilt; emitter-appended) ---
"""Pipeline reference for scband-molecule-model-39633958207559 (READ-ONLY COPY).

The authoritative reference and input builder live on the scoring server;
editing this copy changes nothing except your own understanding.
"""

import jax, jax.numpy as jnp
import numpy as np

E = 8
D = 768
B = 2
A = 2048
SIZES = [D, 160, 128, 96, 1]


def setup_inputs(seed: int = 0) -> dict:
    key = jax.random.key(seed)
    ks = jax.random.split(key, 2 + 2 * (len(SIZES) - 1))
    species = jax.random.randint(ks[0], (B, A), 0, E, dtype=jnp.int64)
    x = jax.random.normal(ks[1], (B, A, D), dtype=jnp.float32)
    inp = {"species": species, "input": x}
    # Per-expert stacked MLP parameters (torch FFNModel builds n_species AtomicNNs;
    # we stack them along a leading expert axis E).
    for li in range(len(SIZES) - 1):
        fan_in, fan_out = SIZES[li], SIZES[li + 1]
        kw = jax.random.fold_in(ks[2 + 2 * li], li)
        kb = jax.random.fold_in(ks[3 + 2 * li], li)
        bound = 1.0 / np.sqrt(fan_in)
        inp[f"W{li+1}"] = jax.random.uniform(kw, (E, fan_in, fan_out), jnp.float32, -bound, bound)
        inp[f"b{li+1}"] = jax.random.uniform(kb, (E, fan_out), jnp.float32, -bound, bound)
    return inp


def reference(species, input, W1, b1, W2, b2, W3, b3, W4, b4):
    # Faithful translation of FFNModel.forward:
    #   flatten species/input, route each atom to its species-specific AtomicNN,
    #   scatter scalar outputs back, sum per molecule (dim=1, keepdim=True).
    Bq, Aq = species.shape
    sf = species.reshape(-1)
    xf = input.reshape(-1, input.shape[-1])
    out = jnp.zeros((sf.shape[0],), dtype=input.dtype)
    n_exp = W1.shape[0]
    for i in range(n_exp):
        h = jnp.maximum(xf @ W1[i] + b1[i], 0.0)
        h = jnp.maximum(h @ W2[i] + b2[i], 0.0)
        h = jnp.maximum(h @ W3[i] + b3[i], 0.0)
        y = (h @ W4[i] + b4[i]).reshape(-1)
        out = jnp.where(sf == i, y, out)  # masked_scatter_ equivalent
    out = out.reshape(Bq, Aq)
    return jnp.sum(out, axis=1, keepdims=True)

if __name__ == "__main__":
    import jax
    _d = setup_inputs()
    print(jax.jit(kernel)(*tuple(_d.values())))

</pallas_src>

<mosaic_0001>
#map = affine_map<(d0, d1) -> (0, 0)>
#map1 = affine_map<(d0, d1) -> (0, 0, 0)>
#map2 = affine_map<(d0, d1) -> (0)>
module attributes {stable_mosaic.version = 14 : i64} {
  func.func @_route_kernel(%arg0: i32, %arg1: i32, %arg2: memref<2x2048xi32, #tpu.memory_space<hbm>>, %arg3: memref<2x2048x768xf32, #tpu.memory_space<hbm>>, %arg4: memref<8192x768xf32, #tpu.memory_space<hbm>>, %arg5: memref<32xi32, #tpu.memory_space<hbm>>, %arg6: memref<32xi32, #tpu.memory_space<hbm>>, %arg7: memref<512xi32, #tpu.memory_space<hbm>>, %arg8: memref<128xi32, #tpu.memory_space<vmem>>, %arg9: memref<4x32x768xf32, #tpu.memory_space<vmem>>, %arg10: memref<4x32xi32, #tpu.memory_space<vmem>>, %arg11: memref<16xi32, #tpu.memory_space<vmem>>, %arg12: memref<256xi32, #tpu.memory_space<vmem>>, %arg13: memref<32xi32, #tpu.memory_space<vmem>>, %arg14: memref<4x!tpu.dma_semaphore, #tpu.memory_space<semaphore_mem>>, %arg15: memref<!tpu.dma_semaphore, #tpu.memory_space<semaphore_mem>>) attributes {dimension_semantics = [#tpu.dimension_semantics<core_parallel>, #tpu.dimension_semantics<subcore_parallel>], iteration_bounds = array<i64: 2, 16>, scalar_prefetch = 0 : i64, scratch_operands = 8 : i64, tpu.core_type = #tpu.core_type<sc_vector_subcore>, window_params = [{transform_indices = #map}, {transform_indices = #map1}, {transform_indices = #map}, {transform_indices = #map2}, {transform_indices = #map2}, {transform_indices = #map2}]} {
    %mul3A = arith.constant 16 : i32
    %mul3A_0 = arith.muli %arg0, %mul3A : i32
    %add3A = arith.addi %mul3A_0, %arg1 : i32
    %mul3A_1 = arith.constant 4096 : i32
    %mul3A_2 = arith.muli %arg0, %mul3A_1 : i32
    %iota3A = tpu.iota {dimensions = array<i32: 0>} : vector<16xi32>
    %mul3A_3 = arith.constant 128 : i32
    %mul3A_4 = arith.muli %arg1, %mul3A_3 : i32
    "tpu.region"() ({
      %run_scoped3A = tpu.sem_alloc : memref<!tpu.dma_semaphore, #tpu.memory_space<semaphore_mem>>
      %dma_start3A_2898 = tpu.memref_slice %arg2[%arg0, %mul3A_4] : memref<2x2048xi32, #tpu.memory_space<hbm>> -> memref<1x128xi32, #tpu.memory_space<hbm>>
      %dma_start3A_2899 = tpu.memref_squeeze %dma_start3A_2898 : memref<1x128xi32, #tpu.memory_space<hbm>> -> memref<128xi32, #tpu.memory_space<hbm>>
      %dma_start3A_2900 = tpu.memref_slice %arg2[%arg0, %mul3A_4] : memref<2x2048xi32, #tpu.memory_space<hbm>> -> memref<1x128xi32, #tpu.memory_space<hbm>>
      %dma_start3A_2901 = tpu.memref_squeeze %dma_start3A_2900 : memref<1x128xi32, #tpu.memory_space<hbm>> -> memref<128xi32, #tpu.memory_space<hbm>>
      tpu.enqueue_dma source(%dma_start3A_2901 : memref<128xi32, #tpu.memory_space<hbm>>) target(%arg8 : memref<128xi32, #tpu.memory_space<vmem>>) target_semaphore(%run_scoped3A : memref<!tpu.dma_semaphore, #tpu.memory_space<semaphore_mem>>)
      %dma_wait3A_2902 = tpu.memref_slice %arg2[%arg0, %mul3A_4] : memref<2x2048xi32, #tpu.memory_space<hbm>> -> memref<1x128xi32, #tpu.memory_space<hbm>>
      %dma_wait3A_2903 = tpu.memref_squeeze %dma_wait3A_2902 : memref<1x128xi32, #tpu.memory_space<hbm>> -> memref<128xi32, #tpu.memory_space<hbm>>
      %dma_wait3A_2904 = tpu.memref_slice %arg2[%arg0, %mul3A_4] : memref<2x2048xi32, #tpu.memory_space<hbm>> -> memref<1x128xi32, #tpu.memory_space<hbm>>
      %dma_wait3A_2905 = tpu.memref_squeeze %dma_wait3A_2904 : memref<1x128xi32, #tpu.memory_space<hbm>> -> memref<128xi32, #tpu.memory_space<hbm>>
      tpu.wait_dma2 semaphore(%run_scoped3A : memref<!tpu.dma_semaphore, #tpu.memory_space<semaphore_mem>>) src(%dma_wait3A_2905 : memref<128xi32, #tpu.memory_space<hbm>>) dst(%arg8 : memref<128xi32, #tpu.memory_space<vmem>>)
      tpu.yield
    }) : () -> ()
    %mul3A_5 = arith.constant 128 : i32
    %mul3A_6 = arith.muli %arg1, %mul3A_5 : i32
    %add3A_7 = arith.constant 0 : i32
    %add3A_8 = arith.addi %mul3A_6, %add3A_7 : i32
    %dma_start3A = arith.constant 0 : i32
    %dma_start3A_9 = arith.constant 0 : i32
    %dma_start3A_10 = arith.constant 0 : i32
    %dma_start3A_11 = arith.constant 0 : i32
    %dma_start3A_12 = tpu.memref_slice %arg9[%dma_start3A, %dma_start3A_10, %dma_start3A_11] : memref<4x32x768xf32, #tpu.memory_space<vmem>> -> memref<1x32x768xf32, #tpu.memory_space<vmem>>
    %dma_start3A_13 = tpu.memref_squeeze %dma_start3A_12 : memref<1x32x768xf32, #tpu.memory_space<vmem>> -> memref<32x768xf32, #tpu.memory_space<vmem>>
    %dma_start3A_14 = arith.constant 0 : i32
    %dma_start3A_15 = tpu.memref_slice %arg3[%arg0, %add3A_8, %dma_start3A_14] : memref<2x2048x768xf32, #tpu.memory_space<hbm>> -> memref<1x32x768xf32, #tpu.memory_space<hbm>>
    %dma_start3A_16 = tpu.memref_squeeze %dma_start3A_15 : memref<1x32x768xf32, #tpu.memory_space<hbm>> -> memref<32x768xf32, #tpu.memory_space<hbm>>
    %dma_start3A_17 = tpu.memref_slice %arg14[%dma_start3A_9] : memref<4x!tpu.dma_semaphore, #tpu.memory_space<semaphore_mem>> -> memref<1x!tpu.dma_semaphore, #tpu.memory_space<semaphore_mem>>
    %dma_start3A_18 = tpu.memref_squeeze %dma_start3A_17 : memref<1x!tpu.dma_semaphore, #tpu.memory_space<semaphore_mem>> -> memref<!tpu.dma_semaphore, #tpu.memory_space<semaphore_mem>>
    %dma_start3A_19 = arith.constant 0 : i32
    %dma_start3A_20 = arith.constant 0 : i32
    %dma_start3A_21 = tpu.memref_slice %arg9[%dma_start3A, %dma_start3A_19, %dma_start3A_20] : memref<4x32x768xf32, #tpu.memory_space<vmem>> -> memref<1x32x768xf32, #tpu.memory_space<vmem>>
    %dma_start3A_22 = tpu.memref_squeeze %dma_start3A_21 : memref<1x32x768xf32, #tpu.memory_space<vmem>> -> memref<32x768xf32, #tpu.memory_space<vmem>>
    %dma_start3A_23 = arith.constant 0 : i32
    %dma_start3A_24 = tpu.memref_slice %arg3[%arg0, %add3A_8, %dma_start3A_23] : memref<2x2048x768xf32, #tpu.memory_space<hbm>> -> memref<1x32x768xf32, #tpu.memory_space<hbm>>
    %dma_start3A_25 = tpu.memref_squeeze %dma_start3A_24 : memref<1x32x768xf32, #tpu.memory_space<hbm>> -> memref<32x768xf32, #tpu.memory_space<hbm>>
    tpu.enqueue_dma source(%dma_start3A_25 : memref<32x768xf32, #tpu.memory_space<hbm>>) target(%dma_start3A_22 : memref<32x768xf32, #tpu.memory_space<vmem>>) target_semaphore(%dma_start3A_18 : memref<!tpu.dma_semaphore, #tpu.memory_space<semaphore_mem>>)
    %mul3A_26 = arith.constant 128 : i32
    %mul3A_27 = arith.muli %arg1, %mul3A_26 : i32
    %add3A_28 = arith.constant 32 : i32
    %add3A_29 = arith.addi %mul3A_27, %add3A_28 : i32
    %dma_start3A_30 = arith.constant 1 : i32
    %dma_start3A_31 = arith.constant 1 : i32
    %dma_start3A_32 = arith.constant 0 : i32
    %dma_start3A_33 = arith.constant 0 : i32
    %dma_start3A_34 = tpu.memref_slice %arg9[%dma_start3A_30, %dma_start3A_32, %dma_start3A_33] : memref<4x32x768xf32, #tpu.memory_space<vmem>> -> memref<1x32x768xf32, #tpu.memory_space<vmem>>
    %dma_start3A_35 = tpu.memref_squeeze %dma_start3A_34 : memref<1x32x768xf32, #tpu.memory_space<vmem>> -> memref<32x768xf32, #tpu.memory_space<vmem>>
    %dma_start3A_36 = arith.constant 0 : i32
    %dma_start3A_37 = tpu.memref_slice %arg3[%arg0, %add3A_29, %dma_start3A_36] : memref<2x2048x768xf32, #tpu.memory_space<hbm>> -> memref<1x32x768xf32, #tpu.memory_space<hbm>>
    %dma_start3A_38 = tpu.memref_squeeze %dma_start3A_37 : memref<1x32x768xf32, #tpu.memory_space<hbm>> -> memref<32x768xf32, #tpu.memory_space<hbm>>
    %dma_start3A_39 = tpu.memref_slice %arg14[%dma_start3A_31] : memref<4x!tpu.dma_semaphore, #tpu.memory_space<semaphore_mem>> -> memref<1x!tpu.dma_semaphore, #tpu.memory_space<semaphore_mem>>
    %dma_start3A_40 = tpu.memref_squeeze %dma_start3A_39 : memref<1x!tpu.dma_semaphore, #tpu.memory_space<semaphore_mem>> -> memref<!tpu.dma_semaphore, #tpu.memory_space<semaphore_mem>>
    %dma_start3A_41 = arith.constant 0 : i32
    %dma_start3A_42 = arith.constant 0 : i32
    %dma_start3A_43 = tpu.memref_slice %arg9[%dma_start3A_30, %dma_start3A_41, %dma_start3A_42] : memref<4x32x768xf32, #tpu.memory_space<vmem>> -> memref<1x32x768xf32, #tpu.memory_space<vmem>>
    %dma_start3A_44 = tpu.memref_squeeze %dma_start3A_43 : memref<1x32x768xf32, #tpu.memory_space<vmem>> -> memref<32x768xf32, #tpu.memory_space<vmem>>
    %dma_start3A_45 = arith.constant 0 : i32
    %dma_start3A_46 = tpu.memref_slice %arg3[%arg0, %add3A_29, %dma_start3A_45] : memref<2x2048x768xf32, #tpu.memory_space<hbm>> -> memref<1x32x768xf32, #tpu.memory_space<hbm>>
    %dma_start3A_47 = tpu.memref_squeeze %dma_start3A_46 : memref<1x32x768xf32, #tpu.memory_space<hbm>> -> memref<32x768xf32, #tpu.memory_space<hbm>>
    tpu.enqueue_dma source(%dma_start3A_47 : memref<32x768xf32, #tpu.memory_space<hbm>>) target(%dma_start3A_44 : memref<32x768xf32, #tpu.memory_space<vmem>>) target_semaphore(%dma_start3A_40 : memref<!tpu.dma_semaphore, #tpu.memory_space<semaphore_mem>>)
    %mul3A_48 = arith.constant 128 : i32
    %mul3A_49 = arith.muli %arg1, %mul3A_48 : i32
    %add3A_50 = arith.constant 64 : i32
    %add3A_51 = arith.addi %mul3A_49, %add3A_50 : i32
    %dma_start3A_52 = arith.constant 2 : i32
    %dma_start3A_53 = arith.constant 2 : i32
    %dma_start3A_54 = arith.constant 0 : i32
    %dma_start3A_55 = arith.constant 0 : i32
    %dma_start3A_56 = tpu.memref_slice %arg9[%dma_start3A_52, %dma_start3A_54, %dma_start3A_55] : memref<4x32x768xf32, #tpu.memory_space<vmem>> -> memref<1x32x768xf32, #tpu.memory_space<vmem>>
    %dma_start3A_57 = tpu.memref_squeeze %dma_start3A_56 : memref<1x32x768xf32, #tpu.memory_space<vmem>> -> memref<32x768xf32, #tpu.memory_space<vmem>>
    %dma_start3A_58 = arith.constant 0 : i32
    %dma_start3A_59 = tpu.memref_slice %arg3[%arg0, %add3A_51, %dma_start3A_58] : memref<2x2048x768xf32, #tpu.memory_space<hbm>> -> memref<1x32x768xf32, #tpu.memory_space<hbm>>
    %dma_start3A_60 = tpu.memref_squeeze %dma_start3A_59 : memref<1x32x768xf32, #tpu.memory_space<hbm>> -> memref<32x768xf32, #tpu.memory_space<hbm>>
    %dma_start3A_61 = tpu.memref_slice %arg14[%dma_start3A_53] : memref<4x!tpu.dma_semaphore, #tpu.memory_space<semaphore_mem>> -> memref<1x!tpu.dma_semaphore, #tpu.memory_space<semaphore_mem>>
    %dma_start3A_62 = tpu.memref_squeeze %dma_start3A_61 : memref<1x!tpu.dma_semaphore, #tpu.memory_space<semaphore_mem>> -> memref<!tpu.dma_semaphore, #tpu.memory_space<semaphore_mem>>
    %dma_start3A_63 = arith.constant 0 : i32
    %dma_start3A_64 = arith.constant 0 : i32
    %dma_start3A_65 = tpu.memref_slice %arg9[%dma_start3A_52, %dma_start3A_63, %dma_start3A_64] : memref<4x32x768xf32, #tpu.memory_space<vmem>> -> memref<1x32x768xf32, #tpu.memory_space<vmem>>
    %dma_start3A_66 = tpu.memref_squeeze %dma_start3A_65 : memref<1x32x768xf32, #tpu.memory_space<vmem>> -> memref<32x768xf32, #tpu.memory_space<vmem>>
    %dma_start3A_67 = arith.constant 0 : i32
    %dma_start3A_68 = tpu.memref_slice %arg3[%arg0, %add3A_51, %dma_start3A_67] : memref<2x2048x768xf32, #tpu.memory_space<hbm>> -> memref<1x32x768xf32, #tpu.memory_space<hbm>>
    %dma_start3A_69 = tpu.memref_squeeze %dma_start3A_68 : memref<1x32x768xf32, #tpu.memory_space<hbm>> -> memref<32x768xf32, #tpu.memory_space<hbm>>
    tpu.enqueue_dma source(%dma_start3A_69 : memref<32x768xf32, #tpu.memory_space<hbm>>) target(%dma_start3A_66 : memref<32x768xf32, #tpu.memory_space<vmem>>) target_semaphore(%dma_start3A_62 : memref<!tpu.dma_semaphore, #tpu.memory_space<semaphore_mem>>)
    %mul3A_70 = arith.constant 128 : i32
    %mul3A_71 = arith.muli %arg1, %mul3A_70 : i32
    %add3A_72 = arith.constant 96 : i32
    %add3A_73 = arith.addi %mul3A_71, %add3A_72 : i32
    %dma_start3A_74 = arith.constant 3 : i32
    %dma_start3A_75 = arith.constant 3 : i32
    %dma_start3A_76 = arith.constant 0 : i32
    %dma_start3A_77 = arith.constant 0 : i32
    %dma_start3A_78 = tpu.memref_slice %arg9[%dma_start3A_74, %dma_start3A_76, %dma_start3A_77] : memref<4x32x768xf32, #tpu.memory_space<vmem>> -> memref<1x32x768xf32, #tpu.memory_space<vmem>>
    %dma_start3A_79 = tpu.memref_squeeze %dma_start3A_78 : memref<1x32x768xf32, #tpu.memory_space<vmem>> -> memref<32x768xf32, #tpu.memory_space<vmem>>
    %dma_start3A_80 = arith.constant 0 : i32
    %dma_start3A_81 = tpu.memref_slice %arg3[%arg0, %add3A_73, %dma_start3A_80] : memref<2x2048x768xf32, #tpu.memory_space<hbm>> -> memref<1x32x768xf32, #tpu.memory_space<hbm>>
    %dma_start3A_82 = tpu.memref_squeeze %dma_start3A_81 : memref<1x32x768xf32, #tpu.memory_space<hbm>> -> memref<32x768xf32, #tpu.memory_space<hbm>>
    %dma_start3A_83 = tpu.memref_slice %arg14[%dma_start3A_75] : memref<4x!tpu.dma_semaphore, #tpu.memory_space<semaphore_mem>> -> memref<1x!tpu.dma_semaphore, #tpu.memory_space<semaphore_mem>>
    %dma_start3A_84 = tpu.memref_squeeze %dma_start3A_83 : memref<1x!tpu.dma_semaphore, #tpu.memory_space<semaphore_mem>> -> memref<!tpu.dma_semaphore, #tpu.memory_space<semaphore_mem>>
    %dma_start3A_85 = arith.constant 0 : i32
    %dma_start3A_86 = arith.constant 0 : i32
    %dma_start3A_87 = tpu.memref_slice %arg9[%dma_start3A_74, %dma_start3A_85, %dma_start3A_86] : memref<4x32x768xf32, #tpu.memory_space<vmem>> -> memref<1x32x768xf32, #tpu.memory_space<vmem>>
    %dma_start3A_88 = tpu.memref_squeeze %dma_start3A_87 : memref<1x32x768xf32, #tpu.memory_space<vmem>> -> memref<32x768xf32, #tpu.memory_space<vmem>>
    %dma_start3A_89 = arith.constant 0 : i32
    %dma_start3A_90 = tpu.memref_slice %arg3[%arg0, %add3A_73, %dma_start3A_89] : memref<2x2048x768xf32, #tpu.memory_space<hbm>> -> memref<1x32x768xf32, #tpu.memory_space<hbm>>
    %dma_start3A_91 = tpu.memref_squeeze %dma_start3A_90 : memref<1x32x768xf32, #tpu.memory_space<hbm>> -> memref<32x768xf32, #tpu.memory_space<hbm>>
    tpu.enqueue_dma source(%dma_start3A_91 : memref<32x768xf32, #tpu.memory_space<hbm>>) target(%dma_start3A_88 : memref<32x768xf32, #tpu.memory_space<vmem>>) target_semaphore(%dma_start3A_84 : memref<!tpu.dma_semaphore, #tpu.memory_space<semaphore_mem>>)
    %broadcast_in_dim3A = arith.constant 0 : i32
    %broadcast_in_dim3A_92 = vector.broadcast %broadcast_in_dim3A : i32 to vector<16xi32>
    %get3A = arith.constant 0 : index
    %get3A_93 = tpu.vector_load %arg8[%get3A] {strides = array<i32>} : memref<128xi32, #tpu.memory_space<vmem>>, vector<16xi32>,
    %eq3A = arith.constant 0 : i32
    %eq3A_94 = vector.broadcast %eq3A : i32 to vector<16xi32>
    %eq3A_95 = arith.cmpi eq, %get3A_93, %eq3A_94 : vector<16xi32>
    %convert_element_type3A = arith.extui %eq3A_95 : vector<16xi1> to vector<16xi32>
    %reduce_sum3A = arith.constant true
    %reduce_sum3A_96 = vector.broadcast %reduce_sum3A : i1 to vector<16xi1>
    %reduce_sum3A_97 = tpu.scan <sum>, %convert_element_type3A masked %reduce_sum3A_96 : vector<16xi32>, vector<16xi1> -> vector<16xi32>
    %reduce_sum3A_98 = vector.extract %reduce_sum3A_97[15] : i32 from vector<16xi32>
    %eq3A_99 = arith.constant 0 : i32
    %eq3A_100 = vector.broadcast %eq3A_99 : i32 to vector<16xi32>
    %eq3A_101 = arith.cmpi eq, %iota3A, %eq3A_100 : vector<16xi32>
    %add3A_102 = vector.broadcast %reduce_sum3A_98 : i32 to vector<16xi32>
    %add3A_103 = arith.addi %broadcast_in_dim3A_92, %add3A_102 : vector<16xi32>
    %select_n3A = arith.select %eq3A_101, %add3A_103, %broadcast_in_dim3A_92 : vector<16xi1>, vector<16xi32>
    %eq3A_104 = arith.constant 1 : i32
    %eq3A_105 = vector.broadcast %eq3A_104 : i32 to vector<16xi32>
    %eq3A_106 = arith.cmpi eq, %get3A_93, %eq3A_105 : vector<16xi32>
    %convert_element_type3A_107 = arith.extui %eq3A_106 : vector<16xi1> to vector<16xi32>
    %reduce_sum3A_108 = arith.constant true
    %reduce_sum3A_109 = vector.broadcast %reduce_sum3A_108 : i1 to vector<16xi1>
    %reduce_sum3A_110 = tpu.scan <sum>, %convert_element_type3A_107 masked %reduce_sum3A_109 : vector<16xi32>, vector<16xi1> -> vector<16xi32>
    %reduce_sum3A_111 = vector.extract %reduce_sum3A_110[15] : i32 from vector<16xi32>
    %eq3A_112 = arith.constant 1 : i32
    %eq3A_113 = vector.broadcast %eq3A_112 : i32 to vector<16xi32>
    %eq3A_114 = arith.cmpi eq, %iota3A, %eq3A_113 : vector<16xi32>
    %add3A_115 = vector.broadcast %reduce_sum3A_111 : i32 to vector<16xi32>
    %add3A_116 = arith.addi %select_n3A, %add3A_115 : vector<16xi32>
    %select_n3A_117 = arith.select %eq3A_114, %add3A_116, %select_n3A : vector<16xi1>, vector<16xi32>
    %eq3A_118 = arith.constant 2 : i32
    %eq3A_119 = vector.broadcast %eq3A_118 : i32 to vector<16xi32>
    %eq3A_120 = arith.cmpi eq, %get3A_93, %eq3A_119 : vector<16xi32>
    %convert_element_type3A_121 = arith.extui %eq3A_120 : vector<16xi1> to vector<16xi32>
    %reduce_sum3A_122 = arith.constant true
    %reduce_sum3A_123 = vector.broadcast %reduce_sum3A_122 : i1 to vector<16xi1>
    %reduce_sum3A_124 = tpu.scan <sum>, %convert_element_type3A_121 masked %reduce_sum3A_123 : vector<16xi32>, vector<16xi1> -> vector<16xi32>
    %reduce_sum3A_125 = vector.extract %reduce_sum3A_124[15] : i32 from vector<16xi32>
    %eq3A_126 = arith.constant 2 : i32
    %eq3A_127 = vector.broadcast %eq3A_126 : i32 to vector<16xi32>
    %eq3A_128 = arith.cmpi eq, %iota3A, %eq3A_127 : vector<16xi32>
    %add3A_129 = vector.broadcast %reduce_sum3A_125 : i32 to vector<16xi32>
    %add3A_130 = arith.addi %select_n3A_117, %add3A_129 : vector<16xi32>
    %select_n3A_131 = arith.select %eq3A_128, %add3A_130, %select_n3A_117 : vector<16xi1>, vector<16xi32>
    %eq3A_132 = arith.constant 3 : i32
    %eq3A_133 = vector.broadcast %eq3A_132 : i32 to vector<16xi32>
    %eq3A_134 = arith.cmpi eq, %get3A_93, %eq3A_133 : vector<16xi32>
    %convert_element_type3A_135 = arith.extui %eq3A_134 : vector<16xi1> to vector<16xi32>
    %reduce_sum3A_136 = arith.constant true
    %reduce_sum3A_137 = vector.broadcast %reduce_sum3A_136 : i1 to vector<16xi1>
    %reduce_sum3A_138 = tpu.scan <sum>, %convert_element_type3A_135 masked %reduce_sum3A_137 : vector<16xi32>, vector<16xi1> -> vector<16xi32>
    %reduce_sum3A_139 = vector.extract %reduce_sum3A_138[15] : i32 from vector<16xi32>
    %eq3A_140 = arith.constant 3 : i32
    %eq3A_141 = vector.broadcast %eq3A_140 : i32 to vector<16xi32>
    %eq3A_142 = arith.cmpi eq, %iota3A, %eq3A_141 : vector<16xi32>
    %add3A_143 = vector.broadcast %reduce_sum3A_139 : i32 to vector<16xi32>
    %add3A_144 = arith.addi %select_n3A_131, %add3A_143 : vector<16xi32>
    %select_n3A_145 = arith.select %eq3A_142, %add3A_144, %select_n3A_131 : vector<16xi1>, vector<16xi32>
    %eq3A_146 = arith.constant 4 : i32
    %eq3A_147 = vector.broadcast %eq3A_146 : i32 to vector<16xi32>
    %eq3A_148 = arith.cmpi eq, %get3A_93, %eq3A_147 : vector<16xi32>
    %convert_element_type3A_149 = arith.extui %eq3A_148 : vector<16xi1> to vector<16xi32>
    %reduce_sum3A_150 = arith.constant true
    %reduce_sum3A_151 = vector.broadcast %reduce_sum3A_150 : i1 to vector<16xi1>
    %reduce_sum3A_152 = tpu.scan <sum>, %convert_element_type3A_149 masked %reduce_sum3A_151 : vector<16xi32>, vector<16xi1> -> vector<16xi32>
    %reduce_sum3A_153 = vector.extract %reduce_sum3A_152[15] : i32 from vector<16xi32>
    %eq3A_154 = arith.constant 4 : i32
    %eq3A_155 = vector.broadcast %eq3A_154 : i32 to vector<16xi32>
    %eq3A_156 = arith.cmpi eq, %iota3A, %eq3A_155 : vector<16xi32>
    %add3A_157 = vector.broadcast %reduce_sum3A_153 : i32 to vector<16xi32>
    %add3A_158 = arith.addi %select_n3A_145, %add3A_157 : vector<16xi32>
    %select_n3A_159 = arith.select %eq3A_156, %add3A_158, %select_n3A_145 : vector<16xi1>, vector<16xi32>
    %eq3A_160 = arith.constant 5 : i32
    %eq3A_161 = vector.broadcast %eq3A_160 : i32 to vector<16xi32>
    %eq3A_162 = arith.cmpi eq, %get3A_93, %eq3A_161 : vector<16xi32>
    %convert_element_type3A_163 = arith.extui %eq3A_162 : vector<16xi1> to vector<16xi32>
    %reduce_sum3A_164 = arith.constant true
    %reduce_sum3A_165 = vector.broadcast %reduce_sum3A_164 : i1 to vector<16xi1>
    %reduce_sum3A_166 = tpu.scan <sum>, %convert_element_type3A_163 masked %reduce_sum3A_165 : vector<16xi32>, vector<16xi1> -> vector<16xi32>
    %reduce_sum3A_167 = vector.extract %reduce_sum3A_166[15] : i32 from vector<16xi32>
    %eq3A_168 = arith.constant 5 : i32
    %eq3A_169 = vector.broadcast %eq3A_168 : i32 to vector<16xi32>
    %eq3A_170 = arith.cmpi eq, %iota3A, %eq3A_169 : vector<16xi32>
    %add3A_171 = vector.broadcast %reduce_sum3A_167 : i32 to vector<16xi32>
    %add3A_172 = arith.addi %select_n3A_159, %add3A_171 : vector<16xi32>
    %select_n3A_173 = arith.select %eq3A_170, %add3A_172, %select_n3A_159 : vector<16xi1>, vector<16xi32>
    %eq3A_174 = arith.constant 6 : i32
    %eq3A_175 = vector.broadcast %eq3A_174 : i32 to vector<16xi32>
    %eq3A_176 = arith.cmpi eq, %get3A_93, %eq3A_175 : vector<16xi32>
    %convert_element_type3A_177 = arith.extui %eq3A_176 : vector<16xi1> to vector<16xi32>
    %reduce_sum3A_178 = arith.constant true
    %reduce_sum3A_179 = vector.broadcast %reduce_sum3A_178 : i1 to vector<16xi1>
    %reduce_sum3A_180 = tpu.scan <sum>, %convert_element_type3A_177 masked %reduce_sum3A_179 : vector<16xi32>, vector<16xi1> -> vector<16xi32>
    %reduce_sum3A_181 = vector.extract %reduce_sum3A_180[15] : i32 from vector<16xi32>
    %eq3A_182 = arith.constant 6 : i32
    %eq3A_183 = vector.broadcast %eq3A_182 : i32 to vector<16xi32>
    %eq3A_184 = arith.cmpi eq, %iota3A, %eq3A_183 : vector<16xi32>
    %add3A_185 = vector.broadcast %reduce_sum3A_181 : i32 to vector<16xi32>
    %add3A_186 = arith.addi %select_n3A_173, %add3A_185 : vector<16xi32>
    %select_n3A_187 = arith.select %eq3A_184, %add3A_186, %select_n3A_173 : vector<16xi1>, vector<16xi32>
    %eq3A_188 = arith.constant 7 : i32
    %eq3A_189 = vector.broadcast %eq3A_188 : i32 to vector<16xi32>
    %eq3A_190 = arith.cmpi eq, %get3A_93, %eq3A_189 : vector<16xi32>
    %convert_element_type3A_191 = arith.extui %eq3A_190 : vector<16xi1> to vector<16xi32>
    %reduce_sum3A_192 = arith.constant true
    %reduce_sum3A_193 = vector.broadcast %reduce_sum3A_192 : i1 to vector<16xi1>
    %reduce_sum3A_194 = tpu.scan <sum>, %convert_element_type3A_191 masked %reduce_sum3A_193 : vector<16xi32>, vector<16xi1> -> vector<16xi32>
    %reduce_sum3A_195 = vector.extract %reduce_sum3A_194[15] : i32 from vector<16xi32>
    %eq3A_196 = arith.constant 7 : i32
    %eq3A_197 = vector.broadcast %eq3A_196 : i32 to vector<16xi32>
    %eq3A_198 = arith.cmpi eq, %iota3A, %eq3A_197 : vector<16xi32>
    %add3A_199 = vector.broadcast %reduce_sum3A_195 : i32 to vector<16xi32>
    %add3A_200 = arith.addi %select_n3A_187, %add3A_199 : vector<16xi32>
    %select_n3A_201 = arith.select %eq3A_198, %add3A_200, %select_n3A_187 : vector<16xi1>, vector<16xi32>
    %get3A_202 = arith.constant 16 : index
    %get3A_203 = tpu.vector_load %arg8[%get3A_202] {strides = array<i32>} : memref<128xi32, #tpu.memory_space<vmem>>, vector<16xi32>,
    %eq3A_204 = arith.constant 0 : i32
    %eq3A_205 = vector.broadcast %eq3A_204 : i32 to vector<16xi32>
    %eq3A_206 = arith.cmpi eq, %get3A_203, %eq3A_205 : vector<16xi32>
    %convert_element_type3A_207 = arith.extui %eq3A_206 : vector<16xi1> to vector<16xi32>
    %reduce_sum3A_208 = arith.constant true
    %reduce_sum3A_209 = vector.broadcast %reduce_sum3A_208 : i1 to vector<16xi1>
    %reduce_sum3A_210 = tpu.scan <sum>, %convert_element_type3A_207 masked %reduce_sum3A_209 : vector<16xi32>, vector<16xi1> -> vector<16xi32>
    %reduce_sum3A_211 = vector.extract %reduce_sum3A_210[15] : i32 from vector<16xi32>
    %eq3A_212 = arith.constant 0 : i32
    %eq3A_213 = vector.broadcast %eq3A_212 : i32 to vector<16xi32>
    %eq3A_214 = arith.cmpi eq, %iota3A, %eq3A_213 : vector<16xi32>
    %add3A_215 = vector.broadcast %reduce_sum3A_211 : i32 to vector<16xi32>
    %add3A_216 = arith.addi %select_n3A_201, %add3A_215 : vector<16xi32>
    %select_n3A_217 = arith.select %eq3A_214, %add3A_216, %select_n3A_201 : vector<16xi1>, vector<16xi32>
    %eq3A_218 = arith.constant 1 : i32
    %eq3A_219 = vector.broadcast %eq3A_218 : i32 to vector<16xi32>
    %eq3A_220 = arith.cmpi eq, %get3A_203, %eq3A_219 : vector<16xi32>
    %convert_element_type3A_221 = arith.extui %eq3A_220 : vector<16xi1> to vector<16xi32>
    %reduce_sum3A_222 = arith.constant true
    %reduce_sum3A_223 = vector.broadcast %reduce_sum3A_222 : i1 to vector<16xi1>
    %reduce_sum3A_224 = tpu.scan <sum>, %convert_element_type3A_221 masked %reduce_sum3A_223 : vector<16xi32>, vector<16xi1> -> vector<16xi32>
    %reduce_sum3A_225 = vector.extract %reduce_sum3A_224[15] : i32 from vector<16xi32>
    %eq3A_226 = arith.constant 1 : i32
    %eq3A_227 = vector.broadcast %eq3A_226 : i32 to vector<16xi32>
    %eq3A_228 = arith.cmpi eq, %iota3A, %eq3A_227 : vector<16xi32>
    %add3A_229 = vector.broadcast %reduce_sum3A_225 : i32 to vector<16xi32>
    %add3A_230 = arith.addi %select_n3A_217, %add3A_229 : vector<16xi32>
    %select_n3A_231 = arith.select %eq3A_228, %add3A_230, %select_n3A_217 : vector<16xi1>, vector<16xi32>
    %eq3A_232 = arith.constant 2 : i32
    %eq3A_233 = vector.broadcast %eq3A_232 : i32 to vector<16xi32>
    %eq3A_234 = arith.cmpi eq, %get3A_203, %eq3A_233 : vector<16xi32>
    %convert_element_type3A_235 = arith.extui %eq3A_234 : vector<16xi1> to vector<16xi32>
    %reduce_sum3A_236 = arith.constant true
    %reduce_sum3A_237 = vector.broadcast %reduce_sum3A_236 : i1 to vector<16xi1>
    %reduce_sum3A_238 = tpu.scan <sum>, %convert_element_type3A_235 masked %reduce_sum3A_237 : vector<16xi32>, vector<16xi1> -> vector<16xi32>
    %reduce_sum3A_239 = vector.extract %reduce_sum3A_238[15] : i32 from vector<16xi32>
    %eq3A_240 = arith.constant 2 : i32
    %eq3A_241 = vector.broadcast %eq3A_240 : i32 to vector<16xi32>
    %eq3A_242 = arith.cmpi eq, %iota3A, %eq3A_241 : vector<16xi32>
    %add3A_243 = vector.broadcast %reduce_sum3A_239 : i32 to vector<16xi32>
    %add3A_244 = arith.addi %select_n3A_231, %add3A_243 : vector<16xi32>
    %select_n3A_245 = arith.select %eq3A_242, %add3A_244, %select_n3A_231 : vector<16xi1>, vector<16xi32>
    %eq3A_246 = arith.constant 3 : i32
    %eq3A_247 = vector.broadcast %eq3A_246 : i32 to vector<16xi32>
    %eq3A_248 = arith.cmpi eq, %get3A_203, %eq3A_247 : vector<16xi32>
    %convert_element_type3A_249 = arith.extui %eq3A_248 : vector<16xi1> to vector<16xi32>
    %reduce_sum3A_250 = arith.constant true
    %reduce_sum3A_251 = vector.broadcast %reduce_sum3A_250 : i1 to vector<16xi1>
    %reduce_sum3A_252 = tpu.scan <sum>, %convert_element_type3A_249 masked %reduce_sum3A_251 : vector<16xi32>, vector<16xi1> -> vector<16xi32>
    %reduce_sum3A_253 = vector.extract %reduce_sum3A_252[15] : i32 from vector<16xi32>
    %eq3A_254 = arith.constant 3 : i32
    %eq3A_255 = vector.broadcast %eq3A_254 : i32 to vector<16xi32>
    %eq3A_256 = arith.cmpi eq, %iota3A, %eq3A_255 : vector<16xi32>
    %add3A_257 = vector.broadcast %reduce_sum3A_253 : i32 to vector<16xi32>
    %add3A_258 = arith.addi %select_n3A_245, %add3A_257 : vector<16xi32>
    %select_n3A_259 = arith.select %eq3A_256, %add3A_258, %select_n3A_245 : vector<16xi1>, vector<16xi32>
    %eq3A_260 = arith.constant 4 : i32
    %eq3A_261 = vector.broadcast %eq3A_260 : i32 to vector<16xi32>
    %eq3A_262 = arith.cmpi eq, %get3A_203, %eq3A_261 : vector<16xi32>
    %convert_element_type3A_263 = arith.extui %eq3A_262 : vector<16xi1> to vector<16xi32>
    %reduce_sum3A_264 = arith.constant true
    %reduce_sum3A_265 = vector.broadcast %reduce_sum3A_264 : i1 to vector<16xi1>
    %reduce_sum3A_266 = tpu.scan <sum>, %convert_element_type3A_263 masked %reduce_sum3A_265 : vector<16xi32>, vector<16xi1> -> vector<16xi32>
    %reduce_sum3A_267 = vector.extract %reduce_sum3A_266[15] : i32 from vector<16xi32>
    %eq3A_268 = arith.constant 4 : i32
    %eq3A_269 = vector.broadcast %eq3A_268 : i32 to vector<16xi32>
    %eq3A_270 = arith.cmpi eq, %iota3A, %eq3A_269 : vector<16xi32>
    %add3A_271 = vector.broadcast %reduce_sum3A_267 : i32 to vector<16xi32>
    %add3A_272 = arith.addi %select_n3A_259, %add3A_271 : vector<16xi32>
    %select_n3A_273 = arith.select %eq3A_270, %add3A_272, %select_n3A_259 : vector<16xi1>, vector<16xi32>
    %eq3A_274 = arith.constant 5 : i32
    %eq3A_275 = vector.broadcast %eq3A_274 : i32 to vector<16xi32>
    %eq3A_276 = arith.cmpi eq, %get3A_203, %eq3A_275 : vector<16xi32>
    %convert_element_type3A_277 = arith.extui %eq3A_276 : vector<16xi1> to vector<16xi32>
    %reduce_sum3A_278 = arith.constant true
    %reduce_sum3A_279 = vector.broadcast %reduce_sum3A_278 : i1 to vector<16xi1>
    %reduce_sum3A_280 = tpu.scan <sum>, %convert_element_type3A_277 masked %reduce_sum3A_279 : vector<16xi32>, vector<16xi1> -> vector<16xi32>
    %reduce_sum3A_281 = vector.extract %reduce_sum3A_280[15] : i32 from vector<16xi32>
    %eq3A_282 = arith.constant 5 : i32
    %eq3A_283 = vector.broadcast %eq3A_282 : i32 to vector<16xi32>
    %eq3A_284 = arith.cmpi eq, %iota3A, %eq3A_283 : vector<16xi32>
    %add3A_285 = vector.broadcast %reduce_sum3A_281 : i32 to vector<16xi32>
    %add3A_286 = arith.addi %select_n3A_273, %add3A_285 : vector<16xi32>
    %select_n3A_287 = arith.select %eq3A_284, %add3A_286, %select_n3A_273 : vector<16xi1>, vector<16xi32>
    %eq3A_288 = arith.constant 6 : i32
    %eq3A_289 = vector.broadcast %eq3A_288 : i32 to vector<16xi32>
    %eq3A_290 = arith.cmpi eq, %get3A_203, %eq3A_289 : vector<16xi32>
    %convert_element_type3A_291 = arith.extui %eq3A_290 : vector<16xi1> to vector<16xi32>
    %reduce_sum3A_292 = arith.constant true
    %reduce_sum3A_293 = vector.broadcast %reduce_sum3A_292 : i1 to vector<16xi1>
    %reduce_sum3A_294 = tpu.scan <sum>, %convert_element_type3A_291 masked %reduce_sum3A_293 : vector<16xi32>, vector<16xi1> -> vector<16xi32>
    %reduce_sum3A_295 = vector.extract %reduce_sum3A_294[15] : i32 from vector<16xi32>
    %eq3A_296 = arith.constant 6 : i32
    %eq3A_297 = vector.broadcast %eq3A_296 : i32 to vector<16xi32>
    %eq3A_298 = arith.cmpi eq, %iota3A, %eq3A_297 : vector<16xi32>
    %add3A_299 = vector.broadcast %reduce_sum3A_295 : i32 to vector<16xi32>
    %add3A_300 = arith.addi %select_n3A_287, %add3A_299 : vector<16xi32>
    %select_n3A_301 = arith.select %eq3A_298, %add3A_300, %select_n3A_287 : vector<16xi1>, vector<16xi32>
    %eq3A_302 = arith.constant 7 : i32
    %eq3A_303 = vector.broadcast %eq3A_302 : i32 to vector<16xi32>
    %eq3A_304 = arith.cmpi eq, %get3A_203, %eq3A_303 : vector<16xi32>
    %convert_element_type3A_305 = arith.extui %eq3A_304 : vector<16xi1> to vector<16xi32>
    %reduce_sum3A_306 = arith.constant true
    %reduce_sum3A_307 = vector.broadcast %reduce_sum3A_306 : i1 to vector<16xi1>
    %reduce_sum3A_308 = tpu.scan <sum>, %convert_element_type3A_305 masked %reduce_sum3A_307 : vector<16xi32>, vector<16xi1> -> vector<16xi32>
    %reduce_sum3A_309 = vector.extract %reduce_sum3A_308[15] : i32 from vector<16xi32>
    %eq3A_310 = arith.constant 7 : i32
    %eq3A_311 = vector.broadcast %eq3A_310 : i32 to vector<16xi32>
    %eq3A_312 = arith.cmpi eq, %iota3A, %eq3A_311 : vector<16xi32>
    %add3A_313 = vector.broadcast %reduce_sum3A_309 : i32 to vector<16xi32>
    %add3A_314 = arith.addi %select_n3A_301, %add3A_313 : vector<16xi32>
    %select_n3A_315 = arith.select %eq3A_312, %add3A_314, %select_n3A_301 : vector<16xi1>, vector<16xi32>
    %get3A_316 = arith.constant 32 : index
    %get3A_317 = tpu.vector_load %arg8[%get3A_316] {strides = array<i32>} : memref<128xi32, #tpu.memory_space<vmem>>, vector<16xi32>,
    %eq3A_318 = arith.constant 0 : i32
    %eq3A_319 = vector.broadcast %eq3A_318 : i32 to vector<16xi32>
    %eq3A_320 = arith.cmpi eq, %get3A_317, %eq3A_319 : vector<16xi32>
    %convert_element_type3A_321 = arith.extui %eq3A_320 : vector<16xi1> to vector<16xi32>
    %reduce_sum3A_322 = arith.constant true
    %reduce_sum3A_323 = vector.broadcast %reduce_sum3A_322 : i1 to vector<16xi1>
    %reduce_sum3A_324 = tpu.scan <sum>, %convert_element_type3A_321 masked %reduce_sum3A_323 : vector<16xi32>, vector<16xi1> -> vector<16xi32>
    %reduce_sum3A_325 = vector.extract %reduce_sum3A_324[15] : i32 from vector<16xi32>
    %eq3A_326 = arith.constant 0 : i32
    %eq3A_327 = vector.broadcast %eq3A_326 : i32 to vector<16xi32>
    %eq3A_328 = arith.cmpi eq, %iota3A, %eq3A_327 : vector<16xi32>
    %add3A_329 = vector.broadcast %reduce_sum3A_325 : i32 to vector<16xi32>
    %add3A_330 = arith.addi %select_n3A_315, %add3A_329 : vector<16xi32>
    %select_n3A_331 = arith.select %eq3A_328, %add3A_330, %select_n3A_315 : vector<16xi1>, vector<16xi32>
    %eq3A_332 = arith.constant 1 : i32
    %eq3A_333 = vector.broadcast %eq3A_332 : i32 to vector<16xi32>
    %eq3A_334 = arith.cmpi eq, %get3A_317, %eq3A_333 : vector<16xi32>
    %convert_element_type3A_335 = arith.extui %eq3A_334 : vector<16xi1> to vector<16xi32>
    %reduce_sum3A_336 = arith.constant true
    %reduce_sum3A_337 = vector.broadcast %reduce_sum3A_336 : i1 to vector<16xi1>
    %reduce_sum3A_338 = tpu.scan <sum>, %convert_element_type3A_335 masked %reduce_sum3A_337 : vector<16xi32>, vector<16xi1> -> vector<16xi32>
    %reduce_sum3A_339 = vector.extract %reduce_sum3A_338[15] : i32 from vector<16xi32>
    %eq3A_340 = arith.constant 1 : i32
    %eq3A_341 = vector.broadcast %eq3A_340 : i32 to vector<16xi32>
    %eq3A_342 = arith.cmpi eq, %iota3A, %eq3A_341 : vector<16xi32>
    %add3A_343 = vector.broadcast %reduce_sum3A_339 : i32 to vector<16xi32>
    %add3A_344 = arith.addi %select_n3A_331, %add3A_343 : vector<16xi32>
    %select_n3A_345 = arith.select %eq3A_342, %add3A_344, %select_n3A_331 : vector<16xi1>, vector<16xi32>
    %eq3A_346 = arith.constant 2 : i32
    %eq3A_347 = vector.broadcast %eq3A_346 : i32 to vector<16xi32>
    %eq3A_348 = arith.cmpi eq, %get3A_317, %eq3A_347 : vector<16xi32>
    %convert_element_type3A_349 = arith.extui %eq3A_348 : vector<16xi1> to vector<16xi32>
    %reduce_sum3A_350 = arith.constant true
    %reduce_sum3A_351 = vector.broadcast %reduce_sum3A_350 : i1 to vector<16xi1>
    %reduce_sum3A_352 = tpu.scan <sum>, %convert_element_type3A_349 masked %reduce_sum3A_351 : vector<16xi32>, vector<16xi1> -> vector<16xi32>
    %reduce_sum3A_353 = vector.extract %reduce_sum3A_352[15] : i32 from vector<16xi32>
    %eq3A_354 = arith.constant 2 : i32
    %eq3A_355 = vector.broadcast %eq3A_354 : i32 to vector<16xi32>
    %eq3A_356 = arith.cmpi eq, %iota3A, %eq3A_355 : vector<16xi32>
    %add3A_357 = vector.broadcast %reduce_sum3A_353 : i32 to vector<16xi32>
    %add3A_358 = arith.addi %select_n3A_345, %add3A_357 : vector<16xi32>
    %select_n3A_359 = arith.select %eq3A_356, %add3A_358, %select_n3A_345 : vector<16xi1>, vector<16xi32>
    %eq3A_360 = arith.constant 3 : i32
    %eq3A_361 = vector.broadcast %eq3A_360 : i32 to vector<16xi32>
    %eq3A_362 = arith.cmpi eq, %get3A_317, %eq3A_361 : vector<16xi32>
    %convert_element_type3A_363 = arith.extui %eq3A_362 : vector<16xi1> to vector<16xi32>
    %reduce_sum3A_364 = arith.constant true
    %reduce_sum3A_365 = vector.broadcast %reduce_sum3A_364 : i1 to vector<16xi1>
    %reduce_sum3A_366 = tpu.scan <sum>, %convert_element_type3A_363 masked %reduce_sum3A_365 : vector<16xi32>, vector<16xi1> -> vector<16xi32>
    %reduce_sum3A_367 = vector.extract %reduce_sum3A_366[15] : i32 from vector<16xi32>
    %eq3A_368 = arith.constant 3 : i32
    %eq3A_369 = vector.broadcast %eq3A_368 : i32 to vector<16xi32>
    %eq3A_370 = arith.cmpi eq, %iota3A, %eq3A_369 : vector<16xi32>
    %add3A_371 = vector.broadcast %reduce_sum3A_367 : i32 to vector<16xi32>
    %add3A_372 = arith.addi %select_n3A_359, %add3A_371 : vector<16xi32>
    %select_n3A_373 = arith.select %eq3A_370, %add3A_372, %select_n3A_359 : vector<16xi1>, vector<16xi32>
    %eq3A_374 = arith.constant 4 : i32
    %eq3A_375 = vector.broadcast %eq3A_374 : i32 to vector<16xi32>
    %eq3A_376 = arith.cmpi eq, %get3A_317, %eq3A_375 : vector<16xi32>
    %convert_element_type3A_377 = arith.extui %eq3A_376 : vector<16xi1> to vector<16xi32>
    %reduce_sum3A_378 = arith.constant true
    %reduce_sum3A_379 = vector.broadcast %reduce_sum3A_378 : i1 to vector<16xi1>
    %reduce_sum3A_380 = tpu.scan <sum>, %convert_element_type3A_377 masked %reduce_sum3A_379 : vector<16xi32>, vector<16xi1> -> vector<16xi32>
    %reduce_sum3A_381 = vector.extract %reduce_sum3A_380[15] : i32 from vector<16xi32>
    %eq3A_382 = arith.constant 4 : i32
    %eq3A_383 = vector.broadcast %eq3A_382 : i32 to vector<16xi32>
    %eq3A_384 = arith.cmpi eq, %iota3A, %eq3A_383 : vector<16xi32>
    %add3A_385 = vector.broadcast %reduce_sum3A_381 : i32 to vector<16xi32>
    %add3A_386 = arith.addi %select_n3A_373, %add3A_385 : vector<16xi32>
    %select_n3A_387 = arith.select %eq3A_384, %add3A_386, %select_n3A_373 : vector<16xi1>, vector<16xi32>
    %eq3A_388 = arith.constant 5 : i32
    %eq3A_389 = vector.broadcast %eq3A_388 : i32 to vector<16xi32>
    %eq3A_390 = arith.cmpi eq, %get3A_317, %eq3A_389 : vector<16xi32>
    %convert_element_type3A_391 = arith.extui %eq3A_390 : vector<16xi1> to vector<16xi32>
    %reduce_sum3A_392 = arith.constant true
    %reduce_sum3A_393 = vector.broadcast %reduce_sum3A_392 : i1 to vector<16xi1>
    %reduce_sum3A_394 = tpu.scan <sum>, %convert_element_type3A_391 masked %reduce_sum3A_393 : vector<16xi32>, vector<16xi1> -> vector<16xi32>
    %reduce_sum3A_395 = vector.extract %reduce_sum3A_394[15] : i32 from vector<16xi32>
    %eq3A_396 = arith.constant 5 : i32
    %eq3A_397 = vector.broadcast %eq3A_396 : i32 to vector<16xi32>
    %eq3A_398 = arith.cmpi eq, %iota3A, %eq3A_397 : vector<16xi32>
    %add3A_399 = vector.broadcast %reduce_sum3A_395 : i32 to vector<16xi32>
    %add3A_400 = arith.addi %select_n3A_387, %add3A_399 : vector<16xi32>
    %select_n3A_401 = arith.select %eq3A_398, %add3A_400, %select_n3A_387 : vector<16xi1>, vector<16xi32>
    %eq3A_402 = arith.constant 6 : i32
    %eq3A_403 = vector.broadcast %eq3A_402 : i32 to vector<16xi32>
    %eq3A_404 = arith.cmpi eq, %get3A_317, %eq3A_403 : vector<16xi32>
    %convert_element_type3A_405 = arith.extui %eq3A_404 : vector<16xi1> to vector<16xi32>
    %reduce_sum3A_406 = arith.constant true
    %reduce_sum3A_407 = vector.broadcast %reduce_sum3A_406 : i1 to vector<16xi1>
    %reduce_sum3A_408 = tpu.scan <sum>, %convert_element_type3A_405 masked %reduce_sum3A_407 : vector<16xi32>, vector<16xi1> -> vector<16xi32>
    %reduce_sum3A_409 = vector.extract %reduce_sum3A_408[15] : i32 from vector<16xi32>
    %eq3A_410 = arith.constant 6 : i32
    %eq3A_411 = vector.broadcast %eq3A_410 : i32 to vector<16xi32>
    %eq3A_412 = arith.cmpi eq, %iota3A, %eq3A_411 : vector<16xi32>
    %add3A_413 = vector.broadcast %reduce_sum3A_409 : i32 to vector<16xi32>
    %add3A_414 = arith.addi %select_n3A_401, %add3A_413 : vector<16xi32>
    %select_n3A_415 = arith.select %eq3A_412, %add3A_414, %select_n3A_401 : vector<16xi1>, vector<16xi32>
    %eq3A_416 = arith.constant 7 : i32
    %eq3A_417 = vector.broadcast %eq3A_416 : i32 to vector<16xi32>
    %eq3A_418 = arith.cmpi eq, %get3A_317, %eq3A_417 : vector<16xi32>
    %convert_element_type3A_419 = arith.extui %eq3A_418 : vector<16xi1> to vector<16xi32>
    %reduce_sum3A_420 = arith.constant true
    %reduce_sum3A_421 = vector.broadcast %reduce_sum3A_420 : i1 to vector<16xi1>
    %reduce_sum3A_422 = tpu.scan <sum>, %convert_element_type3A_419 masked %reduce_sum3A_421 : vector<16xi32>, vector<16xi1> -> vector<16xi32>
    %reduce_sum3A_423 = vector.extract %reduce_sum3A_422[15] : i32 from vector<16xi32>
    %eq3A_424 = arith.constant 7 : i32
    %eq3A_425 = vector.broadcast %eq3A_424 : i32 to vector<16xi32>
    %eq3A_426 = arith.cmpi eq, %iota3A, %eq3A_425 : vector<16xi32>
    %add3A_427 = vector.broadcast %reduce_sum3A_423 : i32 to vector<16xi32>
    %add3A_428 = arith.addi %select_n3A_415, %add3A_427 : vector<16xi32>
    %select_n3A_429 = arith.select %eq3A_426, %add3A_428, %select_n3A_415 : vector<16xi1>, vector<16xi32>
    %get3A_430 = arith.constant 48 : index
    %get3A_431 = tpu.vector_load %arg8[%get3A_430] {strides = array<i32>} : memref<128xi32, #tpu.memory_space<vmem>>, vector<16xi32>,
    %eq3A_432 = arith.constant 0 : i32
    %eq3A_433 = vector.broadcast %eq3A_432 : i32 to vector<16xi32>
    %eq3A_434 = arith.cmpi eq, %get3A_431, %eq3A_433 : vector<16xi32>
    %convert_element_type3A_435 = arith.extui %eq3A_434 : vector<16xi1> to vector<16xi32>
    %reduce_sum3A_436 = arith.constant true
    %reduce_sum3A_437 = vector.broadcast %reduce_sum3A_436 : i1 to vector<16xi1>
    %reduce_sum3A_438 = tpu.scan <sum>, %convert_element_type3A_435 masked %reduce_sum3A_437 : vector<16xi32>, vector<16xi1> -> vector<16xi32>
    %reduce_sum3A_439 = vector.extract %reduce_sum3A_438[15] : i32 from vector<16xi32>
    %eq3A_440 = arith.constant 0 : i32
    %eq3A_441 = vector.broadcast %eq3A_440 : i32 to vector<16xi32>
    %eq3A_442 = arith.cmpi eq, %iota3A, %eq3A_441 : vector<16xi32>
    %add3A_443 = vector.broadcast %reduce_sum3A_439 : i32 to vector<16xi32>
    %add3A_444 = arith.addi %select_n3A_429, %add3A_443 : vector<16xi32>
    %select_n3A_445 = arith.select %eq3A_442, %add3A_444, %select_n3A_429 : vector<16xi1>, vector<16xi32>
    %eq3A_446 = arith.constant 1 : i32
    %eq3A_447 = vector.broadcast %eq3A_446 : i32 to vector<16xi32>
    %eq3A_448 = arith.cmpi eq, %get3A_431, %eq3A_447 : vector<16xi32>
    %convert_element_type3A_449 = arith.extui %eq3A_448 : vector<16xi1> to vector<16xi32>
    %reduce_sum3A_450 = arith.constant true
    %reduce_sum3A_451 = vector.broadcast %reduce_sum3A_450 : i1 to vector<16xi1>
    %reduce_sum3A_452 = tpu.scan <sum>, %convert_element_type3A_449 masked %reduce_sum3A_451 : vector<16xi32>, vector<16xi1> -> vector<16xi32>
    %reduce_sum3A_453 = vector.extract %reduce_sum3A_452[15] : i32 from vector<16xi32>
    %eq3A_454 = arith.constant 1 : i32
    %eq3A_455 = vector.broadcast %eq3A_454 : i32 to vector<16xi32>
    %eq3A_456 = arith.cmpi eq, %iota3A, %eq3A_455 : vector<16xi32>
    %add3A_457 = vector.broadcast %reduce_sum3A_453 : i32 to vector<16xi32>
    %add3A_458 = arith.addi %select_n3A_445, %add3A_457 : vector<16xi32>
    %select_n3A_459 = arith.select %eq3A_456, %add3A_458, %select_n3A_445 : vector<16xi1>, vector<16xi32>
    %eq3A_460 = arith.constant 2 : i32
    %eq3A_461 = vector.broadcast %eq3A_460 : i32 to vector<16xi32>
    %eq3A_462 = arith.cmpi eq, %get3A_431, %eq3A_461 : vector<16xi32>
    %convert_element_type3A_463 = arith.extui %eq3A_462 : vector<16xi1> to vector<16xi32>
    %reduce_sum3A_464 = arith.constant true
    %reduce_sum3A_465 = vector.broadcast %reduce_sum3A_464 : i1 to vector<16xi1>
    %reduce_sum3A_466 = tpu.scan <sum>, %convert_element_type3A_463 masked %reduce_sum3A_465 : vector<16xi32>, vector<16xi1> -> vector<16xi32>
    %reduce_sum3A_467 = vector.extract %reduce_sum3A_466[15] : i32 from vector<16xi32>
    %eq3A_468 = arith.constant 2 : i32
    %eq3A_469 = vector.broadcast %eq3A_468 : i32 to vector<16xi32>
    %eq3A_470 = arith.cmpi eq, %iota3A, %eq3A_469 : vector<16xi32>
    %add3A_471 = vector.broadcast %reduce_sum3A_467 : i32 to vector<16xi32>
    %add3A_472 = arith.addi %select_n3A_459, %add3A_471 : vector<16xi32>
    %select_n3A_473 = arith.select %eq3A_470, %add3A_472, %select_n3A_459 : vector<16xi1>, vector<16xi32>
    %eq3A_474 = arith.constant 3 : i32
    %eq3A_475 = vector.broadcast %eq3A_474 : i32 to vector<16xi32>
    %eq3A_476 = arith.cmpi eq, %get3A_431, %eq3A_475 : vector<16xi32>
    %convert_element_type3A_477 = arith.extui %eq3A_476 : vector<16xi1> to vector<16xi32>
    %reduce_sum3A_478 = arith.constant true
    %reduce_sum3A_479 = vector.broadcast %reduce_sum3A_478 : i1 to vector<16xi1>
    %reduce_sum3A_480 = tpu.scan <sum>, %convert_element_type3A_477 masked %reduce_sum3A_479 : vector<16xi32>, vector<16xi1> -> vector<16xi32>
    %reduce_sum3A_481 = vector.extract %reduce_sum3A_480[15] : i32 from vector<16xi32>
    %eq3A_482 = arith.constant 3 : i32
    %eq3A_483 = vector.broadcast %eq3A_482 : i32 to vector<16xi32>
    %eq3A_484 = arith.cmpi eq, %iota3A, %eq3A_483 : vector<16xi32>
    %add3A_485 = vector.broadcast %reduce_sum3A_481 : i32 to vector<16xi32>
    %add3A_486 = arith.addi %select_n3A_473, %add3A_485 : vector<16xi32>
    %select_n3A_487 = arith.select %eq3A_484, %add3A_486, %select_n3A_473 : vector<16xi1>, vector<16xi32>
    %eq3A_488 = arith.constant 4 : i32
    %eq3A_489 = vector.broadcast %eq3A_488 : i32 to vector<16xi32>
    %eq3A_490 = arith.cmpi eq, %get3A_431, %eq3A_489 : vector<16xi32>
    %convert_element_type3A_491 = arith.extui %eq3A_490 : vector<16xi1> to vector<16xi32>
    %reduce_sum3A_492 = arith.constant true
    %reduce_sum3A_493 = vector.broadcast %reduce_sum3A_492 : i1 to vector<16xi1>
    %reduce_sum3A_494 = tpu.scan <sum>, %convert_element_type3A_491 masked %reduce_sum3A_493 : vector<16xi32>, vector<16xi1> -> vector<16xi32>
    %reduce_sum3A_495 = vector.extract %reduce_sum3A_494[15] : i32 from vector<16xi32>
    %eq3A_496 = arith.constant 4 : i32
    %eq3A_497 = vector.broadcast %eq3A_496 : i32 to vector<16xi32>
    %eq3A_498 = arith.cmpi eq, %iota3A, %eq3A_497 : vector<16xi32>
    %add3A_499 = vector.broadcast %reduce_sum3A_495 : i32 to vector<16xi32>
    %add3A_500 = arith.addi %select_n3A_487, %add3A_499 : vector<16xi32>
    %select_n3A_501 = arith.select %eq3A_498, %add3A_500, %select_n3A_487 : vector<16xi1>, vector<16xi32>
    %eq3A_502 = arith.constant 5 : i32
    %eq3A_503 = vector.broadcast %eq3A_502 : i32 to vector<16xi32>
    %eq3A_504 = arith.cmpi eq, %get3A_431, %eq3A_503 : vector<16xi32>
    %convert_element_type3A_505 = arith.extui %eq3A_504 : vector<16xi1> to vector<16xi32>
    %reduce_sum3A_506 = arith.constant true
    %reduce_sum3A_507 = vector.broadcast %reduce_sum3A_506 : i1 to vector<16xi1>
    %reduce_sum3A_508 = tpu.scan <sum>, %convert_element_type3A_505 masked %reduce_sum3A_507 : vector<16xi32>, vector<16xi1> -> vector<16xi32>
    %reduce_sum3A_509 = vector.extract %reduce_sum3A_508[15] : i32 from vector<16xi32>
    %eq3A_510 = arith.constant 5 : i32
    %eq3A_511 = vector.broadcast %eq3A_510 : i32 to vector<16xi32>
    %eq3A_512 = arith.cmpi eq, %iota3A, %eq3A_511 : vector<16xi32>
    %add3A_513 = vector.broadcast %reduce_sum3A_509 : i32 to vector<16xi32>
    %add3A_514 = arith.addi %select_n3A_501, %add3A_513 : vector<16xi32>
    %select_n3A_515 = arith.select %eq3A_512, %add3A_514, %select_n3A_501 : vector<16xi1>, vector<16xi32>
    %eq3A_516 = arith.constant 6 : i32
    %eq3A_517 = vector.broadcast %eq3A_516 : i32 to vector<16xi32>
    %eq3A_518 = arith.cmpi eq, %get3A_431, %eq3A_517 : vector<16xi32>
    %convert_element_type3A_519 = arith.extui %eq3A_518 : vector<16xi1> to vector<16xi32>
    %reduce_sum3A_520 = arith.constant true
    %reduce_sum3A_521 = vector.broadcast %reduce_sum3A_520 : i1 to vector<16xi1>
    %reduce_sum3A_522 = tpu.scan <sum>, %convert_element_type3A_519 masked %reduce_sum3A_521 : vector<16xi32>, vector<16xi1> -> vector<16xi32>
    %reduce_sum3A_523 = vector.extract %reduce_sum3A_522[15] : i32 from vector<16xi32>
    %eq3A_524 = arith.constant 6 : i32
    %eq3A_525 = vector.broadcast %eq3A_524 : i32 to vector<16xi32>
    %eq3A_526 = arith.cmpi eq, %iota3A, %eq3A_525 : vector<16xi32>
    %add3A_527 = vector.broadcast %reduce_sum3A_523 : i32 to vector<16xi32>
    %add3A_528 = arith.addi %select_n3A_515, %add3A_527 : vector<16xi32>
    %select_n3A_529 = arith.select %eq3A_526, %add3A_528, %select_n3A_515 : vector<16xi1>, vector<16xi32>
    %eq3A_530 = arith.constant 7 : i32
    %eq3A_531 = vector.broadcast %eq3A_530 : i32 to vector<16xi32>
    %eq3A_532 = arith.cmpi eq, %get3A_431, %eq3A_531 : vector<16xi32>
    %convert_element_type3A_533 = arith.extui %eq3A_532 : vector<16xi1> to vector<16xi32>
    %reduce_sum3A_534 = arith.constant true
    %reduce_sum3A_535 = vector.broadcast %reduce_sum3A_534 : i1 to vector<16xi1>
    %reduce_sum3A_536 = tpu.scan <sum>, %convert_element_type3A_533 masked %reduce_sum3A_535 : vector<16xi32>, vector<16xi1> -> vector<16xi32>
    %reduce_sum3A_537 = vector.extract %reduce_sum3A_536[15] : i32 from vector<16xi32>
    %eq3A_538 = arith.constant 7 : i32
    %eq3A_539 = vector.broadcast %eq3A_538 : i32 to vector<16xi32>
    %eq3A_540 = arith.cmpi eq, %iota3A, %eq3A_539 : vector<16xi32>
    %add3A_541 = vector.broadcast %reduce_sum3A_537 : i32 to vector<16xi32>
    %add3A_542 = arith.addi %select_n3A_529, %add3A_541 : vector<16xi32>
    %select_n3A_543 = arith.select %eq3A_540, %add3A_542, %select_n3A_529 : vector<16xi1>, vector<16xi32>
    %get3A_544 = arith.constant 64 : index
    %get3A_545 = tpu.vector_load %arg8[%get3A_544] {strides = array<i32>} : memref<128xi32, #tpu.memory_space<vmem>>, vector<16xi32>,
    %eq3A_546 = arith.constant 0 : i32
    %eq3A_547 = vector.broadcast %eq3A_546 : i32 to vector<16xi32>
    %eq3A_548 = arith.cmpi eq, %get3A_545, %eq3A_547 : vector<16xi32>
    %convert_element_type3A_549 = arith.extui %eq3A_548 : vector<16xi1> to vector<16xi32>
    %reduce_sum3A_550 = arith.constant true
    %reduce_sum3A_551 = vector.broadcast %reduce_sum3A_550 : i1 to vector<16xi1>
    %reduce_sum3A_552 = tpu.scan <sum>, %convert_element_type3A_549 masked %reduce_sum3A_551 : vector<16xi32>, vector<16xi1> -> vector<16xi32>
    %reduce_sum3A_553 = vector.extract %reduce_sum3A_552[15] : i32 from vector<16xi32>
    %eq3A_554 = arith.constant 0 : i32
    %eq3A_555 = vector.broadcast %eq3A_554 : i32 to vector<16xi32>
    %eq3A_556 = arith.cmpi eq, %iota3A, %eq3A_555 : vector<16xi32>
    %add3A_557 = vector.broadcast %reduce_sum3A_553 : i32 to vector<16xi32>
    %add3A_558 = arith.addi %select_n3A_543, %add3A_557 : vector<16xi32>
    %select_n3A_559 = arith.select %eq3A_556, %add3A_558, %select_n3A_543 : vector<16xi1>, vector<16xi32>
    %eq3A_560 = arith.constant 1 : i32
    %eq3A_561 = vector.broadcast %eq3A_560 : i32 to vector<16xi32>
    %eq3A_562 = arith.cmpi eq, %get3A_545, %eq3A_561 : vector<16xi32>
    %convert_element_type3A_563 = arith.extui %eq3A_562 : vector<16xi1> to vector<16xi32>
    %reduce_sum3A_564 = arith.constant true
    %reduce_sum3A_565 = vector.broadcast %reduce_sum3A_564 : i1 to vector<16xi1>
    %reduce_sum3A_566 = tpu.scan <sum>, %convert_element_type3A_563 masked %reduce_sum3A_565 : vector<16xi32>, vector<16xi1> -> vector<16xi32>
    %reduce_sum3A_567 = vector.extract %reduce_sum3A_566[15] : i32 from vector<16xi32>
    %eq3A_568 = arith.constant 1 : i32
    %eq3A_569 = vector.broadcast %eq3A_568 : i32 to vector<16xi32>
    %eq3A_570 = arith.cmpi eq, %iota3A, %eq3A_569 : vector<16xi32>
    %add3A_571 = vector.broadcast %reduce_sum3A_567 : i32 to vector<16xi32>
    %add3A_572 = arith.addi %select_n3A_559, %add3A_571 : vector<16xi32>
    %select_n3A_573 = arith.select %eq3A_570, %add3A_572, %select_n3A_559 : vector<16xi1>, vector<16xi32>
    %eq3A_574 = arith.constant 2 : i32
    %eq3A_575 = vector.broadcast %eq3A_574 : i32 to vector<16xi32>
    %eq3A_576 = arith.cmpi eq, %get3A_545, %eq3A_575 : vector<16xi32>
    %convert_element_type3A_577 = arith.extui %eq3A_576 : vector<16xi1> to vector<16xi32>
    %reduce_sum3A_578 = arith.constant true
    %reduce_sum3A_579 = vector.broadcast %reduce_sum3A_578 : i1 to vector<16xi1>
    %reduce_sum3A_580 = tpu.scan <sum>, %convert_element_type3A_577 masked %reduce_sum3A_579 : vector<16xi32>, vector<16xi1> -> vector<16xi32>
    %reduce_sum3A_581 = vector.extract %reduce_sum3A_580[15] : i32 from vector<16xi32>
    %eq3A_582 = arith.constant 2 : i32
    %eq3A_583 = vector.broadcast %eq3A_582 : i32 to vector<16xi32>
    %eq3A_584 = arith.cmpi eq, %iota3A, %eq3A_583 : vector<16xi32>
    %add3A_585 = vector.broadcast %reduce_sum3A_581 : i32 to vector<16xi32>
    %add3A_586 = arith.addi %select_n3A_573, %add3A_585 : vector<16xi32>
    %select_n3A_587 = arith.select %eq3A_584, %add3A_586, %select_n3A_573 : vector<16xi1>, vector<16xi32>
    %eq3A_588 = arith.constant 3 : i32
    %eq3A_589 = vector.broadcast %eq3A_588 : i32 to vector<16xi32>
    %eq3A_590 = arith.cmpi eq, %get3A_545, %eq3A_589 : vector<16xi32>
    %convert_element_type3A_591 = arith.extui %eq3A_590 : vector<16xi1> to vector<16xi32>
    %reduce_sum3A_592 = arith.constant true
    %reduce_sum3A_593 = vector.broadcast %reduce_sum3A_592 : i1 to vector<16xi1>
    %reduce_sum3A_594 = tpu.scan <sum>, %convert_element_type3A_591 masked %reduce_sum3A_593 : vector<16xi32>, vector<16xi1> -> vector<16xi32>
    %reduce_sum3A_595 = vector.extract %reduce_sum3A_594[15] : i32 from vector<16xi32>
    %eq3A_596 = arith.constant 3 : i32
    %eq3A_597 = vector.broadcast %eq3A_596 : i32 to vector<16xi32>
    %eq3A_598 = arith.cmpi eq, %iota3A, %eq3A_597 : vector<16xi32>
    %add3A_599 = vector.broadcast %reduce_sum3A_595 : i32 to vector<16xi32>
    %add3A_600 = arith.addi %select_n3A_587, %add3A_599 : vector<16xi32>
    %select_n3A_601 = arith.select %eq3A_598, %add3A_600, %select_n3A_587 : vector<16xi1>, vector<16xi32>
    %eq3A_602 = arith.constant 4 : i32
    %eq3A_603 = vector.broadcast %eq3A_602 : i32 to vector<16xi32>
    %eq3A_604 = arith.cmpi eq, %get3A_545, %eq3A_603 : vector<16xi32>
    %convert_element_type3A_605 = arith.extui %eq3A_604 : vector<16xi1> to vector<16xi32>
    %reduce_sum3A_606 = arith.constant true
    %reduce_sum3A_607 = vector.broadcast %reduce_sum3A_606 : i1 to vector<16xi1>
    %reduce_sum3A_608 = tpu.scan <sum>, %convert_element_type3A_605 masked %reduce_sum3A_607 : vector<16xi32>, vector<16xi1> -> vector<16xi32>
    %reduce_sum3A_609 = vector.extract %reduce_sum3A_608[15] : i32 from vector<16xi32>
    %eq3A_610 = arith.constant 4 : i32
    %eq3A_611 = vector.broadcast %eq3A_610 : i32 to vector<16xi32>
    %eq3A_612 = arith.cmpi eq, %iota3A, %eq3A_611 : vector<16xi32>
    %add3A_613 = vector.broadcast %reduce_sum3A_609 : i32 to vector<16xi32>
    %add3A_614 = arith.addi %select_n3A_601, %add3A_613 : vector<16xi32>
    %select_n3A_615 = arith.select %eq3A_612, %add3A_614, %select_n3A_601 : vector<16xi1>, vector<16xi32>
    %eq3A_616 = arith.constant 5 : i32
    %eq3A_617 = vector.broadcast %eq3A_616 : i32 to vector<16xi32>
    %eq3A_618 = arith.cmpi eq, %get3A_545, %eq3A_617 : vector<16xi32>
    %convert_element_type3A_619 = arith.extui %eq3A_618 : vector<16xi1> to vector<16xi32>
    %reduce_sum3A_620 = arith.constant true
    %reduce_sum3A_621 = vector.broadcast %reduce_sum3A_620 : i1 to vector<16xi1>
    %reduce_sum3A_622 = tpu.scan <sum>, %convert_element_type3A_619 masked %reduce_sum3A_621 : vector<16xi32>, vector<16xi1> -> vector<16xi32>
    %reduce_sum3A_623 = vector.extract %reduce_sum3A_622[15] : i32 from vector<16xi32>
    %eq3A_624 = arith.constant 5 : i32
    %eq3A_625 = vector.broadcast %eq3A_624 : i32 to vector<16xi32>
    %eq3A_626 = arith.cmpi eq, %iota3A, %eq3A_625 : vector<16xi32>
    %add3A_627 = vector.broadcast %reduce_sum3A_623 : i32 to vector<16xi32>
    %add3A_628 = arith.addi %select_n3A_615, %add3A_627 : vector<16xi32>
    %select_n3A_629 = arith.select %eq3A_626, %add3A_628, %select_n3A_615 : vector<16xi1>, vector<16xi32>
    %eq3A_630 = arith.constant 6 : i32
    %eq3A_631 = vector.broadcast %eq3A_630 : i32 to vector<16xi32>
    %eq3A_632 = arith.cmpi eq, %get3A_545, %eq3A_631 : vector<16xi32>
    %convert_element_type3A_633 = arith.extui %eq3A_632 : vector<16xi1> to vector<16xi32>
    %reduce_sum3A_634 = arith.constant true
    %reduce_sum3A_635 = vector.broadcast %reduce_sum3A_634 : i1 to vector<16xi1>
    %reduce_sum3A_636 = tpu.scan <sum>, %convert_element_type3A_633 masked %reduce_sum3A_635 : vector<16xi32>, vector<16xi1> -> vector<16xi32>
    %reduce_sum3A_637 = vector.extract %reduce_sum3A_636[15] : i32 from vector<16xi32>
    %eq3A_638 = arith.constant 6 : i32
    %eq3A_639 = vector.broadcast %eq3A_638 : i32 to vector<16xi32>
    %eq3A_640 = arith.cmpi eq, %iota3A, %eq3A_639 : vector<16xi32>
    %add3A_641 = vector.broadcast %reduce_sum3A_637 : i32 to vector<16xi32>
    %add3A_642 = arith.addi %select_n3A_629, %add3A_641 : vector<16xi32>
    %select_n3A_643 = arith.select %eq3A_640, %add3A_642, %select_n3A_629 : vector<16xi1>, vector<16xi32>
    %eq3A_644 = arith.constant 7 : i32
    %eq3A_645 = vector.broadcast %eq3A_644 : i32 to vector<16xi32>
    %eq3A_646 = arith.cmpi eq, %get3A_545, %eq3A_645 : vector<16xi32>
    %convert_element_type3A_647 = arith.extui %eq3A_646 : vector<16xi1> to vector<16xi32>
    %reduce_sum3A_648 = arith.constant true
    %reduce_sum3A_649 = vector.broadcast %reduce_sum3A_648 : i1 to vector<16xi1>
    %reduce_sum3A_650 = tpu.scan <sum>, %convert_element_type3A_647 masked %reduce_sum3A_649 : vector<16xi32>, vector<16xi1> -> vector<16xi32>
    %reduce_sum3A_651 = vector.extract %reduce_sum3A_650[15] : i32 from vector<16xi32>
    %eq3A_652 = arith.constant 7 : i32
    %eq3A_653 = vector.broadcast %eq3A_652 : i32 to vector<16xi32>
    %eq3A_654 = arith.cmpi eq, %iota3A, %eq3A_653 : vector<16xi32>
    %add3A_655 = vector.broadcast %reduce_sum3A_651 : i32 to vector<16xi32>
    %add3A_656 = arith.addi %select_n3A_643, %add3A_655 : vector<16xi32>
    %select_n3A_657 = arith.select %eq3A_654, %add3A_656, %select_n3A_643 : vector<16xi1>, vector<16xi32>
    %get3A_658 = arith.constant 80 : index
    %get3A_659 = tpu.vector_load %arg8[%get3A_658] {strides = array<i32>} : memref<128xi32, #tpu.memory_space<vmem>>, vector<16xi32>,
    %eq3A_660 = arith.constant 0 : i32
    %eq3A_661 = vector.broadcast %eq3A_660 : i32 to vector<16xi32>
    %eq3A_662 = arith.cmpi eq, %get3A_659, %eq3A_661 : vector<16xi32>
    %convert_element_type3A_663 = arith.extui %eq3A_662 : vector<16xi1> to vector<16xi32>
    %reduce_sum3A_664 = arith.constant true
    %reduce_sum3A_665 = vector.broadcast %reduce_sum3A_664 : i1 to vector<16xi1>
    %reduce_sum3A_666 = tpu.scan <sum>, %convert_element_type3A_663 masked %reduce_sum3A_665 : vector<16xi32>, vector<16xi1> -> vector<16xi32>
    %reduce_sum3A_667 = vector.extract %reduce_sum3A_666[15] : i32 from vector<16xi32>
    %eq3A_668 = arith.constant 0 : i32
    %eq3A_669 = vector.broadcast %eq3A_668 : i32 to vector<16xi32>
    %eq3A_670 = arith.cmpi eq, %iota3A, %eq3A_669 : vector<16xi32>
    %add3A_671 = vector.broadcast %reduce_sum3A_667 : i32 to vector<16xi32>
    %add3A_672 = arith.addi %select_n3A_657, %add3A_671 : vector<16xi32>
    %select_n3A_673 = arith.select %eq3A_670, %add3A_672, %select_n3A_657 : vector<16xi1>, vector<16xi32>
    %eq3A_674 = arith.constant 1 : i32
    %eq3A_675 = vector.broadcast %eq3A_674 : i32 to vector<16xi32>
    %eq3A_676 = arith.cmpi eq, %get3A_659, %eq3A_675 : vector<16xi32>
    %convert_element_type3A_677 = arith.extui %eq3A_676 : vector<16xi1> to vector<16xi32>
    %reduce_sum3A_678 = arith.constant true
    %reduce_sum3A_679 = vector.broadcast %reduce_sum3A_678 : i1 to vector<16xi1>
    %reduce_sum3A_680 = tpu.scan <sum>, %convert_element_type3A_677 masked %reduce_sum3A_679 : vector<16xi32>, vector<16xi1> -> vector<16xi32>
    %reduce_sum3A_681 = vector.extract %reduce_sum3A_680[15] : i32 from vector<16xi32>
    %eq3A_682 = arith.constant 1 : i32
    %eq3A_683 = vector.broadcast %eq3A_682 : i32 to vector<16xi32>
    %eq3A_684 = arith.cmpi eq, %iota3A, %eq3A_683 : vector<16xi32>
    %add3A_685 = vector.broadcast %reduce_sum3A_681 : i32 to vector<16xi32>
    %add3A_686 = arith.addi %select_n3A_673, %add3A_685 : vector<16xi32>
    %select_n3A_687 = arith.select %eq3A_684, %add3A_686, %select_n3A_673 : vector<16xi1>, vector<16xi32>
    %eq3A_688 = arith.constant 2 : i32
    %eq3A_689 = vector.broadcast %eq3A_688 : i32 to vector<16xi32>
    %eq3A_690 = arith.cmpi eq, %get3A_659, %eq3A_689 : vector<16xi32>
    %convert_element_type3A_691 = arith.extui %eq3A_690 : vector<16xi1> to vector<16xi32>
    %reduce_sum3A_692 = arith.constant true
    %reduce_sum3A_693 = vector.broadcast %reduce_sum3A_692 : i1 to vector<16xi1>
    %reduce_sum3A_694 = tpu.scan <sum>, %convert_element_type3A_691 masked %reduce_sum3A_693 : vector<16xi32>, vector<16xi1> -> vector<16xi32>
    %reduce_sum3A_695 = vector.extract %reduce_sum3A_694[15] : i32 from vector<16xi32>
    %eq3A_696 = arith.constant 2 : i32
    %eq3A_697 = vector.broadcast %eq3A_696 : i32 to vector<16xi32>
    %eq3A_698 = arith.cmpi eq, %iota3A, %eq3A_697 : vector<16xi32>
    %add3A_699 = vector.broadcast %reduce_sum3A_695 : i32 to vector<16xi32>
    %add3A_700 = arith.addi %select_n3A_687, %add3A_699 : vector<16xi32>
    %select_n3A_701 = arith.select %eq3A_698, %add3A_700, %select_n3A_687 : vector<16xi1>, vector<16xi32>
    %eq3A_702 = arith.constant 3 : i32
    %eq3A_703 = vector.broadcast %eq3A_702 : i32 to vector<16xi32>
    %eq3A_704 = arith.cmpi eq, %get3A_659, %eq3A_703 : vector<16xi32>
    %convert_element_type3A_705 = arith.extui %eq3A_704 : vector<16xi1> to vector<16xi32>
    %reduce_sum3A_706 = arith.constant true
    %reduce_sum3A_707 = vector.broadcast %reduce_sum3A_706 : i1 to vector<16xi1>
    %reduce_sum3A_708 = tpu.scan <sum>, %convert_element_type3A_705 masked %reduce_sum3A_707 : vector<16xi32>, vector<16xi1> -> vector<16xi32>
    %reduce_sum3A_709 = vector.extract %reduce_sum3A_708[15] : i32 from vector<16xi32>
    %eq3A_710 = arith.constant 3 : i32
    %eq3A_711 = vector.broadcast %eq3A_710 : i32 to vector<16xi32>
    %eq3A_712 = arith.cmpi eq, %iota3A, %eq3A_711 : vector<16xi32>
    %add3A_713 = vector.broadcast %reduce_sum3A_709 : i32 to vector<16xi32>
    %add3A_714 = arith.addi %select_n3A_701, %add3A_713 : vector<16xi32>
    %select_n3A_715 = arith.select %eq3A_712, %add3A_714, %select_n3A_701 : vector<16xi1>, vector<16xi32>
    %eq3A_716 = arith.constant 4 : i32
    %eq3A_717 = vector.broadcast %eq3A_716 : i32 to vector<16xi32>
    %eq3A_718 = arith.cmpi eq, %get3A_659, %eq3A_717 : vector<16xi32>
    %convert_element_type3A_719 = arith.extui %eq3A_718 : vector<16xi1> to vector<16xi32>
    %reduce_sum3A_720 = arith.constant true
    %reduce_sum3A_721 = vector.broadcast %reduce_sum3A_720 : i1 to vector<16xi1>
    %reduce_sum3A_722 = tpu.scan <sum>, %convert_element_type3A_719 masked %reduce_sum3A_721 : vector<16xi32>, vector<16xi1> -> vector<16xi32>
    %reduce_sum3A_723 = vector.extract %reduce_sum3A_722[15] : i32 from vector<16xi32>
    %eq3A_724 = arith.constant 4 : i32
    %eq3A_725 = vector.broadcast %eq3A_724 : i32 to vector<16xi32>
    %eq3A_726 = arith.cmpi eq, %iota3A, %eq3A_725 : vector<16xi32>
    %add3A_727 = vector.broadcast %reduce_sum3A_723 : i32 to vector<16xi32>
    %add3A_728 = arith.addi %select_n3A_715, %add3A_727 : vector<16xi32>
    %select_n3A_729 = arith.select %eq3A_726, %add3A_728, %select_n3A_715 : vector<16xi1>, vector<16xi32>
    %eq3A_730 = arith.constant 5 : i32
    %eq3A_731 = vector.broadcast %eq3A_730 : i32 to vector<16xi32>
    %eq3A_732 = arith.cmpi eq, %get3A_659, %eq3A_731 : vector<16xi32>
    %convert_element_type3A_733 = arith.extui %eq3A_732 : vector<16xi1> to vector<16xi32>
    %reduce_sum3A_734 = arith.constant true
    %reduce_sum3A_735 = vector.broadcast %reduce_sum3A_734 : i1 to vector<16xi1>
    %reduce_sum3A_736 = tpu.scan <sum>, %convert_element_type3A_733 masked %reduce_sum3A_735 : vector<16xi32>, vector<16xi1> -> vector<16xi32>
    %reduce_sum3A_737 = vector.extract %reduce_sum3A_736[15] : i32 from vector<16xi32>
    %eq3A_738 = arith.constant 5 : i32
    %eq3A_739 = vector.broadcast %eq3A_738 : i32 to vector<16xi32>
    %eq3A_740 = arith.cmpi eq, %iota3A, %eq3A_739 : vector<16xi32>
    %add3A_741 = vector.broadcast %reduce_sum3A_737 : i32 to vector<16xi32>
    %add3A_742 = arith.addi %select_n3A_729, %add3A_741 : vector<16xi32>
    %select_n3A_743 = arith.select %eq3A_740, %add3A_742, %select_n3A_729 : vector<16xi1>, vector<16xi32>
    %eq3A_744 = arith.constant 6 : i32
    %eq3A_745 = vector.broadcast %eq3A_744 : i32 to vector<16xi32>
    %eq3A_746 = arith.cmpi eq, %get3A_659, %eq3A_745 : vector<16xi32>
    %convert_element_type3A_747 = arith.extui %eq3A_746 : vector<16xi1> to vector<16xi32>
    %reduce_sum3A_748 = arith.constant true
    %reduce_sum3A_749 = vector.broadcast %reduce_sum3A_748 : i1 to vector<16xi1>
    %reduce_sum3A_750 = tpu.scan <sum>, %convert_element_type3A_747 masked %reduce_sum3A_749 : vector<16xi32>, vector<16xi1> -> vector<16xi32>
    %reduce_sum3A_751 = vector.extract %reduce_sum3A_750[15] : i32 from vector<16xi32>
    %eq3A_752 = arith.constant 6 : i32
    %eq3A_753 = vector.broadcast %eq3A_752 : i32 to vector<16xi32>
    %eq3A_754 = arith.cmpi eq, %iota3A, %eq3A_753 : vector<16xi32>
    %add3A_755 = vector.broadcast %reduce_sum3A_751 : i32 to vector<16xi32>
    %add3A_756 = arith.addi %select_n3A_743, %add3A_755 : vector<16xi32>
    %select_n3A_757 = arith.select %eq3A_754, %add3A_756, %select_n3A_743 : vector<16xi1>, vector<16xi32>
    %eq3A_758 = arith.constant 7 : i32
    %eq3A_759 = vector.broadcast %eq3A_758 : i32 to vector<16xi32>
    %eq3A_760 = arith.cmpi eq, %get3A_659, %eq3A_759 : vector<16xi32>
    %convert_element_type3A_761 = arith.extui %eq3A_760 : vector<16xi1> to vector<16xi32>
    %reduce_sum3A_762 = arith.constant true
    %reduce_sum3A_763 = vector.broadcast %reduce_sum3A_762 : i1 to vector<16xi1>
    %reduce_sum3A_764 = tpu.scan <sum>, %convert_element_type3A_761 masked %reduce_sum3A_763 : vector<16xi32>, vector<16xi1> -> vector<16xi32>
    %reduce_sum3A_765 = vector.extract %reduce_sum3A_764[15] : i32 from vector<16xi32>
    %eq3A_766 = arith.constant 7 : i32
    %eq3A_767 = vector.broadcast %eq3A_766 : i32 to vector<16xi32>
    %eq3A_768 = arith.cmpi eq, %iota3A, %eq3A_767 : vector<16xi32>
    %add3A_769 = vector.broadcast %reduce_sum3A_765 : i32 to vector<16xi32>
    %add3A_770 = arith.addi %select_n3A_757, %add3A_769 : vector<16xi32>
    %select_n3A_771 = arith.select %eq3A_768, %add3A_770, %select_n3A_757 : vector<16xi1>, vector<16xi32>
    %get3A_772 = arith.constant 96 : index
    %get3A_773 = tpu.vector_load %arg8[%get3A_772] {strides = array<i32>} : memref<128xi32, #tpu.memory_space<vmem>>, vector<16xi32>,
    %eq3A_774 = arith.constant 0 : i32
    %eq3A_775 = vector.broadcast %eq3A_774 : i32 to vector<16xi32>
    %eq3A_776 = arith.cmpi eq, %get3A_773, %eq3A_775 : vector<16xi32>
    %convert_element_type3A_777 = arith.extui %eq3A_776 : vector<16xi1> to vector<16xi32>
    %reduce_sum3A_778 = arith.constant true
    %reduce_sum3A_779 = vector.broadcast %reduce_sum3A_778 : i1 to vector<16xi1>
    %reduce_sum3A_780 = tpu.scan <sum>, %convert_element_type3A_777 masked %reduce_sum3A_779 : vector<16xi32>, vector<16xi1> -> vector<16xi32>
    %reduce_sum3A_781 = vector.extract %reduce_sum3A_780[15] : i32 from vector<16xi32>
    %eq3A_782 = arith.constant 0 : i32
    %eq3A_783 = vector.broadcast %eq3A_782 : i32 to vector<16xi32>
    %eq3A_784 = arith.cmpi eq, %iota3A, %eq3A_783 : vector<16xi32>
    %add3A_785 = vector.broadcast %reduce_sum3A_781 : i32 to vector<16xi32>
    %add3A_786 = arith.addi %select_n3A_771, %add3A_785 : vector<16xi32>
    %select_n3A_787 = arith.select %eq3A_784, %add3A_786, %select_n3A_771 : vector<16xi1>, vector<16xi32>
    %eq3A_788 = arith.constant 1 : i32
    %eq3A_789 = vector.broadcast %eq3A_788 : i32 to vector<16xi32>
    %eq3A_790 = arith.cmpi eq, %get3A_773, %eq3A_789 : vector<16xi32>
    %convert_element_type3A_791 = arith.extui %eq3A_790 : vector<16xi1> to vector<16xi32>
    %reduce_sum3A_792 = arith.constant true
    %reduce_sum3A_793 = vector.broadcast %reduce_sum3A_792 : i1 to vector<16xi1>
    %reduce_sum3A_794 = tpu.scan <sum>, %convert_element_type3A_791 masked %reduce_sum3A_793 : vector<16xi32>, vector<16xi1> -> vector<16xi32>
    %reduce_sum3A_795 = vector.extract %reduce_sum3A_794[15] : i32 from vector<16xi32>
    %eq3A_796 = arith.constant 1 : i32
    %eq3A_797 = vector.broadcast %eq3A_796 : i32 to vector<16xi32>
    %eq3A_798 = arith.cmpi eq, %iota3A, %eq3A_797 : vector<16xi32>
    %add3A_799 = vector.broadcast %reduce_sum3A_795 : i32 to vector<16xi32>
    %add3A_800 = arith.addi %select_n3A_787, %add3A_799 : vector<16xi32>
    %select_n3A_801 = arith.select %eq3A_798, %add3A_800, %select_n3A_787 : vector<16xi1>, vector<16xi32>
    %eq3A_802 = arith.constant 2 : i32
    %eq3A_803 = vector.broadcast %eq3A_802 : i32 to vector<16xi32>
    %eq3A_804 = arith.cmpi eq, %get3A_773, %eq3A_803 : vector<16xi32>
    %convert_element_type3A_805 = arith.extui %eq3A_804 : vector<16xi1> to vector<16xi32>
    %reduce_sum3A_806 = arith.constant true
    %reduce_sum3A_807 = vector.broadcast %reduce_sum3A_806 : i1 to vector<16xi1>
    %reduce_sum3A_808 = tpu.scan <sum>, %convert_element_type3A_805 masked %reduce_sum3A_807 : vector<16xi32>, vector<16xi1> -> vector<16xi32>
    %reduce_sum3A_809 = vector.extract %reduce_sum3A_808[15] : i32 from vector<16xi32>
    %eq3A_810 = arith.constant 2 : i32
    %eq3A_811 = vector.broadcast %eq3A_810 : i32 to vector<16xi32>
    %eq3A_812 = arith.cmpi eq, %iota3A, %eq3A_811 : vector<16xi32>
    %add3A_813 = vector.broadcast %reduce_sum3A_809 : i32 to vector<16xi32>
    %add3A_814 = arith.addi %select_n3A_801, %add3A_813 : vector<16xi32>
    %select_n3A_815 = arith.select %eq3A_812, %add3A_814, %select_n3A_801 : vector<16xi1>, vector<16xi32>
    %eq3A_816 = arith.constant 3 : i32
    %eq3A_817 = vector.broadcast %eq3A_816 : i32 to vector<16xi32>
    %eq3A_818 = arith.cmpi eq, %get3A_773, %eq3A_817 : vector<16xi32>
    %convert_element_type3A_819 = arith.extui %eq3A_818 : vector<16xi1> to vector<16xi32>
    %reduce_sum3A_820 = arith.constant true
    %reduce_sum3A_821 = vector.broadcast %reduce_sum3A_820 : i1 to vector<16xi1>
    %reduce_sum3A_822 = tpu.scan <sum>, %convert_element_type3A_819 masked %reduce_sum3A_821 : vector<16xi32>, vector<16xi1> -> vector<16xi32>
    %reduce_sum3A_823 = vector.extract %reduce_sum3A_822[15] : i32 from vector<16xi32>
    %eq3A_824 = arith.constant 3 : i32
    %eq3A_825 = vector.broadcast %eq3A_824 : i32 to vector<16xi32>
    %eq3A_826 = arith.cmpi eq, %iota3A, %eq3A_825 : vector<16xi32>
    %add3A_827 = vector.broadcast %reduce_sum3A_823 : i32 to vector<16xi32>
    %add3A_828 = arith.addi %select_n3A_815, %add3A_827 : vector<16xi32>
    %select_n3A_829 = arith.select %eq3A_826, %add3A_828, %select_n3A_815 : vector<16xi1>, vector<16xi32>
    %eq3A_830 = arith.constant 4 : i32
    %eq3A_831 = vector.broadcast %eq3A_830 : i32 to vector<16xi32>
    %eq3A_832 = arith.cmpi eq, %get3A_773, %eq3A_831 : vector<16xi32>
    %convert_element_type3A_833 = arith.extui %eq3A_832 : vector<16xi1> to vector<16xi32>
    %reduce_sum3A_834 = arith.constant true
    %reduce_sum3A_835 = vector.broadcast %reduce_sum3A_834 : i1 to vector<16xi1>
    %reduce_sum3A_836 = tpu.scan <sum>, %convert_element_type3A_833 masked %reduce_sum3A_835 : vector<16xi32>, vector<16xi1> -> vector<16xi32>
    %reduce_sum3A_837 = vector.extract %reduce_sum3A_836[15] : i32 from vector<16xi32>
    %eq3A_838 = arith.constant 4 : i32
    %eq3A_839 = vector.broadcast %eq3A_838 : i32 to vector<16xi32>
    %eq3A_840 = arith.cmpi eq, %iota3A, %eq3A_839 : vector<16xi32>
    %add3A_841 = vector.broadcast %reduce_sum3A_837 : i32 to vector<16xi32>
    %add3A_842 = arith.addi %select_n3A_829, %add3A_841 : vector<16xi32>
    %select_n3A_843 = arith.select %eq3A_840, %add3A_842, %select_n3A_829 : vector<16xi1>, vector<16xi32>
    %eq3A_844 = arith.constant 5 : i32
    %eq3A_845 = vector.broadcast %eq3A_844 : i32 to vector<16xi32>
    %eq3A_846 = arith.cmpi eq, %get3A_773, %eq3A_845 : vector<16xi32>
    %convert_element_type3A_847 = arith.extui %eq3A_846 : vector<16xi1> to vector<16xi32>
    %reduce_sum3A_848 = arith.constant true
    %reduce_sum3A_849 = vector.broadcast %reduce_sum3A_848 : i1 to vector<16xi1>
    %reduce_sum3A_850 = tpu.scan <sum>, %convert_element_type3A_847 masked %reduce_sum3A_849 : vector<16xi32>, vector<16xi1> -> vector<16xi32>
    %reduce_sum3A_851 = vector.extract %reduce_sum3A_850[15] : i32 from vector<16xi32>
    %eq3A_852 = arith.constant 5 : i32
    %eq3A_853 = vector.broadcast %eq3A_852 : i32 to vector<16xi32>
    %eq3A_854 = arith.cmpi eq, %iota3A, %eq3A_853 : vector<16xi32>
    %add3A_855 = vector.broadcast %reduce_sum3A_851 : i32 to vector<16xi32>
    %add3A_856 = arith.addi %select_n3A_843, %add3A_855 : vector<16xi32>
    %select_n3A_857 = arith.select %eq3A_854, %add3A_856, %select_n3A_843 : vector<16xi1>, vector<16xi32>
    %eq3A_858 = arith.constant 6 : i32
    %eq3A_859 = vector.broadcast %eq3A_858 : i32 to vector<16xi32>
    %eq3A_860 = arith.cmpi eq, %get3A_773, %eq3A_859 : vector<16xi32>
    %convert_element_type3A_861 = arith.extui %eq3A_860 : vector<16xi1> to vector<16xi32>
    %reduce_sum3A_862 = arith.constant true
    %reduce_sum3A_863 = vector.broadcast %reduce_sum3A_862 : i1 to vector<16xi1>
    %reduce_sum3A_864 = tpu.scan <sum>, %convert_element_type3A_861 masked %reduce_sum3A_863 : vector<16xi32>, vector<16xi1> -> vector<16xi32>
    %reduce_sum3A_865 = vector.extract %reduce_sum3A_864[15] : i32 from vector<16xi32>
    %eq3A_866 = arith.constant 6 : i32
    %eq3A_867 = vector.broadcast %eq3A_866 : i32 to vector<16xi32>
    %eq3A_868 = arith.cmpi eq, %iota3A, %eq3A_867 : vector<16xi32>
    %add3A_869 = vector.broadcast %reduce_sum3A_865 : i32 to vector<16xi32>
    %add3A_870 = arith.addi %select_n3A_857, %add3A_869 : vector<16xi32>
    %select_n3A_871 = arith.select %eq3A_868, %add3A_870, %select_n3A_857 : vector<16xi1>, vector<16xi32>
    %eq3A_872 = arith.constant 7 : i32
    %eq3A_873 = vector.broadcast %eq3A_872 : i32 to vector<16xi32>
    %eq3A_874 = arith.cmpi eq, %get3A_773, %eq3A_873 : vector<16xi32>
    %convert_element_type3A_875 = arith.extui %eq3A_874 : vector<16xi1> to vector<16xi32>
    %reduce_sum3A_876 = arith.constant true
    %reduce_sum3A_877 = vector.broadcast %reduce_sum3A_876 : i1 to vector<16xi1>
    %reduce_sum3A_878 = tpu.scan <sum>, %convert_element_type3A_875 masked %reduce_sum3A_877 : vector<16xi32>, vector<16xi1> -> vector<16xi32>
    %reduce_sum3A_879 = vector.extract %reduce_sum3A_878[15] : i32 from vector<16xi32>
    %eq3A_880 = arith.constant 7 : i32
    %eq3A_881 = vector.broadcast %eq3A_880 : i32 to vector<16xi32>
    %eq3A_882 = arith.cmpi eq, %iota3A, %eq3A_881 : vector<16xi32>
    %add3A_883 = vector.broadcast %reduce_sum3A_879 : i32 to vector<16xi32>
    %add3A_884 = arith.addi %select_n3A_871, %add3A_883 : vector<16xi32>
    %select_n3A_885 = arith.select %eq3A_882, %add3A_884, %select_n3A_871 : vector<16xi1>, vector<16xi32>
    %get3A_886 = arith.constant 112 : index
    %get3A_887 = tpu.vector_load %arg8[%get3A_886] {strides = array<i32>} : memref<128xi32, #tpu.memory_space<vmem>>, vector<16xi32>,
    %eq3A_888 = arith.constant 0 : i32
    %eq3A_889 = vector.broadcast %eq3A_888 : i32 to vector<16xi32>
    %eq3A_890 = arith.cmpi eq, %get3A_887, %eq3A_889 : vector<16xi32>
    %convert_element_type3A_891 = arith.extui %eq3A_890 : vector<16xi1> to vector<16xi32>
    %reduce_sum3A_892 = arith.constant true
    %reduce_sum3A_893 = vector.broadcast %reduce_sum3A_892 : i1 to vector<16xi1>
    %reduce_sum3A_894 = tpu.scan <sum>, %convert_element_type3A_891 masked %reduce_sum3A_893 : vector<16xi32>, vector<16xi1> -> vector<16xi32>
    %reduce_sum3A_895 = vector.extract %reduce_sum3A_894[15] : i32 from vector<16xi32>
    %eq3A_896 = arith.constant 0 : i32
    %eq3A_897 = vector.broadcast %eq3A_896 : i32 to vector<16xi32>
    %eq3A_898 = arith.cmpi eq, %iota3A, %eq3A_897 : vector<16xi32>
    %add3A_899 = vector.broadcast %reduce_sum3A_895 : i32 to vector<16xi32>
    %add3A_900 = arith.addi %select_n3A_885, %add3A_899 : vector<16xi32>
    %select_n3A_901 = arith.select %eq3A_898, %add3A_900, %select_n3A_885 : vector<16xi1>, vector<16xi32>
    %eq3A_902 = arith.constant 1 : i32
    %eq3A_903 = vector.broadcast %eq3A_902 : i32 to vector<16xi32>
    %eq3A_904 = arith.cmpi eq, %get3A_887, %eq3A_903 : vector<16xi32>
    %convert_element_type3A_905 = arith.extui %eq3A_904 : vector<16xi1> to vector<16xi32>
    %reduce_sum3A_906 = arith.constant true
    %reduce_sum3A_907 = vector.broadcast %reduce_sum3A_906 : i1 to vector<16xi1>
    %reduce_sum3A_908 = tpu.scan <sum>, %convert_element_type3A_905 masked %reduce_sum3A_907 : vector<16xi32>, vector<16xi1> -> vector<16xi32>
    %reduce_sum3A_909 = vector.extract %reduce_sum3A_908[15] : i32 from vector<16xi32>
    %eq3A_910 = arith.constant 1 : i32
    %eq3A_911 = vector.broadcast %eq3A_910 : i32 to vector<16xi32>
    %eq3A_912 = arith.cmpi eq, %iota3A, %eq3A_911 : vector<16xi32>
    %add3A_913 = vector.broadcast %reduce_sum3A_909 : i32 to vector<16xi32>
    %add3A_914 = arith.addi %select_n3A_901, %add3A_913 : vector<16xi32>
    %select_n3A_915 = arith.select %eq3A_912, %add3A_914, %select_n3A_901 : vector<16xi1>, vector<16xi32>
    %eq3A_916 = arith.constant 2 : i32
    %eq3A_917 = vector.broadcast %eq3A_916 : i32 to vector<16xi32>
    %eq3A_918 = arith.cmpi eq, %get3A_887, %eq3A_917 : vector<16xi32>
    %convert_element_type3A_919 = arith.extui %eq3A_918 : vector<16xi1> to vector<16xi32>
    %reduce_sum3A_920 = arith.constant true
    %reduce_sum3A_921 = vector.broadcast %reduce_sum3A_920 : i1 to vector<16xi1>
    %reduce_sum3A_922 = tpu.scan <sum>, %convert_element_type3A_919 masked %reduce_sum3A_921 : vector<16xi32>, vector<16xi1> -> vector<16xi32>
    %reduce_sum3A_923 = vector.extract %reduce_sum3A_922[15] : i32 from vector<16xi32>
    %eq3A_924 = arith.constant 2 : i32
    %eq3A_925 = vector.broadcast %eq3A_924 : i32 to vector<16xi32>
    %eq3A_926 = arith.cmpi eq, %iota3A, %eq3A_925 : vector<16xi32>
    %add3A_927 = vector.broadcast %reduce_sum3A_923 : i32 to vector<16xi32>
    %add3A_928 = arith.addi %select_n3A_915, %add3A_927 : vector<16xi32>
    %select_n3A_929 = arith.select %eq3A_926, %add3A_928, %select_n3A_915 : vector<16xi1>, vector<16xi32>
    %eq3A_930 = arith.constant 3 : i32
    %eq3A_931 = vector.broadcast %eq3A_930 : i32 to vector<16xi32>
    %eq3A_932 = arith.cmpi eq, %get3A_887, %eq3A_931 : vector<16xi32>
    %convert_element_type3A_933 = arith.extui %eq3A_932 : vector<16xi1> to vector<16xi32>
    %reduce_sum3A_934 = arith.constant true
    %reduce_sum3A_935 = vector.broadcast %reduce_sum3A_934 : i1 to vector<16xi1>
    %reduce_sum3A_936 = tpu.scan <sum>, %convert_element_type3A_933 masked %reduce_sum3A_935 : vector<16xi32>, vector<16xi1> -> vector<16xi32>
    %reduce_sum3A_937 = vector.extract %reduce_sum3A_936[15] : i32 from vector<16xi32>
    %eq3A_938 = arith.constant 3 : i32
    %eq3A_939 = vector.broadcast %eq3A_938 : i32 to vector<16xi32>
    %eq3A_940 = arith.cmpi eq, %iota3A, %eq3A_939 : vector<16xi32>
    %add3A_941 = vector.broadcast %reduce_sum3A_937 : i32 to vector<16xi32>
    %add3A_942 = arith.addi %select_n3A_929, %add3A_941 : vector<16xi32>
    %select_n3A_943 = arith.select %eq3A_940, %add3A_942, %select_n3A_929 : vector<16xi1>, vector<16xi32>
    %eq3A_944 = arith.constant 4 : i32
    %eq3A_945 = vector.broadcast %eq3A_944 : i32 to vector<16xi32>
    %eq3A_946 = arith.cmpi eq, %get3A_887, %eq3A_945 : vector<16xi32>
    %convert_element_type3A_947 = arith.extui %eq3A_946 : vector<16xi1> to vector<16xi32>
    %reduce_sum3A_948 = arith.constant true
    %reduce_sum3A_949 = vector.broadcast %reduce_sum3A_948 : i1 to vector<16xi1>
    %reduce_sum3A_950 = tpu.scan <sum>, %convert_element_type3A_947 masked %reduce_sum3A_949 : vector<16xi32>, vector<16xi1> -> vector<16xi32>
    %reduce_sum3A_951 = vector.extract %reduce_sum3A_950[15] : i32 from vector<16xi32>
    %eq3A_952 = arith.constant 4 : i32
    %eq3A_953 = vector.broadcast %eq3A_952 : i32 to vector<16xi32>
    %eq3A_954 = arith.cmpi eq, %iota3A, %eq3A_953 : vector<16xi32>
    %add3A_955 = vector.broadcast %reduce_sum3A_951 : i32 to vector<16xi32>
    %add3A_956 = arith.addi %select_n3A_943, %add3A_955 : vector<16xi32>
    %select_n3A_957 = arith.select %eq3A_954, %add3A_956, %select_n3A_943 : vector<16xi1>, vector<16xi32>
    %eq3A_958 = arith.constant 5 : i32
    %eq3A_959 = vector.broadcast %eq3A_958 : i32 to vector<16xi32>
    %eq3A_960 = arith.cmpi eq, %get3A_887, %eq3A_959 : vector<16xi32>
    %convert_element_type3A_961 = arith.extui %eq3A_960 : vector<16xi1> to vector<16xi32>
    %reduce_sum3A_962 = arith.constant true
    %reduce_sum3A_963 = vector.broadcast %reduce_sum3A_962 : i1 to vector<16xi1>
    %reduce_sum3A_964 = tpu.scan <sum>, %convert_element_type3A_961 masked %reduce_sum3A_963 : vector<16xi32>, vector<16xi1> -> vector<16xi32>
    %reduce_sum3A_965 = vector.extract %reduce_sum3A_964[15] : i32 from vector<16xi32>
    %eq3A_966 = arith.constant 5 : i32
    %eq3A_967 = vector.broadcast %eq3A_966 : i32 to vector<16xi32>
    %eq3A_968 = arith.cmpi eq, %iota3A, %eq3A_967 : vector<16xi32>
    %add3A_969 = vector.broadcast %reduce_sum3A_965 : i32 to vector<16xi32>
    %add3A_970 = arith.addi %select_n3A_957, %add3A_969 : vector<16xi32>
    %select_n3A_971 = arith.select %eq3A_968, %add3A_970, %select_n3A_957 : vector<16xi1>, vector<16xi32>
    %eq3A_972 = arith.constant 6 : i32
    %eq3A_973 = vector.broadcast %eq3A_972 : i32 to vector<16xi32>
    %eq3A_974 = arith.cmpi eq, %get3A_887, %eq3A_973 : vector<16xi32>
    %convert_element_type3A_975 = arith.extui %eq3A_974 : vector<16xi1> to vector<16xi32>
    %reduce_sum3A_976 = arith.constant true
    %reduce_sum3A_977 = vector.broadcast %reduce_sum3A_976 : i1 to vector<16xi1>
    %reduce_sum3A_978 = tpu.scan <sum>, %convert_element_type3A_975 masked %reduce_sum3A_977 : vector<16xi32>, vector<16xi1> -> vector<16xi32>
    %reduce_sum3A_979 = vector.extract %reduce_sum3A_978[15] : i32 from vector<16xi32>
    %eq3A_980 = arith.constant 6 : i32
    %eq3A_981 = vector.broadcast %eq3A_980 : i32 to vector<16xi32>
    %eq3A_982 = arith.cmpi eq, %iota3A, %eq3A_981 : vector<16xi32>
    %add3A_983 = vector.broadcast %reduce_sum3A_979 : i32 to vector<16xi32>
    %add3A_984 = arith.addi %select_n3A_971, %add3A_983 : vector<16xi32>
    %select_n3A_985 = arith.select %eq3A_982, %add3A_984, %select_n3A_971 : vector<16xi1>, vector<16xi32>
    %eq3A_986 = arith.constant 7 : i32
    %eq3A_987 = vector.broadcast %eq3A_986 : i32 to vector<16xi32>
    %eq3A_988 = arith.cmpi eq, %get3A_887, %eq3A_987 : vector<16xi32>
    %convert_element_type3A_989 = arith.extui %eq3A_988 : vector<16xi1> to vector<16xi32>
    %reduce_sum3A_990 = arith.constant true
    %reduce_sum3A_991 = vector.broadcast %reduce_sum3A_990 : i1 to vector<16xi1>
    %reduce_sum3A_992 = tpu.scan <sum>, %convert_element_type3A_989 masked %reduce_sum3A_991 : vector<16xi32>, vector<16xi1> -> vector<16xi32>
    %reduce_sum3A_993 = vector.extract %reduce_sum3A_992[15] : i32 from vector<16xi32>
    %eq3A_994 = arith.constant 7 : i32
    %eq3A_995 = vector.broadcast %eq3A_994 : i32 to vector<16xi32>
    %eq3A_996 = arith.cmpi eq, %iota3A, %eq3A_995 : vector<16xi32>
    %add3A_997 = vector.broadcast %reduce_sum3A_993 : i32 to vector<16xi32>
    %add3A_998 = arith.addi %select_n3A_985, %add3A_997 : vector<16xi32>
    %select_n3A_999 = arith.select %eq3A_996, %add3A_998, %select_n3A_985 : vector<16xi1>, vector<16xi32>
    %swap3A = arith.constant 0 : index
    %swap3A_1000 = tpu.vector_load %arg11[%swap3A] {strides = array<i32>} : memref<16xi32, #tpu.memory_space<vmem>>, vector<16xi32>,
    tpu.vector_store %arg11[%swap3A], %select_n3A_999 {strides = array<i32>} : memref<16xi32, #tpu.memory_space<vmem>>, vector<16xi32>,
    %mul3A_1001 = arith.constant 16 : i32
    %mul3A_1002 = arith.muli %add3A, %mul3A_1001 : i32
    "tpu.region"() ({
      %run_scoped3A = tpu.sem_alloc : memref<!tpu.dma_semaphore, #tpu.memory_space<semaphore_mem>>
      %dma_start3A_2898 = tpu.memref_slice %arg7[%mul3A_1002] : memref<512xi32, #tpu.memory_space<hbm>> -> memref<16xi32, #tpu.memory_space<hbm>>
      %dma_start3A_2899 = tpu.memref_slice %arg7[%mul3A_1002] : memref<512xi32, #tpu.memory_space<hbm>> -> memref<16xi32, #tpu.memory_space<hbm>>
      tpu.enqueue_dma source(%arg11 : memref<16xi32, #tpu.memory_space<vmem>>) target(%dma_start3A_2899 : memref<16xi32, #tpu.memory_space<hbm>>) target_semaphore(%run_scoped3A : memref<!tpu.dma_semaphore, #tpu.memory_space<semaphore_mem>>)
      %dma_wait3A_2900 = tpu.memref_slice %arg7[%mul3A_1002] : memref<512xi32, #tpu.memory_space<hbm>> -> memref<16xi32, #tpu.memory_space<hbm>>
      %dma_wait3A_2901 = tpu.memref_slice %arg7[%mul3A_1002] : memref<512xi32, #tpu.memory_space<hbm>> -> memref<16xi32, #tpu.memory_space<hbm>>
      tpu.wait_dma2 semaphore(%run_scoped3A : memref<!tpu.dma_semaphore, #tpu.memory_space<semaphore_mem>>) src(%arg11 : memref<16xi32, #tpu.memory_space<vmem>>) dst(%dma_wait3A_2901 : memref<16xi32, #tpu.memory_space<hbm>>)
      tpu.yield
    }) : () -> ()
    %barrier3A = arith.constant 0 : index
    tpu.barrier barrier_id(%barrier3A)
    %mul3A_1003 = arith.constant 256 : i32
    %mul3A_1004 = arith.muli %arg0, %mul3A_1003 : i32
    "tpu.region"() ({
      %run_scoped3A = tpu.sem_alloc : memref<!tpu.dma_semaphore, #tpu.memory_space<semaphore_mem>>
      %dma_start3A_2898 = tpu.memref_slice %arg7[%mul3A_1004] : memref<512xi32, #tpu.memory_space<hbm>> -> memref<256xi32, #tpu.memory_space<hbm>>
      %dma_start3A_2899 = tpu.memref_slice %arg7[%mul3A_1004] : memref<512xi32, #tpu.memory_space<hbm>> -> memref<256xi32, #tpu.memory_space<hbm>>
      tpu.enqueue_dma source(%dma_start3A_2899 : memref<256xi32, #tpu.memory_space<hbm>>) target(%arg12 : memref<256xi32, #tpu.memory_space<vmem>>) target_semaphore(%run_scoped3A : memref<!tpu.dma_semaphore, #tpu.memory_space<semaphore_mem>>)
      %dma_wait3A_2900 = tpu.memref_slice %arg7[%mul3A_1004] : memref<512xi32, #tpu.memory_space<hbm>> -> memref<256xi32, #tpu.memory_space<hbm>>
      %dma_wait3A_2901 = tpu.memref_slice %arg7[%mul3A_1004] : memref<512xi32, #tpu.memory_space<hbm>> -> memref<256xi32, #tpu.memory_space<hbm>>
      tpu.wait_dma2 semaphore(%run_scoped3A : memref<!tpu.dma_semaphore, #tpu.memory_space<semaphore_mem>>) src(%dma_wait3A_2901 : memref<256xi32, #tpu.memory_space<hbm>>) dst(%arg12 : memref<256xi32, #tpu.memory_space<vmem>>)
      tpu.yield
    }) : () -> ()
    %mul3A_1005 = arith.constant 16 : i32
    %mul3A_1006 = vector.broadcast %mul3A_1005 : i32 to vector<16xi32>
    %mul3A_1007 = arith.muli %iota3A, %mul3A_1006 : vector<16xi32>
    %add3A_1008 = arith.constant 0 : i32
    %add3A_1009 = vector.broadcast %add3A_1008 : i32 to vector<16xi32>
    %add3A_1010 = arith.addi %mul3A_1007, %add3A_1009 : vector<16xi32>
    %gather3A = tpu.vector_load_idx %arg12[%add3A_1010] : memref<256xi32, #tpu.memory_space<vmem>>[vector<16xi32>], vector<16xi32>,
    %reduce_sum3A_1011 = arith.constant true
    %reduce_sum3A_1012 = vector.broadcast %reduce_sum3A_1011 : i1 to vector<16xi1>
    %reduce_sum3A_1013 = tpu.scan <sum>, %gather3A masked %reduce_sum3A_1012 : vector<16xi32>, vector<16xi1> -> vector<16xi32>
    %reduce_sum3A_1014 = vector.extract %reduce_sum3A_1013[15] : i32 from vector<16xi32>
    %broadcast_in_dim3A_1015 = arith.constant true
    %broadcast_in_dim3A_1016 = vector.broadcast %broadcast_in_dim3A_1015 : i1 to vector<16xi1>
    %masked_cumsum3A = tpu.scan <sum>, %gather3A masked %broadcast_in_dim3A_1016 : vector<16xi32>, vector<16xi1> -> vector<16xi32>
    %sub3A = arith.subi %masked_cumsum3A, %gather3A : vector<16xi32>
    %eq3A_1017 = vector.broadcast %arg1 : i32 to vector<16xi32>
    %eq3A_1018 = arith.cmpi eq, %iota3A, %eq3A_1017 : vector<16xi32>
    %jit3A = arith.constant 0 : i32
    %broadcast_in_dim3A_1019 = vector.broadcast %jit3A : i32 to vector<16xi32>
    %select_n3A_1020 = arith.select %eq3A_1018, %sub3A, %broadcast_in_dim3A_1019 : vector<16xi1>, vector<16xi32>
    %reduce_sum3A_1021 = arith.constant true
    %reduce_sum3A_1022 = vector.broadcast %reduce_sum3A_1021 : i1 to vector<16xi1>
    %reduce_sum3A_1023 = tpu.scan <sum>, %select_n3A_1020 masked %reduce_sum3A_1022 : vector<16xi32>, vector<16xi1> -> vector<16xi32>
    %reduce_sum3A_1024 = vector.extract %reduce_sum3A_1023[15] : i32 from vector<16xi32>
    %mul3A_1025 = arith.constant 0 : i32
    %mul3A_1026 = arith.constant 256 : i32
    %mul3A_1027 = arith.muli %mul3A_1025, %mul3A_1026 : i32
    %add3A_1028 = arith.addi %mul3A_2, %mul3A_1027 : i32
    %add3A_1029 = arith.addi %add3A_1028, %reduce_sum3A_1024 : i32
    %add3A_1030 = arith.constant 255 : i32
    %add3A_1031 = arith.addi %reduce_sum3A_1014, %add3A_1030 : i32
    %jit3A_1032 = arith.constant 256 : i32
    %div3A = arith.divsi %add3A_1031, %jit3A_1032 : i32
    %sign3A = arith.constant 0 : i32
    %sign3A_1033 = arith.cmpi sgt, %add3A_1031, %sign3A : i32
    %sign3A_1034 = arith.extui %sign3A_1033 : i1 to i32
    %sign3A_1035 = arith.constant 0 : i32
    %sign3A_1036 = arith.cmpi slt, %add3A_1031, %sign3A_1035 : i32
    %sign3A_1037 = arith.extui %sign3A_1036 : i1 to i32
    %sign3A_1038 = arith.subi %sign3A_1034, %sign3A_1037 : i32
    %sign3A_1039 = arith.constant 0 : i32
    %sign3A_1040 = arith.cmpi sgt, %jit3A_1032, %sign3A_1039 : i32
    %sign3A_1041 = arith.extui %sign3A_1040 : i1 to i32
    %sign3A_1042 = arith.constant 0 : i32
    %sign3A_1043 = arith.cmpi slt, %jit3A_1032, %sign3A_1042 : i32
    %sign3A_1044 = arith.extui %sign3A_1043 : i1 to i32
    %sign3A_1045 = arith.subi %sign3A_1041, %sign3A_1044 : i32
    %ne3A = arith.cmpi ne, %sign3A_1038, %sign3A_1045 : i32
    %rem3A = arith.remsi %add3A_1031, %jit3A_1032 : i32
    %ne3A_1046 = arith.constant 0 : i32
    %ne3A_1047 = arith.cmpi ne, %rem3A, %ne3A_1046 : i32
    %and3A = arith.andi %ne3A, %ne3A_1047 : i1
    %sub3A_1048 = arith.constant 1 : i32
    %sub3A_1049 = arith.subi %div3A, %sub3A_1048 : i32
    %select_n3A_1050 = arith.select %and3A, %sub3A_1049, %div3A : i32
    %add3A_1051 = arith.constant 0 : i32
    %add3A_1052 = arith.addi %add3A_1051, %select_n3A_1050 : i32
    %mul3A_1053 = arith.constant 16 : i32
    %mul3A_1054 = vector.broadcast %mul3A_1053 : i32 to vector<16xi32>
    %mul3A_1055 = arith.muli %iota3A, %mul3A_1054 : vector<16xi32>
    %add3A_1056 = arith.constant 1 : i32
    %add3A_1057 = vector.broadcast %add3A_1056 : i32 to vector<16xi32>
    %add3A_1058 = arith.addi %mul3A_1055, %add3A_1057 : vector<16xi32>
    %gather3A_1059 = tpu.vector_load_idx %arg12[%add3A_1058] : memref<256xi32, #tpu.memory_space<vmem>>[vector<16xi32>], vector<16xi32>,
    %reduce_sum3A_1060 = arith.constant true
    %reduce_sum3A_1061 = vector.broadcast %reduce_sum3A_1060 : i1 to vector<16xi1>
    %reduce_sum3A_1062 = tpu.scan <sum>, %gather3A_1059 masked %reduce_sum3A_1061 : vector<16xi32>, vector<16xi1> -> vector<16xi32>
    %reduce_sum3A_1063 = vector.extract %reduce_sum3A_1062[15] : i32 from vector<16xi32>
    %broadcast_in_dim3A_1064 = arith.constant true
    %broadcast_in_dim3A_1065 = vector.broadcast %broadcast_in_dim3A_1064 : i1 to vector<16xi1>
    %masked_cumsum3A_1066 = tpu.scan <sum>, %gather3A_1059 masked %broadcast_in_dim3A_1065 : vector<16xi32>, vector<16xi1> -> vector<16xi32>
    %sub3A_1067 = arith.subi %masked_cumsum3A_1066, %gather3A_1059 : vector<16xi32>
    %eq3A_1068 = vector.broadcast %arg1 : i32 to vector<16xi32>
    %eq3A_1069 = arith.cmpi eq, %iota3A, %eq3A_1068 : vector<16xi32>
    %jit3A_1070 = arith.constant 0 : i32
    %broadcast_in_dim3A_1071 = vector.broadcast %jit3A_1070 : i32 to vector<16xi32>
    %select_n3A_1072 = arith.select %eq3A_1069, %sub3A_1067, %broadcast_in_dim3A_1071 : vector<16xi1>, vector<16xi32>
    %reduce_sum3A_1073 = arith.constant true
    %reduce_sum3A_1074 = vector.broadcast %reduce_sum3A_1073 : i1 to vector<16xi1>
    %reduce_sum3A_1075 = tpu.scan <sum>, %select_n3A_1072 masked %reduce_sum3A_1074 : vector<16xi32>, vector<16xi1> -> vector<16xi32>
    %reduce_sum3A_1076 = vector.extract %reduce_sum3A_1075[15] : i32 from vector<16xi32>
    %mul3A_1077 = arith.constant 256 : i32
    %mul3A_1078 = arith.muli %add3A_1052, %mul3A_1077 : i32
    %add3A_1079 = arith.addi %mul3A_2, %mul3A_1078 : i32
    %add3A_1080 = arith.addi %add3A_1079, %reduce_sum3A_1076 : i32
    %add3A_1081 = arith.constant 255 : i32
    %add3A_1082 = arith.addi %reduce_sum3A_1063, %add3A_1081 : i32
    %jit3A_1083 = arith.constant 256 : i32
    %div3A_1084 = arith.divsi %add3A_1082, %jit3A_1083 : i32
    %sign3A_1085 = arith.constant 0 : i32
    %sign3A_1086 = arith.cmpi sgt, %add3A_1082, %sign3A_1085 : i32
    %sign3A_1087 = arith.extui %sign3A_1086 : i1 to i32
    %sign3A_1088 = arith.constant 0 : i32
    %sign3A_1089 = arith.cmpi slt, %add3A_1082, %sign3A_1088 : i32
    %sign3A_1090 = arith.extui %sign3A_1089 : i1 to i32
    %sign3A_1091 = arith.subi %sign3A_1087, %sign3A_1090 : i32
    %sign3A_1092 = arith.constant 0 : i32
    %sign3A_1093 = arith.cmpi sgt, %jit3A_1083, %sign3A_1092 : i32
    %sign3A_1094 = arith.extui %sign3A_1093 : i1 to i32
    %sign3A_1095 = arith.constant 0 : i32
    %sign3A_1096 = arith.cmpi slt, %jit3A_1083, %sign3A_1095 : i32
    %sign3A_1097 = arith.extui %sign3A_1096 : i1 to i32
    %sign3A_1098 = arith.subi %sign3A_1094, %sign3A_1097 : i32
    %ne3A_1099 = arith.cmpi ne, %sign3A_1091, %sign3A_1098 : i32
    %rem3A_1100 = arith.remsi %add3A_1082, %jit3A_1083 : i32
    %ne3A_1101 = arith.constant 0 : i32
    %ne3A_1102 = arith.cmpi ne, %rem3A_1100, %ne3A_1101 : i32
    %and3A_1103 = arith.andi %ne3A_1099, %ne3A_1102 : i1
    %sub3A_1104 = arith.constant 1 : i32
    %sub3A_1105 = arith.subi %div3A_1084, %sub3A_1104 : i32
    %select_n3A_1106 = arith.select %and3A_1103, %sub3A_1105, %div3A_1084 : i32
    %add3A_1107 = arith.addi %add3A_1052, %select_n3A_1106 : i32
    %mul3A_1108 = arith.constant 16 : i32
    %mul3A_1109 = vector.broadcast %mul3A_1108 : i32 to vector<16xi32>
    %mul3A_1110 = arith.muli %iota3A, %mul3A_1109 : vector<16xi32>
    %add3A_1111 = arith.constant 2 : i32
    %add3A_1112 = vector.broadcast %add3A_1111 : i32 to vector<16xi32>
    %add3A_1113 = arith.addi %mul3A_1110, %add3A_1112 : vector<16xi32>
    %gather3A_1114 = tpu.vector_load_idx %arg12[%add3A_1113] : memref<256xi32, #tpu.memory_space<vmem>>[vector<16xi32>], vector<16xi32>,
    %reduce_sum3A_1115 = arith.constant true
    %reduce_sum3A_1116 = vector.broadcast %reduce_sum3A_1115 : i1 to vector<16xi1>
    %reduce_sum3A_1117 = tpu.scan <sum>, %gather3A_1114 masked %reduce_sum3A_1116 : vector<16xi32>, vector<16xi1> -> vector<16xi32>
    %reduce_sum3A_1118 = vector.extract %reduce_sum3A_1117[15] : i32 from vector<16xi32>
    %broadcast_in_dim3A_1119 = arith.constant true
    %broadcast_in_dim3A_1120 = vector.broadcast %broadcast_in_dim3A_1119 : i1 to vector<16xi1>
    %masked_cumsum3A_1121 = tpu.scan <sum>, %gather3A_1114 masked %broadcast_in_dim3A_1120 : vector<16xi32>, vector<16xi1> -> vector<16xi32>
    %sub3A_1122 = arith.subi %masked_cumsum3A_1121, %gather3A_1114 : vector<16xi32>
    %eq3A_1123 = vector.broadcast %arg1 : i32 to vector<16xi32>
    %eq3A_1124 = arith.cmpi eq, %iota3A, %eq3A_1123 : vector<16xi32>
    %jit3A_1125 = arith.constant 0 : i32
    %broadcast_in_dim3A_1126 = vector.broadcast %jit3A_1125 : i32 to vector<16xi32>
    %select_n3A_1127 = arith.select %eq3A_1124, %sub3A_1122, %broadcast_in_dim3A_1126 : vector<16xi1>, vector<16xi32>
    %reduce_sum3A_1128 = arith.constant true
    %reduce_sum3A_1129 = vector.broadcast %reduce_sum3A_1128 : i1 to vector<16xi1>
    %reduce_sum3A_1130 = tpu.scan <sum>, %select_n3A_1127 masked %reduce_sum3A_1129 : vector<16xi32>, vector<16xi1> -> vector<16xi32>
    %reduce_sum3A_1131 = vector.extract %reduce_sum3A_1130[15] : i32 from vector<16xi32>
    %mul3A_1132 = arith.constant 256 : i32
    %mul3A_1133 = arith.muli %add3A_1107, %mul3A_1132 : i32
    %add3A_1134 = arith.addi %mul3A_2, %mul3A_1133 : i32
    %add3A_1135 = arith.addi %add3A_1134, %reduce_sum3A_1131 : i32
    %add3A_1136 = arith.constant 255 : i32
    %add3A_1137 = arith.addi %reduce_sum3A_1118, %add3A_1136 : i32
    %jit3A_1138 = arith.constant 256 : i32
    %div3A_1139 = arith.divsi %add3A_1137, %jit3A_1138 : i32
    %sign3A_1140 = arith.constant 0 : i32
    %sign3A_1141 = arith.cmpi sgt, %add3A_1137, %sign3A_1140 : i32
    %sign3A_1142 = arith.extui %sign3A_1141 : i1 to i32
    %sign3A_1143 = arith.constant 0 : i32
    %sign3A_1144 = arith.cmpi slt, %add3A_1137, %sign3A_1143 : i32
    %sign3A_1145 = arith.extui %sign3A_1144 : i1 to i32
    %sign3A_1146 = arith.subi %sign3A_1142, %sign3A_1145 : i32
    %sign3A_1147 = arith.constant 0 : i32
    %sign3A_1148 = arith.cmpi sgt, %jit3A_1138, %sign3A_1147 : i32
    %sign3A_1149 = arith.extui %sign3A_1148 : i1 to i32
    %sign3A_1150 = arith.constant 0 : i32
    %sign3A_1151 = arith.cmpi slt, %jit3A_1138, %sign3A_1150 : i32
    %sign3A_1152 = arith.extui %sign3A_1151 : i1 to i32
    %sign3A_1153 = arith.subi %sign3A_1149, %sign3A_1152 : i32
    %ne3A_1154 = arith.cmpi ne, %sign3A_1146, %sign3A_1153 : i32
    %rem3A_1155 = arith.remsi %add3A_1137, %jit3A_1138 : i32
    %ne3A_1156 = arith.constant 0 : i32
    %ne3A_1157 = arith.cmpi ne, %rem3A_1155, %ne3A_1156 : i32
    %and3A_1158 = arith.andi %ne3A_1154, %ne3A_1157 : i1
    %sub3A_1159 = arith.constant 1 : i32
    %sub3A_1160 = arith.subi %div3A_1139, %sub3A_1159 : i32
    %select_n3A_1161 = arith.select %and3A_1158, %sub3A_1160, %div3A_1139 : i32
    %add3A_1162 = arith.addi %add3A_1107, %select_n3A_1161 : i32
    %mul3A_1163 = arith.constant 16 : i32
    %mul3A_1164 = vector.broadcast %mul3A_1163 : i32 to vector<16xi32>
    %mul3A_1165 = arith.muli %iota3A, %mul3A_1164 : vector<16xi32>
    %add3A_1166 = arith.constant 3 : i32
    %add3A_1167 = vector.broadcast %add3A_1166 : i32 to vector<16xi32>
    %add3A_1168 = arith.addi %mul3A_1165, %add3A_1167 : vector<16xi32>
    %gather3A_1169 = tpu.vector_load_idx %arg12[%add3A_1168] : memref<256xi32, #tpu.memory_space<vmem>>[vector<16xi32>], vector<16xi32>,
    %reduce_sum3A_1170 = arith.constant true
    %reduce_sum3A_1171 = vector.broadcast %reduce_sum3A_1170 : i1 to vector<16xi1>
    %reduce_sum3A_1172 = tpu.scan <sum>, %gather3A_1169 masked %reduce_sum3A_1171 : vector<16xi32>, vector<16xi1> -> vector<16xi32>
    %reduce_sum3A_1173 = vector.extract %reduce_sum3A_1172[15] : i32 from vector<16xi32>
    %broadcast_in_dim3A_1174 = arith.constant true
    %broadcast_in_dim3A_1175 = vector.broadcast %broadcast_in_dim3A_1174 : i1 to vector<16xi1>
    %masked_cumsum3A_1176 = tpu.scan <sum>, %gather3A_1169 masked %broadcast_in_dim3A_1175 : vector<16xi32>, vector<16xi1> -> vector<16xi32>
    %sub3A_1177 = arith.subi %masked_cumsum3A_1176, %gather3A_1169 : vector<16xi32>
    %eq3A_1178 = vector.broadcast %arg1 : i32 to vector<16xi32>
    %eq3A_1179 = arith.cmpi eq, %iota3A, %eq3A_1178 : vector<16xi32>
    %jit3A_1180 = arith.constant 0 : i32
    %broadcast_in_dim3A_1181 = vector.broadcast %jit3A_1180 : i32 to vector<16xi32>
    %select_n3A_1182 = arith.select %eq3A_1179, %sub3A_1177, %broadcast_in_dim3A_1181 : vector<16xi1>, vector<16xi32>
    %reduce_sum3A_1183 = arith.constant true
    %reduce_sum3A_1184 = vector.broadcast %reduce_sum3A_1183 : i1 to vector<16xi1>
    %reduce_sum3A_1185 = tpu.scan <sum>, %select_n3A_1182 masked %reduce_sum3A_1184 : vector<16xi32>, vector<16xi1> -> vector<16xi32>
    %reduce_sum3A_1186 = vector.extract %reduce_sum3A_1185[15] : i32 from vector<16xi32>
    %mul3A_1187 = arith.constant 256 : i32
    %mul3A_1188 = arith.muli %add3A_1162, %mul3A_1187 : i32
    %add3A_1189 = arith.addi %mul3A_2, %mul3A_1188 : i32
    %add3A_1190 = arith.addi %add3A_1189, %reduce_sum3A_1186 : i32
    %add3A_1191 = arith.constant 255 : i32
    %add3A_1192 = arith.addi %reduce_sum3A_1173, %add3A_1191 : i32
    %jit3A_1193 = arith.constant 256 : i32
    %div3A_1194 = arith.divsi %add3A_1192, %jit3A_1193 : i32
    %sign3A_1195 = arith.constant 0 : i32
    %sign3A_1196 = arith.cmpi sgt, %add3A_1192, %sign3A_1195 : i32
    %sign3A_1197 = arith.extui %sign3A_1196 : i1 to i32
    %sign3A_1198 = arith.constant 0 : i32
    %sign3A_1199 = arith.cmpi slt, %add3A_1192, %sign3A_1198 : i32
    %sign3A_1200 = arith.extui %sign3A_1199 : i1 to i32
    %sign3A_1201 = arith.subi %sign3A_1197, %sign3A_1200 : i32
    %sign3A_1202 = arith.constant 0 : i32
    %sign3A_1203 = arith.cmpi sgt, %jit3A_1193, %sign3A_1202 : i32
    %sign3A_1204 = arith.extui %sign3A_1203 : i1 to i32
    %sign3A_1205 = arith.constant 0 : i32
    %sign3A_1206 = arith.cmpi slt, %jit3A_1193, %sign3A_1205 : i32
    %sign3A_1207 = arith.extui %sign3A_1206 : i1 to i32
    %sign3A_1208 = arith.subi %sign3A_1204, %sign3A_1207 : i32
    %ne3A_1209 = arith.cmpi ne, %sign3A_1201, %sign3A_1208 : i32
    %rem3A_1210 = arith.remsi %add3A_1192, %jit3A_1193 : i32
    %ne3A_1211 = arith.constant 0 : i32
    %ne3A_1212 = arith.cmpi ne, %rem3A_1210, %ne3A_1211 : i32
    %and3A_1213 = arith.andi %ne3A_1209, %ne3A_1212 : i1
    %sub3A_1214 = arith.constant 1 : i32
    %sub3A_1215 = arith.subi %div3A_1194, %sub3A_1214 : i32
    %select_n3A_1216 = arith.select %and3A_1213, %sub3A_1215, %div3A_1194 : i32
    %add3A_1217 = arith.addi %add3A_1162, %select_n3A_1216 : i32
    %mul3A_1218 = arith.constant 16 : i32
    %mul3A_1219 = vector.broadcast %mul3A_1218 : i32 to vector<16xi32>
    %mul3A_1220 = arith.muli %iota3A, %mul3A_1219 : vector<16xi32>
    %add3A_1221 = arith.constant 4 : i32
    %add3A_1222 = vector.broadcast %add3A_1221 : i32 to vector<16xi32>
    %add3A_1223 = arith.addi %mul3A_1220, %add3A_1222 : vector<16xi32>
    %gather3A_1224 = tpu.vector_load_idx %arg12[%add3A_1223] : memref<256xi32, #tpu.memory_space<vmem>>[vector<16xi32>], vector<16xi32>,
    %reduce_sum3A_1225 = arith.constant true
    %reduce_sum3A_1226 = vector.broadcast %reduce_sum3A_1225 : i1 to vector<16xi1>
    %reduce_sum3A_1227 = tpu.scan <sum>, %gather3A_1224 masked %reduce_sum3A_1226 : vector<16xi32>, vector<16xi1> -> vector<16xi32>
    %reduce_sum3A_1228 = vector.extract %reduce_sum3A_1227[15] : i32 from vector<16xi32>
    %broadcast_in_dim3A_1229 = arith.constant true
    %broadcast_in_dim3A_1230 = vector.broadcast %broadcast_in_dim3A_1229 : i1 to vector<16xi1>
    %masked_cumsum3A_1231 = tpu.scan <sum>, %gather3A_1224 masked %broadcast_in_dim3A_1230 : vector<16xi32>, vector<16xi1> -> vector<16xi32>
    %sub3A_1232 = arith.subi %masked_cumsum3A_1231, %gather3A_1224 : vector<16xi32>
    %eq3A_1233 = vector.broadcast %arg1 : i32 to vector<16xi32>
    %eq3A_1234 = arith.cmpi eq, %iota3A, %eq3A_1233 : vector<16xi32>
    %jit3A_1235 = arith.constant 0 : i32
    %broadcast_in_dim3A_1236 = vector.broadcast %jit3A_1235 : i32 to vector<16xi32>
    %select_n3A_1237 = arith.select %eq3A_1234, %sub3A_1232, %broadcast_in_dim3A_1236 : vector<16xi1>, vector<16xi32>
    %reduce_sum3A_1238 = arith.constant true
    %reduce_sum3A_1239 = vector.broadcast %reduce_sum3A_1238 : i1 to vector<16xi1>
    %reduce_sum3A_1240 = tpu.scan <sum>, %select_n3A_1237 masked %reduce_sum3A_1239 : vector<16xi32>, vector<16xi1> -> vector<16xi32>
    %reduce_sum3A_1241 = vector.extract %reduce_sum3A_1240[15] : i32 from vector<16xi32>
    %mul3A_1242 = arith.constant 256 : i32
    %mul3A_1243 = arith.muli %add3A_1217, %mul3A_1242 : i32
    %add3A_1244 = arith.addi %mul3A_2, %mul3A_1243 : i32
    %add3A_1245 = arith.addi %add3A_1244, %reduce_sum3A_1241 : i32
    %add3A_1246 = arith.constant 255 : i32
    %add3A_1247 = arith.addi %reduce_sum3A_1228, %add3A_1246 : i32
    %jit3A_1248 = arith.constant 256 : i32
    %div3A_1249 = arith.divsi %add3A_1247, %jit3A_1248 : i32
    %sign3A_1250 = arith.constant 0 : i32
    %sign3A_1251 = arith.cmpi sgt, %add3A_1247, %sign3A_1250 : i32
    %sign3A_1252 = arith.extui %sign3A_1251 : i1 to i32
    %sign3A_1253 = arith.constant 0 : i32
    %sign3A_1254 = arith.cmpi slt, %add3A_1247, %sign3A_1253 : i32
    %sign3A_1255 = arith.extui %sign3A_1254 : i1 to i32
    %sign3A_1256 = arith.subi %sign3A_1252, %sign3A_1255 : i32
    %sign3A_1257 = arith.constant 0 : i32
    %sign3A_1258 = arith.cmpi sgt, %jit3A_1248, %sign3A_1257 : i32
    %sign3A_1259 = arith.extui %sign3A_1258 : i1 to i32
    %sign3A_1260 = arith.constant 0 : i32
    %sign3A_1261 = arith.cmpi slt, %jit3A_1248, %sign3A_1260 : i32
    %sign3A_1262 = arith.extui %sign3A_1261 : i1 to i32
    %sign3A_1263 = arith.subi %sign3A_1259, %sign3A_1262 : i32
    %ne3A_1264 = arith.cmpi ne, %sign3A_1256, %sign3A_1263 : i32
    %rem3A_1265 = arith.remsi %add3A_1247, %jit3A_1248 : i32
    %ne3A_1266 = arith.constant 0 : i32
    %ne3A_1267 = arith.cmpi ne, %rem3A_1265, %ne3A_1266 : i32
    %and3A_1268 = arith.andi %ne3A_1264, %ne3A_1267 : i1
    %sub3A_1269 = arith.constant 1 : i32
    %sub3A_1270 = arith.subi %div3A_1249, %sub3A_1269 : i32
    %select_n3A_1271 = arith.select %and3A_1268, %sub3A_1270, %div3A_1249 : i32
    %add3A_1272 = arith.addi %add3A_1217, %select_n3A_1271 : i32
    %mul3A_1273 = arith.constant 16 : i32
    %mul3A_1274 = vector.broadcast %mul3A_1273 : i32 to vector<16xi32>
    %mul3A_1275 = arith.muli %iota3A, %mul3A_1274 : vector<16xi32>
    %add3A_1276 = arith.constant 5 : i32
    %add3A_1277 = vector.broadcast %add3A_1276 : i32 to vector<16xi32>
    %add3A_1278 = arith.addi %mul3A_1275, %add3A_1277 : vector<16xi32>
    %gather3A_1279 = tpu.vector_load_idx %arg12[%add3A_1278] : memref<256xi32, #tpu.memory_space<vmem>>[vector<16xi32>], vector<16xi32>,
    %reduce_sum3A_1280 = arith.constant true
    %reduce_sum3A_1281 = vector.broadcast %reduce_sum3A_1280 : i1 to vector<16xi1>
    %reduce_sum3A_1282 = tpu.scan <sum>, %gather3A_1279 masked %reduce_sum3A_1281 : vector<16xi32>, vector<16xi1> -> vector<16xi32>
    %reduce_sum3A_1283 = vector.extract %reduce_sum3A_1282[15] : i32 from vector<16xi32>
    %broadcast_in_dim3A_1284 = arith.constant true
    %broadcast_in_dim3A_1285 = vector.broadcast %broadcast_in_dim3A_1284 : i1 to vector<16xi1>
    %masked_cumsum3A_1286 = tpu.scan <sum>, %gather3A_1279 masked %broadcast_in_dim3A_1285 : vector<16xi32>, vector<16xi1> -> vector<16xi32>
    %sub3A_1287 = arith.subi %masked_cumsum3A_1286, %gather3A_1279 : vector<16xi32>
    %eq3A_1288 = vector.broadcast %arg1 : i32 to vector<16xi32>
    %eq3A_1289 = arith.cmpi eq, %iota3A, %eq3A_1288 : vector<16xi32>
    %jit3A_1290 = arith.constant 0 : i32
    %broadcast_in_dim3A_1291 = vector.broadcast %jit3A_1290 : i32 to vector<16xi32>
    %select_n3A_1292 = arith.select %eq3A_1289, %sub3A_1287, %broadcast_in_dim3A_1291 : vector<16xi1>, vector<16xi32>
    %reduce_sum3A_1293 = arith.constant true
    %reduce_sum3A_1294 = vector.broadcast %reduce_sum3A_1293 : i1 to vector<16xi1>
    %reduce_sum3A_1295 = tpu.scan <sum>, %select_n3A_1292 masked %reduce_sum3A_1294 : vector<16xi32>, vector<16xi1> -> vector<16xi32>
    %reduce_sum3A_1296 = vector.extract %reduce_sum3A_1295[15] : i32 from vector<16xi32>
    %mul3A_1297 = arith.constant 256 : i32
    %mul3A_1298 = arith.muli %add3A_1272, %mul3A_1297 : i32
    %add3A_1299 = arith.addi %mul3A_2, %mul3A_1298 : i32
    %add3A_1300 = arith.addi %add3A_1299, %reduce_sum3A_1296 : i32
    %add3A_1301 = arith.constant 255 : i32
    %add3A_1302 = arith.addi %reduce_sum3A_1283, %add3A_1301 : i32
    %jit3A_1303 = arith.constant 256 : i32
    %div3A_1304 = arith.divsi %add3A_1302, %jit3A_1303 : i32
    %sign3A_1305 = arith.constant 0 : i32
    %sign3A_1306 = arith.cmpi sgt, %add3A_1302, %sign3A_1305 : i32
    %sign3A_1307 = arith.extui %sign3A_1306 : i1 to i32
    %sign3A_1308 = arith.constant 0 : i32
    %sign3A_1309 = arith.cmpi slt, %add3A_1302, %sign3A_1308 : i32
    %sign3A_1310 = arith.extui %sign3A_1309 : i1 to i32
    %sign3A_1311 = arith.subi %sign3A_1307, %sign3A_1310 : i32
    %sign3A_1312 = arith.constant 0 : i32
    %sign3A_1313 = arith.cmpi sgt, %jit3A_1303, %sign3A_1312 : i32
    %sign3A_1314 = arith.extui %sign3A_1313 : i1 to i32
    %sign3A_1315 = arith.constant 0 : i32
    %sign3A_1316 = arith.cmpi slt, %jit3A_1303, %sign3A_1315 : i32
    %sign3A_1317 = arith.extui %sign3A_1316 : i1 to i32
    %sign3A_1318 = arith.subi %sign3A_1314, %sign3A_1317 : i32
    %ne3A_1319 = arith.cmpi ne, %sign3A_1311, %sign3A_1318 : i32
    %rem3A_1320 = arith.remsi %add3A_1302, %jit3A_1303 : i32
    %ne3A_1321 = arith.constant 0 : i32
    %ne3A_1322 = arith.cmpi ne, %rem3A_1320, %ne3A_1321 : i32
    %and3A_1323 = arith.andi %ne3A_1319, %ne3A_1322 : i1
    %sub3A_1324 = arith.constant 1 : i32
    %sub3A_1325 = arith.subi %div3A_1304, %sub3A_1324 : i32
    %select_n3A_1326 = arith.select %and3A_1323, %sub3A_1325, %div3A_1304 : i32
    %add3A_1327 = arith.addi %add3A_1272, %select_n3A_1326 : i32
    %mul3A_1328 = arith.constant 16 : i32
    %mul3A_1329 = vector.broadcast %mul3A_1328 : i32 to vector<16xi32>
    %mul3A_1330 = arith.muli %iota3A, %mul3A_1329 : vector<16xi32>
    %add3A_1331 = arith.constant 6 : i32
    %add3A_1332 = vector.broadcast %add3A_1331 : i32 to vector<16xi32>
    %add3A_1333 = arith.addi %mul3A_1330, %add3A_1332 : vector<16xi32>
    %gather3A_1334 = tpu.vector_load_idx %arg12[%add3A_1333] : memref<256xi32, #tpu.memory_space<vmem>>[vector<16xi32>], vector<16xi32>,
    %reduce_sum3A_1335 = arith.constant true
    %reduce_sum3A_1336 = vector.broadcast %reduce_sum3A_1335 : i1 to vector<16xi1>
    %reduce_sum3A_1337 = tpu.scan <sum>, %gather3A_1334 masked %reduce_sum3A_1336 : vector<16xi32>, vector<16xi1> -> vector<16xi32>
    %reduce_sum3A_1338 = vector.extract %reduce_sum3A_1337[15] : i32 from vector<16xi32>
    %broadcast_in_dim3A_1339 = arith.constant true
    %broadcast_in_dim3A_1340 = vector.broadcast %broadcast_in_dim3A_1339 : i1 to vector<16xi1>
    %masked_cumsum3A_1341 = tpu.scan <sum>, %gather3A_1334 masked %broadcast_in_dim3A_1340 : vector<16xi32>, vector<16xi1> -> vector<16xi32>
    %sub3A_1342 = arith.subi %masked_cumsum3A_1341, %gather3A_1334 : vector<16xi32>
    %eq3A_1343 = vector.broadcast %arg1 : i32 to vector<16xi32>
    %eq3A_1344 = arith.cmpi eq, %iota3A, %eq3A_1343 : vector<16xi32>
    %jit3A_1345 = arith.constant 0 : i32
    %broadcast_in_dim3A_1346 = vector.broadcast %jit3A_1345 : i32 to vector<16xi32>
    %select_n3A_1347 = arith.select %eq3A_1344, %sub3A_1342, %broadcast_in_dim3A_1346 : vector<16xi1>, vector<16xi32>
    %reduce_sum3A_1348 = arith.constant true
    %reduce_sum3A_1349 = vector.broadcast %reduce_sum3A_1348 : i1 to vector<16xi1>
    %reduce_sum3A_1350 = tpu.scan <sum>, %select_n3A_1347 masked %reduce_sum3A_1349 : vector<16xi32>, vector<16xi1> -> vector<16xi32>
    %reduce_sum3A_1351 = vector.extract %reduce_sum3A_1350[15] : i32 from vector<16xi32>
    %mul3A_1352 = arith.constant 256 : i32
    %mul3A_1353 = arith.muli %add3A_1327, %mul3A_1352 : i32
    %add3A_1354 = arith.addi %mul3A_2, %mul3A_1353 : i32
    %add3A_1355 = arith.addi %add3A_1354, %reduce_sum3A_1351 : i32
    %add3A_1356 = arith.constant 255 : i32
    %add3A_1357 = arith.addi %reduce_sum3A_1338, %add3A_1356 : i32
    %jit3A_1358 = arith.constant 256 : i32
    %div3A_1359 = arith.divsi %add3A_1357, %jit3A_1358 : i32
    %sign3A_1360 = arith.constant 0 : i32
    %sign3A_1361 = arith.cmpi sgt, %add3A_1357, %sign3A_1360 : i32
    %sign3A_1362 = arith.extui %sign3A_1361 : i1 to i32
    %sign3A_1363 = arith.constant 0 : i32
    %sign3A_1364 = arith.cmpi slt, %add3A_1357, %sign3A_1363 : i32
    %sign3A_1365 = arith.extui %sign3A_1364 : i1 to i32
    %sign3A_1366 = arith.subi %sign3A_1362, %sign3A_1365 : i32
    %sign3A_1367 = arith.constant 0 : i32
    %sign3A_1368 = arith.cmpi sgt, %jit3A_1358, %sign3A_1367 : i32
    %sign3A_1369 = arith.extui %sign3A_1368 : i1 to i32
    %sign3A_1370 = arith.constant 0 : i32
    %sign3A_1371 = arith.cmpi slt, %jit3A_1358, %sign3A_1370 : i32
    %sign3A_1372 = arith.extui %sign3A_1371 : i1 to i32
    %sign3A_1373 = arith.subi %sign3A_1369, %sign3A_1372 : i32
    %ne3A_1374 = arith.cmpi ne, %sign3A_1366, %sign3A_1373 : i32
    %rem3A_1375 = arith.remsi %add3A_1357, %jit3A_1358 : i32
    %ne3A_1376 = arith.constant 0 : i32
    %ne3A_1377 = arith.cmpi ne, %rem3A_1375, %ne3A_1376 : i32
    %and3A_1378 = arith.andi %ne3A_1374, %ne3A_1377 : i1
    %sub3A_1379 = arith.constant 1 : i32
    %sub3A_1380 = arith.subi %div3A_1359, %sub3A_1379 : i32
    %select_n3A_1381 = arith.select %and3A_1378, %sub3A_1380, %div3A_1359 : i32
    %add3A_1382 = arith.addi %add3A_1327, %select_n3A_1381 : i32
    %mul3A_1383 = arith.constant 16 : i32
    %mul3A_1384 = vector.broadcast %mul3A_1383 : i32 to vector<16xi32>
    %mul3A_1385 = arith.muli %iota3A, %mul3A_1384 : vector<16xi32>
    %add3A_1386 = arith.constant 7 : i32
    %add3A_1387 = vector.broadcast %add3A_1386 : i32 to vector<16xi32>
    %add3A_1388 = arith.addi %mul3A_1385, %add3A_1387 : vector<16xi32>
    %gather3A_1389 = tpu.vector_load_idx %arg12[%add3A_1388] : memref<256xi32, #tpu.memory_space<vmem>>[vector<16xi32>], vector<16xi32>,
    %reduce_sum3A_1390 = arith.constant true
    %reduce_sum3A_1391 = vector.broadcast %reduce_sum3A_1390 : i1 to vector<16xi1>
    %reduce_sum3A_1392 = tpu.scan <sum>, %gather3A_1389 masked %reduce_sum3A_1391 : vector<16xi32>, vector<16xi1> -> vector<16xi32>
    %reduce_sum3A_1393 = vector.extract %reduce_sum3A_1392[15] : i32 from vector<16xi32>
    %broadcast_in_dim3A_1394 = arith.constant true
    %broadcast_in_dim3A_1395 = vector.broadcast %broadcast_in_dim3A_1394 : i1 to vector<16xi1>
    %masked_cumsum3A_1396 = tpu.scan <sum>, %gather3A_1389 masked %broadcast_in_dim3A_1395 : vector<16xi32>, vector<16xi1> -> vector<16xi32>
    %sub3A_1397 = arith.subi %masked_cumsum3A_1396, %gather3A_1389 : vector<16xi32>
    %eq3A_1398 = vector.broadcast %arg1 : i32 to vector<16xi32>
    %eq3A_1399 = arith.cmpi eq, %iota3A, %eq3A_1398 : vector<16xi32>
    %jit3A_1400 = arith.constant 0 : i32
    %broadcast_in_dim3A_1401 = vector.broadcast %jit3A_1400 : i32 to vector<16xi32>
    %select_n3A_1402 = arith.select %eq3A_1399, %sub3A_1397, %broadcast_in_dim3A_1401 : vector<16xi1>, vector<16xi32>
    %reduce_sum3A_1403 = arith.constant true
    %reduce_sum3A_1404 = vector.broadcast %reduce_sum3A_1403 : i1 to vector<16xi1>
    %reduce_sum3A_1405 = tpu.scan <sum>, %select_n3A_1402 masked %reduce_sum3A_1404 : vector<16xi32>, vector<16xi1> -> vector<16xi32>
    %reduce_sum3A_1406 = vector.extract %reduce_sum3A_1405[15] : i32 from vector<16xi32>
    %mul3A_1407 = arith.constant 256 : i32
    %mul3A_1408 = arith.muli %add3A_1382, %mul3A_1407 : i32
    %add3A_1409 = arith.addi %mul3A_2, %mul3A_1408 : i32
    %add3A_1410 = arith.addi %add3A_1409, %reduce_sum3A_1406 : i32
    %add3A_1411 = arith.constant 255 : i32
    %add3A_1412 = arith.addi %reduce_sum3A_1393, %add3A_1411 : i32
    %jit3A_1413 = arith.constant 256 : i32
    %div3A_1414 = arith.divsi %add3A_1412, %jit3A_1413 : i32
    %sign3A_1415 = arith.constant 0 : i32
    %sign3A_1416 = arith.cmpi sgt, %add3A_1412, %sign3A_1415 : i32
    %sign3A_1417 = arith.extui %sign3A_1416 : i1 to i32
    %sign3A_1418 = arith.constant 0 : i32
    %sign3A_1419 = arith.cmpi slt, %add3A_1412, %sign3A_1418 : i32
    %sign3A_1420 = arith.extui %sign3A_1419 : i1 to i32
    %sign3A_1421 = arith.subi %sign3A_1417, %sign3A_1420 : i32
    %sign3A_1422 = arith.constant 0 : i32
    %sign3A_1423 = arith.cmpi sgt, %jit3A_1413, %sign3A_1422 : i32
    %sign3A_1424 = arith.extui %sign3A_1423 : i1 to i32
    %sign3A_1425 = arith.constant 0 : i32
    %sign3A_1426 = arith.cmpi slt, %jit3A_1413, %sign3A_1425 : i32
    %sign3A_1427 = arith.extui %sign3A_1426 : i1 to i32
    %sign3A_1428 = arith.subi %sign3A_1424, %sign3A_1427 : i32
    %ne3A_1429 = arith.cmpi ne, %sign3A_1421, %sign3A_1428 : i32
    %rem3A_1430 = arith.remsi %add3A_1412, %jit3A_1413 : i32
    %ne3A_1431 = arith.constant 0 : i32
    %ne3A_1432 = arith.cmpi ne, %rem3A_1430, %ne3A_1431 : i32
    %and3A_1433 = arith.andi %ne3A_1429, %ne3A_1432 : i1
    %sub3A_1434 = arith.constant 1 : i32
    %sub3A_1435 = arith.subi %div3A_1414, %sub3A_1434 : i32
    %select_n3A_1436 = arith.select %and3A_1433, %sub3A_1435, %div3A_1414 : i32
    %add3A_1437 = arith.addi %add3A_1382, %select_n3A_1436 : i32
    %broadcast_in_dim3A_1438 = vector.broadcast %add3A_1029 : i32 to vector<16xi32>
    %broadcast_in_dim3A_1439 = vector.broadcast %add3A_1080 : i32 to vector<16xi32>
    %broadcast_in_dim3A_1440 = vector.broadcast %add3A_1135 : i32 to vector<16xi32>
    %broadcast_in_dim3A_1441 = vector.broadcast %add3A_1190 : i32 to vector<16xi32>
    %broadcast_in_dim3A_1442 = vector.broadcast %add3A_1245 : i32 to vector<16xi32>
    %broadcast_in_dim3A_1443 = vector.broadcast %add3A_1300 : i32 to vector<16xi32>
    %broadcast_in_dim3A_1444 = vector.broadcast %add3A_1355 : i32 to vector<16xi32>
    %broadcast_in_dim3A_1445 = vector.broadcast %add3A_1410 : i32 to vector<16xi32>
    %get3A_1446 = arith.constant 0 : index
    %get3A_1447 = tpu.vector_load %arg8[%get3A_1446] {strides = array<i32>} : memref<128xi32, #tpu.memory_space<vmem>>, vector<16xi32>,
    %broadcast_in_dim3A_1448 = arith.constant 0 : i32
    %broadcast_in_dim3A_1449 = vector.broadcast %broadcast_in_dim3A_1448 : i32 to vector<16xi32>
    %eq3A_1450 = arith.constant 0 : i32
    %eq3A_1451 = vector.broadcast %eq3A_1450 : i32 to vector<16xi32>
    %eq3A_1452 = arith.cmpi eq, %get3A_1447, %eq3A_1451 : vector<16xi32>
    %convert_element_type3A_1453 = arith.extui %eq3A_1452 : vector<16xi1> to vector<16xi32>
    %broadcast_in_dim3A_1454 = arith.constant true
    %broadcast_in_dim3A_1455 = vector.broadcast %broadcast_in_dim3A_1454 : i1 to vector<16xi1>
    %masked_cumsum3A_1456 = tpu.scan <sum>, %convert_element_type3A_1453 masked %broadcast_in_dim3A_1455 : vector<16xi32>, vector<16xi1> -> vector<16xi32>
    %add3A_1457 = arith.addi %broadcast_in_dim3A_1438, %masked_cumsum3A_1456 : vector<16xi32>
    %sub3A_1458 = arith.constant 1 : i32
    %sub3A_1459 = vector.broadcast %sub3A_1458 : i32 to vector<16xi32>
    %sub3A_1460 = arith.subi %add3A_1457, %sub3A_1459 : vector<16xi32>
    %select_n3A_1461 = arith.select %eq3A_1452, %sub3A_1460, %broadcast_in_dim3A_1449 : vector<16xi1>, vector<16xi32>
    %convert_element_type3A_1462 = arith.extui %eq3A_1452 : vector<16xi1> to vector<16xi32>
    %reduce_sum3A_1463 = arith.constant true
    %reduce_sum3A_1464 = vector.broadcast %reduce_sum3A_1463 : i1 to vector<16xi1>
    %reduce_sum3A_1465 = tpu.scan <sum>, %convert_element_type3A_1462 masked %reduce_sum3A_1464 : vector<16xi32>, vector<16xi1> -> vector<16xi32>
    %reduce_sum3A_1466 = vector.extract %reduce_sum3A_1465[15] : i32 from vector<16xi32>
    %add3A_1467 = vector.broadcast %reduce_sum3A_1466 : i32 to vector<16xi32>
    %add3A_1468 = arith.addi %broadcast_in_dim3A_1438, %add3A_1467 : vector<16xi32>
    %eq3A_1469 = arith.constant 1 : i32
    %eq3A_1470 = vector.broadcast %eq3A_1469 : i32 to vector<16xi32>
    %eq3A_1471 = arith.cmpi eq, %get3A_1447, %eq3A_1470 : vector<16xi32>
    %convert_element_type3A_1472 = arith.extui %eq3A_1471 : vector<16xi1> to vector<16xi32>
    %broadcast_in_dim3A_1473 = arith.constant true
    %broadcast_in_dim3A_1474 = vector.broadcast %broadcast_in_dim3A_1473 : i1 to vector<16xi1>
    %masked_cumsum3A_1475 = tpu.scan <sum>, %convert_element_type3A_1472 masked %broadcast_in_dim3A_1474 : vector<16xi32>, vector<16xi1> -> vector<16xi32>
    %add3A_1476 = arith.addi %broadcast_in_dim3A_1439, %masked_cumsum3A_1475 : vector<16xi32>
    %sub3A_1477 = arith.constant 1 : i32
    %sub3A_1478 = vector.broadcast %sub3A_1477 : i32 to vector<16xi32>
    %sub3A_1479 = arith.subi %add3A_1476, %sub3A_1478 : vector<16xi32>
    %select_n3A_1480 = arith.select %eq3A_1471, %sub3A_1479, %select_n3A_1461 : vector<16xi1>, vector<16xi32>
    %convert_element_type3A_1481 = arith.extui %eq3A_1471 : vector<16xi1> to vector<16xi32>
    %reduce_sum3A_1482 = arith.constant true
    %reduce_sum3A_1483 = vector.broadcast %reduce_sum3A_1482 : i1 to vector<16xi1>
    %reduce_sum3A_1484 = tpu.scan <sum>, %convert_element_type3A_1481 masked %reduce_sum3A_1483 : vector<16xi32>, vector<16xi1> -> vector<16xi32>
    %reduce_sum3A_1485 = vector.extract %reduce_sum3A_1484[15] : i32 from vector<16xi32>
    %add3A_1486 = vector.broadcast %reduce_sum3A_1485 : i32 to vector<16xi32>
    %add3A_1487 = arith.addi %broadcast_in_dim3A_1439, %add3A_1486 : vector<16xi32>
    %eq3A_1488 = arith.constant 2 : i32
    %eq3A_1489 = vector.broadcast %eq3A_1488 : i32 to vector<16xi32>
    %eq3A_1490 = arith.cmpi eq, %get3A_1447, %eq3A_1489 : vector<16xi32>
    %convert_element_type3A_1491 = arith.extui %eq3A_1490 : vector<16xi1> to vector<16xi32>
    %broadcast_in_dim3A_1492 = arith.constant true
    %broadcast_in_dim3A_1493 = vector.broadcast %broadcast_in_dim3A_1492 : i1 to vector<16xi1>
    %masked_cumsum3A_1494 = tpu.scan <sum>, %convert_element_type3A_1491 masked %broadcast_in_dim3A_1493 : vector<16xi32>, vector<16xi1> -> vector<16xi32>
    %add3A_1495 = arith.addi %broadcast_in_dim3A_1440, %masked_cumsum3A_1494 : vector<16xi32>
    %sub3A_1496 = arith.constant 1 : i32
    %sub3A_1497 = vector.broadcast %sub3A_1496 : i32 to vector<16xi32>
    %sub3A_1498 = arith.subi %add3A_1495, %sub3A_1497 : vector<16xi32>
    %select_n3A_1499 = arith.select %eq3A_1490, %sub3A_1498, %select_n3A_1480 : vector<16xi1>, vector<16xi32>
    %convert_element_type3A_1500 = arith.extui %eq3A_1490 : vector<16xi1> to vector<16xi32>
    %reduce_sum3A_1501 = arith.constant true
    %reduce_sum3A_1502 = vector.broadcast %reduce_sum3A_1501 : i1 to vector<16xi1>
    %reduce_sum3A_1503 = tpu.scan <sum>, %convert_element_type3A_1500 masked %reduce_sum3A_1502 : vector<16xi32>, vector<16xi1> -> vector<16xi32>
    %reduce_sum3A_1504 = vector.extract %reduce_sum3A_1503[15] : i32 from vector<16xi32>
    %add3A_1505 = vector.broadcast %reduce_sum3A_1504 : i32 to vector<16xi32>
    %add3A_1506 = arith.addi %broadcast_in_dim3A_1440, %add3A_1505 : vector<16xi32>
    %eq3A_1507 = arith.constant 3 : i32
    %eq3A_1508 = vector.broadcast %eq3A_1507 : i32 to vector<16xi32>
    %eq3A_1509 = arith.cmpi eq, %get3A_1447, %eq3A_1508 : vector<16xi32>
    %convert_element_type3A_1510 = arith.extui %eq3A_1509 : vector<16xi1> to vector<16xi32>
    %broadcast_in_dim3A_1511 = arith.constant true
    %broadcast_in_dim3A_1512 = vector.broadcast %broadcast_in_dim3A_1511 : i1 to vector<16xi1>
    %masked_cumsum3A_1513 = tpu.scan <sum>, %convert_element_type3A_1510 masked %broadcast_in_dim3A_1512 : vector<16xi32>, vector<16xi1> -> vector<16xi32>
    %add3A_1514 = arith.addi %broadcast_in_dim3A_1441, %masked_cumsum3A_1513 : vector<16xi32>
    %sub3A_1515 = arith.constant 1 : i32
    %sub3A_1516 = vector.broadcast %sub3A_1515 : i32 to vector<16xi32>
    %sub3A_1517 = arith.subi %add3A_1514, %sub3A_1516 : vector<16xi32>
    %select_n3A_1518 = arith.select %eq3A_1509, %sub3A_1517, %select_n3A_1499 : vector<16xi1>, vector<16xi32>
    %convert_element_type3A_1519 = arith.extui %eq3A_1509 : vector<16xi1> to vector<16xi32>
    %reduce_sum3A_1520 = arith.constant true
    %reduce_sum3A_1521 = vector.broadcast %reduce_sum3A_1520 : i1 to vector<16xi1>
    %reduce_sum3A_1522 = tpu.scan <sum>, %convert_element_type3A_1519 masked %reduce_sum3A_1521 : vector<16xi32>, vector<16xi1> -> vector<16xi32>
    %reduce_sum3A_1523 = vector.extract %reduce_sum3A_1522[15] : i32 from vector<16xi32>
    %add3A_1524 = vector.broadcast %reduce_sum3A_1523 : i32 to vector<16xi32>
    %add3A_1525 = arith.addi %broadcast_in_dim3A_1441, %add3A_1524 : vector<16xi32>
    %eq3A_1526 = arith.constant 4 : i32
    %eq3A_1527 = vector.broadcast %eq3A_1526 : i32 to vector<16xi32>
    %eq3A_1528 = arith.cmpi eq, %get3A_1447, %eq3A_1527 : vector<16xi32>
    %convert_element_type3A_1529 = arith.extui %eq3A_1528 : vector<16xi1> to vector<16xi32>
    %broadcast_in_dim3A_1530 = arith.constant true
    %broadcast_in_dim3A_1531 = vector.broadcast %broadcast_in_dim3A_1530 : i1 to vector<16xi1>
    %masked_cumsum3A_1532 = tpu.scan <sum>, %convert_element_type3A_1529 masked %broadcast_in_dim3A_1531 : vector<16xi32>, vector<16xi1> -> vector<16xi32>
    %add3A_1533 = arith.addi %broadcast_in_dim3A_1442, %masked_cumsum3A_1532 : vector<16xi32>
    %sub3A_1534 = arith.constant 1 : i32
    %sub3A_1535 = vector.broadcast %sub3A_1534 : i32 to vector<16xi32>
    %sub3A_1536 = arith.subi %add3A_1533, %sub3A_1535 : vector<16xi32>
    %select_n3A_1537 = arith.select %eq3A_1528, %sub3A_1536, %select_n3A_1518 : vector<16xi1>, vector<16xi32>
    %convert_element_type3A_1538 = arith.extui %eq3A_1528 : vector<16xi1> to vector<16xi32>
    %reduce_sum3A_1539 = arith.constant true
    %reduce_sum3A_1540 = vector.broadcast %reduce_sum3A_1539 : i1 to vector<16xi1>
    %reduce_sum3A_1541 = tpu.scan <sum>, %convert_element_type3A_1538 masked %reduce_sum3A_1540 : vector<16xi32>, vector<16xi1> -> vector<16xi32>
    %reduce_sum3A_1542 = vector.extract %reduce_sum3A_1541[15] : i32 from vector<16xi32>
    %add3A_1543 = vector.broadcast %reduce_sum3A_1542 : i32 to vector<16xi32>
    %add3A_1544 = arith.addi %broadcast_in_dim3A_1442, %add3A_1543 : vector<16xi32>
    %eq3A_1545 = arith.constant 5 : i32
    %eq3A_1546 = vector.broadcast %eq3A_1545 : i32 to vector<16xi32>
    %eq3A_1547 = arith.cmpi eq, %get3A_1447, %eq3A_1546 : vector<16xi32>
    %convert_element_type3A_1548 = arith.extui %eq3A_1547 : vector<16xi1> to vector<16xi32>
    %broadcast_in_dim3A_1549 = arith.constant true
    %broadcast_in_dim3A_1550 = vector.broadcast %broadcast_in_dim3A_1549 : i1 to vector<16xi1>
    %masked_cumsum3A_1551 = tpu.scan <sum>, %convert_element_type3A_1548 masked %broadcast_in_dim3A_1550 : vector<16xi32>, vector<16xi1> -> vector<16xi32>
    %add3A_1552 = arith.addi %broadcast_in_dim3A_1443, %masked_cumsum3A_1551 : vector<16xi32>
    %sub3A_1553 = arith.constant 1 : i32
    %sub3A_1554 = vector.broadcast %sub3A_1553 : i32 to vector<16xi32>
    %sub3A_1555 = arith.subi %add3A_1552, %sub3A_1554 : vector<16xi32>
    %select_n3A_1556 = arith.select %eq3A_1547, %sub3A_1555, %select_n3A_1537 : vector<16xi1>, vector<16xi32>
    %convert_element_type3A_1557 = arith.extui %eq3A_1547 : vector<16xi1> to vector<16xi32>
    %reduce_sum3A_1558 = arith.constant true
    %reduce_sum3A_1559 = vector.broadcast %reduce_sum3A_1558 : i1 to vector<16xi1>
    %reduce_sum3A_1560 = tpu.scan <sum>, %convert_element_type3A_1557 masked %reduce_sum3A_1559 : vector<16xi32>, vector<16xi1> -> vector<16xi32>
    %reduce_sum3A_1561 = vector.extract %reduce_sum3A_1560[15] : i32 from vector<16xi32>
    %add3A_1562 = vector.broadcast %reduce_sum3A_1561 : i32 to vector<16xi32>
    %add3A_1563 = arith.addi %broadcast_in_dim3A_1443, %add3A_1562 : vector<16xi32>
    %eq3A_1564 = arith.constant 6 : i32
    %eq3A_1565 = vector.broadcast %eq3A_1564 : i32 to vector<16xi32>
    %eq3A_1566 = arith.cmpi eq, %get3A_1447, %eq3A_1565 : vector<16xi32>
    %convert_element_type3A_1567 = arith.extui %eq3A_1566 : vector<16xi1> to vector<16xi32>
    %broadcast_in_dim3A_1568 = arith.constant true
    %broadcast_in_dim3A_1569 = vector.broadcast %broadcast_in_dim3A_1568 : i1 to vector<16xi1>
    %masked_cumsum3A_1570 = tpu.scan <sum>, %convert_element_type3A_1567 masked %broadcast_in_dim3A_1569 : vector<16xi32>, vector<16xi1> -> vector<16xi32>
    %add3A_1571 = arith.addi %broadcast_in_dim3A_1444, %masked_cumsum3A_1570 : vector<16xi32>
    %sub3A_1572 = arith.constant 1 : i32
    %sub3A_1573 = vector.broadcast %sub3A_1572 : i32 to vector<16xi32>
    %sub3A_1574 = arith.subi %add3A_1571, %sub3A_1573 : vector<16xi32>
    %select_n3A_1575 = arith.select %eq3A_1566, %sub3A_1574, %select_n3A_1556 : vector<16xi1>, vector<16xi32>
    %convert_element_type3A_1576 = arith.extui %eq3A_1566 : vector<16xi1> to vector<16xi32>
    %reduce_sum3A_1577 = arith.constant true
    %reduce_sum3A_1578 = vector.broadcast %reduce_sum3A_1577 : i1 to vector<16xi1>
    %reduce_sum3A_1579 = tpu.scan <sum>, %convert_element_type3A_1576 masked %reduce_sum3A_1578 : vector<16xi32>, vector<16xi1> -> vector<16xi32>
    %reduce_sum3A_1580 = vector.extract %reduce_sum3A_1579[15] : i32 from vector<16xi32>
    %add3A_1581 = vector.broadcast %reduce_sum3A_1580 : i32 to vector<16xi32>
    %add3A_1582 = arith.addi %broadcast_in_dim3A_1444, %add3A_1581 : vector<16xi32>
    %eq3A_1583 = arith.constant 7 : i32
    %eq3A_1584 = vector.broadcast %eq3A_1583 : i32 to vector<16xi32>
    %eq3A_1585 = arith.cmpi eq, %get3A_1447, %eq3A_1584 : vector<16xi32>
    %convert_element_type3A_1586 = arith.extui %eq3A_1585 : vector<16xi1> to vector<16xi32>
    %broadcast_in_dim3A_1587 = arith.constant true
    %broadcast_in_dim3A_1588 = vector.broadcast %broadcast_in_dim3A_1587 : i1 to vector<16xi1>
    %masked_cumsum3A_1589 = tpu.scan <sum>, %convert_element_type3A_1586 masked %broadcast_in_dim3A_1588 : vector<16xi32>, vector<16xi1> -> vector<16xi32>
    %add3A_1590 = arith.addi %broadcast_in_dim3A_1445, %masked_cumsum3A_1589 : vector<16xi32>
    %sub3A_1591 = arith.constant 1 : i32
    %sub3A_1592 = vector.broadcast %sub3A_1591 : i32 to vector<16xi32>
    %sub3A_1593 = arith.subi %add3A_1590, %sub3A_1592 : vector<16xi32>
    %select_n3A_1594 = arith.select %eq3A_1585, %sub3A_1593, %select_n3A_1575 : vector<16xi1>, vector<16xi32>
    %convert_element_type3A_1595 = arith.extui %eq3A_1585 : vector<16xi1> to vector<16xi32>
    %reduce_sum3A_1596 = arith.constant true
    %reduce_sum3A_1597 = vector.broadcast %reduce_sum3A_1596 : i1 to vector<16xi1>
    %reduce_sum3A_1598 = tpu.scan <sum>, %convert_element_type3A_1595 masked %reduce_sum3A_1597 : vector<16xi32>, vector<16xi1> -> vector<16xi32>
    %reduce_sum3A_1599 = vector.extract %reduce_sum3A_1598[15] : i32 from vector<16xi32>
    %add3A_1600 = vector.broadcast %reduce_sum3A_1599 : i32 to vector<16xi32>
    %add3A_1601 = arith.addi %broadcast_in_dim3A_1445, %add3A_1600 : vector<16xi32>
    %swap3A_1602 = arith.constant 0 : i32
    %swap3A_1603 = arith.index_cast %swap3A_1602 : i32 to index
    %swap3A_1604 = arith.constant 0 : index
    %swap3A_1605 = tpu.vector_load %arg10[%swap3A_1603, %swap3A_1604] {strides = array<i32>} : memref<4x32xi32, #tpu.memory_space<vmem>>, vector<16xi32>,
    tpu.vector_store %arg10[%swap3A_1603, %swap3A_1604], %select_n3A_1594 {strides = array<i32>} : memref<4x32xi32, #tpu.memory_space<vmem>>, vector<16xi32>,
    %get3A_1606 = arith.constant 16 : index
    %get3A_1607 = tpu.vector_load %arg8[%get3A_1606] {strides = array<i32>} : memref<128xi32, #tpu.memory_space<vmem>>, vector<16xi32>,
    %broadcast_in_dim3A_1608 = arith.constant 0 : i32
    %broadcast_in_dim3A_1609 = vector.broadcast %broadcast_in_dim3A_1608 : i32 to vector<16xi32>
    %eq3A_1610 = arith.constant 0 : i32
    %eq3A_1611 = vector.broadcast %eq3A_1610 : i32 to vector<16xi32>
    %eq3A_1612 = arith.cmpi eq, %get3A_1607, %eq3A_1611 : vector<16xi32>
    %convert_element_type3A_1613 = arith.extui %eq3A_1612 : vector<16xi1> to vector<16xi32>
    %broadcast_in_dim3A_1614 = arith.constant true
    %broadcast_in_dim3A_1615 = vector.broadcast %broadcast_in_dim3A_1614 : i1 to vector<16xi1>
    %masked_cumsum3A_1616 = tpu.scan <sum>, %convert_element_type3A_1613 masked %broadcast_in_dim3A_1615 : vector<16xi32>, vector<16xi1> -> vector<16xi32>
    %add3A_1617 = arith.addi %add3A_1468, %masked_cumsum3A_1616 : vector<16xi32>
    %sub3A_1618 = arith.constant 1 : i32
    %sub3A_1619 = vector.broadcast %sub3A_1618 : i32 to vector<16xi32>
    %sub3A_1620 = arith.subi %add3A_1617, %sub3A_1619 : vector<16xi32>
    %select_n3A_1621 = arith.select %eq3A_1612, %sub3A_1620, %broadcast_in_dim3A_1609 : vector<16xi1>, vector<16xi32>
    %convert_element_type3A_1622 = arith.extui %eq3A_1612 : vector<16xi1> to vector<16xi32>
    %reduce_sum3A_1623 = arith.constant true
    %reduce_sum3A_1624 = vector.broadcast %reduce_sum3A_1623 : i1 to vector<16xi1>
    %reduce_sum3A_1625 = tpu.scan <sum>, %convert_element_type3A_1622 masked %reduce_sum3A_1624 : vector<16xi32>, vector<16xi1> -> vector<16xi32>
    %reduce_sum3A_1626 = vector.extract %reduce_sum3A_1625[15] : i32 from vector<16xi32>
    %add3A_1627 = vector.broadcast %reduce_sum3A_1626 : i32 to vector<16xi32>
    %add3A_1628 = arith.addi %add3A_1468, %add3A_1627 : vector<16xi32>
    %eq3A_1629 = arith.constant 1 : i32
    %eq3A_1630 = vector.broadcast %eq3A_1629 : i32 to vector<16xi32>
    %eq3A_1631 = arith.cmpi eq, %get3A_1607, %eq3A_1630 : vector<16xi32>
    %convert_element_type3A_1632 = arith.extui %eq3A_1631 : vector<16xi1> to vector<16xi32>
    %broadcast_in_dim3A_1633 = arith.constant true
    %broadcast_in_dim3A_1634 = vector.broadcast %broadcast_in_dim3A_1633 : i1 to vector<16xi1>
    %masked_cumsum3A_1635 = tpu.scan <sum>, %convert_element_type3A_1632 masked %broadcast_in_dim3A_1634 : vector<16xi32>, vector<16xi1> -> vector<16xi32>
    %add3A_1636 = arith.addi %add3A_1487, %masked_cumsum3A_1635 : vector<16xi32>
    %sub3A_1637 = arith.constant 1 : i32
    %sub3A_1638 = vector.broadcast %sub3A_1637 : i32 to vector<16xi32>
    %sub3A_1639 = arith.subi %add3A_1636, %sub3A_1638 : vector<16xi32>
    %select_n3A_1640 = arith.select %eq3A_1631, %sub3A_1639, %select_n3A_1621 : vector<16xi1>, vector<16xi32>
    %convert_element_type3A_1641 = arith.extui %eq3A_1631 : vector<16xi1> to vector<16xi32>
    %reduce_sum3A_1642 = arith.constant true
    %reduce_sum3A_1643 = vector.broadcast %reduce_sum3A_1642 : i1 to vector<16xi1>
    %reduce_sum3A_1644 = tpu.scan <sum>, %convert_element_type3A_1641 masked %reduce_sum3A_1643 : vector<16xi32>, vector<16xi1> -> vector<16xi32>
    %reduce_sum3A_1645 = vector.extract %reduce_sum3A_1644[15] : i32 from vector<16xi32>
    %add3A_1646 = vector.broadcast %reduce_sum3A_1645 : i32 to vector<16xi32>
    %add3A_1647 = arith.addi %add3A_1487, %add3A_1646 : vector<16xi32>
    %eq3A_1648 = arith.constant 2 : i32
    %eq3A_1649 = vector.broadcast %eq3A_1648 : i32 to vector<16xi32>
    %eq3A_1650 = arith.cmpi eq, %get3A_1607, %eq3A_1649 : vector<16xi32>
    %convert_element_type3A_1651 = arith.extui %eq3A_1650 : vector<16xi1> to vector<16xi32>
    %broadcast_in_dim3A_1652 = arith.constant true
    %broadcast_in_dim3A_1653 = vector.broadcast %broadcast_in_dim3A_1652 : i1 to vector<16xi1>
    %masked_cumsum3A_1654 = tpu.scan <sum>, %convert_element_type3A_1651 masked %broadcast_in_dim3A_1653 : vector<16xi32>, vector<16xi1> -> vector<16xi32>
    %add3A_1655 = arith.addi %add3A_1506, %masked_cumsum3A_1654 : vector<16xi32>
    %sub3A_1656 = arith.constant 1 : i32
    %sub3A_1657 = vector.broadcast %sub3A_1656 : i32 to vector<16xi32>
    %sub3A_1658 = arith.subi %add3A_1655, %sub3A_1657 : vector<16xi32>
    %select_n3A_1659 = arith.select %eq3A_1650, %sub3A_1658, %select_n3A_1640 : vector<16xi1>, vector<16xi32>
    %convert_element_type3A_1660 = arith.extui %eq3A_1650 : vector<16xi1> to vector<16xi32>
    %reduce_sum3A_1661 = arith.constant true
    %reduce_sum3A_1662 = vector.broadcast %reduce_sum3A_1661 : i1 to vector<16xi1>
    %reduce_sum3A_1663 = tpu.scan <sum>, %convert_element_type3A_1660 masked %reduce_sum3A_1662 : vector<16xi32>, vector<16xi1> -> vector<16xi32>
    %reduce_sum3A_1664 = vector.extract %reduce_sum3A_1663[15] : i32 from vector<16xi32>
    %add3A_1665 = vector.broadcast %reduce_sum3A_1664 : i32 to vector<16xi32>
    %add3A_1666 = arith.addi %add3A_1506, %add3A_1665 : vector<16xi32>
    %eq3A_1667 = arith.constant 3 : i32
    %eq3A_1668 = vector.broadcast %eq3A_1667 : i32 to vector<16xi32>
    %eq3A_1669 = arith.cmpi eq, %get3A_1607, %eq3A_1668 : vector<16xi32>
    %convert_element_type3A_1670 = arith.extui %eq3A_1669 : vector<16xi1> to vector<16xi32>
    %broadcast_in_dim3A_1671 = arith.constant true
    %broadcast_in_dim3A_1672 = vector.broadcast %broadcast_in_dim3A_1671 : i1 to vector<16xi1>
    %masked_cumsum3A_1673 = tpu.scan <sum>, %convert_element_type3A_1670 masked %broadcast_in_dim3A_1672 : vector<16xi32>, vector<16xi1> -> vector<16xi32>
    %add3A_1674 = arith.addi %add3A_1525, %masked_cumsum3A_1673 : vector<16xi32>
    %sub3A_1675 = arith.constant 1 : i32
    %sub3A_1676 = vector.broadcast %sub3A_1675 : i32 to vector<16xi32>
    %sub3A_1677 = arith.subi %add3A_1674, %sub3A_1676 : vector<16xi32>
    %select_n3A_1678 = arith.select %eq3A_1669, %sub3A_1677, %select_n3A_1659 : vector<16xi1>, vector<16xi32>
    %convert_element_type3A_1679 = arith.extui %eq3A_1669 : vector<16xi1> to vector<16xi32>
    %reduce_sum3A_1680 = arith.constant true
    %reduce_sum3A_1681 = vector.broadcast %reduce_sum3A_1680 : i1 to vector<16xi1>
    %reduce_sum3A_1682 = tpu.scan <sum>, %convert_element_type3A_1679 masked %reduce_sum3A_1681 : vector<16xi32>, vector<16xi1> -> vector<16xi32>
    %reduce_sum3A_1683 = vector.extract %reduce_sum3A_1682[15] : i32 from vector<16xi32>
    %add3A_1684 = vector.broadcast %reduce_sum3A_1683 : i32 to vector<16xi32>
    %add3A_1685 = arith.addi %add3A_1525, %add3A_1684 : vector<16xi32>
    %eq3A_1686 = arith.constant 4 : i32
    %eq3A_1687 = vector.broadcast %eq3A_1686 : i32 to vector<16xi32>
    %eq3A_1688 = arith.cmpi eq, %get3A_1607, %eq3A_1687 : vector<16xi32>
    %convert_element_type3A_1689 = arith.extui %eq3A_1688 : vector<16xi1> to vector<16xi32>
    %broadcast_in_dim3A_1690 = arith.constant true
    %broadcast_in_dim3A_1691 = vector.broadcast %broadcast_in_dim3A_1690 : i1 to vector<16xi1>
    %masked_cumsum3A_1692 = tpu.scan <sum>, %convert_element_type3A_1689 masked %broadcast_in_dim3A_1691 : vector<16xi32>, vector<16xi1> -> vector<16xi32>
    %add3A_1693 = arith.addi %add3A_1544, %masked_cumsum3A_1692 : vector<16xi32>
    %sub3A_1694 = arith.constant 1 : i32
    %sub3A_1695 = vector.broadcast %sub3A_1694 : i32 to vector<16xi32>
    %sub3A_1696 = arith.subi %add3A_1693, %sub3A_1695 : vector<16xi32>
    %select_n3A_1697 = arith.select %eq3A_1688, %sub3A_1696, %select_n3A_1678 : vector<16xi1>, vector<16xi32>
    %convert_element_type3A_1698 = arith.extui %eq3A_1688 : vector<16xi1> to vector<16xi32>
    %reduce_sum3A_1699 = arith.constant true
    %reduce_sum3A_1700 = vector.broadcast %reduce_sum3A_1699 : i1 to vector<16xi1>
    %reduce_sum3A_1701 = tpu.scan <sum>, %convert_element_type3A_1698 masked %reduce_sum3A_1700 : vector<16xi32>, vector<16xi1> -> vector<16xi32>
    %reduce_sum3A_1702 = vector.extract %reduce_sum3A_1701[15] : i32 from vector<16xi32>
    %add3A_1703 = vector.broadcast %reduce_sum3A_1702 : i32 to vector<16xi32>
    %add3A_1704 = arith.addi %add3A_1544, %add3A_1703 : vector<16xi32>
    %eq3A_1705 = arith.constant 5 : i32
    %eq3A_1706 = vector.broadcast %eq3A_1705 : i32 to vector<16xi32>
    %eq3A_1707 = arith.cmpi eq, %get3A_1607, %eq3A_1706 : vector<16xi32>
    %convert_element_type3A_1708 = arith.extui %eq3A_1707 : vector<16xi1> to vector<16xi32>
    %broadcast_in_dim3A_1709 = arith.constant true
    %broadcast_in_dim3A_1710 = vector.broadcast %broadcast_in_dim3A_1709 : i1 to vector<16xi1>
    %masked_cumsum3A_1711 = tpu.scan <sum>, %convert_element_type3A_1708 masked %broadcast_in_dim3A_1710 : vector<16xi32>, vector<16xi1> -> vector<16xi32>
    %add3A_1712 = arith.addi %add3A_1563, %masked_cumsum3A_1711 : vector<16xi32>
    %sub3A_1713 = arith.constant 1 : i32
    %sub3A_1714 = vector.broadcast %sub3A_1713 : i32 to vector<16xi32>
    %sub3A_1715 = arith.subi %add3A_1712, %sub3A_1714 : vector<16xi32>
    %select_n3A_1716 = arith.select %eq3A_1707, %sub3A_1715, %select_n3A_1697 : vector<16xi1>, vector<16xi32>
    %convert_element_type3A_1717 = arith.extui %eq3A_1707 : vector<16xi1> to vector<16xi32>
    %reduce_sum3A_1718 = arith.constant true
    %reduce_sum3A_1719 = vector.broadcast %reduce_sum3A_1718 : i1 to vector<16xi1>
    %reduce_sum3A_1720 = tpu.scan <sum>, %convert_element_type3A_1717 masked %reduce_sum3A_1719 : vector<16xi32>, vector<16xi1> -> vector<16xi32>
    %reduce_sum3A_1721 = vector.extract %reduce_sum3A_1720[15] : i32 from vector<16xi32>
    %add3A_1722 = vector.broadcast %reduce_sum3A_1721 : i32 to vector<16xi32>
    %add3A_1723 = arith.addi %add3A_1563, %add3A_1722 : vector<16xi32>
    %eq3A_1724 = arith.constant 6 : i32
    %eq3A_1725 = vector.broadcast %eq3A_1724 : i32 to vector<16xi32>
    %eq3A_1726 = arith.cmpi eq, %get3A_1607, %eq3A_1725 : vector<16xi32>
    %convert_element_type3A_1727 = arith.extui %eq3A_1726 : vector<16xi1> to vector<16xi32>
    %broadcast_in_dim3A_1728 = arith.constant true
    %broadcast_in_dim3A_1729 = vector.broadcast %broadcast_in_dim3A_1728 : i1 to vector<16xi1>
    %masked_cumsum3A_1730 = tpu.scan <sum>, %convert_element_type3A_1727 masked %broadcast_in_dim3A_1729 : vector<16xi32>, vector<16xi1> -> vector<16xi32>
    %add3A_1731 = arith.addi %add3A_1582, %masked_cumsum3A_1730 : vector<16xi32>
    %sub3A_1732 = arith.constant 1 : i32
    %sub3A_1733 = vector.broadcast %sub3A_1732 : i32 to vector<16xi32>
    %sub3A_1734 = arith.subi %add3A_1731, %sub3A_1733 : vector<16xi32>
    %select_n3A_1735 = arith.select %eq3A_1726, %sub3A_1734, %select_n3A_1716 : vector<16xi1>, vector<16xi32>
    %convert_element_type3A_1736 = arith.extui %eq3A_1726 : vector<16xi1> to vector<16xi32>
    %reduce_sum3A_1737 = arith.constant true
    %reduce_sum3A_1738 = vector.broadcast %reduce_sum3A_1737 : i1 to vector<16xi1>
    %reduce_sum3A_1739 = tpu.scan <sum>, %convert_element_type3A_1736 masked %reduce_sum3A_1738 : vector<16xi32>, vector<16xi1> -> vector<16xi32>
    %reduce_sum3A_1740 = vector.extract %reduce_sum3A_1739[15] : i32 from vector<16xi32>
    %add3A_1741 = vector.broadcast %reduce_sum3A_1740 : i32 to vector<16xi32>
    %add3A_1742 = arith.addi %add3A_1582, %add3A_1741 : vector<16xi32>
    %eq3A_1743 = arith.constant 7 : i32
    %eq3A_1744 = vector.broadcast %eq3A_1743 : i32 to vector<16xi32>
    %eq3A_1745 = arith.cmpi eq, %get3A_1607, %eq3A_1744 : vector<16xi32>
    %convert_element_type3A_1746 = arith.extui %eq3A_1745 : vector<16xi1> to vector<16xi32>
    %broadcast_in_dim3A_1747 = arith.constant true
    %broadcast_in_dim3A_1748 = vector.broadcast %broadcast_in_dim3A_1747 : i1 to vector<16xi1>
    %masked_cumsum3A_1749 = tpu.scan <sum>, %convert_element_type3A_1746 masked %broadcast_in_dim3A_1748 : vector<16xi32>, vector<16xi1> -> vector<16xi32>
    %add3A_1750 = arith.addi %add3A_1601, %masked_cumsum3A_1749 : vector<16xi32>
    %sub3A_1751 = arith.constant 1 : i32
    %sub3A_1752 = vector.broadcast %sub3A_1751 : i32 to vector<16xi32>
    %sub3A_1753 = arith.subi %add3A_1750, %sub3A_1752 : vector<16xi32>
    %select_n3A_1754 = arith.select %eq3A_1745, %sub3A_1753, %select_n3A_1735 : vector<16xi1>, vector<16xi32>
    %convert_element_type3A_1755 = arith.extui %eq3A_1745 : vector<16xi1> to vector<16xi32>
    %reduce_sum3A_1756 = arith.constant true
    %reduce_sum3A_1757 = vector.broadcast %reduce_sum3A_1756 : i1 to vector<16xi1>
    %reduce_sum3A_1758 = tpu.scan <sum>, %convert_element_type3A_1755 masked %reduce_sum3A_1757 : vector<16xi32>, vector<16xi1> -> vector<16xi32>
    %reduce_sum3A_1759 = vector.extract %reduce_sum3A_1758[15] : i32 from vector<16xi32>
    %add3A_1760 = vector.broadcast %reduce_sum3A_1759 : i32 to vector<16xi32>
    %add3A_1761 = arith.addi %add3A_1601, %add3A_1760 : vector<16xi32>
    %swap3A_1762 = arith.constant 0 : i32
    %swap3A_1763 = arith.index_cast %swap3A_1762 : i32 to index
    %swap3A_1764 = arith.constant 16 : index
    %swap3A_1765 = tpu.vector_load %arg10[%swap3A_1763, %swap3A_1764] {strides = array<i32>} : memref<4x32xi32, #tpu.memory_space<vmem>>, vector<16xi32>,
    tpu.vector_store %arg10[%swap3A_1763, %swap3A_1764], %select_n3A_1754 {strides = array<i32>} : memref<4x32xi32, #tpu.memory_space<vmem>>, vector<16xi32>,
    %get3A_1766 = arith.constant 32 : index
    %get3A_1767 = tpu.vector_load %arg8[%get3A_1766] {strides = array<i32>} : memref<128xi32, #tpu.memory_space<vmem>>, vector<16xi32>,
    %broadcast_in_dim3A_1768 = arith.constant 0 : i32
    %broadcast_in_dim3A_1769 = vector.broadcast %broadcast_in_dim3A_1768 : i32 to vector<16xi32>
    %eq3A_1770 = arith.constant 0 : i32
    %eq3A_1771 = vector.broadcast %eq3A_1770 : i32 to vector<16xi32>
    %eq3A_1772 = arith.cmpi eq, %get3A_1767, %eq3A_1771 : vector<16xi32>
    %convert_element_type3A_1773 = arith.extui %eq3A_1772 : vector<16xi1> to vector<16xi32>
    %broadcast_in_dim3A_1774 = arith.constant true
    %broadcast_in_dim3A_1775 = vector.broadcast %broadcast_in_dim3A_1774 : i1 to vector<16xi1>
    %masked_cumsum3A_1776 = tpu.scan <sum>, %convert_element_type3A_1773 masked %broadcast_in_dim3A_1775 : vector<16xi32>, vector<16xi1> -> vector<16xi32>
    %add3A_1777 = arith.addi %add3A_1628, %masked_cumsum3A_1776 : vector<16xi32>
    %sub3A_1778 = arith.constant 1 : i32
    %sub3A_1779 = vector.broadcast %sub3A_1778 : i32 to vector<16xi32>
    %sub3A_1780 = arith.subi %add3A_1777, %sub3A_1779 : vector<16xi32>
    %select_n3A_1781 = arith.select %eq3A_1772, %sub3A_1780, %broadcast_in_dim3A_1769 : vector<16xi1>, vector<16xi32>
    %convert_element_type3A_1782 = arith.extui %eq3A_1772 : vector<16xi1> to vector<16xi32>
    %reduce_sum3A_1783 = arith.constant true
    %reduce_sum3A_1784 = vector.broadcast %reduce_sum3A_1783 : i1 to vector<16xi1>
    %reduce_sum3A_1785 = tpu.scan <sum>, %convert_element_type3A_1782 masked %reduce_sum3A_1784 : vector<16xi32>, vector<16xi1> -> vector<16xi32>
    %reduce_sum3A_1786 = vector.extract %reduce_sum3A_1785[15] : i32 from vector<16xi32>
    %add3A_1787 = vector.broadcast %reduce_sum3A_1786 : i32 to vector<16xi32>
    %add3A_1788 = arith.addi %add3A_1628, %add3A_1787 : vector<16xi32>
    %eq3A_1789 = arith.constant 1 : i32
    %eq3A_1790 = vector.broadcast %eq3A_1789 : i32 to vector<16xi32>
    %eq3A_1791 = arith.cmpi eq, %get3A_1767, %eq3A_1790 : vector<16xi32>
    %convert_element_type3A_1792 = arith.extui %eq3A_1791 : vector<16xi1> to vector<16xi32>
    %broadcast_in_dim3A_1793 = arith.constant true
    %broadcast_in_dim3A_1794 = vector.broadcast %broadcast_in_dim3A_1793 : i1 to vector<16xi1>
    %masked_cumsum3A_1795 = tpu.scan <sum>, %convert_element_type3A_1792 masked %broadcast_in_dim3A_1794 : vector<16xi32>, vector<16xi1> -> vector<16xi32>
    %add3A_1796 = arith.addi %add3A_1647, %masked_cumsum3A_1795 : vector<16xi32>
    %sub3A_1797 = arith.constant 1 : i32
    %sub3A_1798 = vector.broadcast %sub3A_1797 : i32 to vector<16xi32>
    %sub3A_1799 = arith.subi %add3A_1796, %sub3A_1798 : vector<16xi32>
    %select_n3A_1800 = arith.select %eq3A_1791, %sub3A_1799, %select_n3A_1781 : vector<16xi1>, vector<16xi32>
    %convert_element_type3A_1801 = arith.extui %eq3A_1791 : vector<16xi1> to vector<16xi32>
    %reduce_sum3A_1802 = arith.constant true
    %reduce_sum3A_1803 = vector.broadcast %reduce_sum3A_1802 : i1 to vector<16xi1>
    %reduce_sum3A_1804 = tpu.scan <sum>, %convert_element_type3A_1801 masked %reduce_sum3A_1803 : vector<16xi32>, vector<16xi1> -> vector<16xi32>
    %reduce_sum3A_1805 = vector.extract %reduce_sum3A_1804[15] : i32 from vector<16xi32>
    %add3A_1806 = vector.broadcast %reduce_sum3A_1805 : i32 to vector<16xi32>
    %add3A_1807 = arith.addi %add3A_1647, %add3A_1806 : vector<16xi32>
    %eq3A_1808 = arith.constant 2 : i32
    %eq3A_1809 = vector.broadcast %eq3A_1808 : i32 to vector<16xi32>
    %eq3A_1810 = arith.cmpi eq, %get3A_1767, %eq3A_1809 : vector<16xi32>
    %convert_element_type3A_1811 = arith.extui %eq3A_1810 : vector<16xi1> to vector<16xi32>
    %broadcast_in_dim3A_1812 = arith.constant true
    %broadcast_in_dim3A_1813 = vector.broadcast %broadcast_in_dim3A_1812 : i1 to vector<16xi1>
    %masked_cumsum3A_1814 = tpu.scan <sum>, %convert_element_type3A_1811 masked %broadcast_in_dim3A_1813 : vector<16xi32>, vector<16xi1> -> vector<16xi32>
    %add3A_1815 = arith.addi %add3A_1666, %masked_cumsum3A_1814 : vector<16xi32>
    %sub3A_1816 = arith.constant 1 : i32
    %sub3A_1817 = vector.broadcast %sub3A_1816 : i32 to vector<16xi32>
    %sub3A_1818 = arith.subi %add3A_1815, %sub3A_1817 : vector<16xi32>
    %select_n3A_1819 = arith.select %eq3A_1810, %sub3A_1818, %select_n3A_1800 : vector<16xi1>, vector<16xi32>
    %convert_element_type3A_1820 = arith.extui %eq3A_1810 : vector<16xi1> to vector<16xi32>
    %reduce_sum3A_1821 = arith.constant true
    %reduce_sum3A_1822 = vector.broadcast %reduce_sum3A_1821 : i1 to vector<16xi1>
    %reduce_sum3A_1823 = tpu.scan <sum>, %convert_element_type3A_1820 masked %reduce_sum3A_1822 : vector<16xi32>, vector<16xi1> -> vector<16xi32>
    %reduce_sum3A_1824 = vector.extract %reduce_sum3A_1823[15] : i32 from vector<16xi32>
    %add3A_1825 = vector.broadcast %reduce_sum3A_1824 : i32 to vector<16xi32>
    %add3A_1826 = arith.addi %add3A_1666, %add3A_1825 : vector<16xi32>
    %eq3A_1827 = arith.constant 3 : i32
    %eq3A_1828 = vector.broadcast %eq3A_1827 : i32 to vector<16xi32>
    %eq3A_1829 = arith.cmpi eq, %get3A_1767, %eq3A_1828 : vector<16xi32>
    %convert_element_type3A_1830 = arith.extui %eq3A_1829 : vector<16xi1> to vector<16xi32>
    %broadcast_in_dim3A_1831 = arith.constant true
    %broadcast_in_dim3A_1832 = vector.broadcast %broadcast_in_dim3A_1831 : i1 to vector<16xi1>
    %masked_cumsum3A_1833 = tpu.scan <sum>, %convert_element_type3A_1830 masked %broadcast_in_dim3A_1832 : vector<16xi32>, vector<16xi1> -> vector<16xi32>
    %add3A_1834 = arith.addi %add3A_1685, %masked_cumsum3A_1833 : vector<16xi32>
    %sub3A_1835 = arith.constant 1 : i32
    %sub3A_1836 = vector.broadcast %sub3A_1835 : i32 to vector<16xi32>
    %sub3A_1837 = arith.subi %add3A_1834, %sub3A_1836 : vector<16xi32>
    %select_n3A_1838 = arith.select %eq3A_1829, %sub3A_1837, %select_n3A_1819 : vector<16xi1>, vector<16xi32>
    %convert_element_type3A_1839 = arith.extui %eq3A_1829 : vector<16xi1> to vector<16xi32>
    %reduce_sum3A_1840 = arith.constant true
    %reduce_sum3A_1841 = vector.broadcast %reduce_sum3A_1840 : i1 to vector<16xi1>
    %reduce_sum3A_1842 = tpu.scan <sum>, %convert_element_type3A_1839 masked %reduce_sum3A_1841 : vector<16xi32>, vector<16xi1> -> vector<16xi32>
    %reduce_sum3A_1843 = vector.extract %reduce_sum3A_1842[15] : i32 from vector<16xi32>
    %add3A_1844 = vector.broadcast %reduce_sum3A_1843 : i32 to vector<16xi32>
    %add3A_1845 = arith.addi %add3A_1685, %add3A_1844 : vector<16xi32>
    %eq3A_1846 = arith.constant 4 : i32
    %eq3A_1847 = vector.broadcast %eq3A_1846 : i32 to vector<16xi32>
    %eq3A_1848 = arith.cmpi eq, %get3A_1767, %eq3A_1847 : vector<16xi32>
    %convert_element_type3A_1849 = arith.extui %eq3A_1848 : vector<16xi1> to vector<16xi32>
    %broadcast_in_dim3A_1850 = arith.constant true
    %broadcast_in_dim3A_1851 = vector.broadcast %broadcast_in_dim3A_1850 : i1 to vector<16xi1>
    %masked_cumsum3A_1852 = tpu.scan <sum>, %convert_element_type3A_1849 masked %broadcast_in_dim3A_1851 : vector<16xi32>, vector<16xi1> -> vector<16xi32>
    %add3A_1853 = arith.addi %add3A_1704, %masked_cumsum3A_1852 : vector<16xi32>
    %sub3A_1854 = arith.constant 1 : i32
    %sub3A_1855 = vector.broadcast %sub3A_1854 : i32 to vector<16xi32>
    %sub3A_1856 = arith.subi %add3A_1853, %sub3A_1855 : vector<16xi32>
    %select_n3A_1857 = arith.select %eq3A_1848, %sub3A_1856, %select_n3A_1838 : vector<16xi1>, vector<16xi32>
    %convert_element_type3A_1858 = arith.extui %eq3A_1848 : vector<16xi1> to vector<16xi32>
    %reduce_sum3A_1859 = arith.constant true
    %reduce_sum3A_1860 = vector.broadcast %reduce_sum3A_1859 : i1 to vector<16xi1>
    %reduce_sum3A_1861 = tpu.scan <sum>, %convert_element_type3A_1858 masked %reduce_sum3A_1860 : vector<16xi32>, vector<16xi1> -> vector<16xi32>
    %reduce_sum3A_1862 = vector.extract %reduce_sum3A_1861[15] : i32 from vector<16xi32>
    %add3A_1863 = vector.broadcast %reduce_sum3A_1862 : i32 to vector<16xi32>
    %add3A_1864 = arith.addi %add3A_1704, %add3A_1863 : vector<16xi32>
    %eq3A_1865 = arith.constant 5 : i32
    %eq3A_1866 = vector.broadcast %eq3A_1865 : i32 to vector<16xi32>
    %eq3A_1867 = arith.cmpi eq, %get3A_1767, %eq3A_1866 : vector<16xi32>
    %convert_element_type3A_1868 = arith.extui %eq3A_1867 : vector<16xi1> to vector<16xi32>
    %broadcast_in_dim3A_1869 = arith.constant true
    %broadcast_in_dim3A_1870 = vector.broadcast %broadcast_in_dim3A_1869 : i1 to vector<16xi1>
    %masked_cumsum3A_1871 = tpu.scan <sum>, %convert_element_type3A_1868 masked %broadcast_in_dim3A_1870 : vector<16xi32>, vector<16xi1> -> vector<16xi32>
    %add3A_1872 = arith.addi %add3A_1723, %masked_cumsum3A_1871 : vector<16xi32>
    %sub3A_1873 = arith.constant 1 : i32
    %sub3A_1874 = vector.broadcast %sub3A_1873 : i32 to vector<16xi32>
    %sub3A_1875 = arith.subi %add3A_1872, %sub3A_1874 : vector<16xi32>
    %select_n3A_1876 = arith.select %eq3A_1867, %sub3A_1875, %select_n3A_1857 : vector<16xi1>, vector<16xi32>
    %convert_element_type3A_1877 = arith.extui %eq3A_1867 : vector<16xi1> to vector<16xi32>
    %reduce_sum3A_1878 = arith.constant true
    %reduce_sum3A_1879 = vector.broadcast %reduce_sum3A_1878 : i1 to vector<16xi1>
    %reduce_sum3A_1880 = tpu.scan <sum>, %convert_element_type3A_1877 masked %reduce_sum3A_1879 : vector<16xi32>, vector<16xi1> -> vector<16xi32>
    %reduce_sum3A_1881 = vector.extract %reduce_sum3A_1880[15] : i32 from vector<16xi32>
    %add3A_1882 = vector.broadcast %reduce_sum3A_1881 : i32 to vector<16xi32>
    %add3A_1883 = arith.addi %add3A_1723, %add3A_1882 : vector<16xi32>
    %eq3A_1884 = arith.constant 6 : i32
    %eq3A_1885 = vector.broadcast %eq3A_1884 : i32 to vector<16xi32>
    %eq3A_1886 = arith.cmpi eq, %get3A_1767, %eq3A_1885 : vector<16xi32>
    %convert_element_type3A_1887 = arith.extui %eq3A_1886 : vector<16xi1> to vector<16xi32>
    %broadcast_in_dim3A_1888 = arith.constant true
    %broadcast_in_dim3A_1889 = vector.broadcast %broadcast_in_dim3A_1888 : i1 to vector<16xi1>
    %masked_cumsum3A_1890 = tpu.scan <sum>, %convert_element_type3A_1887 masked %broadcast_in_dim3A_1889 : vector<16xi32>, vector<16xi1> -> vector<16xi32>
    %add3A_1891 = arith.addi %add3A_1742, %masked_cumsum3A_1890 : vector<16xi32>
    %sub3A_1892 = arith.constant 1 : i32
    %sub3A_1893 = vector.broadcast %sub3A_1892 : i32 to vector<16xi32>
    %sub3A_1894 = arith.subi %add3A_1891, %sub3A_1893 : vector<16xi32>
    %select_n3A_1895 = arith.select %eq3A_1886, %sub3A_1894, %select_n3A_1876 : vector<16xi1>, vector<16xi32>
    %convert_element_type3A_1896 = arith.extui %eq3A_1886 : vector<16xi1> to vector<16xi32>
    %reduce_sum3A_1897 = arith.constant true
    %reduce_sum3A_1898 = vector.broadcast %reduce_sum3A_1897 : i1 to vector<16xi1>
    %reduce_sum3A_1899 = tpu.scan <sum>, %convert_element_type3A_1896 masked %reduce_sum3A_1898 : vector<16xi32>, vector<16xi1> -> vector<16xi32>
    %reduce_sum3A_1900 = vector.extract %reduce_sum3A_1899[15] : i32 from vector<16xi32>
    %add3A_1901 = vector.broadcast %reduce_sum3A_1900 : i32 to vector<16xi32>
    %add3A_1902 = arith.addi %add3A_1742, %add3A_1901 : vector<16xi32>
    %eq3A_1903 = arith.constant 7 : i32
    %eq3A_1904 = vector.broadcast %eq3A_1903 : i32 to vector<16xi32>
    %eq3A_1905 = arith.cmpi eq, %get3A_1767, %eq3A_1904 : vector<16xi32>
    %convert_element_type3A_1906 = arith.extui %eq3A_1905 : vector<16xi1> to vector<16xi32>
    %broadcast_in_dim3A_1907 = arith.constant true
    %broadcast_in_dim3A_1908 = vector.broadcast %broadcast_in_dim3A_1907 : i1 to vector<16xi1>
    %masked_cumsum3A_1909 = tpu.scan <sum>, %convert_element_type3A_1906 masked %broadcast_in_dim3A_1908 : vector<16xi32>, vector<16xi1> -> vector<16xi32>
    %add3A_1910 = arith.addi %add3A_1761, %masked_cumsum3A_1909 : vector<16xi32>
    %sub3A_1911 = arith.constant 1 : i32
    %sub3A_1912 = vector.broadcast %sub3A_1911 : i32 to vector<16xi32>
    %sub3A_1913 = arith.subi %add3A_1910, %sub3A_1912 : vector<16xi32>
    %select_n3A_1914 = arith.select %eq3A_1905, %sub3A_1913, %select_n3A_1895 : vector<16xi1>, vector<16xi32>
    %convert_element_type3A_1915 = arith.extui %eq3A_1905 : vector<16xi1> to vector<16xi32>
    %reduce_sum3A_1916 = arith.constant true
    %reduce_sum3A_1917 = vector.broadcast %reduce_sum3A_1916 : i1 to vector<16xi1>
    %reduce_sum3A_1918 = tpu.scan <sum>, %convert_element_type3A_1915 masked %reduce_sum3A_1917 : vector<16xi32>, vector<16xi1> -> vector<16xi32>
    %reduce_sum3A_1919 = vector.extract %reduce_sum3A_1918[15] : i32 from vector<16xi32>
    %add3A_1920 = vector.broadcast %reduce_sum3A_1919 : i32 to vector<16xi32>
    %add3A_1921 = arith.addi %add3A_1761, %add3A_1920 : vector<16xi32>
    %swap3A_1922 = arith.constant 1 : i32
    %swap3A_1923 = arith.index_cast %swap3A_1922 : i32 to index
    %swap3A_1924 = arith.constant 0 : index
    %swap3A_1925 = tpu.vector_load %arg10[%swap3A_1923, %swap3A_1924] {strides = array<i32>} : memref<4x32xi32, #tpu.memory_space<vmem>>, vector<16xi32>,
    tpu.vector_store %arg10[%swap3A_1923, %swap3A_1924], %select_n3A_1914 {strides = array<i32>} : memref<4x32xi32, #tpu.memory_space<vmem>>, vector<16xi32>,
    %get3A_1926 = arith.constant 48 : index
    %get3A_1927 = tpu.vector_load %arg8[%get3A_1926] {strides = array<i32>} : memref<128xi32, #tpu.memory_space<vmem>>, vector<16xi32>,
    %broadcast_in_dim3A_1928 = arith.constant 0 : i32
    %broadcast_in_dim3A_1929 = vector.broadcast %broadcast_in_dim3A_1928 : i32 to vector<16xi32>
    %eq3A_1930 = arith.constant 0 : i32
    %eq3A_1931 = vector.broadcast %eq3A_1930 : i32 to vector<16xi32>
    %eq3A_1932 = arith.cmpi eq, %get3A_1927, %eq3A_1931 : vector<16xi32>
    %convert_element_type3A_1933 = arith.extui %eq3A_1932 : vector<16xi1> to vector<16xi32>
    %broadcast_in_dim3A_1934 = arith.constant true
    %broadcast_in_dim3A_1935 = vector.broadcast %broadcast_in_dim3A_1934 : i1 to vector<16xi1>
    %masked_cumsum3A_1936 = tpu.scan <sum>, %convert_element_type3A_1933 masked %broadcast_in_dim3A_1935 : vector<16xi32>, vector<16xi1> -> vector<16xi32>
    %add3A_1937 = arith.addi %add3A_1788, %masked_cumsum3A_1936 : vector<16xi32>
    %sub3A_1938 = arith.constant 1 : i32
    %sub3A_1939 = vector.broadcast %sub3A_1938 : i32 to vector<16xi32>
    %sub3A_1940 = arith.subi %add3A_1937, %sub3A_1939 : vector<16xi32>
    %select_n3A_1941 = arith.select %eq3A_1932, %sub3A_1940, %broadcast_in_dim3A_1929 : vector<16xi1>, vector<16xi32>
    %convert_element_type3A_1942 = arith.extui %eq3A_1932 : vector<16xi1> to vector<16xi32>
    %reduce_sum3A_1943 = arith.constant true
    %reduce_sum3A_1944 = vector.broadcast %reduce_sum3A_1943 : i1 to vector<16xi1>
    %reduce_sum3A_1945 = tpu.scan <sum>, %convert_element_type3A_1942 masked %reduce_sum3A_1944 : vector<16xi32>, vector<16xi1> -> vector<16xi32>
    %reduce_sum3A_1946 = vector.extract %reduce_sum3A_1945[15] : i32 from vector<16xi32>
    %add3A_1947 = vector.broadcast %reduce_sum3A_1946 : i32 to vector<16xi32>
    %add3A_1948 = arith.addi %add3A_1788, %add3A_1947 : vector<16xi32>
    %eq3A_1949 = arith.constant 1 : i32
    %eq3A_1950 = vector.broadcast %eq3A_1949 : i32 to vector<16xi32>
    %eq3A_1951 = arith.cmpi eq, %get3A_1927, %eq3A_1950 : vector<16xi32>
    %convert_element_type3A_1952 = arith.extui %eq3A_1951 : vector<16xi1> to vector<16xi32>
    %broadcast_in_dim3A_1953 = arith.constant true
    %broadcast_in_dim3A_1954 = vector.broadcast %broadcast_in_dim3A_1953 : i1 to vector<16xi1>
    %masked_cumsum3A_1955 = tpu.scan <sum>, %convert_element_type3A_1952 masked %broadcast_in_dim3A_1954 : vector<16xi32>, vector<16xi1> -> vector<16xi32>
    %add3A_1956 = arith.addi %add3A_1807, %masked_cumsum3A_1955 : vector<16xi32>
    %sub3A_1957 = arith.constant 1 : i32
    %sub3A_1958 = vector.broadcast %sub3A_1957 : i32 to vector<16xi32>
    %sub3A_1959 = arith.subi %add3A_1956, %sub3A_1958 : vector<16xi32>
    %select_n3A_1960 = arith.select %eq3A_1951, %sub3A_1959, %select_n3A_1941 : vector<16xi1>, vector<16xi32>
    %convert_element_type3A_1961 = arith.extui %eq3A_1951 : vector<16xi1> to vector<16xi32>
    %reduce_sum3A_1962 = arith.constant true
    %reduce_sum3A_1963 = vector.broadcast %reduce_sum3A_1962 : i1 to vector<16xi1>
    %reduce_sum3A_1964 = tpu.scan <sum>, %convert_element_type3A_1961 masked %reduce_sum3A_1963 : vector<16xi32>, vector<16xi1> -> vector<16xi32>
    %reduce_sum3A_1965 = vector.extract %reduce_sum3A_1964[15] : i32 from vector<16xi32>
    %add3A_1966 = vector.broadcast %reduce_sum3A_1965 : i32 to vector<16xi32>
    %add3A_1967 = arith.addi %add3A_1807, %add3A_1966 : vector<16xi32>
    %eq3A_1968 = arith.constant 2 : i32
    %eq3A_1969 = vector.broadcast %eq3A_1968 : i32 to vector<16xi32>
    %eq3A_1970 = arith.cmpi eq, %get3A_1927, %eq3A_1969 : vector<16xi32>
    %convert_element_type3A_1971 = arith.extui %eq3A_1970 : vector<16xi1> to vector<16xi32>
    %broadcast_in_dim3A_1972 = arith.constant true
    %broadcast_in_dim3A_1973 = vector.broadcast %broadcast_in_dim3A_1972 : i1 to vector<16xi1>
    %masked_cumsum3A_1974 = tpu.scan <sum>, %convert_element_type3A_1971 masked %broadcast_in_dim3A_1973 : vector<16xi32>, vector<16xi1> -> vector<16xi32>
    %add3A_1975 = arith.addi %add3A_1826, %masked_cumsum3A_1974 : vector<16xi32>
    %sub3A_1976 = arith.constant 1 : i32
    %sub3A_1977 = vector.broadcast %sub3A_1976 : i32 to vector<16xi32>
    %sub3A_1978 = arith.subi %add3A_1975, %sub3A_1977 : vector<16xi32>
    %select_n3A_1979 = arith.select %eq3A_1970, %sub3A_1978, %select_n3A_1960 : vector<16xi1>, vector<16xi32>
    %convert_element_type3A_1980 = arith.extui %eq3A_1970 : vector<16xi1> to vector<16xi32>
    %reduce_sum3A_1981 = arith.constant true
    %reduce_sum3A_1982 = vector.broadcast %reduce_sum3A_1981 : i1 to vector<16xi1>
    %reduce_sum3A_1983 = tpu.scan <sum>, %convert_element_type3A_1980 masked %reduce_sum3A_1982 : vector<16xi32>, vector<16xi1> -> vector<16xi32>
    %reduce_sum3A_1984 = vector.extract %reduce_sum3A_1983[15] : i32 from vector<16xi32>
    %add3A_1985 = vector.broadcast %reduce_sum3A_1984 : i32 to vector<16xi32>
    %add3A_1986 = arith.addi %add3A_1826, %add3A_1985 : vector<16xi32>
    %eq3A_1987 = arith.constant 3 : i32
    %eq3A_1988 = vector.broadcast %eq3A_1987 : i32 to vector<16xi32>
    %eq3A_1989 = arith.cmpi eq, %get3A_1927, %eq3A_1988 : vector<16xi32>
    %convert_element_type3A_1990 = arith.extui %eq3A_1989 : vector<16xi1> to vector<16xi32>
    %broadcast_in_dim3A_1991 = arith.constant true
    %broadcast_in_dim3A_1992 = vector.broadcast %broadcast_in_dim3A_1991 : i1 to vector<16xi1>
    %masked_cumsum3A_1993 = tpu.scan <sum>, %convert_element_type3A_1990 masked %broadcast_in_dim3A_1992 : vector<16xi32>, vector<16xi1> -> vector<16xi32>
    %add3A_1994 = arith.addi %add3A_1845, %masked_cumsum3A_1993 : vector<16xi32>
    %sub3A_1995 = arith.constant 1 : i32
    %sub3A_1996 = vector.broadcast %sub3A_1995 : i32 to vector<16xi32>
    %sub3A_1997 = arith.subi %add3A_1994, %sub3A_1996 : vector<16xi32>
    %select_n3A_1998 = arith.select %eq3A_1989, %sub3A_1997, %select_n3A_1979 : vector<16xi1>, vector<16xi32>
    %convert_element_type3A_1999 = arith.extui %eq3A_1989 : vector<16xi1> to vector<16xi32>
    %reduce_sum3A_2000 = arith.constant true
    %reduce_sum3A_2001 = vector.broadcast %reduce_sum3A_2000 : i1 to vector<16xi1>
    %reduce_sum3A_2002 = tpu.scan <sum>, %convert_element_type3A_1999 masked %reduce_sum3A_2001 : vector<16xi32>, vector<16xi1> -> vector<16xi32>
    %reduce_sum3A_2003 = vector.extract %reduce_sum3A_2002[15] : i32 from vector<16xi32>
    %add3A_2004 = vector.broadcast %reduce_sum3A_2003 : i32 to vector<16xi32>
    %add3A_2005 = arith.addi %add3A_1845, %add3A_2004 : vector<16xi32>
    %eq3A_2006 = arith.constant 4 : i32
    %eq3A_2007 = vector.broadcast %eq3A_2006 : i32 to vector<16xi32>
    %eq3A_2008 = arith.cmpi eq, %get3A_1927, %eq3A_2007 : vector<16xi32>
    %convert_element_type3A_2009 = arith.extui %eq3A_2008 : vector<16xi1> to vector<16xi32>
    %broadcast_in_dim3A_2010 = arith.constant true
    %broadcast_in_dim3A_2011 = vector.broadcast %broadcast_in_dim3A_2010 : i1 to vector<16xi1>
    %masked_cumsum3A_2012 = tpu.scan <sum>, %convert_element_type3A_2009 masked %broadcast_in_dim3A_2011 : vector<16xi32>, vector<16xi1> -> vector<16xi32>
    %add3A_2013 = arith.addi %add3A_1864, %masked_cumsum3A_2012 : vector<16xi32>
    %sub3A_2014 = arith.constant 1 : i32
    %sub3A_2015 = vector.broadcast %sub3A_2014 : i32 to vector<16xi32>
    %sub3A_2016 = arith.subi %add3A_2013, %sub3A_2015 : vector<16xi32>
    %select_n3A_2017 = arith.select %eq3A_2008, %sub3A_2016, %select_n3A_1998 : vector<16xi1>, vector<16xi32>
    %convert_element_type3A_2018 = arith.extui %eq3A_2008 : vector<16xi1> to vector<16xi32>
    %reduce_sum3A_2019 = arith.constant true
    %reduce_sum3A_2020 = vector.broadcast %reduce_sum3A_2019 : i1 to vector<16xi1>
    %reduce_sum3A_2021 = tpu.scan <sum>, %convert_element_type3A_2018 masked %reduce_sum3A_2020 : vector<16xi32>, vector<16xi1> -> vector<16xi32>
    %reduce_sum3A_2022 = vector.extract %reduce_sum3A_2021[15] : i32 from vector<16xi32>
    %add3A_2023 = vector.broadcast %reduce_sum3A_2022 : i32 to vector<16xi32>
    %add3A_2024 = arith.addi %add3A_1864, %add3A_2023 : vector<16xi32>
    %eq3A_2025 = arith.constant 5 : i32
    %eq3A_2026 = vector.broadcast %eq3A_2025 : i32 to vector<16xi32>
    %eq3A_2027 = arith.cmpi eq, %get3A_1927, %eq3A_2026 : vector<16xi32>
    %convert_element_type3A_2028 = arith.extui %eq3A_2027 : vector<16xi1> to vector<16xi32>
    %broadcast_in_dim3A_2029 = arith.constant true
    %broadcast_in_dim3A_2030 = vector.broadcast %broadcast_in_dim3A_2029 : i1 to vector<16xi1>
    %masked_cumsum3A_2031 = tpu.scan <sum>, %convert_element_type3A_2028 masked %broadcast_in_dim3A_2030 : vector<16xi32>, vector<16xi1> -> vector<16xi32>
    %add3A_2032 = arith.addi %add3A_1883, %masked_cumsum3A_2031 : vector<16xi32>
    %sub3A_2033 = arith.constant 1 : i32
    %sub3A_2034 = vector.broadcast %sub3A_2033 : i32 to vector<16xi32>
    %sub3A_2035 = arith.subi %add3A_2032, %sub3A_2034 : vector<16xi32>
    %select_n3A_2036 = arith.select %eq3A_2027, %sub3A_2035, %select_n3A_2017 : vector<16xi1>, vector<16xi32>
    %convert_element_type3A_2037 = arith.extui %eq3A_2027 : vector<16xi1> to vector<16xi32>
    %reduce_sum3A_2038 = arith.constant true
    %reduce_sum3A_2039 = vector.broadcast %reduce_sum3A_2038 : i1 to vector<16xi1>
    %reduce_sum3A_2040 = tpu.scan <sum>, %convert_element_type3A_2037 masked %reduce_sum3A_2039 : vector<16xi32>, vector<16xi1> -> vector<16xi32>
    %reduce_sum3A_2041 = vector.extract %reduce_sum3A_2040[15] : i32 from vector<16xi32>
    %add3A_2042 = vector.broadcast %reduce_sum3A_2041 : i32 to vector<16xi32>
    %add3A_2043 = arith.addi %add3A_1883, %add3A_2042 : vector<16xi32>
    %eq3A_2044 = arith.constant 6 : i32
    %eq3A_2045 = vector.broadcast %eq3A_2044 : i32 to vector<16xi32>
    %eq3A_2046 = arith.cmpi eq, %get3A_1927, %eq3A_2045 : vector<16xi32>
    %convert_element_type3A_2047 = arith.extui %eq3A_2046 : vector<16xi1> to vector<16xi32>
    %broadcast_in_dim3A_2048 = arith.constant true
    %broadcast_in_dim3A_2049 = vector.broadcast %broadcast_in_dim3A_2048 : i1 to vector<16xi1>
    %masked_cumsum3A_2050 = tpu.scan <sum>, %convert_element_type3A_2047 masked %broadcast_in_dim3A_2049 : vector<16xi32>, vector<16xi1> -> vector<16xi32>
    %add3A_2051 = arith.addi %add3A_1902, %masked_cumsum3A_2050 : vector<16xi32>
    %sub3A_2052 = arith.constant 1 : i32
    %sub3A_2053 = vector.broadcast %sub3A_2052 : i32 to vector<16xi32>
    %sub3A_2054 = arith.subi %add3A_2051, %sub3A_2053 : vector<16xi32>
    %select_n3A_2055 = arith.select %eq3A_2046, %sub3A_2054, %select_n3A_2036 : vector<16xi1>, vector<16xi32>
    %convert_element_type3A_2056 = arith.extui %eq3A_2046 : vector<16xi1> to vector<16xi32>
    %reduce_sum3A_2057 = arith.constant true
    %reduce_sum3A_2058 = vector.broadcast %reduce_sum3A_2057 : i1 to vector<16xi1>
    %reduce_sum3A_2059 = tpu.scan <sum>, %convert_element_type3A_2056 masked %reduce_sum3A_2058 : vector<16xi32>, vector<16xi1> -> vector<16xi32>
    %reduce_sum3A_2060 = vector.extract %reduce_sum3A_2059[15] : i32 from vector<16xi32>
    %add3A_2061 = vector.broadcast %reduce_sum3A_2060 : i32 to vector<16xi32>
    %add3A_2062 = arith.addi %add3A_1902, %add3A_2061 : vector<16xi32>
    %eq3A_2063 = arith.constant 7 : i32
    %eq3A_2064 = vector.broadcast %eq3A_2063 : i32 to vector<16xi32>
    %eq3A_2065 = arith.cmpi eq, %get3A_1927, %eq3A_2064 : vector<16xi32>
    %convert_element_type3A_2066 = arith.extui %eq3A_2065 : vector<16xi1> to vector<16xi32>
    %broadcast_in_dim3A_2067 = arith.constant true
    %broadcast_in_dim3A_2068 = vector.broadcast %broadcast_in_dim3A_2067 : i1 to vector<16xi1>
    %masked_cumsum3A_2069 = tpu.scan <sum>, %convert_element_type3A_2066 masked %broadcast_in_dim3A_2068 : vector<16xi32>, vector<16xi1> -> vector<16xi32>
    %add3A_2070 = arith.addi %add3A_1921, %masked_cumsum3A_2069 : vector<16xi32>
    %sub3A_2071 = arith.constant 1 : i32
    %sub3A_2072 = vector.broadcast %sub3A_2071 : i32 to vector<16xi32>
    %sub3A_2073 = arith.subi %add3A_2070, %sub3A_2072 : vector<16xi32>
    %select_n3A_2074 = arith.select %eq3A_2065, %sub3A_2073, %select_n3A_2055 : vector<16xi1>, vector<16xi32>
    %convert_element_type3A_2075 = arith.extui %eq3A_2065 : vector<16xi1> to vector<16xi32>
    %reduce_sum3A_2076 = arith.constant true
    %reduce_sum3A_2077 = vector.broadcast %reduce_sum3A_2076 : i1 to vector<16xi1>
    %reduce_sum3A_2078 = tpu.scan <sum>, %convert_element_type3A_2075 masked %reduce_sum3A_2077 : vector<16xi32>, vector<16xi1> -> vector<16xi32>
    %reduce_sum3A_2079 = vector.extract %reduce_sum3A_2078[15] : i32 from vector<16xi32>
    %add3A_2080 = vector.broadcast %reduce_sum3A_2079 : i32 to vector<16xi32>
    %add3A_2081 = arith.addi %add3A_1921, %add3A_2080 : vector<16xi32>
    %swap3A_2082 = arith.constant 1 : i32
    %swap3A_2083 = arith.index_cast %swap3A_2082 : i32 to index
    %swap3A_2084 = arith.constant 16 : index
    %swap3A_2085 = tpu.vector_load %arg10[%swap3A_2083, %swap3A_2084] {strides = array<i32>} : memref<4x32xi32, #tpu.memory_space<vmem>>, vector<16xi32>,
    tpu.vector_store %arg10[%swap3A_2083, %swap3A_2084], %select_n3A_2074 {strides = array<i32>} : memref<4x32xi32, #tpu.memory_space<vmem>>, vector<16xi32>,
    %get3A_2086 = arith.constant 64 : index
    %get3A_2087 = tpu.vector_load %arg8[%get3A_2086] {strides = array<i32>} : memref<128xi32, #tpu.memory_space<vmem>>, vector<16xi32>,
    %broadcast_in_dim3A_2088 = arith.constant 0 : i32
    %broadcast_in_dim3A_2089 = vector.broadcast %broadcast_in_dim3A_2088 : i32 to vector<16xi32>
    %eq3A_2090 = arith.constant 0 : i32
    %eq3A_2091 = vector.broadcast %eq3A_2090 : i32 to vector<16xi32>
    %eq3A_2092 = arith.cmpi eq, %get3A_2087, %eq3A_2091 : vector<16xi32>
    %convert_element_type3A_2093 = arith.extui %eq3A_2092 : vector<16xi1> to vector<16xi32>
    %broadcast_in_dim3A_2094 = arith.constant true
    %broadcast_in_dim3A_2095 = vector.broadcast %broadcast_in_dim3A_2094 : i1 to vector<16xi1>
    %masked_cumsum3A_2096 = tpu.scan <sum>, %convert_element_type3A_2093 masked %broadcast_in_dim3A_2095 : vector<16xi32>, vector<16xi1> -> vector<16xi32>
    %add3A_2097 = arith.addi %add3A_1948, %masked_cumsum3A_2096 : vector<16xi32>
    %sub3A_2098 = arith.constant 1 : i32
    %sub3A_2099 = vector.broadcast %sub3A_2098 : i32 to vector<16xi32>
    %sub3A_2100 = arith.subi %add3A_2097, %sub3A_2099 : vector<16xi32>
    %select_n3A_2101 = arith.select %eq3A_2092, %sub3A_2100, %broadcast_in_dim3A_2089 : vector<16xi1>, vector<16xi32>
    %convert_element_type3A_2102 = arith.extui %eq3A_2092 : vector<16xi1> to vector<16xi32>
    %reduce_sum3A_2103 = arith.constant true
    %reduce_sum3A_2104 = vector.broadcast %reduce_sum3A_2103 : i1 to vector<16xi1>
    %reduce_sum3A_2105 = tpu.scan <sum>, %convert_element_type3A_2102 masked %reduce_sum3A_2104 : vector<16xi32>, vector<16xi1> -> vector<16xi32>
    %reduce_sum3A_2106 = vector.extract %reduce_sum3A_2105[15] : i32 from vector<16xi32>
    %add3A_2107 = vector.broadcast %reduce_sum3A_2106 : i32 to vector<16xi32>
    %add3A_2108 = arith.addi %add3A_1948, %add3A_2107 : vector<16xi32>
    %eq3A_2109 = arith.constant 1 : i32
    %eq3A_2110 = vector.broadcast %eq3A_2109 : i32 to vector<16xi32>
    %eq3A_2111 = arith.cmpi eq, %get3A_2087, %eq3A_2110 : vector<16xi32>
    %convert_element_type3A_2112 = arith.extui %eq3A_2111 : vector<16xi1> to vector<16xi32>
    %broadcast_in_dim3A_2113 = arith.constant true
    %broadcast_in_dim3A_2114 = vector.broadcast %broadcast_in_dim3A_2113 : i1 to vector<16xi1>
    %masked_cumsum3A_2115 = tpu.scan <sum>, %convert_element_type3A_2112 masked %broadcast_in_dim3A_2114 : vector<16xi32>, vector<16xi1> -> vector<16xi32>
    %add3A_2116 = arith.addi %add3A_1967, %masked_cumsum3A_2115 : vector<16xi32>
    %sub3A_2117 = arith.constant 1 : i32
    %sub3A_2118 = vector.broadcast %sub3A_2117 : i32 to vector<16xi32>
    %sub3A_2119 = arith.subi %add3A_2116, %sub3A_2118 : vector<16xi32>
    %select_n3A_2120 = arith.select %eq3A_2111, %sub3A_2119, %select_n3A_2101 : vector<16xi1>, vector<16xi32>
    %convert_element_type3A_2121 = arith.extui %eq3A_2111 : vector<16xi1> to vector<16xi32>
    %reduce_sum3A_2122 = arith.constant true
    %reduce_sum3A_2123 = vector.broadcast %reduce_sum3A_2122 : i1 to vector<16xi1>
    %reduce_sum3A_2124 = tpu.scan <sum>, %convert_element_type3A_2121 masked %reduce_sum3A_2123 : vector<16xi32>, vector<16xi1> -> vector<16xi32>
    %reduce_sum3A_2125 = vector.extract %reduce_sum3A_2124[15] : i32 from vector<16xi32>
    %add3A_2126 = vector.broadcast %reduce_sum3A_2125 : i32 to vector<16xi32>
    %add3A_2127 = arith.addi %add3A_1967, %add3A_2126 : vector<16xi32>
    %eq3A_2128 = arith.constant 2 : i32
    %eq3A_2129 = vector.broadcast %eq3A_2128 : i32 to vector<16xi32>
    %eq3A_2130 = arith.cmpi eq, %get3A_2087, %eq3A_2129 : vector<16xi32>
    %convert_element_type3A_2131 = arith.extui %eq3A_2130 : vector<16xi1> to vector<16xi32>
    %broadcast_in_dim3A_2132 = arith.constant true
    %broadcast_in_dim3A_2133 = vector.broadcast %broadcast_in_dim3A_2132 : i1 to vector<16xi1>
    %masked_cumsum3A_2134 = tpu.scan <sum>, %convert_element_type3A_2131 masked %broadcast_in_dim3A_2133 : vector<16xi32>, vector<16xi1> -> vector<16xi32>
    %add3A_2135 = arith.addi %add3A_1986, %masked_cumsum3A_2134 : vector<16xi32>
    %sub3A_2136 = arith.constant 1 : i32
    %sub3A_2137 = vector.broadcast %sub3A_2136 : i32 to vector<16xi32>
    %sub3A_2138 = arith.subi %add3A_2135, %sub3A_2137 : vector<16xi32>
    %select_n3A_2139 = arith.select %eq3A_2130, %sub3A_2138, %select_n3A_2120 : vector<16xi1>, vector<16xi32>
    %convert_element_type3A_2140 = arith.extui %eq3A_2130 : vector<16xi1> to vector<16xi32>
    %reduce_sum3A_2141 = arith.constant true
    %reduce_sum3A_2142 = vector.broadcast %reduce_sum3A_2141 : i1 to vector<16xi1>
    %reduce_sum3A_2143 = tpu.scan <sum>, %convert_element_type3A_2140 masked %reduce_sum3A_2142 : vector<16xi32>, vector<16xi1> -> vector<16xi32>
    %reduce_sum3A_2144 = vector.extract %reduce_sum3A_2143[15] : i32 from vector<16xi32>
    %add3A_2145 = vector.broadcast %reduce_sum3A_2144 : i32 to vector<16xi32>
    %add3A_2146 = arith.addi %add3A_1986, %add3A_2145 : vector<16xi32>
    %eq3A_2147 = arith.constant 3 : i32
    %eq3A_2148 = vector.broadcast %eq3A_2147 : i32 to vector<16xi32>
    %eq3A_2149 = arith.cmpi eq, %get3A_2087, %eq3A_2148 : vector<16xi32>
    %convert_element_type3A_2150 = arith.extui %eq3A_2149 : vector<16xi1> to vector<16xi32>
    %broadcast_in_dim3A_2151 = arith.constant true
    %broadcast_in_dim3A_2152 = vector.broadcast %broadcast_in_dim3A_2151 : i1 to vector<16xi1>
    %masked_cumsum3A_2153 = tpu.scan <sum>, %convert_element_type3A_2150 masked %broadcast_in_dim3A_2152 : vector<16xi32>, vector<16xi1> -> vector<16xi32>
    %add3A_2154 = arith.addi %add3A_2005, %masked_cumsum3A_2153 : vector<16xi32>
    %sub3A_2155 = arith.constant 1 : i32
    %sub3A_2156 = vector.broadcast %sub3A_2155 : i32 to vector<16xi32>
    %sub3A_2157 = arith.subi %add3A_2154, %sub3A_2156 : vector<16xi32>
    %select_n3A_2158 = arith.select %eq3A_2149, %sub3A_2157, %select_n3A_2139 : vector<16xi1>, vector<16xi32>
    %convert_element_type3A_2159 = arith.extui %eq3A_2149 : vector<16xi1> to vector<16xi32>
    %reduce_sum3A_2160 = arith.constant true
    %reduce_sum3A_2161 = vector.broadcast %reduce_sum3A_2160 : i1 to vector<16xi1>
    %reduce_sum3A_2162 = tpu.scan <sum>, %convert_element_type3A_2159 masked %reduce_sum3A_2161 : vector<16xi32>, vector<16xi1> -> vector<16xi32>
    %reduce_sum3A_2163 = vector.extract %reduce_sum3A_2162[15] : i32 from vector<16xi32>
    %add3A_2164 = vector.broadcast %reduce_sum3A_2163 : i32 to vector<16xi32>
    %add3A_2165 = arith.addi %add3A_2005, %add3A_2164 : vector<16xi32>
    %eq3A_2166 = arith.constant 4 : i32
    %eq3A_2167 = vector.broadcast %eq3A_2166 : i32 to vector<16xi32>
    %eq3A_2168 = arith.cmpi eq, %get3A_2087, %eq3A_2167 : vector<16xi32>
    %convert_element_type3A_2169 = arith.extui %eq3A_2168 : vector<16xi1> to vector<16xi32>
    %broadcast_in_dim3A_2170 = arith.constant true
    %broadcast_in_dim3A_2171 = vector.broadcast %broadcast_in_dim3A_2170 : i1 to vector<16xi1>
    %masked_cumsum3A_2172 = tpu.scan <sum>, %convert_element_type3A_2169 masked %broadcast_in_dim3A_2171 : vector<16xi32>, vector<16xi1> -> vector<16xi32>
    %add3A_2173 = arith.addi %add3A_2024, %masked_cumsum3A_2172 : vector<16xi32>
    %sub3A_2174 = arith.constant 1 : i32
    %sub3A_2175 = vector.broadcast %sub3A_2174 : i32 to vector<16xi32>
    %sub3A_2176 = arith.subi %add3A_2173, %sub3A_2175 : vector<16xi32>
    %select_n3A_2177 = arith.select %eq3A_2168, %sub3A_2176, %select_n3A_2158 : vector<16xi1>, vector<16xi32>
    %convert_element_type3A_2178 = arith.extui %eq3A_2168 : vector<16xi1> to vector<16xi32>
    %reduce_sum3A_2179 = arith.constant true
    %reduce_sum3A_2180 = vector.broadcast %reduce_sum3A_2179 : i1 to vector<16xi1>
    %reduce_sum3A_2181 = tpu.scan <sum>, %convert_element_type3A_2178 masked %reduce_sum3A_2180 : vector<16xi32>, vector<16xi1> -> vector<16xi32>
    %reduce_sum3A_2182 = vector.extract %reduce_sum3A_2181[15] : i32 from vector<16xi32>
    %add3A_2183 = vector.broadcast %reduce_sum3A_2182 : i32 to vector<16xi32>
    %add3A_2184 = arith.addi %add3A_2024, %add3A_2183 : vector<16xi32>
    %eq3A_2185 = arith.constant 5 : i32
    %eq3A_2186 = vector.broadcast %eq3A_2185 : i32 to vector<16xi32>
    %eq3A_2187 = arith.cmpi eq, %get3A_2087, %eq3A_2186 : vector<16xi32>
    %convert_element_type3A_2188 = arith.extui %eq3A_2187 : vector<16xi1> to vector<16xi32>
    %broadcast_in_dim3A_2189 = arith.constant true
    %broadcast_in_dim3A_2190 = vector.broadcast %broadcast_in_dim3A_2189 : i1 to vector<16xi1>
    %masked_cumsum3A_2191 = tpu.scan <sum>, %convert_element_type3A_2188 masked %broadcast_in_dim3A_2190 : vector<16xi32>, vector<16xi1> -> vector<16xi32>
    %add3A_2192 = arith.addi %add3A_2043, %masked_cumsum3A_2191 : vector<16xi32>
    %sub3A_2193 = arith.constant 1 : i32
    %sub3A_2194 = vector.broadcast %sub3A_2193 : i32 to vector<16xi32>
    %sub3A_2195 = arith.subi %add3A_2192, %sub3A_2194 : vector<16xi32>
    %select_n3A_2196 = arith.select %eq3A_2187, %sub3A_2195, %select_n3A_2177 : vector<16xi1>, vector<16xi32>
    %convert_element_type3A_2197 = arith.extui %eq3A_2187 : vector<16xi1> to vector<16xi32>
    %reduce_sum3A_2198 = arith.constant true
    %reduce_sum3A_2199 = vector.broadcast %reduce_sum3A_2198 : i1 to vector<16xi1>
    %reduce_sum3A_2200 = tpu.scan <sum>, %convert_element_type3A_2197 masked %reduce_sum3A_2199 : vector<16xi32>, vector<16xi1> -> vector<16xi32>
    %reduce_sum3A_2201 = vector.extract %reduce_sum3A_2200[15] : i32 from vector<16xi32>
    %add3A_2202 = vector.broadcast %reduce_sum3A_2201 : i32 to vector<16xi32>
    %add3A_2203 = arith.addi %add3A_2043, %add3A_2202 : vector<16xi32>
    %eq3A_2204 = arith.constant 6 : i32
    %eq3A_2205 = vector.broadcast %eq3A_2204 : i32 to vector<16xi32>
    %eq3A_2206 = arith.cmpi eq, %get3A_2087, %eq3A_2205 : vector<16xi32>
    %convert_element_type3A_2207 = arith.extui %eq3A_2206 : vector<16xi1> to vector<16xi32>
    %broadcast_in_dim3A_2208 = arith.constant true
    %broadcast_in_dim3A_2209 = vector.broadcast %broadcast_in_dim3A_2208 : i1 to vector<16xi1>
    %masked_cumsum3A_2210 = tpu.scan <sum>, %convert_element_type3A_2207 masked %broadcast_in_dim3A_2209 : vector<16xi32>, vector<16xi1> -> vector<16xi32>
    %add3A_2211 = arith.addi %add3A_2062, %masked_cumsum3A_2210 : vector<16xi32>
    %sub3A_2212 = arith.constant 1 : i32
    %sub3A_2213 = vector.broadcast %sub3A_2212 : i32 to vector<16xi32>
    %sub3A_2214 = arith.subi %add3A_2211, %sub3A_2213 : vector<16xi32>
    %select_n3A_2215 = arith.select %eq3A_2206, %sub3A_2214, %select_n3A_2196 : vector<16xi1>, vector<16xi32>
    %convert_element_type3A_2216 = arith.extui %eq3A_2206 : vector<16xi1> to vector<16xi32>
    %reduce_sum3A_2217 = arith.constant true
    %reduce_sum3A_2218 = vector.broadcast %reduce_sum3A_2217 : i1 to vector<16xi1>
    %reduce_sum3A_2219 = tpu.scan <sum>, %convert_element_type3A_2216 masked %reduce_sum3A_2218 : vector<16xi32>, vector<16xi1> -> vector<16xi32>
    %reduce_sum3A_2220 = vector.extract %reduce_sum3A_2219[15] : i32 from vector<16xi32>
    %add3A_2221 = vector.broadcast %reduce_sum3A_2220 : i32 to vector<16xi32>
    %add3A_2222 = arith.addi %add3A_2062, %add3A_2221 : vector<16xi32>
    %eq3A_2223 = arith.constant 7 : i32
    %eq3A_2224 = vector.broadcast %eq3A_2223 : i32 to vector<16xi32>
    %eq3A_2225 = arith.cmpi eq, %get3A_2087, %eq3A_2224 : vector<16xi32>
    %convert_element_type3A_2226 = arith.extui %eq3A_2225 : vector<16xi1> to vector<16xi32>
    %broadcast_in_dim3A_2227 = arith.constant true
    %broadcast_in_dim3A_2228 = vector.broadcast %broadcast_in_dim3A_2227 : i1 to vector<16xi1>
    %masked_cumsum3A_2229 = tpu.scan <sum>, %convert_element_type3A_2226 masked %broadcast_in_dim3A_2228 : vector<16xi32>, vector<16xi1> -> vector<16xi32>
    %add3A_2230 = arith.addi %add3A_2081, %masked_cumsum3A_2229 : vector<16xi32>
    %sub3A_2231 = arith.constant 1 : i32
    %sub3A_2232 = vector.broadcast %sub3A_2231 : i32 to vector<16xi32>
    %sub3A_2233 = arith.subi %add3A_2230, %sub3A_2232 : vector<16xi32>
    %select_n3A_2234 = arith.select %eq3A_2225, %sub3A_2233, %select_n3A_2215 : vector<16xi1>, vector<16xi32>
    %convert_element_type3A_2235 = arith.extui %eq3A_2225 : vector<16xi1> to vector<16xi32>
    %reduce_sum3A_2236 = arith.constant true
    %reduce_sum3A_2237 = vector.broadcast %reduce_sum3A_2236 : i1 to vector<16xi1>
    %reduce_sum3A_2238 = tpu.scan <sum>, %convert_element_type3A_2235 masked %reduce_sum3A_2237 : vector<16xi32>, vector<16xi1> -> vector<16xi32>
    %reduce_sum3A_2239 = vector.extract %reduce_sum3A_2238[15] : i32 from vector<16xi32>
    %add3A_2240 = vector.broadcast %reduce_sum3A_2239 : i32 to vector<16xi32>
    %add3A_2241 = arith.addi %add3A_2081, %add3A_2240 : vector<16xi32>
    %swap3A_2242 = arith.constant 2 : i32
    %swap3A_2243 = arith.index_cast %swap3A_2242 : i32 to index
    %swap3A_2244 = arith.constant 0 : index
    %swap3A_2245 = tpu.vector_load %arg10[%swap3A_2243, %swap3A_2244] {strides = array<i32>} : memref<4x32xi32, #tpu.memory_space<vmem>>, vector<16xi32>,
    tpu.vector_store %arg10[%swap3A_2243, %swap3A_2244], %select_n3A_2234 {strides = array<i32>} : memref<4x32xi32, #tpu.memory_space<vmem>>, vector<16xi32>,
    %get3A_2246 = arith.constant 80 : index
    %get3A_2247 = tpu.vector_load %arg8[%get3A_2246] {strides = array<i32>} : memref<128xi32, #tpu.memory_space<vmem>>, vector<16xi32>,
    %broadcast_in_dim3A_2248 = arith.constant 0 : i32
    %broadcast_in_dim3A_2249 = vector.broadcast %broadcast_in_dim3A_2248 : i32 to vector<16xi32>
    %eq3A_2250 = arith.constant 0 : i32
    %eq3A_2251 = vector.broadcast %eq3A_2250 : i32 to vector<16xi32>
    %eq3A_2252 = arith.cmpi eq, %get3A_2247, %eq3A_2251 : vector<16xi32>
    %convert_element_type3A_2253 = arith.extui %eq3A_2252 : vector<16xi1> to vector<16xi32>
    %broadcast_in_dim3A_2254 = arith.constant true
    %broadcast_in_dim3A_2255 = vector.broadcast %broadcast_in_dim3A_2254 : i1 to vector<16xi1>
    %masked_cumsum3A_2256 = tpu.scan <sum>, %convert_element_type3A_2253 masked %broadcast_in_dim3A_2255 : vector<16xi32>, vector<16xi1> -> vector<16xi32>
    %add3A_2257 = arith.addi %add3A_2108, %masked_cumsum3A_2256 : vector<16xi32>
    %sub3A_2258 = arith.constant 1 : i32
    %sub3A_2259 = vector.broadcast %sub3A_2258 : i32 to vector<16xi32>
    %sub3A_2260 = arith.subi %add3A_2257, %sub3A_2259 : vector<16xi32>
    %select_n3A_2261 = arith.select %eq3A_2252, %sub3A_2260, %broadcast_in_dim3A_2249 : vector<16xi1>, vector<16xi32>
    %convert_element_type3A_2262 = arith.extui %eq3A_2252 : vector<16xi1> to vector<16xi32>
    %reduce_sum3A_2263 = arith.constant true
    %reduce_sum3A_2264 = vector.broadcast %reduce_sum3A_2263 : i1 to vector<16xi1>
    %reduce_sum3A_2265 = tpu.scan <sum>, %convert_element_type3A_2262 masked %reduce_sum3A_2264 : vector<16xi32>, vector<16xi1> -> vector<16xi32>
    %reduce_sum3A_2266 = vector.extract %reduce_sum3A_2265[15] : i32 from vector<16xi32>
    %add3A_2267 = vector.broadcast %reduce_sum3A_2266 : i32 to vector<16xi32>
    %add3A_2268 = arith.addi %add3A_2108, %add3A_2267 : vector<16xi32>
    %eq3A_2269 = arith.constant 1 : i32
    %eq3A_2270 = vector.broadcast %eq3A_2269 : i32 to vector<16xi32>
    %eq3A_2271 = arith.cmpi eq, %get3A_2247, %eq3A_2270 : vector<16xi32>
    %convert_element_type3A_2272 = arith.extui %eq3A_2271 : vector<16xi1> to vector<16xi32>
    %broadcast_in_dim3A_2273 = arith.constant true
    %broadcast_in_dim3A_2274 = vector.broadcast %broadcast_in_dim3A_2273 : i1 to vector<16xi1>
    %masked_cumsum3A_2275 = tpu.scan <sum>, %convert_element_type3A_2272 masked %broadcast_in_dim3A_2274 : vector<16xi32>, vector<16xi1> -> vector<16xi32>
    %add3A_2276 = arith.addi %add3A_2127, %masked_cumsum3A_2275 : vector<16xi32>
    %sub3A_2277 = arith.constant 1 : i32
    %sub3A_2278 = vector.broadcast %sub3A_2277 : i32 to vector<16xi32>
    %sub3A_2279 = arith.subi %add3A_2276, %sub3A_2278 : vector<16xi32>
    %select_n3A_2280 = arith.select %eq3A_2271, %sub3A_2279, %select_n3A_2261 : vector<16xi1>, vector<16xi32>
    %convert_element_type3A_2281 = arith.extui %eq3A_2271 : vector<16xi1> to vector<16xi32>
    %reduce_sum3A_2282 = arith.constant true
    %reduce_sum3A_2283 = vector.broadcast %reduce_sum3A_2282 : i1 to vector<16xi1>
    %reduce_sum3A_2284 = tpu.scan <sum>, %convert_element_type3A_2281 masked %reduce_sum3A_2283 : vector<16xi32>, vector<16xi1> -> vector<16xi32>
    %reduce_sum3A_2285 = vector.extract %reduce_sum3A_2284[15] : i32 from vector<16xi32>
    %add3A_2286 = vector.broadcast %reduce_sum3A_2285 : i32 to vector<16xi32>
    %add3A_2287 = arith.addi %add3A_2127, %add3A_2286 : vector<16xi32>
    %eq3A_2288 = arith.constant 2 : i32
    %eq3A_2289 = vector.broadcast %eq3A_2288 : i32 to vector<16xi32>
    %eq3A_2290 = arith.cmpi eq, %get3A_2247, %eq3A_2289 : vector<16xi32>
    %convert_element_type3A_2291 = arith.extui %eq3A_2290 : vector<16xi1> to vector<16xi32>
    %broadcast_in_dim3A_2292 = arith.constant true
    %broadcast_in_dim3A_2293 = vector.broadcast %broadcast_in_dim3A_2292 : i1 to vector<16xi1>
    %masked_cumsum3A_2294 = tpu.scan <sum>, %convert_element_type3A_2291 masked %broadcast_in_dim3A_2293 : vector<16xi32>, vector<16xi1> -> vector<16xi32>
    %add3A_2295 = arith.addi %add3A_2146, %masked_cumsum3A_2294 : vector<16xi32>
    %sub3A_2296 = arith.constant 1 : i32
    %sub3A_2297 = vector.broadcast %sub3A_2296 : i32 to vector<16xi32>
    %sub3A_2298 = arith.subi %add3A_2295, %sub3A_2297 : vector<16xi32>
    %select_n3A_2299 = arith.select %eq3A_2290, %sub3A_2298, %select_n3A_2280 : vector<16xi1>, vector<16xi32>
    %convert_element_type3A_2300 = arith.extui %eq3A_2290 : vector<16xi1> to vector<16xi32>
    %reduce_sum3A_2301 = arith.constant true
    %reduce_sum3A_2302 = vector.broadcast %reduce_sum3A_2301 : i1 to vector<16xi1>
    %reduce_sum3A_2303 = tpu.scan <sum>, %convert_element_type3A_2300 masked %reduce_sum3A_2302 : vector<16xi32>, vector<16xi1> -> vector<16xi32>
    %reduce_sum3A_2304 = vector.extract %reduce_sum3A_2303[15] : i32 from vector<16xi32>
    %add3A_2305 = vector.broadcast %reduce_sum3A_2304 : i32 to vector<16xi32>
    %add3A_2306 = arith.addi %add3A_2146, %add3A_2305 : vector<16xi32>
    %eq3A_2307 = arith.constant 3 : i32
    %eq3A_2308 = vector.broadcast %eq3A_2307 : i32 to vector<16xi32>
    %eq3A_2309 = arith.cmpi eq, %get3A_2247, %eq3A_2308 : vector<16xi32>
    %convert_element_type3A_2310 = arith.extui %eq3A_2309 : vector<16xi1> to vector<16xi32>
    %broadcast_in_dim3A_2311 = arith.constant true
    %broadcast_in_dim3A_2312 = vector.broadcast %broadcast_in_dim3A_2311 : i1 to vector<16xi1>
    %masked_cumsum3A_2313 = tpu.scan <sum>, %convert_element_type3A_2310 masked %broadcast_in_dim3A_2312 : vector<16xi32>, vector<16xi1> -> vector<16xi32>
    %add3A_2314 = arith.addi %add3A_2165, %masked_cumsum3A_2313 : vector<16xi32>
    %sub3A_2315 = arith.constant 1 : i32
    %sub3A_2316 = vector.broadcast %sub3A_2315 : i32 to vector<16xi32>
    %sub3A_2317 = arith.subi %add3A_2314, %sub3A_2316 : vector<16xi32>
    %select_n3A_2318 = arith.select %eq3A_2309, %sub3A_2317, %select_n3A_2299 : vector<16xi1>, vector<16xi32>
    %convert_element_type3A_2319 = arith.extui %eq3A_2309 : vector<16xi1> to vector<16xi32>
    %reduce_sum3A_2320 = arith.constant true
    %reduce_sum3A_2321 = vector.broadcast %reduce_sum3A_2320 : i1 to vector<16xi1>
    %reduce_sum3A_2322 = tpu.scan <sum>, %convert_element_type3A_2319 masked %reduce_sum3A_2321 : vector<16xi32>, vector<16xi1> -> vector<16xi32>
    %reduce_sum3A_2323 = vector.extract %reduce_sum3A_2322[15] : i32 from vector<16xi32>
    %add3A_2324 = vector.broadcast %reduce_sum3A_2323 : i32 to vector<16xi32>
    %add3A_2325 = arith.addi %add3A_2165, %add3A_2324 : vector<16xi32>
    %eq3A_2326 = arith.constant 4 : i32
    %eq3A_2327 = vector.broadcast %eq3A_2326 : i32 to vector<16xi32>
    %eq3A_2328 = arith.cmpi eq, %get3A_2247, %eq3A_2327 : vector<16xi32>
    %convert_element_type3A_2329 = arith.extui %eq3A_2328 : vector<16xi1> to vector<16xi32>
    %broadcast_in_dim3A_2330 = arith.constant true
    %broadcast_in_dim3A_2331 = vector.broadcast %broadcast_in_dim3A_2330 : i1 to vector<16xi1>
    %masked_cumsum3A_2332 = tpu.scan <sum>, %convert_element_type3A_2329 masked %broadcast_in_dim3A_2331 : vector<16xi32>, vector<16xi1> -> vector<16xi32>
    %add3A_2333 = arith.addi %add3A_2184, %masked_cumsum3A_2332 : vector<16xi32>
    %sub3A_2334 = arith.constant 1 : i32
    %sub3A_2335 = vector.broadcast %sub3A_2334 : i32 to vector<16xi32>
    %sub3A_2336 = arith.subi %add3A_2333, %sub3A_2335 : vector<16xi32>
    %select_n3A_2337 = arith.select %eq3A_2328, %sub3A_2336, %select_n3A_2318 : vector<16xi1>, vector<16xi32>
    %convert_element_type3A_2338 = arith.extui %eq3A_2328 : vector<16xi1> to vector<16xi32>
    %reduce_sum3A_2339 = arith.constant true
    %reduce_sum3A_2340 = vector.broadcast %reduce_sum3A_2339 : i1 to vector<16xi1>
    %reduce_sum3A_2341 = tpu.scan <sum>, %convert_element_type3A_2338 masked %reduce_sum3A_2340 : vector<16xi32>, vector<16xi1> -> vector<16xi32>
    %reduce_sum3A_2342 = vector.extract %reduce_sum3A_2341[15] : i32 from vector<16xi32>
    %add3A_2343 = vector.broadcast %reduce_sum3A_2342 : i32 to vector<16xi32>
    %add3A_2344 = arith.addi %add3A_2184, %add3A_2343 : vector<16xi32>
    %eq3A_2345 = arith.constant 5 : i32
    %eq3A_2346 = vector.broadcast %eq3A_2345 : i32 to vector<16xi32>
    %eq3A_2347 = arith.cmpi eq, %get3A_2247, %eq3A_2346 : vector<16xi32>
    %convert_element_type3A_2348 = arith.extui %eq3A_2347 : vector<16xi1> to vector<16xi32>
    %broadcast_in_dim3A_2349 = arith.constant true
    %broadcast_in_dim3A_2350 = vector.broadcast %broadcast_in_dim3A_2349 : i1 to vector<16xi1>
    %masked_cumsum3A_2351 = tpu.scan <sum>, %convert_element_type3A_2348 masked %broadcast_in_dim3A_2350 : vector<16xi32>, vector<16xi1> -> vector<16xi32>
    %add3A_2352 = arith.addi %add3A_2203, %masked_cumsum3A_2351 : vector<16xi32>
    %sub3A_2353 = arith.constant 1 : i32
    %sub3A_2354 = vector.broadcast %sub3A_2353 : i32 to vector<16xi32>
    %sub3A_2355 = arith.subi %add3A_2352, %sub3A_2354 : vector<16xi32>
    %select_n3A_2356 = arith.select %eq3A_2347, %sub3A_2355, %select_n3A_2337 : vector<16xi1>, vector<16xi32>
    %convert_element_type3A_2357 = arith.extui %eq3A_2347 : vector<16xi1> to vector<16xi32>
    %reduce_sum3A_2358 = arith.constant true
    %reduce_sum3A_2359 = vector.broadcast %reduce_sum3A_2358 : i1 to vector<16xi1>
    %reduce_sum3A_2360 = tpu.scan <sum>, %convert_element_type3A_2357 masked %reduce_sum3A_2359 : vector<16xi32>, vector<16xi1> -> vector<16xi32>
    %reduce_sum3A_2361 = vector.extract %reduce_sum3A_2360[15] : i32 from vector<16xi32>
    %add3A_2362 = vector.broadcast %reduce_sum3A_2361 : i32 to vector<16xi32>
    %add3A_2363 = arith.addi %add3A_2203, %add3A_2362 : vector<16xi32>
    %eq3A_2364 = arith.constant 6 : i32
    %eq3A_2365 = vector.broadcast %eq3A_2364 : i32 to vector<16xi32>
    %eq3A_2366 = arith.cmpi eq, %get3A_2247, %eq3A_2365 : vector<16xi32>
    %convert_element_type3A_2367 = arith.extui %eq3A_2366 : vector<16xi1> to vector<16xi32>
    %broadcast_in_dim3A_2368 = arith.constant true
    %broadcast_in_dim3A_2369 = vector.broadcast %broadcast_in_dim3A_2368 : i1 to vector<16xi1>
    %masked_cumsum3A_2370 = tpu.scan <sum>, %convert_element_type3A_2367 masked %broadcast_in_dim3A_2369 : vector<16xi32>, vector<16xi1> -> vector<16xi32>
    %add3A_2371 = arith.addi %add3A_2222, %masked_cumsum3A_2370 : vector<16xi32>
    %sub3A_2372 = arith.constant 1 : i32
    %sub3A_2373 = vector.broadcast %sub3A_2372 : i32 to vector<16xi32>
    %sub3A_2374 = arith.subi %add3A_2371, %sub3A_2373 : vector<16xi32>
    %select_n3A_2375 = arith.select %eq3A_2366, %sub3A_2374, %select_n3A_2356 : vector<16xi1>, vector<16xi32>
    %convert_element_type3A_2376 = arith.extui %eq3A_2366 : vector<16xi1> to vector<16xi32>
    %reduce_sum3A_2377 = arith.constant true
    %reduce_sum3A_2378 = vector.broadcast %reduce_sum3A_2377 : i1 to vector<16xi1>
    %reduce_sum3A_2379 = tpu.scan <sum>, %convert_element_type3A_2376 masked %reduce_sum3A_2378 : vector<16xi32>, vector<16xi1> -> vector<16xi32>
    %reduce_sum3A_2380 = vector.extract %reduce_sum3A_2379[15] : i32 from vector<16xi32>
    %add3A_2381 = vector.broadcast %reduce_sum3A_2380 : i32 to vector<16xi32>
    %add3A_2382 = arith.addi %add3A_2222, %add3A_2381 : vector<16xi32>
    %eq3A_2383 = arith.constant 7 : i32
    %eq3A_2384 = vector.broadcast %eq3A_2383 : i32 to vector<16xi32>
    %eq3A_2385 = arith.cmpi eq, %get3A_2247, %eq3A_2384 : vector<16xi32>
    %convert_element_type3A_2386 = arith.extui %eq3A_2385 : vector<16xi1> to vector<16xi32>
    %broadcast_in_dim3A_2387 = arith.constant true
    %broadcast_in_dim3A_2388 = vector.broadcast %broadcast_in_dim3A_2387 : i1 to vector<16xi1>
    %masked_cumsum3A_2389 = tpu.scan <sum>, %convert_element_type3A_2386 masked %broadcast_in_dim3A_2388 : vector<16xi32>, vector<16xi1> -> vector<16xi32>
    %add3A_2390 = arith.addi %add3A_2241, %masked_cumsum3A_2389 : vector<16xi32>
    %sub3A_2391 = arith.constant 1 : i32
    %sub3A_2392 = vector.broadcast %sub3A_2391 : i32 to vector<16xi32>
    %sub3A_2393 = arith.subi %add3A_2390, %sub3A_2392 : vector<16xi32>
    %select_n3A_2394 = arith.select %eq3A_2385, %sub3A_2393, %select_n3A_2375 : vector<16xi1>, vector<16xi32>
    %convert_element_type3A_2395 = arith.extui %eq3A_2385 : vector<16xi1> to vector<16xi32>
    %reduce_sum3A_2396 = arith.constant true
    %reduce_sum3A_2397 = vector.broadcast %reduce_sum3A_2396 : i1 to vector<16xi1>
    %reduce_sum3A_2398 = tpu.scan <sum>, %convert_element_type3A_2395 masked %reduce_sum3A_2397 : vector<16xi32>, vector<16xi1> -> vector<16xi32>
    %reduce_sum3A_2399 = vector.extract %reduce_sum3A_2398[15] : i32 from vector<16xi32>
    %add3A_2400 = vector.broadcast %reduce_sum3A_2399 : i32 to vector<16xi32>
    %add3A_2401 = arith.addi %add3A_2241, %add3A_2400 : vector<16xi32>
    %swap3A_2402 = arith.constant 2 : i32
    %swap3A_2403 = arith.index_cast %swap3A_2402 : i32 to index
    %swap3A_2404 = arith.constant 16 : index
    %swap3A_2405 = tpu.vector_load %arg10[%swap3A_2403, %swap3A_2404] {strides = array<i32>} : memref<4x32xi32, #tpu.memory_space<vmem>>, vector<16xi32>,
    tpu.vector_store %arg10[%swap3A_2403, %swap3A_2404], %select_n3A_2394 {strides = array<i32>} : memref<4x32xi32, #tpu.memory_space<vmem>>, vector<16xi32>,
    %get3A_2406 = arith.constant 96 : index
    %get3A_2407 = tpu.vector_load %arg8[%get3A_2406] {strides = array<i32>} : memref<128xi32, #tpu.memory_space<vmem>>, vector<16xi32>,
    %broadcast_in_dim3A_2408 = arith.constant 0 : i32
    %broadcast_in_dim3A_2409 = vector.broadcast %broadcast_in_dim3A_2408 : i32 to vector<16xi32>
    %eq3A_2410 = arith.constant 0 : i32
    %eq3A_2411 = vector.broadcast %eq3A_2410 : i32 to vector<16xi32>
    %eq3A_2412 = arith.cmpi eq, %get3A_2407, %eq3A_2411 : vector<16xi32>
    %convert_element_type3A_2413 = arith.extui %eq3A_2412 : vector<16xi1> to vector<16xi32>
    %broadcast_in_dim3A_2414 = arith.constant true
    %broadcast_in_dim3A_2415 = vector.broadcast %broadcast_in_dim3A_2414 : i1 to vector<16xi1>
    %masked_cumsum3A_2416 = tpu.scan <sum>, %convert_element_type3A_2413 masked %broadcast_in_dim3A_2415 : vector<16xi32>, vector<16xi1> -> vector<16xi32>
    %add3A_2417 = arith.addi %add3A_2268, %masked_cumsum3A_2416 : vector<16xi32>
    %sub3A_2418 = arith.constant 1 : i32
    %sub3A_2419 = vector.broadcast %sub3A_2418 : i32 to vector<16xi32>
    %sub3A_2420 = arith.subi %add3A_2417, %sub3A_2419 : vector<16xi32>
    %select_n3A_2421 = arith.select %eq3A_2412, %sub3A_2420, %broadcast_in_dim3A_2409 : vector<16xi1>, vector<16xi32>
    %convert_element_type3A_2422 = arith.extui %eq3A_2412 : vector<16xi1> to vector<16xi32>
    %reduce_sum3A_2423 = arith.constant true
    %reduce_sum3A_2424 = vector.broadcast %reduce_sum3A_2423 : i1 to vector<16xi1>
    %reduce_sum3A_2425 = tpu.scan <sum>, %convert_element_type3A_2422 masked %reduce_sum3A_2424 : vector<16xi32>, vector<16xi1> -> vector<16xi32>
    %reduce_sum3A_2426 = vector.extract %reduce_sum3A_2425[15] : i32 from vector<16xi32>
    %add3A_2427 = vector.broadcast %reduce_sum3A_2426 : i32 to vector<16xi32>
    %add3A_2428 = arith.addi %add3A_2268, %add3A_2427 : vector<16xi32>
    %eq3A_2429 = arith.constant 1 : i32
    %eq3A_2430 = vector.broadcast %eq3A_2429 : i32 to vector<16xi32>
    %eq3A_2431 = arith.cmpi eq, %get3A_2407, %eq3A_2430 : vector<16xi32>
    %convert_element_type3A_2432 = arith.extui %eq3A_2431 : vector<16xi1> to vector<16xi32>
    %broadcast_in_dim3A_2433 = arith.constant true
    %broadcast_in_dim3A_2434 = vector.broadcast %broadcast_in_dim3A_2433 : i1 to vector<16xi1>
    %masked_cumsum3A_2435 = tpu.scan <sum>, %convert_element_type3A_2432 masked %broadcast_in_dim3A_2434 : vector<16xi32>, vector<16xi1> -> vector<16xi32>
    %add3A_2436 = arith.addi %add3A_2287, %masked_cumsum3A_2435 : vector<16xi32>
    %sub3A_2437 = arith.constant 1 : i32
    %sub3A_2438 = vector.broadcast %sub3A_2437 : i32 to vector<16xi32>
    %sub3A_2439 = arith.subi %add3A_2436, %sub3A_2438 : vector<16xi32>
    %select_n3A_2440 = arith.select %eq3A_2431, %sub3A_2439, %select_n3A_2421 : vector<16xi1>, vector<16xi32>
    %convert_element_type3A_2441 = arith.extui %eq3A_2431 : vector<16xi1> to vector<16xi32>
    %reduce_sum3A_2442 = arith.constant true
    %reduce_sum3A_2443 = vector.broadcast %reduce_sum3A_2442 : i1 to vector<16xi1>
    %reduce_sum3A_2444 = tpu.scan <sum>, %convert_element_type3A_2441 masked %reduce_sum3A_2443 : vector<16xi32>, vector<16xi1> -> vector<16xi32>
    %reduce_sum3A_2445 = vector.extract %reduce_sum3A_2444[15] : i32 from vector<16xi32>
    %add3A_2446 = vector.broadcast %reduce_sum3A_2445 : i32 to vector<16xi32>
    %add3A_2447 = arith.addi %add3A_2287, %add3A_2446 : vector<16xi32>
    %eq3A_2448 = arith.constant 2 : i32
    %eq3A_2449 = vector.broadcast %eq3A_2448 : i32 to vector<16xi32>
    %eq3A_2450 = arith.cmpi eq, %get3A_2407, %eq3A_2449 : vector<16xi32>
    %convert_element_type3A_2451 = arith.extui %eq3A_2450 : vector<16xi1> to vector<16xi32>
    %broadcast_in_dim3A_2452 = arith.constant true
    %broadcast_in_dim3A_2453 = vector.broadcast %broadcast_in_dim3A_2452 : i1 to vector<16xi1>
    %masked_cumsum3A_2454 = tpu.scan <sum>, %convert_element_type3A_2451 masked %broadcast_in_dim3A_2453 : vector<16xi32>, vector<16xi1> -> vector<16xi32>
    %add3A_2455 = arith.addi %add3A_2306, %masked_cumsum3A_2454 : vector<16xi32>
    %sub3A_2456 = arith.constant 1 : i32
    %sub3A_2457 = vector.broadcast %sub3A_2456 : i32 to vector<16xi32>
    %sub3A_2458 = arith.subi %add3A_2455, %sub3A_2457 : vector<16xi32>
    %select_n3A_2459 = arith.select %eq3A_2450, %sub3A_2458, %select_n3A_2440 : vector<16xi1>, vector<16xi32>
    %convert_element_type3A_2460 = arith.extui %eq3A_2450 : vector<16xi1> to vector<16xi32>
    %reduce_sum3A_2461 = arith.constant true
    %reduce_sum3A_2462 = vector.broadcast %reduce_sum3A_2461 : i1 to vector<16xi1>
    %reduce_sum3A_2463 = tpu.scan <sum>, %convert_element_type3A_2460 masked %reduce_sum3A_2462 : vector<16xi32>, vector<16xi1> -> vector<16xi32>
    %reduce_sum3A_2464 = vector.extract %reduce_sum3A_2463[15] : i32 from vector<16xi32>
    %add3A_2465 = vector.broadcast %reduce_sum3A_2464 : i32 to vector<16xi32>
    %add3A_2466 = arith.addi %add3A_2306, %add3A_2465 : vector<16xi32>
    %eq3A_2467 = arith.constant 3 : i32
    %eq3A_2468 = vector.broadcast %eq3A_2467 : i32 to vector<16xi32>
    %eq3A_2469 = arith.cmpi eq, %get3A_2407, %eq3A_2468 : vector<16xi32>
    %convert_element_type3A_2470 = arith.extui %eq3A_2469 : vector<16xi1> to vector<16xi32>
    %broadcast_in_dim3A_2471 = arith.constant true
    %broadcast_in_dim3A_2472 = vector.broadcast %broadcast_in_dim3A_2471 : i1 to vector<16xi1>
    %masked_cumsum3A_2473 = tpu.scan <sum>, %convert_element_type3A_2470 masked %broadcast_in_dim3A_2472 : vector<16xi32>, vector<16xi1> -> vector<16xi32>
    %add3A_2474 = arith.addi %add3A_2325, %masked_cumsum3A_2473 : vector<16xi32>
    %sub3A_2475 = arith.constant 1 : i32
    %sub3A_2476 = vector.broadcast %sub3A_2475 : i32 to vector<16xi32>
    %sub3A_2477 = arith.subi %add3A_2474, %sub3A_2476 : vector<16xi32>
    %select_n3A_2478 = arith.select %eq3A_2469, %sub3A_2477, %select_n3A_2459 : vector<16xi1>, vector<16xi32>
    %convert_element_type3A_2479 = arith.extui %eq3A_2469 : vector<16xi1> to vector<16xi32>
    %reduce_sum3A_2480 = arith.constant true
    %reduce_sum3A_2481 = vector.broadcast %reduce_sum3A_2480 : i1 to vector<16xi1>
    %reduce_sum3A_2482 = tpu.scan <sum>, %convert_element_type3A_2479 masked %reduce_sum3A_2481 : vector<16xi32>, vector<16xi1> -> vector<16xi32>
    %reduce_sum3A_2483 = vector.extract %reduce_sum3A_2482[15] : i32 from vector<16xi32>
    %add3A_2484 = vector.broadcast %reduce_sum3A_2483 : i32 to vector<16xi32>
    %add3A_2485 = arith.addi %add3A_2325, %add3A_2484 : vector<16xi32>
    %eq3A_2486 = arith.constant 4 : i32
    %eq3A_2487 = vector.broadcast %eq3A_2486 : i32 to vector<16xi32>
    %eq3A_2488 = arith.cmpi eq, %get3A_2407, %eq3A_2487 : vector<16xi32>
    %convert_element_type3A_2489 = arith.extui %eq3A_2488 : vector<16xi1> to vector<16xi32>
    %broadcast_in_dim3A_2490 = arith.constant true
    %broadcast_in_dim3A_2491 = vector.broadcast %broadcast_in_dim3A_2490 : i1 to vector<16xi1>
    %masked_cumsum3A_2492 = tpu.scan <sum>, %convert_element_type3A_2489 masked %broadcast_in_dim3A_2491 : vector<16xi32>, vector<16xi1> -> vector<16xi32>
    %add3A_2493 = arith.addi %add3A_2344, %masked_cumsum3A_2492 : vector<16xi32>
    %sub3A_2494 = arith.constant 1 : i32
    %sub3A_2495 = vector.broadcast %sub3A_2494 : i32 to vector<16xi32>
    %sub3A_2496 = arith.subi %add3A_2493, %sub3A_2495 : vector<16xi32>
    %select_n3A_2497 = arith.select %eq3A_2488, %sub3A_2496, %select_n3A_2478 : vector<16xi1>, vector<16xi32>
    %convert_element_type3A_2498 = arith.extui %eq3A_2488 : vector<16xi1> to vector<16xi32>
    %reduce_sum3A_2499 = arith.constant true
    %reduce_sum3A_2500 = vector.broadcast %reduce_sum3A_2499 : i1 to vector<16xi1>
    %reduce_sum3A_2501 = tpu.scan <sum>, %convert_element_type3A_2498 masked %reduce_sum3A_2500 : vector<16xi32>, vector<16xi1> -> vector<16xi32>
    %reduce_sum3A_2502 = vector.extract %reduce_sum3A_2501[15] : i32 from vector<16xi32>
    %add3A_2503 = vector.broadcast %reduce_sum3A_2502 : i32 to vector<16xi32>
    %add3A_2504 = arith.addi %add3A_2344, %add3A_2503 : vector<16xi32>
    %eq3A_2505 = arith.constant 5 : i32
    %eq3A_2506 = vector.broadcast %eq3A_2505 : i32 to vector<16xi32>
    %eq3A_2507 = arith.cmpi eq, %get3A_2407, %eq3A_2506 : vector<16xi32>
    %convert_element_type3A_2508 = arith.extui %eq3A_2507 : vector<16xi1> to vector<16xi32>
    %broadcast_in_dim3A_2509 = arith.constant true
    %broadcast_in_dim3A_2510 = vector.broadcast %broadcast_in_dim3A_2509 : i1 to vector<16xi1>
    %masked_cumsum3A_2511 = tpu.scan <sum>, %convert_element_type3A_2508 masked %broadcast_in_dim3A_2510 : vector<16xi32>, vector<16xi1> -> vector<16xi32>
    %add3A_2512 = arith.addi %add3A_2363, %masked_cumsum3A_2511 : vector<16xi32>
    %sub3A_2513 = arith.constant 1 : i32
    %sub3A_2514 = vector.broadcast %sub3A_2513 : i32 to vector<16xi32>
    %sub3A_2515 = arith.subi %add3A_2512, %sub3A_2514 : vector<16xi32>
    %select_n3A_2516 = arith.select %eq3A_2507, %sub3A_2515, %select_n3A_2497 : vector<16xi1>, vector<16xi32>
    %convert_element_type3A_2517 = arith.extui %eq3A_2507 : vector<16xi1> to vector<16xi32>
    %reduce_sum3A_2518 = arith.constant true
    %reduce_sum3A_2519 = vector.broadcast %reduce_sum3A_2518 : i1 to vector<16xi1>
    %reduce_sum3A_2520 = tpu.scan <sum>, %convert_element_type3A_2517 masked %reduce_sum3A_2519 : vector<16xi32>, vector<16xi1> -> vector<16xi32>
    %reduce_sum3A_2521 = vector.extract %reduce_sum3A_2520[15] : i32 from vector<16xi32>
    %add3A_2522 = vector.broadcast %reduce_sum3A_2521 : i32 to vector<16xi32>
    %add3A_2523 = arith.addi %add3A_2363, %add3A_2522 : vector<16xi32>
    %eq3A_2524 = arith.constant 6 : i32
    %eq3A_2525 = vector.broadcast %eq3A_2524 : i32 to vector<16xi32>
    %eq3A_2526 = arith.cmpi eq, %get3A_2407, %eq3A_2525 : vector<16xi32>
    %convert_element_type3A_2527 = arith.extui %eq3A_2526 : vector<16xi1> to vector<16xi32>
    %broadcast_in_dim3A_2528 = arith.constant true
    %broadcast_in_dim3A_2529 = vector.broadcast %broadcast_in_dim3A_2528 : i1 to vector<16xi1>
    %masked_cumsum3A_2530 = tpu.scan <sum>, %convert_element_type3A_2527 masked %broadcast_in_dim3A_2529 : vector<16xi32>, vector<16xi1> -> vector<16xi32>
    %add3A_2531 = arith.addi %add3A_2382, %masked_cumsum3A_2530 : vector<16xi32>
    %sub3A_2532 = arith.constant 1 : i32
    %sub3A_2533 = vector.broadcast %sub3A_2532 : i32 to vector<16xi32>
    %sub3A_2534 = arith.subi %add3A_2531, %sub3A_2533 : vector<16xi32>
    %select_n3A_2535 = arith.select %eq3A_2526, %sub3A_2534, %select_n3A_2516 : vector<16xi1>, vector<16xi32>
    %convert_element_type3A_2536 = arith.extui %eq3A_2526 : vector<16xi1> to vector<16xi32>
    %reduce_sum3A_2537 = arith.constant true
    %reduce_sum3A_2538 = vector.broadcast %reduce_sum3A_2537 : i1 to vector<16xi1>
    %reduce_sum3A_2539 = tpu.scan <sum>, %convert_element_type3A_2536 masked %reduce_sum3A_2538 : vector<16xi32>, vector<16xi1> -> vector<16xi32>
    %reduce_sum3A_2540 = vector.extract %reduce_sum3A_2539[15] : i32 from vector<16xi32>
    %add3A_2541 = vector.broadcast %reduce_sum3A_2540 : i32 to vector<16xi32>
    %add3A_2542 = arith.addi %add3A_2382, %add3A_2541 : vector<16xi32>
    %eq3A_2543 = arith.constant 7 : i32
    %eq3A_2544 = vector.broadcast %eq3A_2543 : i32 to vector<16xi32>
    %eq3A_2545 = arith.cmpi eq, %get3A_2407, %eq3A_2544 : vector<16xi32>
    %convert_element_type3A_2546 = arith.extui %eq3A_2545 : vector<16xi1> to vector<16xi32>
    %broadcast_in_dim3A_2547 = arith.constant true
    %broadcast_in_dim3A_2548 = vector.broadcast %broadcast_in_dim3A_2547 : i1 to vector<16xi1>
    %masked_cumsum3A_2549 = tpu.scan <sum>, %convert_element_type3A_2546 masked %broadcast_in_dim3A_2548 : vector<16xi32>, vector<16xi1> -> vector<16xi32>
    %add3A_2550 = arith.addi %add3A_2401, %masked_cumsum3A_2549 : vector<16xi32>
    %sub3A_2551 = arith.constant 1 : i32
    %sub3A_2552 = vector.broadcast %sub3A_2551 : i32 to vector<16xi32>
    %sub3A_2553 = arith.subi %add3A_2550, %sub3A_2552 : vector<16xi32>
    %select_n3A_2554 = arith.select %eq3A_2545, %sub3A_2553, %select_n3A_2535 : vector<16xi1>, vector<16xi32>
    %convert_element_type3A_2555 = arith.extui %eq3A_2545 : vector<16xi1> to vector<16xi32>
    %reduce_sum3A_2556 = arith.constant true
    %reduce_sum3A_2557 = vector.broadcast %reduce_sum3A_2556 : i1 to vector<16xi1>
    %reduce_sum3A_2558 = tpu.scan <sum>, %convert_element_type3A_2555 masked %reduce_sum3A_2557 : vector<16xi32>, vector<16xi1> -> vector<16xi32>
    %reduce_sum3A_2559 = vector.extract %reduce_sum3A_2558[15] : i32 from vector<16xi32>
    %add3A_2560 = vector.broadcast %reduce_sum3A_2559 : i32 to vector<16xi32>
    %add3A_2561 = arith.addi %add3A_2401, %add3A_2560 : vector<16xi32>
    %swap3A_2562 = arith.constant 3 : i32
    %swap3A_2563 = arith.index_cast %swap3A_2562 : i32 to index
    %swap3A_2564 = arith.constant 0 : index
    %swap3A_2565 = tpu.vector_load %arg10[%swap3A_2563, %swap3A_2564] {strides = array<i32>} : memref<4x32xi32, #tpu.memory_space<vmem>>, vector<16xi32>,
    tpu.vector_store %arg10[%swap3A_2563, %swap3A_2564], %select_n3A_2554 {strides = array<i32>} : memref<4x32xi32, #tpu.memory_space<vmem>>, vector<16xi32>,
    %get3A_2566 = arith.constant 112 : index
    %get3A_2567 = tpu.vector_load %arg8[%get3A_2566] {strides = array<i32>} : memref<128xi32, #tpu.memory_space<vmem>>, vector<16xi32>,
    %broadcast_in_dim3A_2568 = arith.constant 0 : i32
    %broadcast_in_dim3A_2569 = vector.broadcast %broadcast_in_dim3A_2568 : i32 to vector<16xi32>
    %eq3A_2570 = arith.constant 0 : i32
    %eq3A_2571 = vector.broadcast %eq3A_2570 : i32 to vector<16xi32>
    %eq3A_2572 = arith.cmpi eq, %get3A_2567, %eq3A_2571 : vector<16xi32>
    %convert_element_type3A_2573 = arith.extui %eq3A_2572 : vector<16xi1> to vector<16xi32>
    %broadcast_in_dim3A_2574 = arith.constant true
    %broadcast_in_dim3A_2575 = vector.broadcast %broadcast_in_dim3A_2574 : i1 to vector<16xi1>
    %masked_cumsum3A_2576 = tpu.scan <sum>, %convert_element_type3A_2573 masked %broadcast_in_dim3A_2575 : vector<16xi32>, vector<16xi1> -> vector<16xi32>
    %add3A_2577 = arith.addi %add3A_2428, %masked_cumsum3A_2576 : vector<16xi32>
    %sub3A_2578 = arith.constant 1 : i32
    %sub3A_2579 = vector.broadcast %sub3A_2578 : i32 to vector<16xi32>
    %sub3A_2580 = arith.subi %add3A_2577, %sub3A_2579 : vector<16xi32>
    %select_n3A_2581 = arith.select %eq3A_2572, %sub3A_2580, %broadcast_in_dim3A_2569 : vector<16xi1>, vector<16xi32>
    %convert_element_type3A_2582 = arith.extui %eq3A_2572 : vector<16xi1> to vector<16xi32>
    %reduce_sum3A_2583 = arith.constant true
    %reduce_sum3A_2584 = vector.broadcast %reduce_sum3A_2583 : i1 to vector<16xi1>
    %reduce_sum3A_2585 = tpu.scan <sum>, %convert_element_type3A_2582 masked %reduce_sum3A_2584 : vector<16xi32>, vector<16xi1> -> vector<16xi32>
    %reduce_sum3A_2586 = vector.extract %reduce_sum3A_2585[15] : i32 from vector<16xi32>
    %add3A_2587 = vector.broadcast %reduce_sum3A_2586 : i32 to vector<16xi32>
    %add3A_2588 = arith.addi %add3A_2428, %add3A_2587 : vector<16xi32>
    %eq3A_2589 = arith.constant 1 : i32
    %eq3A_2590 = vector.broadcast %eq3A_2589 : i32 to vector<16xi32>
    %eq3A_2591 = arith.cmpi eq, %get3A_2567, %eq3A_2590 : vector<16xi32>
    %convert_element_type3A_2592 = arith.extui %eq3A_2591 : vector<16xi1> to vector<16xi32>
    %broadcast_in_dim3A_2593 = arith.constant true
    %broadcast_in_dim3A_2594 = vector.broadcast %broadcast_in_dim3A_2593 : i1 to vector<16xi1>
    %masked_cumsum3A_2595 = tpu.scan <sum>, %convert_element_type3A_2592 masked %broadcast_in_dim3A_2594 : vector<16xi32>, vector<16xi1> -> vector<16xi32>
    %add3A_2596 = arith.addi %add3A_2447, %masked_cumsum3A_2595 : vector<16xi32>
    %sub3A_2597 = arith.constant 1 : i32
    %sub3A_2598 = vector.broadcast %sub3A_2597 : i32 to vector<16xi32>
    %sub3A_2599 = arith.subi %add3A_2596, %sub3A_2598 : vector<16xi32>
    %select_n3A_2600 = arith.select %eq3A_2591, %sub3A_2599, %select_n3A_2581 : vector<16xi1>, vector<16xi32>
    %convert_element_type3A_2601 = arith.extui %eq3A_2591 : vector<16xi1> to vector<16xi32>
    %reduce_sum3A_2602 = arith.constant true
    %reduce_sum3A_2603 = vector.broadcast %reduce_sum3A_2602 : i1 to vector<16xi1>
    %reduce_sum3A_2604 = tpu.scan <sum>, %convert_element_type3A_2601 masked %reduce_sum3A_2603 : vector<16xi32>, vector<16xi1> -> vector<16xi32>
    %reduce_sum3A_2605 = vector.extract %reduce_sum3A_2604[15] : i32 from vector<16xi32>
    %add3A_2606 = vector.broadcast %reduce_sum3A_2605 : i32 to vector<16xi32>
    %add3A_2607 = arith.addi %add3A_2447, %add3A_2606 : vector<16xi32>
    %eq3A_2608 = arith.constant 2 : i32
    %eq3A_2609 = vector.broadcast %eq3A_2608 : i32 to vector<16xi32>
    %eq3A_2610 = arith.cmpi eq, %get3A_2567, %eq3A_2609 : vector<16xi32>
    %convert_element_type3A_2611 = arith.extui %eq3A_2610 : vector<16xi1> to vector<16xi32>
    %broadcast_in_dim3A_2612 = arith.constant true
    %broadcast_in_dim3A_2613 = vector.broadcast %broadcast_in_dim3A_2612 : i1 to vector<16xi1>
    %masked_cumsum3A_2614 = tpu.scan <sum>, %convert_element_type3A_2611 masked %broadcast_in_dim3A_2613 : vector<16xi32>, vector<16xi1> -> vector<16xi32>
    %add3A_2615 = arith.addi %add3A_2466, %masked_cumsum3A_2614 : vector<16xi32>
    %sub3A_2616 = arith.constant 1 : i32
    %sub3A_2617 = vector.broadcast %sub3A_2616 : i32 to vector<16xi32>
    %sub3A_2618 = arith.subi %add3A_2615, %sub3A_2617 : vector<16xi32>
    %select_n3A_2619 = arith.select %eq3A_2610, %sub3A_2618, %select_n3A_2600 : vector<16xi1>, vector<16xi32>
    %convert_element_type3A_2620 = arith.extui %eq3A_2610 : vector<16xi1> to vector<16xi32>
    %reduce_sum3A_2621 = arith.constant true
    %reduce_sum3A_2622 = vector.broadcast %reduce_sum3A_2621 : i1 to vector<16xi1>
    %reduce_sum3A_2623 = tpu.scan <sum>, %convert_element_type3A_2620 masked %reduce_sum3A_2622 : vector<16xi32>, vector<16xi1> -> vector<16xi32>
    %reduce_sum3A_2624 = vector.extract %reduce_sum3A_2623[15] : i32 from vector<16xi32>
    %add3A_2625 = vector.broadcast %reduce_sum3A_2624 : i32 to vector<16xi32>
    %add3A_2626 = arith.addi %add3A_2466, %add3A_2625 : vector<16xi32>
    %eq3A_2627 = arith.constant 3 : i32
    %eq3A_2628 = vector.broadcast %eq3A_2627 : i32 to vector<16xi32>
    %eq3A_2629 = arith.cmpi eq, %get3A_2567, %eq3A_2628 : vector<16xi32>
    %convert_element_type3A_2630 = arith.extui %eq3A_2629 : vector<16xi1> to vector<16xi32>
    %broadcast_in_dim3A_2631 = arith.constant true
    %broadcast_in_dim3A_2632 = vector.broadcast %broadcast_in_dim3A_2631 : i1 to vector<16xi1>
    %masked_cumsum3A_2633 = tpu.scan <sum>, %convert_element_type3A_2630 masked %broadcast_in_dim3A_2632 : vector<16xi32>, vector<16xi1> -> vector<16xi32>
    %add3A_2634 = arith.addi %add3A_2485, %masked_cumsum3A_2633 : vector<16xi32>
    %sub3A_2635 = arith.constant 1 : i32
    %sub3A_2636 = vector.broadcast %sub3A_2635 : i32 to vector<16xi32>
    %sub3A_2637 = arith.subi %add3A_2634, %sub3A_2636 : vector<16xi32>
    %select_n3A_2638 = arith.select %eq3A_2629, %sub3A_2637, %select_n3A_2619 : vector<16xi1>, vector<16xi32>
    %convert_element_type3A_2639 = arith.extui %eq3A_2629 : vector<16xi1> to vector<16xi32>
    %reduce_sum3A_2640 = arith.constant true
    %reduce_sum3A_2641 = vector.broadcast %reduce_sum3A_2640 : i1 to vector<16xi1>
    %reduce_sum3A_2642 = tpu.scan <sum>, %convert_element_type3A_2639 masked %reduce_sum3A_2641 : vector<16xi32>, vector<16xi1> -> vector<16xi32>
    %reduce_sum3A_2643 = vector.extract %reduce_sum3A_2642[15] : i32 from vector<16xi32>
    %add3A_2644 = vector.broadcast %reduce_sum3A_2643 : i32 to vector<16xi32>
    %add3A_2645 = arith.addi %add3A_2485, %add3A_2644 : vector<16xi32>
    %eq3A_2646 = arith.constant 4 : i32
    %eq3A_2647 = vector.broadcast %eq3A_2646 : i32 to vector<16xi32>
    %eq3A_2648 = arith.cmpi eq, %get3A_2567, %eq3A_2647 : vector<16xi32>
    %convert_element_type3A_2649 = arith.extui %eq3A_2648 : vector<16xi1> to vector<16xi32>
    %broadcast_in_dim3A_2650 = arith.constant true
    %broadcast_in_dim3A_2651 = vector.broadcast %broadcast_in_dim3A_2650 : i1 to vector<16xi1>
    %masked_cumsum3A_2652 = tpu.scan <sum>, %convert_element_type3A_2649 masked %broadcast_in_dim3A_2651 : vector<16xi32>, vector<16xi1> -> vector<16xi32>
    %add3A_2653 = arith.addi %add3A_2504, %masked_cumsum3A_2652 : vector<16xi32>
    %sub3A_2654 = arith.constant 1 : i32
    %sub3A_2655 = vector.broadcast %sub3A_2654 : i32 to vector<16xi32>
    %sub3A_2656 = arith.subi %add3A_2653, %sub3A_2655 : vector<16xi32>
    %select_n3A_2657 = arith.select %eq3A_2648, %sub3A_2656, %select_n3A_2638 : vector<16xi1>, vector<16xi32>
    %convert_element_type3A_2658 = arith.extui %eq3A_2648 : vector<16xi1> to vector<16xi32>
    %reduce_sum3A_2659 = arith.constant true
    %reduce_sum3A_2660 = vector.broadcast %reduce_sum3A_2659 : i1 to vector<16xi1>
    %reduce_sum3A_2661 = tpu.scan <sum>, %convert_element_type3A_2658 masked %reduce_sum3A_2660 : vector<16xi32>, vector<16xi1> -> vector<16xi32>
    %reduce_sum3A_2662 = vector.extract %reduce_sum3A_2661[15] : i32 from vector<16xi32>
    %add3A_2663 = vector.broadcast %reduce_sum3A_2662 : i32 to vector<16xi32>
    %add3A_2664 = arith.addi %add3A_2504, %add3A_2663 : vector<16xi32>
    %eq3A_2665 = arith.constant 5 : i32
    %eq3A_2666 = vector.broadcast %eq3A_2665 : i32 to vector<16xi32>
    %eq3A_2667 = arith.cmpi eq, %get3A_2567, %eq3A_2666 : vector<16xi32>
    %convert_element_type3A_2668 = arith.extui %eq3A_2667 : vector<16xi1> to vector<16xi32>
    %broadcast_in_dim3A_2669 = arith.constant true
    %broadcast_in_dim3A_2670 = vector.broadcast %broadcast_in_dim3A_2669 : i1 to vector<16xi1>
    %masked_cumsum3A_2671 = tpu.scan <sum>, %convert_element_type3A_2668 masked %broadcast_in_dim3A_2670 : vector<16xi32>, vector<16xi1> -> vector<16xi32>
    %add3A_2672 = arith.addi %add3A_2523, %masked_cumsum3A_2671 : vector<16xi32>
    %sub3A_2673 = arith.constant 1 : i32
    %sub3A_2674 = vector.broadcast %sub3A_2673 : i32 to vector<16xi32>
    %sub3A_2675 = arith.subi %add3A_2672, %sub3A_2674 : vector<16xi32>
    %select_n3A_2676 = arith.select %eq3A_2667, %sub3A_2675, %select_n3A_2657 : vector<16xi1>, vector<16xi32>
    %convert_element_type3A_2677 = arith.extui %eq3A_2667 : vector<16xi1> to vector<16xi32>
    %reduce_sum3A_2678 = arith.constant true
    %reduce_sum3A_2679 = vector.broadcast %reduce_sum3A_2678 : i1 to vector<16xi1>
    %reduce_sum3A_2680 = tpu.scan <sum>, %convert_element_type3A_2677 masked %reduce_sum3A_2679 : vector<16xi32>, vector<16xi1> -> vector<16xi32>
    %reduce_sum3A_2681 = vector.extract %reduce_sum3A_2680[15] : i32 from vector<16xi32>
    %add3A_2682 = vector.broadcast %reduce_sum3A_2681 : i32 to vector<16xi32>
    %add3A_2683 = arith.addi %add3A_2523, %add3A_2682 : vector<16xi32>
    %eq3A_2684 = arith.constant 6 : i32
    %eq3A_2685 = vector.broadcast %eq3A_2684 : i32 to vector<16xi32>
    %eq3A_2686 = arith.cmpi eq, %get3A_2567, %eq3A_2685 : vector<16xi32>
    %convert_element_type3A_2687 = arith.extui %eq3A_2686 : vector<16xi1> to vector<16xi32>
    %broadcast_in_dim3A_2688 = arith.constant true
    %broadcast_in_dim3A_2689 = vector.broadcast %broadcast_in_dim3A_2688 : i1 to vector<16xi1>
    %masked_cumsum3A_2690 = tpu.scan <sum>, %convert_element_type3A_2687 masked %broadcast_in_dim3A_2689 : vector<16xi32>, vector<16xi1> -> vector<16xi32>
    %add3A_2691 = arith.addi %add3A_2542, %masked_cumsum3A_2690 : vector<16xi32>
    %sub3A_2692 = arith.constant 1 : i32
    %sub3A_2693 = vector.broadcast %sub3A_2692 : i32 to vector<16xi32>
    %sub3A_2694 = arith.subi %add3A_2691, %sub3A_2693 : vector<16xi32>
    %select_n3A_2695 = arith.select %eq3A_2686, %sub3A_2694, %select_n3A_2676 : vector<16xi1>, vector<16xi32>
    %convert_element_type3A_2696 = arith.extui %eq3A_2686 : vector<16xi1> to vector<16xi32>
    %reduce_sum3A_2697 = arith.constant true
    %reduce_sum3A_2698 = vector.broadcast %reduce_sum3A_2697 : i1 to vector<16xi1>
    %reduce_sum3A_2699 = tpu.scan <sum>, %convert_element_type3A_2696 masked %reduce_sum3A_2698 : vector<16xi32>, vector<16xi1> -> vector<16xi32>
    %reduce_sum3A_2700 = vector.extract %reduce_sum3A_2699[15] : i32 from vector<16xi32>
    %add3A_2701 = vector.broadcast %reduce_sum3A_2700 : i32 to vector<16xi32>
    %add3A_2702 = arith.addi %add3A_2542, %add3A_2701 : vector<16xi32>
    %eq3A_2703 = arith.constant 7 : i32
    %eq3A_2704 = vector.broadcast %eq3A_2703 : i32 to vector<16xi32>
    %eq3A_2705 = arith.cmpi eq, %get3A_2567, %eq3A_2704 : vector<16xi32>
    %convert_element_type3A_2706 = arith.extui %eq3A_2705 : vector<16xi1> to vector<16xi32>
    %broadcast_in_dim3A_2707 = arith.constant true
    %broadcast_in_dim3A_2708 = vector.broadcast %broadcast_in_dim3A_2707 : i1 to vector<16xi1>
    %masked_cumsum3A_2709 = tpu.scan <sum>, %convert_element_type3A_2706 masked %broadcast_in_dim3A_2708 : vector<16xi32>, vector<16xi1> -> vector<16xi32>
    %add3A_2710 = arith.addi %add3A_2561, %masked_cumsum3A_2709 : vector<16xi32>
    %sub3A_2711 = arith.constant 1 : i32
    %sub3A_2712 = vector.broadcast %sub3A_2711 : i32 to vector<16xi32>
    %sub3A_2713 = arith.subi %add3A_2710, %sub3A_2712 : vector<16xi32>
    %select_n3A_2714 = arith.select %eq3A_2705, %sub3A_2713, %select_n3A_2695 : vector<16xi1>, vector<16xi32>
    %convert_element_type3A_2715 = arith.extui %eq3A_2705 : vector<16xi1> to vector<16xi32>
    %reduce_sum3A_2716 = arith.constant true
    %reduce_sum3A_2717 = vector.broadcast %reduce_sum3A_2716 : i1 to vector<16xi1>
    %reduce_sum3A_2718 = tpu.scan <sum>, %convert_element_type3A_2715 masked %reduce_sum3A_2717 : vector<16xi32>, vector<16xi1> -> vector<16xi32>
    %reduce_sum3A_2719 = vector.extract %reduce_sum3A_2718[15] : i32 from vector<16xi32>
    %add3A_2720 = vector.broadcast %reduce_sum3A_2719 : i32 to vector<16xi32>
    %add3A_2721 = arith.addi %add3A_2561, %add3A_2720 : vector<16xi32>
    %swap3A_2722 = arith.constant 3 : i32
    %swap3A_2723 = arith.index_cast %swap3A_2722 : i32 to index
    %swap3A_2724 = arith.constant 16 : index
    %swap3A_2725 = tpu.vector_load %arg10[%swap3A_2723, %swap3A_2724] {strides = array<i32>} : memref<4x32xi32, #tpu.memory_space<vmem>>, vector<16xi32>,
    tpu.vector_store %arg10[%swap3A_2723, %swap3A_2724], %select_n3A_2714 {strides = array<i32>} : memref<4x32xi32, #tpu.memory_space<vmem>>, vector<16xi32>,
    %dma_wait3A = arith.constant 0 : i32
    %dma_wait3A_2726 = arith.constant 0 : i32
    %dma_wait3A_2727 = arith.constant 0 : i32
    %dma_wait3A_2728 = arith.constant 0 : i32
    %dma_wait3A_2729 = tpu.memref_slice %arg9[%dma_wait3A, %dma_wait3A_2727, %dma_wait3A_2728] : memref<4x32x768xf32, #tpu.memory_space<vmem>> -> memref<1x32x768xf32, #tpu.memory_space<vmem>>
    %dma_wait3A_2730 = tpu.memref_squeeze %dma_wait3A_2729 : memref<1x32x768xf32, #tpu.memory_space<vmem>> -> memref<32x768xf32, #tpu.memory_space<vmem>>
    %dma_wait3A_2731 = arith.constant 0 : i32
    %dma_wait3A_2732 = tpu.memref_slice %arg3[%arg0, %add3A_8, %dma_wait3A_2731] : memref<2x2048x768xf32, #tpu.memory_space<hbm>> -> memref<1x32x768xf32, #tpu.memory_space<hbm>>
    %dma_wait3A_2733 = tpu.memref_squeeze %dma_wait3A_2732 : memref<1x32x768xf32, #tpu.memory_space<hbm>> -> memref<32x768xf32, #tpu.memory_space<hbm>>
    %dma_wait3A_2734 = tpu.memref_slice %arg14[%dma_wait3A_2726] : memref<4x!tpu.dma_semaphore, #tpu.memory_space<semaphore_mem>> -> memref<1x!tpu.dma_semaphore, #tpu.memory_space<semaphore_mem>>
    %dma_wait3A_2735 = tpu.memref_squeeze %dma_wait3A_2734 : memref<1x!tpu.dma_semaphore, #tpu.memory_space<semaphore_mem>> -> memref<!tpu.dma_semaphore, #tpu.memory_space<semaphore_mem>>
    %dma_wait3A_2736 = arith.constant 0 : i32
    %dma_wait3A_2737 = arith.constant 0 : i32
    %dma_wait3A_2738 = tpu.memref_slice %arg9[%dma_wait3A, %dma_wait3A_2736, %dma_wait3A_2737] : memref<4x32x768xf32, #tpu.memory_space<vmem>> -> memref<1x32x768xf32, #tpu.memory_space<vmem>>
    %dma_wait3A_2739 = tpu.memref_squeeze %dma_wait3A_2738 : memref<1x32x768xf32, #tpu.memory_space<vmem>> -> memref<32x768xf32, #tpu.memory_space<vmem>>
    %dma_wait3A_2740 = arith.constant 0 : i32
    %dma_wait3A_2741 = tpu.memref_slice %arg3[%arg0, %add3A_8, %dma_wait3A_2740] : memref<2x2048x768xf32, #tpu.memory_space<hbm>> -> memref<1x32x768xf32, #tpu.memory_space<hbm>>
    %dma_wait3A_2742 = tpu.memref_squeeze %dma_wait3A_2741 : memref<1x32x768xf32, #tpu.memory_space<hbm>> -> memref<32x768xf32, #tpu.memory_space<hbm>>
    tpu.wait_dma2 semaphore(%dma_wait3A_2735 : memref<!tpu.dma_semaphore, #tpu.memory_space<semaphore_mem>>) src(%dma_wait3A_2742 : memref<32x768xf32, #tpu.memory_space<hbm>>) dst(%dma_wait3A_2739 : memref<32x768xf32, #tpu.memory_space<vmem>>)
    %dma_start3A_2743 = arith.constant 0 : i32
    %dma_start3A_2744 = arith.constant 0 : i32
    %dma_start3A_2745 = arith.constant 0 : i32
    %dma_start3A_2746 = arith.constant 0 : i32
    %dma_start3A_2747 = tpu.memref_slice %arg9[%dma_start3A_2743, %dma_start3A_2745, %dma_start3A_2746] : memref<4x32x768xf32, #tpu.memory_space<vmem>> -> memref<1x32x768xf32, #tpu.memory_space<vmem>>
    %dma_start3A_2748 = tpu.memref_squeeze %dma_start3A_2747 : memref<1x32x768xf32, #tpu.memory_space<vmem>> -> memref<32x768xf32, #tpu.memory_space<vmem>>
    %dma_start3A_2749 = arith.constant 0 : i32
    %dma_start3A_2750 = tpu.memref_slice %arg10[%dma_start3A_2744, %dma_start3A_2749] : memref<4x32xi32, #tpu.memory_space<vmem>> -> memref<1x32xi32, #tpu.memory_space<vmem>>
    %dma_start3A_2751 = tpu.memref_squeeze %dma_start3A_2750 : memref<1x32xi32, #tpu.memory_space<vmem>> -> memref<32xi32, #tpu.memory_space<vmem>>
    %dma_start3A_2752 = arith.constant 0 : i32
    %dma_start3A_2753 = arith.constant 0 : i32
    %dma_start3A_2754 = tpu.memref_slice %arg4[%dma_start3A_2752, %dma_start3A_2753] : memref<8192x768xf32, #tpu.memory_space<hbm>> -> memref<8192x768xf32, #tpu.memory_space<hbm>>
    tpu.enqueue_indirect_dma source(%dma_start3A_2748 : memref<32x768xf32, #tpu.memory_space<vmem>>) target(%dma_start3A_2754 : memref<8192x768xf32, #tpu.memory_space<hbm>>) offsets(%dma_start3A_2751 : memref<32xi32, #tpu.memory_space<vmem>>) semaphore(%arg15 : memref<!tpu.dma_semaphore, #tpu.memory_space<semaphore_mem>>)
    %dma_wait3A_2755 = arith.constant 1 : i32
    %dma_wait3A_2756 = arith.constant 1 : i32
    %dma_wait3A_2757 = arith.constant 0 : i32
    %dma_wait3A_2758 = arith.constant 0 : i32
    %dma_wait3A_2759 = tpu.memref_slice %arg9[%dma_wait3A_2755, %dma_wait3A_2757, %dma_wait3A_2758] : memref<4x32x768xf32, #tpu.memory_space<vmem>> -> memref<1x32x768xf32, #tpu.memory_space<vmem>>
    %dma_wait3A_2760 = tpu.memref_squeeze %dma_wait3A_2759 : memref<1x32x768xf32, #tpu.memory_space<vmem>> -> memref<32x768xf32, #tpu.memory_space<vmem>>
    %dma_wait3A_2761 = arith.constant 0 : i32
    %dma_wait3A_2762 = tpu.memref_slice %arg3[%arg0, %add3A_29, %dma_wait3A_2761] : memref<2x2048x768xf32, #tpu.memory_space<hbm>> -> memref<1x32x768xf32, #tpu.memory_space<hbm>>
    %dma_wait3A_2763 = tpu.memref_squeeze %dma_wait3A_2762 : memref<1x32x768xf32, #tpu.memory_space<hbm>> -> memref<32x768xf32, #tpu.memory_space<hbm>>
    %dma_wait3A_2764 = tpu.memref_slice %arg14[%dma_wait3A_2756] : memref<4x!tpu.dma_semaphore, #tpu.memory_space<semaphore_mem>> -> memref<1x!tpu.dma_semaphore, #tpu.memory_space<semaphore_mem>>
    %dma_wait3A_2765 = tpu.memref_squeeze %dma_wait3A_2764 : memref<1x!tpu.dma_semaphore, #tpu.memory_space<semaphore_mem>> -> memref<!tpu.dma_semaphore, #tpu.memory_space<semaphore_mem>>
    %dma_wait3A_2766 = arith.constant 0 : i32
    %dma_wait3A_2767 = arith.constant 0 : i32
    %dma_wait3A_2768 = tpu.memref_slice %arg9[%dma_wait3A_2755, %dma_wait3A_2766, %dma_wait3A_2767] : memref<4x32x768xf32, #tpu.memory_space<vmem>> -> memref<1x32x768xf32, #tpu.memory_space<vmem>>
    %dma_wait3A_2769 = tpu.memref_squeeze %dma_wait3A_2768 : memref<1x32x768xf32, #tpu.memory_space<vmem>> -> memref<32x768xf32, #tpu.memory_space<vmem>>
    %dma_wait3A_2770 = arith.constant 0 : i32
    %dma_wait3A_2771 = tpu.memref_slice %arg3[%arg0, %add3A_29, %dma_wait3A_2770] : memref<2x2048x768xf32, #tpu.memory_space<hbm>> -> memref<1x32x768xf32, #tpu.memory_space<hbm>>
    %dma_wait3A_2772 = tpu.memref_squeeze %dma_wait3A_2771 : memref<1x32x768xf32, #tpu.memory_space<hbm>> -> memref<32x768xf32, #tpu.memory_space<hbm>>
    tpu.wait_dma2 semaphore(%dma_wait3A_2765 : memref<!tpu.dma_semaphore, #tpu.memory_space<semaphore_mem>>) src(%dma_wait3A_2772 : memref<32x768xf32, #tpu.memory_space<hbm>>) dst(%dma_wait3A_2769 : memref<32x768xf32, #tpu.memory_space<vmem>>)
    %dma_start3A_2773 = arith.constant 1 : i32
    %dma_start3A_2774 = arith.constant 1 : i32
    %dma_start3A_2775 = arith.constant 0 : i32
    %dma_start3A_2776 = arith.constant 0 : i32
    %dma_start3A_2777 = tpu.memref_slice %arg9[%dma_start3A_2773, %dma_start3A_2775, %dma_start3A_2776] : memref<4x32x768xf32, #tpu.memory_space<vmem>> -> memref<1x32x768xf32, #tpu.memory_space<vmem>>
    %dma_start3A_2778 = tpu.memref_squeeze %dma_start3A_2777 : memref<1x32x768xf32, #tpu.memory_space<vmem>> -> memref<32x768xf32, #tpu.memory_space<vmem>>
    %dma_start3A_2779 = arith.constant 0 : i32
    %dma_start3A_2780 = tpu.memref_slice %arg10[%dma_start3A_2774, %dma_start3A_2779] : memref<4x32xi32, #tpu.memory_space<vmem>> -> memref<1x32xi32, #tpu.memory_space<vmem>>
    %dma_start3A_2781 = tpu.memref_squeeze %dma_start3A_2780 : memref<1x32xi32, #tpu.memory_space<vmem>> -> memref<32xi32, #tpu.memory_space<vmem>>
    %dma_start3A_2782 = arith.constant 0 : i32
    %dma_start3A_2783 = arith.constant 0 : i32
    %dma_start3A_2784 = tpu.memref_slice %arg4[%dma_start3A_2782, %dma_start3A_2783] : memref<8192x768xf32, #tpu.memory_space<hbm>> -> memref<8192x768xf32, #tpu.memory_space<hbm>>
    tpu.enqueue_indirect_dma source(%dma_start3A_2778 : memref<32x768xf32, #tpu.memory_space<vmem>>) target(%dma_start3A_2784 : memref<8192x768xf32, #tpu.memory_space<hbm>>) offsets(%dma_start3A_2781 : memref<32xi32, #tpu.memory_space<vmem>>) semaphore(%arg15 : memref<!tpu.dma_semaphore, #tpu.memory_space<semaphore_mem>>)
    %dma_wait3A_2785 = arith.constant 2 : i32
    %dma_wait3A_2786 = arith.constant 2 : i32
    %dma_wait3A_2787 = arith.constant 0 : i32
    %dma_wait3A_2788 = arith.constant 0 : i32
    %dma_wait3A_2789 = tpu.memref_slice %arg9[%dma_wait3A_2785, %dma_wait3A_2787, %dma_wait3A_2788] : memref<4x32x768xf32, #tpu.memory_space<vmem>> -> memref<1x32x768xf32, #tpu.memory_space<vmem>>
    %dma_wait3A_2790 = tpu.memref_squeeze %dma_wait3A_2789 : memref<1x32x768xf32, #tpu.memory_space<vmem>> -> memref<32x768xf32, #tpu.memory_space<vmem>>
    %dma_wait3A_2791 = arith.constant 0 : i32
    %dma_wait3A_2792 = tpu.memref_slice %arg3[%arg0, %add3A_51, %dma_wait3A_2791] : memref<2x2048x768xf32, #tpu.memory_space<hbm>> -> memref<1x32x768xf32, #tpu.memory_space<hbm>>
    %dma_wait3A_2793 = tpu.memref_squeeze %dma_wait3A_2792 : memref<1x32x768xf32, #tpu.memory_space<hbm>> -> memref<32x768xf32, #tpu.memory_space<hbm>>
    %dma_wait3A_2794 = tpu.memref_slice %arg14[%dma_wait3A_2786] : memref<4x!tpu.dma_semaphore, #tpu.memory_space<semaphore_mem>> -> memref<1x!tpu.dma_semaphore, #tpu.memory_space<semaphore_mem>>
    %dma_wait3A_2795 = tpu.memref_squeeze %dma_wait3A_2794 : memref<1x!tpu.dma_semaphore, #tpu.memory_space<semaphore_mem>> -> memref<!tpu.dma_semaphore, #tpu.memory_space<semaphore_mem>>
    %dma_wait3A_2796 = arith.constant 0 : i32
    %dma_wait3A_2797 = arith.constant 0 : i32
    %dma_wait3A_2798 = tpu.memref_slice %arg9[%dma_wait3A_2785, %dma_wait3A_2796, %dma_wait3A_2797] : memref<4x32x768xf32, #tpu.memory_space<vmem>> -> memref<1x32x768xf32, #tpu.memory_space<vmem>>
    %dma_wait3A_2799 = tpu.memref_squeeze %dma_wait3A_2798 : memref<1x32x768xf32, #tpu.memory_space<vmem>> -> memref<32x768xf32, #tpu.memory_space<vmem>>
    %dma_wait3A_2800 = arith.constant 0 : i32
    %dma_wait3A_2801 = tpu.memref_slice %arg3[%arg0, %add3A_51, %dma_wait3A_2800] : memref<2x2048x768xf32, #tpu.memory_space<hbm>> -> memref<1x32x768xf32, #tpu.memory_space<hbm>>
    %dma_wait3A_2802 = tpu.memref_squeeze %dma_wait3A_2801 : memref<1x32x768xf32, #tpu.memory_space<hbm>> -> memref<32x768xf32, #tpu.memory_space<hbm>>
    tpu.wait_dma2 semaphore(%dma_wait3A_2795 : memref<!tpu.dma_semaphore, #tpu.memory_space<semaphore_mem>>) src(%dma_wait3A_2802 : memref<32x768xf32, #tpu.memory_space<hbm>>) dst(%dma_wait3A_2799 : memref<32x768xf32, #tpu.memory_space<vmem>>)
    %dma_start3A_2803 = arith.constant 2 : i32
    %dma_start3A_2804 = arith.constant 2 : i32
    %dma_start3A_2805 = arith.constant 0 : i32
    %dma_start3A_2806 = arith.constant 0 : i32
    %dma_start3A_2807 = tpu.memref_slice %arg9[%dma_start3A_2803, %dma_start3A_2805, %dma_start3A_2806] : memref<4x32x768xf32, #tpu.memory_space<vmem>> -> memref<1x32x768xf32, #tpu.memory_space<vmem>>
    %dma_start3A_2808 = tpu.memref_squeeze %dma_start3A_2807 : memref<1x32x768xf32, #tpu.memory_space<vmem>> -> memref<32x768xf32, #tpu.memory_space<vmem>>
    %dma_start3A_2809 = arith.constant 0 : i32
    %dma_start3A_2810 = tpu.memref_slice %arg10[%dma_start3A_2804, %dma_start3A_2809] : memref<4x32xi32, #tpu.memory_space<vmem>> -> memref<1x32xi32, #tpu.memory_space<vmem>>
    %dma_start3A_2811 = tpu.memref_squeeze %dma_start3A_2810 : memref<1x32xi32, #tpu.memory_space<vmem>> -> memref<32xi32, #tpu.memory_space<vmem>>
    %dma_start3A_2812 = arith.constant 0 : i32
    %dma_start3A_2813 = arith.constant 0 : i32
    %dma_start3A_2814 = tpu.memref_slice %arg4[%dma_start3A_2812, %dma_start3A_2813] : memref<8192x768xf32, #tpu.memory_space<hbm>> -> memref<8192x768xf32, #tpu.memory_space<hbm>>
    tpu.enqueue_indirect_dma source(%dma_start3A_2808 : memref<32x768xf32, #tpu.memory_space<vmem>>) target(%dma_start3A_2814 : memref<8192x768xf32, #tpu.memory_space<hbm>>) offsets(%dma_start3A_2811 : memref<32xi32, #tpu.memory_space<vmem>>) semaphore(%arg15 : memref<!tpu.dma_semaphore, #tpu.memory_space<semaphore_mem>>)
    %dma_wait3A_2815 = arith.constant 3 : i32
    %dma_wait3A_2816 = arith.constant 3 : i32
    %dma_wait3A_2817 = arith.constant 0 : i32
    %dma_wait3A_2818 = arith.constant 0 : i32
    %dma_wait3A_2819 = tpu.memref_slice %arg9[%dma_wait3A_2815, %dma_wait3A_2817, %dma_wait3A_2818] : memref<4x32x768xf32, #tpu.memory_space<vmem>> -> memref<1x32x768xf32, #tpu.memory_space<vmem>>
    %dma_wait3A_2820 = tpu.memref_squeeze %dma_wait3A_2819 : memref<1x32x768xf32, #tpu.memory_space<vmem>> -> memref<32x768xf32, #tpu.memory_space<vmem>>
    %dma_wait3A_2821 = arith.constant 0 : i32
    %dma_wait3A_2822 = tpu.memref_slice %arg3[%arg0, %add3A_73, %dma_wait3A_2821] : memref<2x2048x768xf32, #tpu.memory_space<hbm>> -> memref<1x32x768xf32, #tpu.memory_space<hbm>>
    %dma_wait3A_2823 = tpu.memref_squeeze %dma_wait3A_2822 : memref<1x32x768xf32, #tpu.memory_space<hbm>> -> memref<32x768xf32, #tpu.memory_space<hbm>>
    %dma_wait3A_2824 = tpu.memref_slice %arg14[%dma_wait3A_2816] : memref<4x!tpu.dma_semaphore, #tpu.memory_space<semaphore_mem>> -> memref<1x!tpu.dma_semaphore, #tpu.memory_space<semaphore_mem>>
    %dma_wait3A_2825 = tpu.memref_squeeze %dma_wait3A_2824 : memref<1x!tpu.dma_semaphore, #tpu.memory_space<semaphore_mem>> -> memref<!tpu.dma_semaphore, #tpu.memory_space<semaphore_mem>>
    %dma_wait3A_2826 = arith.constant 0 : i32
    %dma_wait3A_2827 = arith.constant 0 : i32
    %dma_wait3A_2828 = tpu.memref_slice %arg9[%dma_wait3A_2815, %dma_wait3A_2826, %dma_wait3A_2827] : memref<4x32x768xf32, #tpu.memory_space<vmem>> -> memref<1x32x768xf32, #tpu.memory_space<vmem>>
    %dma_wait3A_2829 = tpu.memref_squeeze %dma_wait3A_2828 : memref<1x32x768xf32, #tpu.memory_space<vmem>> -> memref<32x768xf32, #tpu.memory_space<vmem>>
    %dma_wait3A_2830 = arith.constant 0 : i32
    %dma_wait3A_2831 = tpu.memref_slice %arg3[%arg0, %add3A_73, %dma_wait3A_2830] : memref<2x2048x768xf32, #tpu.memory_space<hbm>> -> memref<1x32x768xf32, #tpu.memory_space<hbm>>
    %dma_wait3A_2832 = tpu.memref_squeeze %dma_wait3A_2831 : memref<1x32x768xf32, #tpu.memory_space<hbm>> -> memref<32x768xf32, #tpu.memory_space<hbm>>
    tpu.wait_dma2 semaphore(%dma_wait3A_2825 : memref<!tpu.dma_semaphore, #tpu.memory_space<semaphore_mem>>) src(%dma_wait3A_2832 : memref<32x768xf32, #tpu.memory_space<hbm>>) dst(%dma_wait3A_2829 : memref<32x768xf32, #tpu.memory_space<vmem>>)
    %dma_start3A_2833 = arith.constant 3 : i32
    %dma_start3A_2834 = arith.constant 3 : i32
    %dma_start3A_2835 = arith.constant 0 : i32
    %dma_start3A_2836 = arith.constant 0 : i32
    %dma_start3A_2837 = tpu.memref_slice %arg9[%dma_start3A_2833, %dma_start3A_2835, %dma_start3A_2836] : memref<4x32x768xf32, #tpu.memory_space<vmem>> -> memref<1x32x768xf32, #tpu.memory_space<vmem>>
    %dma_start3A_2838 = tpu.memref_squeeze %dma_start3A_2837 : memref<1x32x768xf32, #tpu.memory_space<vmem>> -> memref<32x768xf32, #tpu.memory_space<vmem>>
    %dma_start3A_2839 = arith.constant 0 : i32
    %dma_start3A_2840 = tpu.memref_slice %arg10[%dma_start3A_2834, %dma_start3A_2839] : memref<4x32xi32, #tpu.memory_space<vmem>> -> memref<1x32xi32, #tpu.memory_space<vmem>>
    %dma_start3A_2841 = tpu.memref_squeeze %dma_start3A_2840 : memref<1x32xi32, #tpu.memory_space<vmem>> -> memref<32xi32, #tpu.memory_space<vmem>>
    %dma_start3A_2842 = arith.constant 0 : i32
    %dma_start3A_2843 = arith.constant 0 : i32
    %dma_start3A_2844 = tpu.memref_slice %arg4[%dma_start3A_2842, %dma_start3A_2843] : memref<8192x768xf32, #tpu.memory_space<hbm>> -> memref<8192x768xf32, #tpu.memory_space<hbm>>
    tpu.enqueue_indirect_dma source(%dma_start3A_2838 : memref<32x768xf32, #tpu.memory_space<vmem>>) target(%dma_start3A_2844 : memref<8192x768xf32, #tpu.memory_space<hbm>>) offsets(%dma_start3A_2841 : memref<32xi32, #tpu.memory_space<vmem>>) semaphore(%arg15 : memref<!tpu.dma_semaphore, #tpu.memory_space<semaphore_mem>>)
    %dma_wait3A_2845 = arith.constant 0 : i32
    %dma_wait3A_2846 = arith.constant 0 : i32
    %dma_wait3A_2847 = arith.constant 0 : i32
    %dma_wait3A_2848 = arith.constant 0 : i32
    %dma_wait3A_2849 = tpu.memref_slice %arg9[%dma_wait3A_2845, %dma_wait3A_2847, %dma_wait3A_2848] : memref<4x32x768xf32, #tpu.memory_space<vmem>> -> memref<1x32x768xf32, #tpu.memory_space<vmem>>
    %dma_wait3A_2850 = tpu.memref_squeeze %dma_wait3A_2849 : memref<1x32x768xf32, #tpu.memory_space<vmem>> -> memref<32x768xf32, #tpu.memory_space<vmem>>
    %dma_wait3A_2851 = arith.constant 0 : i32
    %dma_wait3A_2852 = tpu.memref_slice %arg10[%dma_wait3A_2846, %dma_wait3A_2851] : memref<4x32xi32, #tpu.memory_space<vmem>> -> memref<1x32xi32, #tpu.memory_space<vmem>>
    %dma_wait3A_2853 = tpu.memref_squeeze %dma_wait3A_2852 : memref<1x32xi32, #tpu.memory_space<vmem>> -> memref<32xi32, #tpu.memory_space<vmem>>
    %dma_wait3A_2854 = arith.constant 0 : i32
    %dma_wait3A_2855 = arith.constant 0 : i32
    %dma_wait3A_2856 = tpu.memref_slice %arg4[%dma_wait3A_2854, %dma_wait3A_2855] : memref<8192x768xf32, #tpu.memory_space<hbm>> -> memref<8192x768xf32, #tpu.memory_space<hbm>>
    tpu.wait_indirect_dma semaphore(%arg15 : memref<!tpu.dma_semaphore, #tpu.memory_space<semaphore_mem>>) src(%dma_wait3A_2850 : memref<32x768xf32, #tpu.memory_space<vmem>>) dst(%dma_wait3A_2856 : memref<8192x768xf32, #tpu.memory_space<hbm>>)
    %dma_wait3A_2857 = arith.constant 1 : i32
    %dma_wait3A_2858 = arith.constant 1 : i32
    %dma_wait3A_2859 = arith.constant 0 : i32
    %dma_wait3A_2860 = arith.constant 0 : i32
    %dma_wait3A_2861 = tpu.memref_slice %arg9[%dma_wait3A_2857, %dma_wait3A_2859, %dma_wait3A_2860] : memref<4x32x768xf32, #tpu.memory_space<vmem>> -> memref<1x32x768xf32, #tpu.memory_space<vmem>>
    %dma_wait3A_2862 = tpu.memref_squeeze %dma_wait3A_2861 : memref<1x32x768xf32, #tpu.memory_space<vmem>> -> memref<32x768xf32, #tpu.memory_space<vmem>>
    %dma_wait3A_2863 = arith.constant 0 : i32
    %dma_wait3A_2864 = tpu.memref_slice %arg10[%dma_wait3A_2858, %dma_wait3A_2863] : memref<4x32xi32, #tpu.memory_space<vmem>> -> memref<1x32xi32, #tpu.memory_space<vmem>>
    %dma_wait3A_2865 = tpu.memref_squeeze %dma_wait3A_2864 : memref<1x32xi32, #tpu.memory_space<vmem>> -> memref<32xi32, #tpu.memory_space<vmem>>
    %dma_wait3A_2866 = arith.constant 0 : i32
    %dma_wait3A_2867 = arith.constant 0 : i32
    %dma_wait3A_2868 = tpu.memref_slice %arg4[%dma_wait3A_2866, %dma_wait3A_2867] : memref<8192x768xf32, #tpu.memory_space<hbm>> -> memref<8192x768xf32, #tpu.memory_space<hbm>>
    tpu.wait_indirect_dma semaphore(%arg15 : memref<!tpu.dma_semaphore, #tpu.memory_space<semaphore_mem>>) src(%dma_wait3A_2862 : memref<32x768xf32, #tpu.memory_space<vmem>>) dst(%dma_wait3A_2868 : memref<8192x768xf32, #tpu.memory_space<hbm>>)
    %dma_wait3A_2869 = arith.constant 2 : i32
    %dma_wait3A_2870 = arith.constant 2 : i32
    %dma_wait3A_2871 = arith.constant 0 : i32
    %dma_wait3A_2872 = arith.constant 0 : i32
    %dma_wait3A_2873 = tpu.memref_slice %arg9[%dma_wait3A_2869, %dma_wait3A_2871, %dma_wait3A_2872] : memref<4x32x768xf32, #tpu.memory_space<vmem>> -> memref<1x32x768xf32, #tpu.memory_space<vmem>>
    %dma_wait3A_2874 = tpu.memref_squeeze %dma_wait3A_2873 : memref<1x32x768xf32, #tpu.memory_space<vmem>> -> memref<32x768xf32, #tpu.memory_space<vmem>>
    %dma_wait3A_2875 = arith.constant 0 : i32
    %dma_wait3A_2876 = tpu.memref_slice %arg10[%dma_wait3A_2870, %dma_wait3A_2875] : memref<4x32xi32, #tpu.memory_space<vmem>> -> memref<1x32xi32, #tpu.memory_space<vmem>>
    %dma_wait3A_2877 = tpu.memref_squeeze %dma_wait3A_2876 : memref<1x32xi32, #tpu.memory_space<vmem>> -> memref<32xi32, #tpu.memory_space<vmem>>
    %dma_wait3A_2878 = arith.constant 0 : i32
    %dma_wait3A_2879 = arith.constant 0 : i32
    %dma_wait3A_2880 = tpu.memref_slice %arg4[%dma_wait3A_2878, %dma_wait3A_2879] : memref<8192x768xf32, #tpu.memory_space<hbm>> -> memref<8192x768xf32, #tpu.memory_space<hbm>>
    tpu.wait_indirect_dma semaphore(%arg15 : memref<!tpu.dma_semaphore, #tpu.memory_space<semaphore_mem>>) src(%dma_wait3A_2874 : memref<32x768xf32, #tpu.memory_space<vmem>>) dst(%dma_wait3A_2880 : memref<8192x768xf32, #tpu.memory_space<hbm>>)
    %dma_wait3A_2881 = arith.constant 3 : i32
    %dma_wait3A_2882 = arith.constant 3 : i32
    %dma_wait3A_2883 = arith.constant 0 : i32
    %dma_wait3A_2884 = arith.constant 0 : i32
    %dma_wait3A_2885 = tpu.memref_slice %arg9[%dma_wait3A_2881, %dma_wait3A_2883, %dma_wait3A_2884] : memref<4x32x768xf32, #tpu.memory_space<vmem>> -> memref<1x32x768xf32, #tpu.memory_space<vmem>>
    %dma_wait3A_2886 = tpu.memref_squeeze %dma_wait3A_2885 : memref<1x32x768xf32, #tpu.memory_space<vmem>> -> memref<32x768xf32, #tpu.memory_space<vmem>>
    %dma_wait3A_2887 = arith.constant 0 : i32
    %dma_wait3A_2888 = tpu.memref_slice %arg10[%dma_wait3A_2882, %dma_wait3A_2887] : memref<4x32xi32, #tpu.memory_space<vmem>> -> memref<1x32xi32, #tpu.memory_space<vmem>>
    %dma_wait3A_2889 = tpu.memref_squeeze %dma_wait3A_2888 : memref<1x32xi32, #tpu.memory_space<vmem>> -> memref<32xi32, #tpu.memory_space<vmem>>
    %dma_wait3A_2890 = arith.constant 0 : i32
    %dma_wait3A_2891 = arith.constant 0 : i32
    %dma_wait3A_2892 = tpu.memref_slice %arg4[%dma_wait3A_2890, %dma_wait3A_2891] : memref<8192x768xf32, #tpu.memory_space<hbm>> -> memref<8192x768xf32, #tpu.memory_space<hbm>>
    tpu.wait_indirect_dma semaphore(%arg15 : memref<!tpu.dma_semaphore, #tpu.memory_space<semaphore_mem>>) src(%dma_wait3A_2886 : memref<32x768xf32, #tpu.memory_space<vmem>>) dst(%dma_wait3A_2892 : memref<8192x768xf32, #tpu.memory_space<hbm>>)
    %eq3A_2893 = arith.constant 0 : i32
    %eq3A_2894 = arith.cmpi eq, %arg1, %eq3A_2893 : i32
    %convert_element_type3A_2895 = arith.extui %eq3A_2894 : i1 to i32
    %cond3A = arith.constant 0 : i32
    %cond3A_2896 = arith.constant 0 : i32
    %cond3A_2897 = arith.cmpi ne, %convert_element_type3A_2895, %cond3A_2896 : i32
    scf.if %cond3A_2897 {
      %broadcast_in_dim3A_2898 = arith.constant 0 : i32
      %broadcast_in_dim3A_2899 = vector.broadcast %broadcast_in_dim3A_2898 : i32 to vector<16xi32>
      %broadcast_in_dim3A_2900 = arith.constant 0 : i32
      %broadcast_in_dim3A_2901 = vector.broadcast %broadcast_in_dim3A_2900 : i32 to vector<16xi32>
      %add3A_2902 = arith.constant 255 : i32
      %add3A_2903 = arith.addi %reduce_sum3A_1014, %add3A_2902 : i32
      %jit3A_2904 = arith.constant 256 : i32
      %div3A_2905 = arith.divsi %add3A_2903, %jit3A_2904 : i32
      %sign3A_2906 = arith.constant 0 : i32
      %sign3A_2907 = arith.cmpi sgt, %add3A_2903, %sign3A_2906 : i32
      %sign3A_2908 = arith.extui %sign3A_2907 : i1 to i32
      %sign3A_2909 = arith.constant 0 : i32
      %sign3A_2910 = arith.cmpi slt, %add3A_2903, %sign3A_2909 : i32
      %sign3A_2911 = arith.extui %sign3A_2910 : i1 to i32
      %sign3A_2912 = arith.subi %sign3A_2908, %sign3A_2911 : i32
      %sign3A_2913 = arith.constant 0 : i32
      %sign3A_2914 = arith.cmpi sgt, %jit3A_2904, %sign3A_2913 : i32
      %sign3A_2915 = arith.extui %sign3A_2914 : i1 to i32
      %sign3A_2916 = arith.constant 0 : i32
      %sign3A_2917 = arith.cmpi slt, %jit3A_2904, %sign3A_2916 : i32
      %sign3A_2918 = arith.extui %sign3A_2917 : i1 to i32
      %sign3A_2919 = arith.subi %sign3A_2915, %sign3A_2918 : i32
      %ne3A_2920 = arith.cmpi ne, %sign3A_2912, %sign3A_2919 : i32
      %rem3A_2921 = arith.remsi %add3A_2903, %jit3A_2904 : i32
      %ne3A_2922 = arith.constant 0 : i32
      %ne3A_2923 = arith.cmpi ne, %rem3A_2921, %ne3A_2922 : i32
      %and3A_2924 = arith.andi %ne3A_2920, %ne3A_2923 : i1
      %sub3A_2925 = arith.constant 1 : i32
      %sub3A_2926 = arith.subi %div3A_2905, %sub3A_2925 : i32
      %select_n3A_2927 = arith.select %and3A_2924, %sub3A_2926, %div3A_2905 : i32
      %ge3A = vector.broadcast %cond3A : i32 to vector<16xi32>
      %ge3A_2928 = arith.cmpi sge, %iota3A, %ge3A : vector<16xi32>
      %add3A_2929 = arith.addi %cond3A, %select_n3A_2927 : i32
      %lt3A = vector.broadcast %add3A_2929 : i32 to vector<16xi32>
      %lt3A_2930 = arith.cmpi slt, %iota3A, %lt3A : vector<16xi32>
      %and3A_2931 = arith.andi %ge3A_2928, %lt3A_2930 : vector<16xi1>
      %jit3A_2932 = arith.constant 0 : i32
      %broadcast_in_dim3A_2933 = vector.broadcast %jit3A_2932 : i32 to vector<16xi32>
      %select_n3A_2934 = arith.select %and3A_2931, %broadcast_in_dim3A_2933, %broadcast_in_dim3A_2899 : vector<16xi1>, vector<16xi32>
      %sub3A_2935 = vector.broadcast %cond3A : i32 to vector<16xi32>
      %sub3A_2936 = arith.subi %iota3A, %sub3A_2935 : vector<16xi32>
      %mul3A_2937 = arith.constant 256 : i32
      %mul3A_2938 = vector.broadcast %mul3A_2937 : i32 to vector<16xi32>
      %mul3A_2939 = arith.muli %sub3A_2936, %mul3A_2938 : vector<16xi32>
      %sub3A_2940 = vector.broadcast %reduce_sum3A_1014 : i32 to vector<16xi32>
      %sub3A_2941 = arith.subi %sub3A_2940, %mul3A_2939 : vector<16xi32>
      %jit3A_2942 = arith.constant 0 : i32
      %jit3A_2943 = arith.constant 256 : i32
      %max3A = vector.broadcast %jit3A_2942 : i32 to vector<16xi32>
      %max3A_2944 = arith.maxsi %max3A, %sub3A_2941 : vector<16xi32>
      %min3A = vector.broadcast %jit3A_2943 : i32 to vector<16xi32>
      %min3A_2945 = arith.minsi %min3A, %max3A_2944 : vector<16xi32>
      %select_n3A_2946 = arith.select %and3A_2931, %min3A_2945, %broadcast_in_dim3A_2901 : vector<16xi1>, vector<16xi32>
      %add3A_2947 = arith.constant 255 : i32
      %add3A_2948 = arith.addi %reduce_sum3A_1063, %add3A_2947 : i32
      %jit3A_2949 = arith.constant 256 : i32
      %div3A_2950 = arith.divsi %add3A_2948, %jit3A_2949 : i32
      %sign3A_2951 = arith.constant 0 : i32
      %sign3A_2952 = arith.cmpi sgt, %add3A_2948, %sign3A_2951 : i32
      %sign3A_2953 = arith.extui %sign3A_2952 : i1 to i32
      %sign3A_2954 = arith.constant 0 : i32
      %sign3A_2955 = arith.cmpi slt, %add3A_2948, %sign3A_2954 : i32
      %sign3A_2956 = arith.extui %sign3A_2955 : i1 to i32
      %sign3A_2957 = arith.subi %sign3A_2953, %sign3A_2956 : i32
      %sign3A_2958 = arith.constant 0 : i32
      %sign3A_2959 = arith.cmpi sgt, %jit3A_2949, %sign3A_2958 : i32
      %sign3A_2960 = arith.extui %sign3A_2959 : i1 to i32
      %sign3A_2961 = arith.constant 0 : i32
      %sign3A_2962 = arith.cmpi slt, %jit3A_2949, %sign3A_2961 : i32
      %sign3A_2963 = arith.extui %sign3A_2962 : i1 to i32
      %sign3A_2964 = arith.subi %sign3A_2960, %sign3A_2963 : i32
      %ne3A_2965 = arith.cmpi ne, %sign3A_2957, %sign3A_2964 : i32
      %rem3A_2966 = arith.remsi %add3A_2948, %jit3A_2949 : i32
      %ne3A_2967 = arith.constant 0 : i32
      %ne3A_2968 = arith.cmpi ne, %rem3A_2966, %ne3A_2967 : i32
      %and3A_2969 = arith.andi %ne3A_2965, %ne3A_2968 : i1
      %sub3A_2970 = arith.constant 1 : i32
      %sub3A_2971 = arith.subi %div3A_2950, %sub3A_2970 : i32
      %select_n3A_2972 = arith.select %and3A_2969, %sub3A_2971, %div3A_2950 : i32
      %ge3A_2973 = vector.broadcast %add3A_1052 : i32 to vector<16xi32>
      %ge3A_2974 = arith.cmpi sge, %iota3A, %ge3A_2973 : vector<16xi32>
      %add3A_2975 = arith.addi %add3A_1052, %select_n3A_2972 : i32
      %lt3A_2976 = vector.broadcast %add3A_2975 : i32 to vector<16xi32>
      %lt3A_2977 = arith.cmpi slt, %iota3A, %lt3A_2976 : vector<16xi32>
      %and3A_2978 = arith.andi %ge3A_2974, %lt3A_2977 : vector<16xi1>
      %jit3A_2979 = arith.constant 1 : i32
      %broadcast_in_dim3A_2980 = vector.broadcast %jit3A_2979 : i32 to vector<16xi32>
      %select_n3A_2981 = arith.select %and3A_2978, %broadcast_in_dim3A_2980, %select_n3A_2934 : vector<16xi1>, vector<16xi32>
      %sub3A_2982 = vector.broadcast %add3A_1052 : i32 to vector<16xi32>
      %sub3A_2983 = arith.subi %iota3A, %sub3A_2982 : vector<16xi32>
      %mul3A_2984 = arith.constant 256 : i32
      %mul3A_2985 = vector.broadcast %mul3A_2984 : i32 to vector<16xi32>
      %mul3A_2986 = arith.muli %sub3A_2983, %mul3A_2985 : vector<16xi32>
      %sub3A_2987 = vector.broadcast %reduce_sum3A_1063 : i32 to vector<16xi32>
      %sub3A_2988 = arith.subi %sub3A_2987, %mul3A_2986 : vector<16xi32>
      %jit3A_2989 = arith.constant 0 : i32
      %jit3A_2990 = arith.constant 256 : i32
      %max3A_2991 = vector.broadcast %jit3A_2989 : i32 to vector<16xi32>
      %max3A_2992 = arith.maxsi %max3A_2991, %sub3A_2988 : vector<16xi32>
      %min3A_2993 = vector.broadcast %jit3A_2990 : i32 to vector<16xi32>
      %min3A_2994 = arith.minsi %min3A_2993, %max3A_2992 : vector<16xi32>
      %select_n3A_2995 = arith.select %and3A_2978, %min3A_2994, %select_n3A_2946 : vector<16xi1>, vector<16xi32>
      %add3A_2996 = arith.constant 255 : i32
      %add3A_2997 = arith.addi %reduce_sum3A_1118, %add3A_2996 : i32
      %jit3A_2998 = arith.constant 256 : i32
      %div3A_2999 = arith.divsi %add3A_2997, %jit3A_2998 : i32
      %sign3A_3000 = arith.constant 0 : i32
      %sign3A_3001 = arith.cmpi sgt, %add3A_2997, %sign3A_3000 : i32
      %sign3A_3002 = arith.extui %sign3A_3001 : i1 to i32
      %sign3A_3003 = arith.constant 0 : i32
      %sign3A_3004 = arith.cmpi slt, %add3A_2997, %sign3A_3003 : i32
      %sign3A_3005 = arith.extui %sign3A_3004 : i1 to i32
      %sign3A_3006 = arith.subi %sign3A_3002, %sign3A_3005 : i32
      %sign3A_3007 = arith.constant 0 : i32
      %sign3A_3008 = arith.cmpi sgt, %jit3A_2998, %sign3A_3007 : i32
      %sign3A_3009 = arith.extui %sign3A_3008 : i1 to i32
      %sign3A_3010 = arith.constant 0 : i32
      %sign3A_3011 = arith.cmpi slt, %jit3A_2998, %sign3A_3010 : i32
      %sign3A_3012 = arith.extui %sign3A_3011 : i1 to i32
      %sign3A_3013 = arith.subi %sign3A_3009, %sign3A_3012 : i32
      %ne3A_3014 = arith.cmpi ne, %sign3A_3006, %sign3A_3013 : i32
      %rem3A_3015 = arith.remsi %add3A_2997, %jit3A_2998 : i32
      %ne3A_3016 = arith.constant 0 : i32
      %ne3A_3017 = arith.cmpi ne, %rem3A_3015, %ne3A_3016 : i32
      %and3A_3018 = arith.andi %ne3A_3014, %ne3A_3017 : i1
      %sub3A_3019 = arith.constant 1 : i32
      %sub3A_3020 = arith.subi %div3A_2999, %sub3A_3019 : i32
      %select_n3A_3021 = arith.select %and3A_3018, %sub3A_3020, %div3A_2999 : i32
      %ge3A_3022 = vector.broadcast %add3A_1107 : i32 to vector<16xi32>
      %ge3A_3023 = arith.cmpi sge, %iota3A, %ge3A_3022 : vector<16xi32>
      %add3A_3024 = arith.addi %add3A_1107, %select_n3A_3021 : i32
      %lt3A_3025 = vector.broadcast %add3A_3024 : i32 to vector<16xi32>
      %lt3A_3026 = arith.cmpi slt, %iota3A, %lt3A_3025 : vector<16xi32>
      %and3A_3027 = arith.andi %ge3A_3023, %lt3A_3026 : vector<16xi1>
      %jit3A_3028 = arith.constant 2 : i32
      %broadcast_in_dim3A_3029 = vector.broadcast %jit3A_3028 : i32 to vector<16xi32>
      %select_n3A_3030 = arith.select %and3A_3027, %broadcast_in_dim3A_3029, %select_n3A_2981 : vector<16xi1>, vector<16xi32>
      %sub3A_3031 = vector.broadcast %add3A_1107 : i32 to vector<16xi32>
      %sub3A_3032 = arith.subi %iota3A, %sub3A_3031 : vector<16xi32>
      %mul3A_3033 = arith.constant 256 : i32
      %mul3A_3034 = vector.broadcast %mul3A_3033 : i32 to vector<16xi32>
      %mul3A_3035 = arith.muli %sub3A_3032, %mul3A_3034 : vector<16xi32>
      %sub3A_3036 = vector.broadcast %reduce_sum3A_1118 : i32 to vector<16xi32>
      %sub3A_3037 = arith.subi %sub3A_3036, %mul3A_3035 : vector<16xi32>
      %jit3A_3038 = arith.constant 0 : i32
      %jit3A_3039 = arith.constant 256 : i32
      %max3A_3040 = vector.broadcast %jit3A_3038 : i32 to vector<16xi32>
      %max3A_3041 = arith.maxsi %max3A_3040, %sub3A_3037 : vector<16xi32>
      %min3A_3042 = vector.broadcast %jit3A_3039 : i32 to vector<16xi32>
      %min3A_3043 = arith.minsi %min3A_3042, %max3A_3041 : vector<16xi32>
      %select_n3A_3044 = arith.select %and3A_3027, %min3A_3043, %select_n3A_2995 : vector<16xi1>, vector<16xi32>
      %add3A_3045 = arith.constant 255 : i32
      %add3A_3046 = arith.addi %reduce_sum3A_1173, %add3A_3045 : i32
      %jit3A_3047 = arith.constant 256 : i32
      %div3A_3048 = arith.divsi %add3A_3046, %jit3A_3047 : i32
      %sign3A_3049 = arith.constant 0 : i32
      %sign3A_3050 = arith.cmpi sgt, %add3A_3046, %sign3A_3049 : i32
      %sign3A_3051 = arith.extui %sign3A_3050 : i1 to i32
      %sign3A_3052 = arith.constant 0 : i32
      %sign3A_3053 = arith.cmpi slt, %add3A_3046, %sign3A_3052 : i32
      %sign3A_3054 = arith.extui %sign3A_3053 : i1 to i32
      %sign3A_3055 = arith.subi %sign3A_3051, %sign3A_3054 : i32
      %sign3A_3056 = arith.constant 0 : i32
      %sign3A_3057 = arith.cmpi sgt, %jit3A_3047, %sign3A_3056 : i32
      %sign3A_3058 = arith.extui %sign3A_3057 : i1 to i32
      %sign3A_3059 = arith.constant 0 : i32
      %sign3A_3060 = arith.cmpi slt, %jit3A_3047, %sign3A_3059 : i32
      %sign3A_3061 = arith.extui %sign3A_3060 : i1 to i32
      %sign3A_3062 = arith.subi %sign3A_3058, %sign3A_3061 : i32
      %ne3A_3063 = arith.cmpi ne, %sign3A_3055, %sign3A_3062 : i32
      %rem3A_3064 = arith.remsi %add3A_3046, %jit3A_3047 : i32
      %ne3A_3065 = arith.constant 0 : i32
      %ne3A_3066 = arith.cmpi ne, %rem3A_3064, %ne3A_3065 : i32
      %and3A_3067 = arith.andi %ne3A_3063, %ne3A_3066 : i1
      %sub3A_3068 = arith.constant 1 : i32
      %sub3A_3069 = arith.subi %div3A_3048, %sub3A_3068 : i32
      %select_n3A_3070 = arith.select %and3A_3067, %sub3A_3069, %div3A_3048 : i32
      %ge3A_3071 = vector.broadcast %add3A_1162 : i32 to vector<16xi32>
      %ge3A_3072 = arith.cmpi sge, %iota3A, %ge3A_3071 : vector<16xi32>
      %add3A_3073 = arith.addi %add3A_1162, %select_n3A_3070 : i32
      %lt3A_3074 = vector.broadcast %add3A_3073 : i32 to vector<16xi32>
      %lt3A_3075 = arith.cmpi slt, %iota3A, %lt3A_3074 : vector<16xi32>
      %and3A_3076 = arith.andi %ge3A_3072, %lt3A_3075 : vector<16xi1>
      %jit3A_3077 = arith.constant 3 : i32
      %broadcast_in_dim3A_3078 = vector.broadcast %jit3A_3077 : i32 to vector<16xi32>
      %select_n3A_3079 = arith.select %and3A_3076, %broadcast_in_dim3A_3078, %select_n3A_3030 : vector<16xi1>, vector<16xi32>
      %sub3A_3080 = vector.broadcast %add3A_1162 : i32 to vector<16xi32>
      %sub3A_3081 = arith.subi %iota3A, %sub3A_3080 : vector<16xi32>
      %mul3A_3082 = arith.constant 256 : i32
      %mul3A_3083 = vector.broadcast %mul3A_3082 : i32 to vector<16xi32>
      %mul3A_3084 = arith.muli %sub3A_3081, %mul3A_3083 : vector<16xi32>
      %sub3A_3085 = vector.broadcast %reduce_sum3A_1173 : i32 to vector<16xi32>
      %sub3A_3086 = arith.subi %sub3A_3085, %mul3A_3084 : vector<16xi32>
      %jit3A_3087 = arith.constant 0 : i32
      %jit3A_3088 = arith.constant 256 : i32
      %max3A_3089 = vector.broadcast %jit3A_3087 : i32 to vector<16xi32>
      %max3A_3090 = arith.maxsi %max3A_3089, %sub3A_3086 : vector<16xi32>
      %min3A_3091 = vector.broadcast %jit3A_3088 : i32 to vector<16xi32>
      %min3A_3092 = arith.minsi %min3A_3091, %max3A_3090 : vector<16xi32>
      %select_n3A_3093 = arith.select %and3A_3076, %min3A_3092, %select_n3A_3044 : vector<16xi1>, vector<16xi32>
      %add3A_3094 = arith.constant 255 : i32
      %add3A_3095 = arith.addi %reduce_sum3A_1228, %add3A_3094 : i32
      %jit3A_3096 = arith.constant 256 : i32
      %div3A_3097 = arith.divsi %add3A_3095, %jit3A_3096 : i32
      %sign3A_3098 = arith.constant 0 : i32
      %sign3A_3099 = arith.cmpi sgt, %add3A_3095, %sign3A_3098 : i32
      %sign3A_3100 = arith.extui %sign3A_3099 : i1 to i32
      %sign3A_3101 = arith.constant 0 : i32
      %sign3A_3102 = arith.cmpi slt, %add3A_3095, %sign3A_3101 : i32
      %sign3A_3103 = arith.extui %sign3A_3102 : i1 to i32
      %sign3A_3104 = arith.subi %sign3A_3100, %sign3A_3103 : i32
      %sign3A_3105 = arith.constant 0 : i32
      %sign3A_3106 = arith.cmpi sgt, %jit3A_3096, %sign3A_3105 : i32
      %sign3A_3107 = arith.extui %sign3A_3106 : i1 to i32
      %sign3A_3108 = arith.constant 0 : i32
      %sign3A_3109 = arith.cmpi slt, %jit3A_3096, %sign3A_3108 : i32
      %sign3A_3110 = arith.extui %sign3A_3109 : i1 to i32
      %sign3A_3111 = arith.subi %sign3A_3107, %sign3A_3110 : i32
      %ne3A_3112 = arith.cmpi ne, %sign3A_3104, %sign3A_3111 : i32
      %rem3A_3113 = arith.remsi %add3A_3095, %jit3A_3096 : i32
      %ne3A_3114 = arith.constant 0 : i32
      %ne3A_3115 = arith.cmpi ne, %rem3A_3113, %ne3A_3114 : i32
      %and3A_3116 = arith.andi %ne3A_3112, %ne3A_3115 : i1
      %sub3A_3117 = arith.constant 1 : i32
      %sub3A_3118 = arith.subi %div3A_3097, %sub3A_3117 : i32
      %select_n3A_3119 = arith.select %and3A_3116, %sub3A_3118, %div3A_3097 : i32
      %ge3A_3120 = vector.broadcast %add3A_1217 : i32 to vector<16xi32>
      %ge3A_3121 = arith.cmpi sge, %iota3A, %ge3A_3120 : vector<16xi32>
      %add3A_3122 = arith.addi %add3A_1217, %select_n3A_3119 : i32
      %lt3A_3123 = vector.broadcast %add3A_3122 : i32 to vector<16xi32>
      %lt3A_3124 = arith.cmpi slt, %iota3A, %lt3A_3123 : vector<16xi32>
      %and3A_3125 = arith.andi %ge3A_3121, %lt3A_3124 : vector<16xi1>
      %jit3A_3126 = arith.constant 4 : i32
      %broadcast_in_dim3A_3127 = vector.broadcast %jit3A_3126 : i32 to vector<16xi32>
      %select_n3A_3128 = arith.select %and3A_3125, %broadcast_in_dim3A_3127, %select_n3A_3079 : vector<16xi1>, vector<16xi32>
      %sub3A_3129 = vector.broadcast %add3A_1217 : i32 to vector<16xi32>
      %sub3A_3130 = arith.subi %iota3A, %sub3A_3129 : vector<16xi32>
      %mul3A_3131 = arith.constant 256 : i32
      %mul3A_3132 = vector.broadcast %mul3A_3131 : i32 to vector<16xi32>
      %mul3A_3133 = arith.muli %sub3A_3130, %mul3A_3132 : vector<16xi32>
      %sub3A_3134 = vector.broadcast %reduce_sum3A_1228 : i32 to vector<16xi32>
      %sub3A_3135 = arith.subi %sub3A_3134, %mul3A_3133 : vector<16xi32>
      %jit3A_3136 = arith.constant 0 : i32
      %jit3A_3137 = arith.constant 256 : i32
      %max3A_3138 = vector.broadcast %jit3A_3136 : i32 to vector<16xi32>
      %max3A_3139 = arith.maxsi %max3A_3138, %sub3A_3135 : vector<16xi32>
      %min3A_3140 = vector.broadcast %jit3A_3137 : i32 to vector<16xi32>
      %min3A_3141 = arith.minsi %min3A_3140, %max3A_3139 : vector<16xi32>
      %select_n3A_3142 = arith.select %and3A_3125, %min3A_3141, %select_n3A_3093 : vector<16xi1>, vector<16xi32>
      %add3A_3143 = arith.constant 255 : i32
      %add3A_3144 = arith.addi %reduce_sum3A_1283, %add3A_3143 : i32
      %jit3A_3145 = arith.constant 256 : i32
      %div3A_3146 = arith.divsi %add3A_3144, %jit3A_3145 : i32
      %sign3A_3147 = arith.constant 0 : i32
      %sign3A_3148 = arith.cmpi sgt, %add3A_3144, %sign3A_3147 : i32
      %sign3A_3149 = arith.extui %sign3A_3148 : i1 to i32
      %sign3A_3150 = arith.constant 0 : i32
      %sign3A_3151 = arith.cmpi slt, %add3A_3144, %sign3A_3150 : i32
      %sign3A_3152 = arith.extui %sign3A_3151 : i1 to i32
      %sign3A_3153 = arith.subi %sign3A_3149, %sign3A_3152 : i32
      %sign3A_3154 = arith.constant 0 : i32
      %sign3A_3155 = arith.cmpi sgt, %jit3A_3145, %sign3A_3154 : i32
      %sign3A_3156 = arith.extui %sign3A_3155 : i1 to i32
      %sign3A_3157 = arith.constant 0 : i32
      %sign3A_3158 = arith.cmpi slt, %jit3A_3145, %sign3A_3157 : i32
      %sign3A_3159 = arith.extui %sign3A_3158 : i1 to i32
      %sign3A_3160 = arith.subi %sign3A_3156, %sign3A_3159 : i32
      %ne3A_3161 = arith.cmpi ne, %sign3A_3153, %sign3A_3160 : i32
      %rem3A_3162 = arith.remsi %add3A_3144, %jit3A_3145 : i32
      %ne3A_3163 = arith.constant 0 : i32
      %ne3A_3164 = arith.cmpi ne, %rem3A_3162, %ne3A_3163 : i32
      %and3A_3165 = arith.andi %ne3A_3161, %ne3A_3164 : i1
      %sub3A_3166 = arith.constant 1 : i32
      %sub3A_3167 = arith.subi %div3A_3146, %sub3A_3166 : i32
      %select_n3A_3168 = arith.select %and3A_3165, %sub3A_3167, %div3A_3146 : i32
      %ge3A_3169 = vector.broadcast %add3A_1272 : i32 to vector<16xi32>
      %ge3A_3170 = arith.cmpi sge, %iota3A, %ge3A_3169 : vector<16xi32>
      %add3A_3171 = arith.addi %add3A_1272, %select_n3A_3168 : i32
      %lt3A_3172 = vector.broadcast %add3A_3171 : i32 to vector<16xi32>
      %lt3A_3173 = arith.cmpi slt, %iota3A, %lt3A_3172 : vector<16xi32>
      %and3A_3174 = arith.andi %ge3A_3170, %lt3A_3173 : vector<16xi1>
      %jit3A_3175 = arith.constant 5 : i32
      %broadcast_in_dim3A_3176 = vector.broadcast %jit3A_3175 : i32 to vector<16xi32>
      %select_n3A_3177 = arith.select %and3A_3174, %broadcast_in_dim3A_3176, %select_n3A_3128 : vector<16xi1>, vector<16xi32>
      %sub3A_3178 = vector.broadcast %add3A_1272 : i32 to vector<16xi32>
      %sub3A_3179 = arith.subi %iota3A, %sub3A_3178 : vector<16xi32>
      %mul3A_3180 = arith.constant 256 : i32
      %mul3A_3181 = vector.broadcast %mul3A_3180 : i32 to vector<16xi32>
      %mul3A_3182 = arith.muli %sub3A_3179, %mul3A_3181 : vector<16xi32>
      %sub3A_3183 = vector.broadcast %reduce_sum3A_1283 : i32 to vector<16xi32>
      %sub3A_3184 = arith.subi %sub3A_3183, %mul3A_3182 : vector<16xi32>
      %jit3A_3185 = arith.constant 0 : i32
      %jit3A_3186 = arith.constant 256 : i32
      %max3A_3187 = vector.broadcast %jit3A_3185 : i32 to vector<16xi32>
      %max3A_3188 = arith.maxsi %max3A_3187, %sub3A_3184 : vector<16xi32>
      %min3A_3189 = vector.broadcast %jit3A_3186 : i32 to vector<16xi32>
      %min3A_3190 = arith.minsi %min3A_3189, %max3A_3188 : vector<16xi32>
      %select_n3A_3191 = arith.select %and3A_3174, %min3A_3190, %select_n3A_3142 : vector<16xi1>, vector<16xi32>
      %add3A_3192 = arith.constant 255 : i32
      %add3A_3193 = arith.addi %reduce_sum3A_1338, %add3A_3192 : i32
      %jit3A_3194 = arith.constant 256 : i32
      %div3A_3195 = arith.divsi %add3A_3193, %jit3A_3194 : i32
      %sign3A_3196 = arith.constant 0 : i32
      %sign3A_3197 = arith.cmpi sgt, %add3A_3193, %sign3A_3196 : i32
      %sign3A_3198 = arith.extui %sign3A_3197 : i1 to i32
      %sign3A_3199 = arith.constant 0 : i32
      %sign3A_3200 = arith.cmpi slt, %add3A_3193, %sign3A_3199 : i32
      %sign3A_3201 = arith.extui %sign3A_3200 : i1 to i32
      %sign3A_3202 = arith.subi %sign3A_3198, %sign3A_3201 : i32
      %sign3A_3203 = arith.constant 0 : i32
      %sign3A_3204 = arith.cmpi sgt, %jit3A_3194, %sign3A_3203 : i32
      %sign3A_3205 = arith.extui %sign3A_3204 : i1 to i32
      %sign3A_3206 = arith.constant 0 : i32
      %sign3A_3207 = arith.cmpi slt, %jit3A_3194, %sign3A_3206 : i32
      %sign3A_3208 = arith.extui %sign3A_3207 : i1 to i32
      %sign3A_3209 = arith.subi %sign3A_3205, %sign3A_3208 : i32
      %ne3A_3210 = arith.cmpi ne, %sign3A_3202, %sign3A_3209 : i32
      %rem3A_3211 = arith.remsi %add3A_3193, %jit3A_3194 : i32
      %ne3A_3212 = arith.constant 0 : i32
      %ne3A_3213 = arith.cmpi ne, %rem3A_3211, %ne3A_3212 : i32
      %and3A_3214 = arith.andi %ne3A_3210, %ne3A_3213 : i1
      %sub3A_3215 = arith.constant 1 : i32
      %sub3A_3216 = arith.subi %div3A_3195, %sub3A_3215 : i32
      %select_n3A_3217 = arith.select %and3A_3214, %sub3A_3216, %div3A_3195 : i32
      %ge3A_3218 = vector.broadcast %add3A_1327 : i32 to vector<16xi32>
      %ge3A_3219 = arith.cmpi sge, %iota3A, %ge3A_3218 : vector<16xi32>
      %add3A_3220 = arith.addi %add3A_1327, %select_n3A_3217 : i32
      %lt3A_3221 = vector.broadcast %add3A_3220 : i32 to vector<16xi32>
      %lt3A_3222 = arith.cmpi slt, %iota3A, %lt3A_3221 : vector<16xi32>
      %and3A_3223 = arith.andi %ge3A_3219, %lt3A_3222 : vector<16xi1>
      %jit3A_3224 = arith.constant 6 : i32
      %broadcast_in_dim3A_3225 = vector.broadcast %jit3A_3224 : i32 to vector<16xi32>
      %select_n3A_3226 = arith.select %and3A_3223, %broadcast_in_dim3A_3225, %select_n3A_3177 : vector<16xi1>, vector<16xi32>
      %sub3A_3227 = vector.broadcast %add3A_1327 : i32 to vector<16xi32>
      %sub3A_3228 = arith.subi %iota3A, %sub3A_3227 : vector<16xi32>
      %mul3A_3229 = arith.constant 256 : i32
      %mul3A_3230 = vector.broadcast %mul3A_3229 : i32 to vector<16xi32>
      %mul3A_3231 = arith.muli %sub3A_3228, %mul3A_3230 : vector<16xi32>
      %sub3A_3232 = vector.broadcast %reduce_sum3A_1338 : i32 to vector<16xi32>
      %sub3A_3233 = arith.subi %sub3A_3232, %mul3A_3231 : vector<16xi32>
      %jit3A_3234 = arith.constant 0 : i32
      %jit3A_3235 = arith.constant 256 : i32
      %max3A_3236 = vector.broadcast %jit3A_3234 : i32 to vector<16xi32>
      %max3A_3237 = arith.maxsi %max3A_3236, %sub3A_3233 : vector<16xi32>
      %min3A_3238 = vector.broadcast %jit3A_3235 : i32 to vector<16xi32>
      %min3A_3239 = arith.minsi %min3A_3238, %max3A_3237 : vector<16xi32>
      %select_n3A_3240 = arith.select %and3A_3223, %min3A_3239, %select_n3A_3191 : vector<16xi1>, vector<16xi32>
      %add3A_3241 = arith.constant 255 : i32
      %add3A_3242 = arith.addi %reduce_sum3A_1393, %add3A_3241 : i32
      %jit3A_3243 = arith.constant 256 : i32
      %div3A_3244 = arith.divsi %add3A_3242, %jit3A_3243 : i32
      %sign3A_3245 = arith.constant 0 : i32
      %sign3A_3246 = arith.cmpi sgt, %add3A_3242, %sign3A_3245 : i32
      %sign3A_3247 = arith.extui %sign3A_3246 : i1 to i32
      %sign3A_3248 = arith.constant 0 : i32
      %sign3A_3249 = arith.cmpi slt, %add3A_3242, %sign3A_3248 : i32
      %sign3A_3250 = arith.extui %sign3A_3249 : i1 to i32
      %sign3A_3251 = arith.subi %sign3A_3247, %sign3A_3250 : i32
      %sign3A_3252 = arith.constant 0 : i32
      %sign3A_3253 = arith.cmpi sgt, %jit3A_3243, %sign3A_3252 : i32
      %sign3A_3254 = arith.extui %sign3A_3253 : i1 to i32
      %sign3A_3255 = arith.constant 0 : i32
      %sign3A_3256 = arith.cmpi slt, %jit3A_3243, %sign3A_3255 : i32
      %sign3A_3257 = arith.extui %sign3A_3256 : i1 to i32
      %sign3A_3258 = arith.subi %sign3A_3254, %sign3A_3257 : i32
      %ne3A_3259 = arith.cmpi ne, %sign3A_3251, %sign3A_3258 : i32
      %rem3A_3260 = arith.remsi %add3A_3242, %jit3A_3243 : i32
      %ne3A_3261 = arith.constant 0 : i32
      %ne3A_3262 = arith.cmpi ne, %rem3A_3260, %ne3A_3261 : i32
      %and3A_3263 = arith.andi %ne3A_3259, %ne3A_3262 : i1
      %sub3A_3264 = arith.constant 1 : i32
      %sub3A_3265 = arith.subi %div3A_3244, %sub3A_3264 : i32
      %select_n3A_3266 = arith.select %and3A_3263, %sub3A_3265, %div3A_3244 : i32
      %ge3A_3267 = vector.broadcast %add3A_1382 : i32 to vector<16xi32>
      %ge3A_3268 = arith.cmpi sge, %iota3A, %ge3A_3267 : vector<16xi32>
      %add3A_3269 = arith.addi %add3A_1382, %select_n3A_3266 : i32
      %lt3A_3270 = vector.broadcast %add3A_3269 : i32 to vector<16xi32>
      %lt3A_3271 = arith.cmpi slt, %iota3A, %lt3A_3270 : vector<16xi32>
      %and3A_3272 = arith.andi %ge3A_3268, %lt3A_3271 : vector<16xi1>
      %jit3A_3273 = arith.constant 7 : i32
      %broadcast_in_dim3A_3274 = vector.broadcast %jit3A_3273 : i32 to vector<16xi32>
      %select_n3A_3275 = arith.select %and3A_3272, %broadcast_in_dim3A_3274, %select_n3A_3226 : vector<16xi1>, vector<16xi32>
      %sub3A_3276 = vector.broadcast %add3A_1382 : i32 to vector<16xi32>
      %sub3A_3277 = arith.subi %iota3A, %sub3A_3276 : vector<16xi32>
      %mul3A_3278 = arith.constant 256 : i32
      %mul3A_3279 = vector.broadcast %mul3A_3278 : i32 to vector<16xi32>
      %mul3A_3280 = arith.muli %sub3A_3277, %mul3A_3279 : vector<16xi32>
      %sub3A_3281 = vector.broadcast %reduce_sum3A_1393 : i32 to vector<16xi32>
      %sub3A_3282 = arith.subi %sub3A_3281, %mul3A_3280 : vector<16xi32>
      %jit3A_3283 = arith.constant 0 : i32
      %jit3A_3284 = arith.constant 256 : i32
      %max3A_3285 = vector.broadcast %jit3A_3283 : i32 to vector<16xi32>
      %max3A_3286 = arith.maxsi %max3A_3285, %sub3A_3282 : vector<16xi32>
      %min3A_3287 = vector.broadcast %jit3A_3284 : i32 to vector<16xi32>
      %min3A_3288 = arith.minsi %min3A_3287, %max3A_3286 : vector<16xi32>
      %select_n3A_3289 = arith.select %and3A_3272, %min3A_3288, %select_n3A_3240 : vector<16xi1>, vector<16xi32>
      %swap3A_3290 = arith.constant 0 : index
      %swap3A_3291 = tpu.vector_load %arg13[%swap3A_3290] {strides = array<i32>} : memref<32xi32, #tpu.memory_space<vmem>>, vector<16xi32>,
      tpu.vector_store %arg13[%swap3A_3290], %select_n3A_3275 {strides = array<i32>} : memref<32xi32, #tpu.memory_space<vmem>>, vector<16xi32>,
      %swap3A_3292 = arith.constant 16 : index
      %swap3A_3293 = tpu.vector_load %arg13[%swap3A_3292] {strides = array<i32>} : memref<32xi32, #tpu.memory_space<vmem>>, vector<16xi32>,
      tpu.vector_store %arg13[%swap3A_3292], %select_n3A_3289 {strides = array<i32>} : memref<32xi32, #tpu.memory_space<vmem>>, vector<16xi32>,
      %mul3A_3294 = arith.constant 16 : i32
      %mul3A_3295 = arith.muli %arg0, %mul3A_3294 : i32
      "tpu.region"() ({
        %run_scoped3A = tpu.sem_alloc : memref<!tpu.dma_semaphore, #tpu.memory_space<semaphore_mem>>
        %dma_start3A_3298 = arith.constant 0 : i32
        %dma_start3A_3299 = tpu.memref_slice %arg13[%dma_start3A_3298] : memref<32xi32, #tpu.memory_space<vmem>> -> memref<16xi32, #tpu.memory_space<vmem>>
        %dma_start3A_3300 = tpu.memref_slice %arg5[%mul3A_3295] : memref<32xi32, #tpu.memory_space<hbm>> -> memref<16xi32, #tpu.memory_space<hbm>>
        %dma_start3A_3301 = tpu.memref_slice %arg5[%mul3A_3295] : memref<32xi32, #tpu.memory_space<hbm>> -> memref<16xi32, #tpu.memory_space<hbm>>
        %dma_start3A_3302 = arith.constant 0 : i32
        %dma_start3A_3303 = tpu.memref_slice %arg13[%dma_start3A_3302] : memref<32xi32, #tpu.memory_space<vmem>> -> memref<16xi32, #tpu.memory_space<vmem>>
        tpu.enqueue_dma source(%dma_start3A_3303 : memref<16xi32, #tpu.memory_space<vmem>>) target(%dma_start3A_3301 : memref<16xi32, #tpu.memory_space<hbm>>) target_semaphore(%run_scoped3A : memref<!tpu.dma_semaphore, #tpu.memory_space<semaphore_mem>>)
        %dma_wait3A_3304 = arith.constant 0 : i32
        %dma_wait3A_3305 = tpu.memref_slice %arg13[%dma_wait3A_3304] : memref<32xi32, #tpu.memory_space<vmem>> -> memref<16xi32, #tpu.memory_space<vmem>>
        %dma_wait3A_3306 = tpu.memref_slice %arg5[%mul3A_3295] : memref<32xi32, #tpu.memory_space<hbm>> -> memref<16xi32, #tpu.memory_space<hbm>>
        %dma_wait3A_3307 = tpu.memref_slice %arg5[%mul3A_3295] : memref<32xi32, #tpu.memory_space<hbm>> -> memref<16xi32, #tpu.memory_space<hbm>>
        %dma_wait3A_3308 = arith.constant 0 : i32
        %dma_wait3A_3309 = tpu.memref_slice %arg13[%dma_wait3A_3308] : memref<32xi32, #tpu.memory_space<vmem>> -> memref<16xi32, #tpu.memory_space<vmem>>
        tpu.wait_dma2 semaphore(%run_scoped3A : memref<!tpu.dma_semaphore, #tpu.memory_space<semaphore_mem>>) src(%dma_wait3A_3309 : memref<16xi32, #tpu.memory_space<vmem>>) dst(%dma_wait3A_3307 : memref<16xi32, #tpu.memory_space<hbm>>)
        tpu.yield
      }) : () -> ()
      %mul3A_3296 = arith.constant 16 : i32
      %mul3A_3297 = arith.muli %arg0, %mul3A_3296 : i32
      "tpu.region"() ({
        %run_scoped3A = tpu.sem_alloc : memref<!tpu.dma_semaphore, #tpu.memory_space<semaphore_mem>>
        %dma_start3A_3298 = arith.constant 16 : i32
        %dma_start3A_3299 = tpu.memref_slice %arg13[%dma_start3A_3298] : memref<32xi32, #tpu.memory_space<vmem>> -> memref<16xi32, #tpu.memory_space<vmem>>
        %dma_start3A_3300 = tpu.memref_slice %arg6[%mul3A_3297] : memref<32xi32, #tpu.memory_space<hbm>> -> memref<16xi32, #tpu.memory_space<hbm>>
        %dma_start3A_3301 = tpu.memref_slice %arg6[%mul3A_3297] : memref<32xi32, #tpu.memory_space<hbm>> -> memref<16xi32, #tpu.memory_space<hbm>>
        %dma_start3A_3302 = arith.constant 16 : i32
        %dma_start3A_3303 = tpu.memref_slice %arg13[%dma_start3A_3302] : memref<32xi32, #tpu.memory_space<vmem>> -> memref<16xi32, #tpu.memory_space<vmem>>
        tpu.enqueue_dma source(%dma_start3A_3303 : memref<16xi32, #tpu.memory_space<vmem>>) target(%dma_start3A_3301 : memref<16xi32, #tpu.memory_space<hbm>>) target_semaphore(%run_scoped3A : memref<!tpu.dma_semaphore, #tpu.memory_space<semaphore_mem>>)
        %dma_wait3A_3304 = arith.constant 16 : i32
        %dma_wait3A_3305 = tpu.memref_slice %arg13[%dma_wait3A_3304] : memref<32xi32, #tpu.memory_space<vmem>> -> memref<16xi32, #tpu.memory_space<vmem>>
        %dma_wait3A_3306 = tpu.memref_slice %arg6[%mul3A_3297] : memref<32xi32, #tpu.memory_space<hbm>> -> memref<16xi32, #tpu.memory_space<hbm>>
        %dma_wait3A_3307 = tpu.memref_slice %arg6[%mul3A_3297] : memref<32xi32, #tpu.memory_space<hbm>> -> memref<16xi32, #tpu.memory_space<hbm>>
        %dma_wait3A_3308 = arith.constant 16 : i32
        %dma_wait3A_3309 = tpu.memref_slice %arg13[%dma_wait3A_3308] : memref<32xi32, #tpu.memory_space<vmem>> -> memref<16xi32, #tpu.memory_space<vmem>>
        tpu.wait_dma2 semaphore(%run_scoped3A : memref<!tpu.dma_semaphore, #tpu.memory_space<semaphore_mem>>) src(%dma_wait3A_3309 : memref<16xi32, #tpu.memory_space<vmem>>) dst(%dma_wait3A_3307 : memref<16xi32, #tpu.memory_space<hbm>>)
        tpu.yield
      }) : () -> ()
    } else {
    }
    return
  }
}

module attributes {stable_mosaic.version = 14 : i64} {
  func.func @_mlp_kernel(%arg0: i32, %arg1: memref<32xi32, #tpu.memory_space<smem>>, %arg2: memref<32xi32, #tpu.memory_space<smem>>, %arg3: memref<8xf32, #tpu.memory_space<smem>>, %arg4: memref<256x768xf32, #tpu.memory_space<vmem>>, %arg5: memref<1x160x768xf32, #tpu.memory_space<vmem>>, %arg6: memref<8x160xf32, #tpu.memory_space<vmem>>, %arg7: memref<8x160x128xf32, #tpu.memory_space<vmem>>, %arg8: memref<8x128xf32, #tpu.memory_space<vmem>>, %arg9: memref<8x96x128xf32, #tpu.memory_space<vmem>>, %arg10: memref<8x96xf32, #tpu.memory_space<vmem>>, %arg11: memref<8x96xf32, #tpu.memory_space<vmem>>, %arg12: memref<1x2xf32, #tpu.memory_space<vmem>>, %arg13: memref<2xf32, #tpu.memory_space<smem>>) attributes {dimension_semantics = [#tpu.dimension_semantics<arbitrary>], iteration_bounds = array<i64: 32>, scalar_prefetch = 3 : i64, scratch_operands = 1 : i64, tpu.core_type = #tpu.core_type<tc>, window_params = [{transform_indices = @transform_0, window_bounds = array<i64: 256, 768>}, {transform_indices = @transform_1, window_bounds = array<i64: 1, 160, 768>}, {pipeline_mode = #tpu.pipeline_mode<synchronous>, transform_indices = @transform_2, window_bounds = array<i64: 8, 160>}, {pipeline_mode = #tpu.pipeline_mode<synchronous>, transform_indices = @transform_3, window_bounds = array<i64: 8, 160, 128>}, {pipeline_mode = #tpu.pipeline_mode<synchronous>, transform_indices = @transform_4, window_bounds = array<i64: 8, 128>}, {pipeline_mode = #tpu.pipeline_mode<synchronous>, transform_indices = @transform_5, window_bounds = array<i64: 8, 96, 128>}, {pipeline_mode = #tpu.pipeline_mode<synchronous>, transform_indices = @transform_6, window_bounds = array<i64: 8, 96>}, {pipeline_mode = #tpu.pipeline_mode<synchronous>, transform_indices = @transform_7, window_bounds = array<i64: 8, 96>}, {pipeline_mode = #tpu.pipeline_mode<synchronous>, transform_indices = @transform_8, window_bounds = array<i64: 1, 2>}]} {
    %eq3A = arith.constant 0 : i32
    %eq3A_0 = arith.cmpi eq, %arg0, %eq3A : i32
    %convert_element_type3A = arith.extui %eq3A_0 : i1 to i32
    %cond3A = arith.constant 0 : i32
    %cond3A_1 = arith.cmpi ne, %convert_element_type3A, %cond3A : i32
    scf.if %cond3A_1 {
      %swap3A = arith.constant 0.000000e+00 : f32
      %swap3A_12 = arith.constant 0 : index
      %swap3A_13 = memref.load %arg13[%swap3A_12] : memref<2xf32, #tpu.memory_space<smem>>
      memref.store %swap3A, %arg13[%swap3A_12] : memref<2xf32, #tpu.memory_space<smem>>
    } else {
    }
    %get3A = arith.index_cast %arg0 : i32 to index
    %get3A_2 = memref.load %arg2[%get3A] : memref<32xi32, #tpu.memory_space<smem>>
    %gt3A = arith.constant 0 : i32
    %gt3A_3 = arith.cmpi sgt, %get3A_2, %gt3A : i32
    %convert_element_type3A_4 = arith.extui %gt3A_3 : i1 to i32
    %cond3A_5 = arith.constant 0 : i32
    %cond3A_6 = arith.cmpi ne, %convert_element_type3A_4, %cond3A_5 : i32
    scf.if %cond3A_6 {
      %get3A_12 = arith.index_cast %arg0 : i32 to index
      %get3A_13 = memref.load %arg1[%get3A_12] : memref<32xi32, #tpu.memory_space<smem>>
      %get3A_14 = arith.constant 0 : index
      %get3A_15 = arith.constant 0 : index
      %get3A_16 = vector.load %arg4[%get3A_14, %get3A_15] : memref<256x768xf32, #tpu.memory_space<vmem>>, vector<256x768xf32>
      %get3A_17 = arith.constant 0 : index
      %get3A_18 = arith.constant 0 : index
      %get3A_19 = arith.constant 0 : index
      %get3A_20 = vector.load %arg5[%get3A_17, %get3A_18, %get3A_19] : memref<1x160x768xf32, #tpu.memory_space<vmem>>, vector<1x160x768xf32>
      %get3A_21 = vector.shape_cast %get3A_20 : vector<1x160x768xf32> to vector<160x768xf32>
      %dot_general3A = arith.constant dense<0.000000e+00> : vector<256x160xf32>
      %dot_general3A_22 = tpu.matmul %get3A_16, %get3A_21, %dot_general3A {dimension_numbers = #tpu.dot_dimension_numbers<[1], [1], [0], [0], [0, 0, 1, 0], [], []>, transpose_lhs_hint = false} : vector<256x768xf32>, vector<160x768xf32>, vector<256x160xf32> -> vector<256x160xf32>
      %get3A_23 = arith.index_cast %get3A_13 : i32 to index
      %get3A_24 = arith.constant 0 : index
      %get3A_25 = vector.load %arg6[%get3A_23, %get3A_24] : memref<8x160xf32, #tpu.memory_space<vmem>>, vector<1x160xf32>
      %get3A_26 = vector.shape_cast %get3A_25 : vector<1x160xf32> to vector<160xf32>
      %broadcast_in_dim3A = vector.shape_cast %get3A_26 : vector<160xf32> to vector<1x160xf32>
      %add3A = vector.broadcast %broadcast_in_dim3A : vector<1x160xf32> to vector<256x160xf32>
      %add3A_27 = arith.addf %dot_general3A_22, %add3A : vector<256x160xf32>
      %max3A = arith.constant 0.000000e+00 : f32
      %max3A_28 = vector.broadcast %max3A : f32 to vector<256x160xf32>
      %max3A_29 = arith.maximumf %add3A_27, %max3A_28 : vector<256x160xf32>
      %get3A_30 = arith.index_cast %get3A_13 : i32 to index
      %get3A_31 = arith.constant 0 : index
      %get3A_32 = arith.constant 0 : index
      %get3A_33 = vector.load %arg7[%get3A_30, %get3A_31, %get3A_32] : memref<8x160x128xf32, #tpu.memory_space<vmem>>, vector<1x160x128xf32>
      %get3A_34 = vector.shape_cast %get3A_33 : vector<1x160x128xf32> to vector<160x128xf32>
      %dot_general3A_35 = arith.constant dense<0.000000e+00> : vector<256x128xf32>
      %dot_general3A_36 = tpu.matmul %max3A_29, %get3A_34, %dot_general3A_35 {dimension_numbers = #tpu.dot_dimension_numbers<[1], [0], [0], [1], [0, 0, 1, 1], [], []>, transpose_lhs_hint = false} : vector<256x160xf32>, vector<160x128xf32>, vector<256x128xf32> -> vector<256x128xf32>
      %get3A_37 = arith.index_cast %get3A_13 : i32 to index
      %get3A_38 = arith.constant 0 : index
      %get3A_39 = vector.load %arg8[%get3A_37, %get3A_38] : memref<8x128xf32, #tpu.memory_space<vmem>>, vector<1x128xf32>
      %get3A_40 = vector.shape_cast %get3A_39 : vector<1x128xf32> to vector<128xf32>
      %broadcast_in_dim3A_41 = vector.shape_cast %get3A_40 : vector<128xf32> to vector<1x128xf32>
      %add3A_42 = vector.broadcast %broadcast_in_dim3A_41 : vector<1x128xf32> to vector<256x128xf32>
      %add3A_43 = arith.addf %dot_general3A_36, %add3A_42 : vector<256x128xf32>
      %max3A_44 = arith.constant 0.000000e+00 : f32
      %max3A_45 = vector.broadcast %max3A_44 : f32 to vector<256x128xf32>
      %max3A_46 = arith.maximumf %add3A_43, %max3A_45 : vector<256x128xf32>
      %get3A_47 = arith.index_cast %get3A_13 : i32 to index
      %get3A_48 = arith.constant 0 : index
      %get3A_49 = arith.constant 0 : index
      %get3A_50 = vector.load %arg9[%get3A_47, %get3A_48, %get3A_49] : memref<8x96x128xf32, #tpu.memory_space<vmem>>, vector<1x96x128xf32>
      %get3A_51 = vector.shape_cast %get3A_50 : vector<1x96x128xf32> to vector<96x128xf32>
      %dot_general3A_52 = arith.constant dense<0.000000e+00> : vector<256x96xf32>
      %dot_general3A_53 = tpu.matmul %max3A_46, %get3A_51, %dot_general3A_52 {dimension_numbers = #tpu.dot_dimension_numbers<[1], [1], [0], [0], [0, 0, 1, 0], [], []>, transpose_lhs_hint = false} : vector<256x128xf32>, vector<96x128xf32>, vector<256x96xf32> -> vector<256x96xf32>
      %get3A_54 = arith.index_cast %get3A_13 : i32 to index
      %get3A_55 = arith.constant 0 : index
      %get3A_56 = vector.load %arg10[%get3A_54, %get3A_55] : memref<8x96xf32, #tpu.memory_space<vmem>>, vector<1x96xf32>
      %get3A_57 = vector.shape_cast %get3A_56 : vector<1x96xf32> to vector<96xf32>
      %broadcast_in_dim3A_58 = vector.shape_cast %get3A_57 : vector<96xf32> to vector<1x96xf32>
      %add3A_59 = vector.broadcast %broadcast_in_dim3A_58 : vector<1x96xf32> to vector<256x96xf32>
      %add3A_60 = arith.addf %dot_general3A_53, %add3A_59 : vector<256x96xf32>
      %max3A_61 = arith.constant 0.000000e+00 : f32
      %max3A_62 = vector.broadcast %max3A_61 : f32 to vector<256x96xf32>
      %max3A_63 = arith.maximumf %add3A_60, %max3A_62 : vector<256x96xf32>
      %iota3A = tpu.iota {dimensions = array<i32: 0>} : vector<256x96xi32>
      %lt3A = vector.broadcast %get3A_2 : i32 to vector<256x96xi32>
      %lt3A_64 = arith.cmpi slt, %iota3A, %lt3A : vector<256x96xi32>
      %jit3A = arith.constant 0.000000e+00 : f32
      %broadcast_in_dim3A_65 = vector.broadcast %jit3A : f32 to vector<256x96xf32>
      %select_n3A = arith.select %lt3A_64, %max3A_63, %broadcast_in_dim3A_65 : vector<256x96xi1>, vector<256x96xf32>
      %broadcast_in_dim3A_66 = arith.constant 1.000000e+00 : f32
      %broadcast_in_dim3A_67 = vector.broadcast %broadcast_in_dim3A_66 : f32 to vector<1x256xf32>
      %dot_general3A_68 = arith.constant dense<0.000000e+00> : vector<1x96xf32>
      %dot_general3A_69 = tpu.matmul %broadcast_in_dim3A_67, %select_n3A, %dot_general3A_68 {dimension_numbers = #tpu.dot_dimension_numbers<[1], [0], [0], [1], [0, 0, 1, 1], [], []>, transpose_lhs_hint = false} : vector<1x256xf32>, vector<256x96xf32>, vector<1x96xf32> -> vector<1x96xf32>
      %get3A_70 = arith.index_cast %get3A_13 : i32 to index
      %get3A_71 = arith.constant 0 : index
      %get3A_72 = vector.load %arg11[%get3A_70, %get3A_71] : memref<8x96xf32, #tpu.memory_space<vmem>>, vector<1x96xf32>
      %get3A_73 = vector.shape_cast %get3A_72 : vector<1x96xf32> to vector<96xf32>
      %broadcast_in_dim3A_74 = vector.shape_cast %get3A_73 : vector<96xf32> to vector<1x96xf32>
      %mul3A = arith.mulf %dot_general3A_69, %broadcast_in_dim3A_74 : vector<1x96xf32>
      %reduce_sum3A = vector.shape_cast %mul3A : vector<1x96xf32> to vector<1x1x96xf32>
      %reduce_sum3A_75 = arith.constant dense<0.000000e+00> : vector<1xf32>
      %reduce_sum3A_76 = vector.multi_reduction <add>, %reduce_sum3A, %reduce_sum3A_75 [1, 2] : vector<1x1x96xf32> to vector<1xf32>
      %reduce_sum3A_77 = vector.shape_cast %reduce_sum3A_76 : vector<1xf32> to vector<1x1x1xf32>
      %reduce_sum3A_78 = vector.extract %reduce_sum3A_77[0, 0, 0] : f32 from vector<1x1x1xf32>
      %convert_element_type3A_79 = arith.sitofp %get3A_2 : i32 to f32
      %get3A_80 = arith.index_cast %get3A_13 : i32 to index
      %get3A_81 = memref.load %arg3[%get3A_80] : memref<8xf32, #tpu.memory_space<smem>>
      %mul3A_82 = arith.mulf %convert_element_type3A_79, %get3A_81 : f32
      %add3A_83 = arith.addf %reduce_sum3A_78, %mul3A_82 : f32
      %jit3A_84 = arith.constant 16 : i32
      %div3A = arith.divsi %arg0, %jit3A_84 : i32
      %sign3A = arith.constant 0 : i32
      %sign3A_85 = arith.cmpi sgt, %arg0, %sign3A : i32
      %sign3A_86 = arith.extui %sign3A_85 : i1 to i32
      %sign3A_87 = arith.constant 0 : i32
      %sign3A_88 = arith.cmpi slt, %arg0, %sign3A_87 : i32
      %sign3A_89 = arith.extui %sign3A_88 : i1 to i32
      %sign3A_90 = arith.subi %sign3A_86, %sign3A_89 : i32
      %sign3A_91 = arith.constant 0 : i32
      %sign3A_92 = arith.cmpi sgt, %jit3A_84, %sign3A_91 : i32
      %sign3A_93 = arith.extui %sign3A_92 : i1 to i32
      %sign3A_94 = arith.constant 0 : i32
      %sign3A_95 = arith.cmpi slt, %jit3A_84, %sign3A_94 : i32
      %sign3A_96 = arith.extui %sign3A_95 : i1 to i32
      %sign3A_97 = arith.subi %sign3A_93, %sign3A_96 : i32
      %ne3A = arith.cmpi ne, %sign3A_90, %sign3A_97 : i32
      %rem3A = arith.remsi %arg0, %jit3A_84 : i32
      %ne3A_98 = arith.constant 0 : i32
      %ne3A_99 = arith.cmpi ne, %rem3A, %ne3A_98 : i32
      %and3A = arith.andi %ne3A, %ne3A_99 : i1
      %sub3A = arith.constant 1 : i32
      %sub3A_100 = arith.subi %div3A, %sub3A : i32
      %select_n3A_101 = arith.select %and3A, %sub3A_100, %div3A : i32
      %get3A_102 = arith.index_cast %select_n3A_101 : i32 to index
      %get3A_103 = memref.load %arg13[%get3A_102] : memref<2xf32, #tpu.memory_space<smem>>
      %add3A_104 = arith.addf %get3A_103, %add3A_83 : f32
      %swap3A = arith.index_cast %select_n3A_101 : i32 to index
      %swap3A_105 = memref.load %arg13[%swap3A] : memref<2xf32, #tpu.memory_space<smem>>
      memref.store %add3A_104, %arg13[%swap3A] : memref<2xf32, #tpu.memory_space<smem>>
    } else {
    }
    %eq3A_7 = arith.constant 31 : i32
    %eq3A_8 = arith.cmpi eq, %arg0, %eq3A_7 : i32
    %convert_element_type3A_9 = arith.extui %eq3A_8 : i1 to i32
    %cond3A_10 = arith.constant 0 : i32
    %cond3A_11 = arith.cmpi ne, %convert_element_type3A_9, %cond3A_10 : i32
    scf.if %cond3A_11 {
      %iota3A = tpu.iota {dimensions = array<i32: 1>} : vector<1x2xi32>
      %broadcast_in_dim3A = arith.constant 0.000000e+00 : f32
      %broadcast_in_dim3A_12 = vector.broadcast %broadcast_in_dim3A : f32 to vector<1x2xf32>
      %eq3A_13 = arith.constant 0 : i32
      %eq3A_14 = vector.broadcast %eq3A_13 : i32 to vector<1x2xi32>
      %eq3A_15 = arith.cmpi eq, %iota3A, %eq3A_14 : vector<1x2xi32>
      %get3A_16 = arith.constant 0 : index
      %get3A_17 = memref.load %arg13[%get3A_16] : memref<2xf32, #tpu.memory_space<smem>>
      %broadcast_in_dim3A_18 = vector.broadcast %get3A_17 : f32 to vector<1x2xf32>
      %select_n3A = arith.select %eq3A_15, %broadcast_in_dim3A_18, %broadcast_in_dim3A_12 : vector<1x2xi1>, vector<1x2xf32>
      %eq3A_19 = arith.constant 1 : i32
      %eq3A_20 = vector.broadcast %eq3A_19 : i32 to vector<1x2xi32>
      %eq3A_21 = arith.cmpi eq, %iota3A, %eq3A_20 : vector<1x2xi32>
      %get3A_22 = arith.constant 1 : index
      %get3A_23 = memref.load %arg13[%get3A_22] : memref<2xf32, #tpu.memory_space<smem>>
      %broadcast_in_dim3A_24 = vector.broadcast %get3A_23 : f32 to vector<1x2xf32>
      %select_n3A_25 = arith.select %eq3A_21, %broadcast_in_dim3A_24, %select_n3A : vector<1x2xi1>, vector<1x2xf32>
      %swap3A = arith.constant 0 : index
      %swap3A_26 = arith.constant 0 : index
      %swap3A_27 = vector.load %arg12[%swap3A, %swap3A_26] : memref<1x2xf32, #tpu.memory_space<vmem>>, vector<1x2xf32>
      tpu.vector_store %arg12[%swap3A, %swap3A_26], %select_n3A_25 {strides = array<i32>} : memref<1x2xf32, #tpu.memory_space<vmem>>, vector<1x2xf32>,
    } else {
    }
    return
  }
  func.func @transform_0(%arg0: i32, %arg1: memref<32xi32, #tpu.memory_space<smem>>, %arg2: memref<32xi32, #tpu.memory_space<smem>>, %arg3: memref<8xf32, #tpu.memory_space<smem>>) -> (i32, i32) {
    %get3A = arith.index_cast %arg0 : i32 to index
    %get3A_0 = memref.load %arg2[%get3A] : memref<32xi32, #tpu.memory_space<smem>>
    %gt3A = arith.constant 0 : i32
    %gt3A_1 = arith.cmpi sgt, %get3A_0, %gt3A : i32
    %jit3A = arith.constant 16 : i32
    %div3A = arith.divsi %arg0, %jit3A : i32
    %sign3A = arith.constant 0 : i32
    %sign3A_2 = arith.cmpi sgt, %arg0, %sign3A : i32
    %sign3A_3 = arith.extui %sign3A_2 : i1 to i32
    %sign3A_4 = arith.constant 0 : i32
    %sign3A_5 = arith.cmpi slt, %arg0, %sign3A_4 : i32
    %sign3A_6 = arith.extui %sign3A_5 : i1 to i32
    %sign3A_7 = arith.subi %sign3A_3, %sign3A_6 : i32
    %sign3A_8 = arith.constant 0 : i32
    %sign3A_9 = arith.cmpi sgt, %jit3A, %sign3A_8 : i32
    %sign3A_10 = arith.extui %sign3A_9 : i1 to i32
    %sign3A_11 = arith.constant 0 : i32
    %sign3A_12 = arith.cmpi slt, %jit3A, %sign3A_11 : i32
    %sign3A_13 = arith.extui %sign3A_12 : i1 to i32
    %sign3A_14 = arith.subi %sign3A_10, %sign3A_13 : i32
    %ne3A = arith.cmpi ne, %sign3A_7, %sign3A_14 : i32
    %rem3A = arith.remsi %arg0, %jit3A : i32
    %ne3A_15 = arith.constant 0 : i32
    %ne3A_16 = arith.cmpi ne, %rem3A, %ne3A_15 : i32
    %and3A = arith.andi %ne3A, %ne3A_16 : i1
    %sub3A = arith.constant 1 : i32
    %sub3A_17 = arith.subi %div3A, %sub3A : i32
    %select_n3A = arith.select %and3A, %sub3A_17, %div3A : i32
    %mul3A = arith.constant 16 : i32
    %mul3A_18 = arith.muli %select_n3A, %mul3A : i32
    %select_n3A_19 = arith.select %gt3A_1, %arg0, %mul3A_18 : i32
    %c0_i32 = arith.constant 0 : i32
    %c0_i32_20 = arith.constant 0 : i32
    return %select_n3A_19, %c0_i32 : i32, i32
  }
  func.func @transform_1(%arg0: i32, %arg1: memref<32xi32, #tpu.memory_space<smem>>, %arg2: memref<32xi32, #tpu.memory_space<smem>>, %arg3: memref<8xf32, #tpu.memory_space<smem>>) -> (i32, i32, i32) {
    %get3A = arith.index_cast %arg0 : i32 to index
    %get3A_0 = memref.load %arg1[%get3A] : memref<32xi32, #tpu.memory_space<smem>>
    %c0_i32 = arith.constant 0 : i32
    %c0_i32_1 = arith.constant 0 : i32
    %c0_i32_2 = arith.constant 0 : i32
    return %get3A_0, %c0_i32, %c0_i32_1 : i32, i32, i32
  }
  func.func @transform_2(%arg0: i32, %arg1: memref<32xi32, #tpu.memory_space<smem>>, %arg2: memref<32xi32, #tpu.memory_space<smem>>, %arg3: memref<8xf32, #tpu.memory_space<smem>>) -> (i32, i32) {
    %c0_i32 = arith.constant 0 : i32
    %c0_i32_0 = arith.constant 0 : i32
    %c0_i32_1 = arith.constant 0 : i32
    return %c0_i32, %c0_i32_0 : i32, i32
  }
  func.func @transform_3(%arg0: i32, %arg1: memref<32xi32, #tpu.memory_space<smem>>, %arg2: memref<32xi32, #tpu.memory_space<smem>>, %arg3: memref<8xf32, #tpu.memory_space<smem>>) -> (i32, i32, i32) {
    %c0_i32 = arith.constant 0 : i32
    %c0_i32_0 = arith.constant 0 : i32
    %c0_i32_1 = arith.constant 0 : i32
    %c0_i32_2 = arith.constant 0 : i32
    return %c0_i32, %c0_i32_0, %c0_i32_1 : i32, i32, i32
  }
  func.func @transform_4(%arg0: i32, %arg1: memref<32xi32, #tpu.memory_space<smem>>, %arg2: memref<32xi32, #tpu.memory_space<smem>>, %arg3: memref<8xf32, #tpu.memory_space<smem>>) -> (i32, i32) {
    %c0_i32 = arith.constant 0 : i32
    %c0_i32_0 = arith.constant 0 : i32
    %c0_i32_1 = arith.constant 0 : i32
    return %c0_i32, %c0_i32_0 : i32, i32
  }
  func.func @transform_5(%arg0: i32, %arg1: memref<32xi32, #tpu.memory_space<smem>>, %arg2: memref<32xi32, #tpu.memory_space<smem>>, %arg3: memref<8xf32, #tpu.memory_space<smem>>) -> (i32, i32, i32) {
    %c0_i32 = arith.constant 0 : i32
    %c0_i32_0 = arith.constant 0 : i32
    %c0_i32_1 = arith.constant 0 : i32
    %c0_i32_2 = arith.constant 0 : i32
    return %c0_i32, %c0_i32_0, %c0_i32_1 : i32, i32, i32
  }
  func.func @transform_6(%arg0: i32, %arg1: memref<32xi32, #tpu.memory_space<smem>>, %arg2: memref<32xi32, #tpu.memory_space<smem>>, %arg3: memref<8xf32, #tpu.memory_space<smem>>) -> (i32, i32) {
    %c0_i32 = arith.constant 0 : i32
    %c0_i32_0 = arith.constant 0 : i32
    %c0_i32_1 = arith.constant 0 : i32
    return %c0_i32, %c0_i32_0 : i32, i32
  }
  func.func @transform_7(%arg0: i32, %arg1: memref<32xi32, #tpu.memory_space<smem>>, %arg2: memref<32xi32, #tpu.memory_space<smem>>, %arg3: memref<8xf32, #tpu.memory_space<smem>>) -> (i32, i32) {
    %c0_i32 = arith.constant 0 : i32
    %c0_i32_0 = arith.constant 0 : i32
    %c0_i32_1 = arith.constant 0 : i32
    return %c0_i32, %c0_i32_0 : i32, i32
  }
  func.func @transform_8(%arg0: i32, %arg1: memref<32xi32, #tpu.memory_space<smem>>, %arg2: memref<32xi32, #tpu.memory_space<smem>>, %arg3: memref<8xf32, #tpu.memory_space<smem>>) -> (i32, i32) {
    %c0_i32 = arith.constant 0 : i32
    %c0_i32_0 = arith.constant 0 : i32
    %c0_i32_1 = arith.constant 0 : i32
    return %c0_i32, %c0_i32_0 : i32, i32
  }
}

</mosaic_0001>

<sc_bundles>
// kernel: kernel.4.cloned.1.call-start
scs
__scs_entry_jumppad:
0x0: {  	(pc) =	sbr.rel $0x88, $3  }
0x1: {  	(tag) =	ssettag $0x0;
	lr =	simm.s32 $0x1  }
0x2: {  	[smem:$0x3F97] =	sst lr;
	_ =	strace $0xD0000000  }
0x3: {  	_ = 	snop  }
0x4: {  	_ = 	snop  }
0x5: {  	_ = 	snop  }
0x6: {  	_ = 	snop  }
0x7: {  	_ = 	snop  }
__scs_overlays_trampoline_lowered:
0x8: {  	[smem:$0x3FA6] =	sst s0  }
0x9: {  	[smem:$0x3FA7] =	sst s1  }
0xa: {  	[smem:$0x3FA8] =	sst s2  }
0xb: {  	[smem:$0x3FA9] =	sst s3  }
0xc: {  	[smem:$0x3FAA] =	sst s4  }
0xd: {  	[smem:$0x3FAB] =	sst s5  }
0xe: {  	[smem:$0x3FAC] =	sst s6  }
0xf: {  	[smem:$0x3FAD] =	sst s7  }
0x10: {  	[smem:$0x3FAE] =	sst s8  }
0x11: {  	[smem:$0x3FAF] =	sst s9;
	s0 =	simm.s32 @!p0 $0x0  }
0x12: {  	s1 =	sld [smem:$0x3F95];
	s0 =	simm.s32 @p0 $0x1  }
0x13: {  	[smem:$0x3FB0] =	sst s0;
	s0 =	simm.s32 @!p1 $0x0  }
0x14: {  	s2 =	sld [smem:$0x3F94];
	s0 =	simm.s32 @p1 $0x1  }
0x15: {  	[smem:$0x3FB1] =	sst s0;
	s0 =	simm.s32 @!p2 $0x0  }
0x16: {  	s3 =	sld [smem:$0x3FDB];
	s0 =	simm.s32 @p2 $0x1  }
0x17: {  	s4 =	simm.s32 $0x1BF5;
	[smem:$0x3FB3] =	sst s0  }
0x18: {  	s0 =	sld [smem:$0x3F96];
	_ =	swait.ge [sflag:s4], $0x0  }
0x19: {  	s7 =	sld [smem:$0x3F97]  }
0x1a: {  	s8 =	sadd.s32 $0xFFFFE003, lr  }
0x1b: {  	s9 =	sadd.s32 $0xFFFFFEF7, lr;
	s5 =	simm.s32 $0xFFFFFFFF;
	p2 =	slt.u32 s8, $0xFFFFF086  }
0x1c: {  	p1 =	slt.u32 s9, $0xF7A;
	s5 =	simm.s32 @!p2 $0x0  }
0x1d: {  	s5 =	simm.s32 @p1 $0x1;
	p0 =	seq.s32 s7, s2  }
0x1e: {  	s7 =	smul.u32 @!p0 $0xF7A, s2;
	p2 =	seq.s32 @!p0 s5, $0x0  }
0x1f: {  	s9 =	smul.u32 $0xF7A, s1;
	s8 =	simm.s32 @!p0 $0x1BF5;
	p2 =	por !p2, p0  }
0x20: {  	[sflag:s8] =	ssyncset.s32 @!p0 $0xFFFFF086;
	s6 =	sadd.s32 @!p0 s3, s7;
	s7 =	simm.s32 @!p0 $0x108  }
0x21: {  	s3 =	sadd.s32 s3, s9;
	s6 =	sadd.s32 @!p0 $0x88, s6;
	s7 =	simm.s32 @p2 $0x1082  }
0x22: {  	[simem:s7], [sflag:s8] =	dma.local @!p0 [hbm:s6], $0xF7A  }
0x23: {  	s9 =	sor.u32 $0xD0000000, s2;
	s6 =	simm.s32 $0x108;
	_ =	swait.ge @!p0 [sflag:s8], $0x0  }
0x24: {  	s3 =	sadd.s32 $0x88, s3;
	s6 =	simm.s32 @!p1 $0x1082;
	[sflag:s4] =	ssyncset.s32 $0xFFFFF086  }
0x25: {  	[simem:s6], [sflag:s4] =	dma.local [hbm:s3], $0xF7A  }
0x26: {  	[smem:$0x3F97] =	sst s1;
	(tag) =	ssettag s2;
	_ =	strace s9  }
0x27: {  	s1 =	sld [smem:$0x3FA7]  }
0x28: {  	s2 =	sld [smem:$0x3FA8]  }
0x29: {  	s4 =	sld [smem:$0x3FAA]  }
0x2a: {  	p0 =	seq.s32 s5, $0x0;
	s5 =	sld [smem:$0x3FAB]  }
0x2b: {  	s6 =	sld [smem:$0x3FAC]  }
0x2c: {  	s7 =	sld [smem:$0x3FAD]  }
0x2d: {  	s3 =	simm.s32 $0x108;
	s8 =	sld [smem:$0x3FAE]  }
0x2e: {  	s3 =	simm.s32 @!p0 $0x1082;
	s9 =	sld [smem:$0x3FAF]  }
0x2f: {  	lr =	sadd.s32 s0, s3;
	s0 =	sld [smem:$0x3FA6]  }
0x30: {  	s3 =	sld [smem:$0x3FA9]  }
0x31: {  	[smem:$0x3FB2] =	sst s10  }
0x32: {  	s10 =	sld [smem:$0x3FB0];
	_ =	sdelay $0x3  }
0x33: {  	p0 =	seq.s32 s10, $0x1;
	s10 =	sld [smem:$0x3FB2];
	_ =	sdelay $0x3  }
0x34: {  	[smem:$0x3FB2] =	sst s10  }
0x35: {  	s10 =	sld [smem:$0x3FB1];
	_ =	sdelay $0x3  }
0x36: {  	p1 =	seq.s32 s10, $0x1;
	s10 =	sld [smem:$0x3FB2];
	_ =	sdelay $0x3  }
0x37: {  	[smem:$0x3FB2] =	sst s10  }
0x38: {  	s10 =	sld [smem:$0x3FB3]  }
0x39: {  	_ = 	snop;
	(pc) =	sbr.ind lr, $3  }
0x3a: {  	_ = 	snop  }
0x3b: {  	_ = 	snop  }
0x3c: {  	p2 =	seq.s32 s10, $0x1;
	s10 =	sld [smem:$0x3FB2]  }
0x3d: {  	_ =	shalt  }
0x3e: {  	_ =	shalt  }
0x3f: {  	_ =	shalt  }
0x40: {  	_ =	shalt  }
0x41: {  	_ =	shalt  }
0x42: {  	_ =	shalt  }
0x43: {  	_ =	shalt  }
0x44: {  	_ =	shalt  }
0x45: {  	_ =	shalt  }
0x46: {  	_ =	shalt  }
0x47: {  	_ =	shalt  }
0x48: {  	_ =	shalt  }
0x49: {  	_ =	shalt  }
0x4a: {  	_ =	shalt  }
0x4b: {  	_ =	shalt  }
0x4c: {  	_ =	shalt  }
0x4d: {  	_ =	shalt  }
0x4e: {  	_ =	shalt  }
0x4f: {  	_ =	shalt  }
0x50: {  	_ =	shalt  }
0x51: {  	_ =	shalt  }
0x52: {  	_ =	shalt  }
0x53: {  	_ =	shalt  }
0x54: {  	_ =	shalt  }
0x55: {  	_ =	shalt  }
0x56: {  	_ =	shalt  }
0x57: {  	_ =	shalt  }
0x58: {  	_ =	shalt  }
0x59: {  	_ =	shalt  }
0x5a: {  	_ =	shalt  }
0x5b: {  	_ =	shalt  }
0x5c: {  	_ =	shalt  }
0x5d: {  	_ =	shalt  }
0x5e: {  	_ =	shalt  }
0x5f: {  	_ =	shalt  }
0x60: {  	_ =	shalt  }
0x61: {  	_ =	shalt  }
0x62: {  	_ =	shalt  }
0x63: {  	_ =	shalt  }
0x64: {  	_ =	shalt  }
0x65: {  	_ =	shalt  }
0x66: {  	_ =	shalt  }
0x67: {  	_ =	shalt  }
0x68: {  	_ =	shalt  }
0x69: {  	_ =	shalt  }
0x6a: {  	_ =	shalt  }
0x6b: {  	_ =	shalt  }
0x6c: {  	_ =	shalt  }
0x6d: {  	_ =	shalt  }
0x6e: {  	_ =	shalt  }
0x6f: {  	_ =	shalt  }
0x70: {  	_ =	shalt  }
0x71: {  	_ =	shalt  }
0x72: {  	_ =	shalt  }
0x73: {  	_ =	shalt  }
0x74: {  	_ =	shalt  }
0x75: {  	_ =	shalt  }
0x76: {  	_ =	shalt  }
0x77: {  	_ =	shalt  }
0x78: {  	_ =	shalt  }
0x79: {  	_ =	shalt  }
0x7a: {  	_ =	shalt  }
0x7b: {  	_ =	shalt  }
0x7c: {  	_ =	shalt  }
0x7d: {  	_ =	shalt  }
0x7e: {  	_ =	shalt  }
0x7f: {  	_ =	shalt  }
0x80: {  	_ =	shalt  }
0x81: {  	_ =	shalt  }
0x82: {  	_ =	shalt  }
0x83: {  	_ =	shalt  }
0x84: {  	_ =	shalt  }
0x85: {  	_ =	shalt  }
0x86: {  	_ =	shalt  }
0x87: {  	_ =	shalt  }
.Lfunc_end0:
.L_simem_size_0:
called_computation_lowered:
.L_overlay_start_0:
0x88: {  	s2 =	sld [smem:$0x3FD9]  }
0x89: {  	s3 =	sld [smem:$0x3FFE];
	_ =	sdelay $0x1  }
0x8a: {  	s1 =	srdreg.scid  }
0x8b: {  	s0 =	sand.u32 $0x1, s1  }
0x8c: {  	s17 =	sshll.u32 s0, $0xA;
	s2 =	sadd.s32 s3, s2  }
0x8d: {  	s2 =	sadd.s32 s2, s17  }
0x8e: {  	[smem:$0x3FBE] =	sst s2  }
0x8f: {  	_ = 	snop  }
0x90: {  	s2 =	sld [smem:$0x3FC9]  }
0x91: {  	s18 =	sld [smem:$0x3FC8]  }
0x92: {  	s4 =	sld [smem:$0x3FD0];
	(tm) =	ssettm $0x1  }
0x93: {  	s5 =	sld [smem:$0x3FFB];
	_ =	sdelay $0x3  }
0x94: {  	_ =	strace s5  }
0x95: {  	s5 =	sld [smem:$0x3FFC];
	_ =	sdelay $0x3  }
0x96: {  	_ =	strace s5  }
0x97: {  	s5 =	sld [smem:$0x3FFD];
	_ =	sdelay $0x3  }
0x98: {  	_ =	strace s5  }
0x99: {  	_ =	strace $0x8FFFFFFF  }
0x9a: {  	s19 =	sld [smem:$0x3FDB];
	_ =	sdelay $0x1  }
0x9b: {  	s6 =	simm.s32 $_scs_section_size  }
0x9c: {  	s7 =	simm.s32 $_size__tile_overlayer_lowered;
	s8 =	simm.s32 $_tile_overlayer_lowered  }
0x9d: {  	s22 =	simm.s32 $0x1BFF;
	s21 =	sshll.u32 s8, $0x1;
	s5 =	sadd.s32 s6, s19  }
0x9e: {  	s9 =	simm.s32 $0x0;
	s20 =	sshll.u32 s7, $0x1;
	s7 =	sadd.s32 s21, s5  }
0x9f: {  	[timem:s9], [sflag:s22] =	dma.local [hbm:s7], s20  }
0xa0: {  	_ =	swait.ge [sflag:s22], s20  }
0xa1: {  	s6 =	ssub.s32 $0x0, s20;
	[sflag:s22] =	ssyncset.done $0x0  }
0xa2: {  	[sflag:s22] =	ssyncadd.s32 s6;
	_ =	sdelay $0x1  }
0xa3: {  	s23 =	simm.s32 $0x1B8B  }
0xa4: {  	_ =	swait.ge [sflag:s23], $0x1  }
0xa5: {  	[sflag:s23] =	ssyncset.done $0x0  }
0xa6: {  	s25 =	simm.s32 $0x1B8E;
	s24 =	sld [smem:$0x3FFE];
	[sflag:s23] =	ssyncadd.s32 $0xFFFFFFFF  }
0xa7: {  	s26 =	simm.s32 $execute0_lowered;
	[smem:$0x3FD2] =	sst s25  }
0xa8: {  	s7 =	sshll.u32 s26, $0x1;
	_ =	strace $0x80000046;
	[dreg:$0x1] =	wrdreg $0xFFFFFFFF  }
0xa9: {  	s28 =	simm.s32 $_size_execute0_lowered;
	s5 =	sadd.s32 s5, s7;
	[dreg:$0x0] =	wrdreg $0x0  }
0xaa: {  	s7 =	sshll.u32 s28, $0x1;
	[dreg:$0x2] =	wrdreg s5  }
0xab: {  	[dreg:$0x3] =	wrdreg s7  }
0xac: {  	[dreg:$0x4] =	wrdreg $0xC0  }
0xad: {  	_ =	task [dreg:s9], $0x5FFFF  }
0xae: {  	[dreg:$0x1] =	wrdreg $0xFFFFFFFF  }
0xaf: {  	[dreg:$0x0] =	wrdreg $0x60  }
0xb0: {  	[dreg:$0x2] =	wrdreg s2  }
0xb1: {  	[dreg:$0x3] =	wrdreg s18  }
0xb2: {  	[dreg:$0x4] =	wrdreg s24  }
0xb3: {  	[dreg:$0x5] =	wrdreg s4  }
0xb4: {  	[dreg:$0x6] =	wrdreg $0x9  }
0xb5: {  	_ =	task.clear_ibuf [dreg:s9], $0x7FFFF;
	_ =	strace $0x90000046  }
0xb6: {  	s29 =	simm.s32 $0x9;
	_ =	strace $0x80000048  }
0xb7: {  	_ =	swait.ge [sflag:s29], $0x1  }
0xb8: {  	[sflag:s29] =	ssyncadd.s32 $0xFFFFFFFF  }
0xb9: {  	_ =	strace $0x90000048  }
0xba: {  	_ =	sfence  }
0xbb: {  	s30 =	sld [smem:$0x0];
	_ =	sdelay $0x2  }
0xbc: {  	s31 =	sshll.u32 s1, $0xD;
	s1 =	sshrl.u32 s1, $0x2  }
0xbd: {  	s3 =	sand.u32 $0x4000, s31;
	s1 =	sadd.s32 s1, s30  }
0xbe: {  	s0 =	sor.u32 s3, s0;
	s1 =	sshll.u32 s1, $0x11  }
0xbf: {  	s0 =	sor.u32 s1, s0  }
0xc0: {  	s0 =	sadd.s32 $0x8F2B, s0  }
0xc1: {  	[sflag:s0] =	ssyncadd.remote.s32 $0x1  }
0xc2: {  	_ =	sfence.sel $0xFFFF  }
0xc3: {  	[dreg:$0x0] =	wrdreg $0xFFFFFFFF;
	(pc) =	sbr.abs _section_cstart, $3  }
0xc4: {  	[dreg:$0x1] =	wrdreg $0xFFFFFFFF  }
0xc5: {  	_ =	task.clear_ibuf [dreg:s9], $0x2FFFF;
	_ =	strace $0x9FFFFFFF  }
0xc6: {  	(tm) =	ssettm $0x7FFFFFFF  }
0xc7: {  	_ =	shalt  }
tec
execute0_lowered:
.L_overlay_start_1:
0x0: {  	(tag) =	ssettag $0x1  }
0x1: {  	s0 =	rddreg [dreg:$0x0]  }
0x2: {  	s5 =	rddreg [dreg:$0x1]  }
0x3: {  	s12 =	rddreg [dreg:$0x2]  }
0x4: {  	s13 =	rddreg [dreg:$0x3]  }
0x5: {  	s1 =	simm.s32 $0x0;
	s2 =	srdreg.scid;
	s14 =	stileid.u32  }
0x6: {  	s30 =	simm.s32 $0x4;
	s8 =	simm.s32 $0x6080;
	[smem:$0x7FF] =	sst s1  }
0x7: {  	s9 =	sand.u32 $0x1, s2;
	s2 =	sadd.s32 $0x2000, s12;
	s6 =	smul.u32 $0x18000, s14  }
0x8: {  	s10 =	sadd.s32 $0x1C00, s12;
	s21 =	sshll.u32 s14, $0x5;
	s25 =	sshll.u32 s14, $0x1  }
0x9: {  	p0 =	sne.s32 s14, $0x0;
	v1 =	vmov s14;
	s14 =	simm.s32 $0x5;
	_ =	strace $0x80000047  }
0xa: {  	s3 =	smul.u32 $0x180000, s9;
	s15 =	sshll.u32 s9, $0x1;
	s4 =	ssub.s32 $0x2, s9  }
0xb: {  	s20 =	sshll.u32 s9, $0x4;
	s11 =	sshll.u32 s9, $0x5;
	s16 =	sadd.s32 s15, s12  }
0xc: {  	s7 =	sshrl.u32 s4, $0x1;
	s0 =	sadd.s32 s0, s20;
	s28 =	sadd.s32 s10, s11  }
0xd: {  	s29 =	sadd.s32 s13, s15;
	s17 =	ssub.s32 s4, s7;
	[dreg:$0xc] =	wrdreg s28  }
0xe: {  	v0 =	vlaneseq.u32;
	vm7 =	vcmask $0x3F20;
	vm1 =	vcmask $0xF0C;
	s3 =	sadd.s32 s6, s3;
	s0 =	sadd.s32 s21, s0;
	[dreg:$0x7] =	wrdreg s29  }
0xf: {  	vm2 =	vmmov $0xffff;
	v2 =	vimm.s32 $0x0;
	vm5 =	vcmask $0x170C;
	s31 =	sadd.s32 $0x1E00, s16;
	s16 =	simm.s32 $0x6;
	s7 =	simm.s32 $0x80  }
0x10: {  	vm6 =	vcmask $0x1B0C;
	vm3 =	vmor vm1, vm7;
	vm5 =	vmor vm5, vm7;
	s22 =	sshrl.u32 s3, $0x3;
	s3 =	sshll.u32 s9, $0xC;
	[dreg:$0x5] =	wrdreg s0  }
0x11: {  	vm6 =	vmor vm6, vm7;
	v11 =	vshrl.u32 v0, $0x3;
	v10 =	vand.u32 $0x7, v0;
	s0 =	sadd.s32 s10, s25;
	[dreg:$0x8] =	wrdreg s31;
	s15 =	smax.u32 s17, $0x1  }
0x12: {  	v12 =	vor.u32 $0x8, v0;
	vm0 =	veq.s32 v1, v0;
	v2 =	vsel vm3, $0xFFFFFFFF, v2;
	s9 =	simm.s32 $0xC080;
	s5 =	sadd.s32 s5, s22;
	s0 =	sadd.s32 s11, s0  }
.Ltmp0:
0x13: {  	v1 =	vimm.s32 $0x0;
	vm3 =	vcmask $0x130C;
	[tilespmem:$0x1FFF0] =	vst v2;
	v2 =	vmul.u32 $0x10, v0;
	s23 =	sadd.s32 $0xC00, s5;
	[dreg:$0xb] =	wrdreg s0;
	(pc) =	sbr.rel .LBB2_1-.Ltmp0, $4  }
0x14: {  	v11 =	vmul.u32 $0x8, v11;
	vm4 =	vmor vm3, vm7;
	vm3 =	vcmask $0x714;
	s10 =	simm.s32 $0x12080;
	s24 =	sadd.s32 $0x1800, s5;
	[dreg:$0x6] =	wrdreg s23  }
0x15: {  	vm7 =	vmmov $0x1;
	vm9 =	vmor vm3, vm1;
	v3 =	vor.u32 $0x1, v2;
	s11 =	sadd.s32 $0x2100, s12;
	s26 =	sadd.s32 $0x2400, s5;
	[dreg:$0x9] =	wrdreg s24  }
0x16: {  	v4 =	vor.u32 $0x2, v2;
	v5 =	vor.u32 $0x3, v2;
	v6 =	vor.u32 $0x4, v2;
	s12 =	sadd.s32 $0x2200, s12;
	s22 =	simm.s32 $0x18300;
	[dreg:$0xa] =	wrdreg s26  }
0x17: {  	v7 =	vor.u32 $0x5, v2;
	v8 =	vor.u32 $0x6, v2;
	v9 =	vor.u32 $0x7, v2;
	s23 =	simm.s32 $0x1;
	s24 =	simm.s32 $0x2;
	s26 =	simm.s32 $0x3  }
.LBB2_3:
0x18: {  	s15 =	sadd.s32 $0xFFFFFFFF, s15  }
0x19: {  	p1 =	sne.s32 s15, $0x0  }
.Ltmp1:
0x1a: {  	_ = 	snop;
	(pc) =	sbr.rel @!p1 .LBB2_4-.Ltmp1, $1  }
0x1b: {  	_ =	sdelay $0x3  }
.LBB2_1:
0x1c: {  	s0 =	rddreg [dreg:$0x5]  }
0x1d: {  	[tilespmem:s1], [sflag:$0x6] =	stream.linear.gather [hbm4b:s0+s1], $0x80, $0x38;
	[tilespmem:$0x18480] =	vst v63  }
0x1e: {  	_ =	swait.ge [sflag:s16], $0x80  }
0x1f: {  	[sflag:s16] =	ssyncset.done $0x0  }
0x20: {  	[sflag:s16] =	ssyncadd.s32 $0xFFFFFF80  }
0x21: {  	[tilespmem:s7], [sflag:$0x1] =	stream.linear.gather [hbm4b:s5+s1], $0x6000, $0x38;
	[tilespmem:$0x18480] =	vst v63  }
0x22: {  	s17 =	rddreg [dreg:$0x6]  }
0x23: {  	[tilespmem:s8], [sflag:$0x2] =	stream.linear.gather [hbm4b:s17+s1], $0x6000, $0x38;
	[tilespmem:$0x18480] =	vst v63  }
0x24: {  	s18 =	rddreg [dreg:$0x9]  }
0x25: {  	[tilespmem:s9], [sflag:$0x3] =	stream.linear.gather [hbm4b:s18+s1], $0x6000, $0x38;
	[tilespmem:$0x18480] =	vst v63  }
0x26: {  	s19 =	rddreg [dreg:$0xa]  }
0x27: {  	[tilespmem:s10], [sflag:$0x4] =	stream.linear.gather [hbm4b:s19+s1], $0x6000, $0x38;
	[tilespmem:$0x18480] =	vst v63  }
0x28: {  	v13 =	vld [tilespmem:$0x0];
	_ =	sdelay $0x4  }
0x29: {  	vm1 =	veq.s32 v13, $0x0  }
0x2a: {  	v14 =	vsel vm1, $0x1, v1;
	vm1 =	veq.s32 v13, $0x1  }
0x2b: {  	(xrf0) =	vadd.scan.msk.s32 $0xffff, v14;
	v14 =	vsel vm1, $0x1, v1;
	vm1 =	veq.s32 v13, $0x2  }
0x2c: {  	v15 =	vld [tilespmem:$0x10];
	(xrf0) =	vadd.scan.msk.s32 $0xffff, v14;
	v14 =	vsel vm1, $0x1, v1;
	vm1 =	veq.s32 v13, $0x3  }
0x2d: {  	(xrf0) =	vadd.scan.msk.s32 $0xffff, v14;
	v14 =	vsel vm1, $0x1, v1;
	vm1 =	veq.s32 v13, $0x4  }
0x2e: {  	(xrf0) =	vadd.scan.msk.s32 $0xffff, v14;
	v14 =	vsel vm1, $0x1, v1;
	vm1 =	veq.s32 v13, $0x5  }
0x2f: {  	(xrf0) =	vadd.scan.msk.s32 $0xffff, v14;
	v14 =	vsel vm1, $0x1, v1;
	vm1 =	veq.s32 v13, $0x6  }
0x30: {  	(xrf0) =	vadd.scan.msk.s32 $0xffff, v14;
	v14 =	vsel vm1, $0x1, v1;
	vm1 =	veq.s32 v13, $0x7  }
0x31: {  	v13, _, _ =	vpop (xrf0);
	(xrf0) =	vadd.scan.msk.s32 $0xffff, v14;
	v14 =	vsel vm1, $0x1, v1;
	vm1 =	veq.s32 v15, $0x0  }
0x32: {  	v16, _, _ =	vpop (xrf0);
	(xrf0) =	vadd.scan.msk.s32 $0xffff, v14;
	v14 =	vsel vm1, $0x1, v1;
	vm1 =	veq.s32 v15, $0x1  }
0x33: {  	v17, _, _ =	vpop (xrf0);
	(xrf0) =	vadd.scan.msk.s32 $0xffff, v14;
	v14 =	vsel vm1, $0x1, v1;
	_ =	sdelay $0x1  }
0x34: {  	vm1 =	veq.s32 v15, $0x2;
	v18, _, _ =	vpop (xrf0)  }
0x35: {  	(xrf0) =	vadd.scan.msk.s32 $0xffff, v14;
	v19 =	vsel vm1, $0x1, v1;
	vm1 =	veq.s32 v15, $0x3;
	v14, _, _ =	vpop (xrf0)  }
0x36: {  	(xrf0) =	vadd.scan.msk.s32 $0xffff, v19;
	v19 =	vsel vm1, $0x1, v1;
	vm1 =	veq.s32 v15, $0x4;
	v20, _, _ =	vpop (xrf0)  }
0x37: {  	v21, _, _ =	vpop (xrf0);
	(xrf0) =	vadd.scan.msk.s32 $0xffff, v19;
	v19 =	vsel vm1, $0x1, v1  }
0x38: {  	(xrf0) =	vadd.scan.msk.s32 $0xffff, v19;
	v19 =	vld [tilespmem:$0x20]  }
0x39: {  	vm1 =	veq.s32 v15, $0x5;
	v22, _, _ =	vpop (xrf0)  }
0x3a: {  	v24 =	vsel vm1, $0x1, v1;
	v23, _, _ =	vpop (xrf0)  }
0x3b: {  	vm1 =	veq.s32 v15, $0x6;
	v25, _, _ =	vpop (xrf0);
	(xrf0) =	vadd.scan.msk.s32 $0xffff, v24  }
0x3c: {  	v13 =	vadd.s32 v23, v13;
	v23 =	vsel vm1, $0x1, v1;
	vm1 =	veq.s32 v15, $0x7  }
0x3d: {  	v54, _, _ =	vpop (xrf0);
	(xrf0) =	vadd.scan.msk.s32 $0xffff, v23;
	v23 =	vsel vm1, $0x1, v1;
	vm1 =	veq.s32 v19, $0x0  }
0x3e: {  	v15 =	vadd.s32 v54, v17;
	(xrf0) =	vadd.scan.msk.s32 $0xffff, v23;
	v17, _, _ =	vpop (xrf0);
	v23 =	vsel vm1, $0x1, v1  }
0x3f: {  	v17 =	vadd.s32 v17, v18;
	v18, _, _ =	vpop (xrf0);
	(xrf0) =	vadd.scan.msk.s32 $0xffff, v23  }
0x40: {  	vm1 =	veq.s32 v19, $0x1  }
0x41: {  	v14 =	vadd.s32 v18, v14;
	v23 =	vsel vm1, $0x1, v1;
	vm1 =	veq.s32 v19, $0x2;
	v18, _, _ =	vpop (xrf0)  }
0x42: {  	(xrf0) =	vadd.scan.msk.s32 $0xffff, v23;
	v18 =	vadd.s32 v18, v20;
	v20 =	vsel vm1, $0x1, v1;
	vm1 =	veq.s32 v19, $0x3  }
0x43: {  	v55, _, _ =	vpop (xrf0);
	(xrf0) =	vadd.scan.msk.s32 $0xffff, v20;
	v20 =	vsel vm1, $0x1, v1;
	vm1 =	veq.s32 v19, $0x4  }
0x44: {  	v23 =	vld [tilespmem:$0x30];
	v56, _, _ =	vpop (xrf0);
	(xrf0) =	vadd.scan.msk.s32 $0xffff, v20;
	v20 =	vsel vm1, $0x1, v1;
	vm1 =	veq.s32 v19, $0x5  }
0x45: {  	(xrf0) =	vadd.scan.msk.s32 $0xffff, v20;
	v20 =	vsel vm1, $0x1, v1;
	vm1 =	veq.s32 v19, $0x6;
	v57, _, _ =	vpop (xrf0)  }
0x46: {  	(xrf0) =	vadd.scan.msk.s32 $0xffff, v20;
	v20 =	vsel vm1, $0x1, v1;
	vm1 =	veq.s32 v19, $0x7;
	v19 =	vbroadcast v57, $0xF;
	_ =	sdelay $0x1  }
0x47: {  	v13 =	vbroadcast v13, $0xF  }
0x48: {  	(xrf0) =	vadd.scan.msk.s32 $0xffff, v20;
	v20 =	vsel vm1, $0x1, v1;
	vm1 =	veq.s32 v23, $0x0;
	v58, _, _ =	vpop (xrf0)  }
0x49: {  	(xrf0) =	vadd.scan.msk.s32 $0xffff, v20;
	v20 =	vsel vm1, $0x1, v1;
	vm1 =	veq.s32 v23, $0x1;
	v13 =	vadd.s32 v19, v13;
	v19, _, _ =	vpop (xrf0)  }
0x4a: {  	(xrf0) =	vadd.scan.msk.s32 $0xffff, v20;
	v20 =	vsel vm1, $0x1, v1;
	vm1 =	veq.s32 v23, $0x2;
	v19 =	vbroadcast v19, $0xF  }
0x4b: {  	v59, _, _ =	vpop (xrf0);
	(xrf0) =	vadd.scan.msk.s32 $0xffff, v20;
	v20 =	vsel vm1, $0x1, v1;
	vm1 =	veq.s32 v23, $0x3  }
0x4c: {  	v15 =	vbroadcast v15, $0xF;
	v21 =	vadd.s32 v55, v21;
	v26, _, _ =	vpop (xrf0);
	(xrf0) =	vadd.scan.msk.s32 $0xffff, v20;
	v20 =	vsel vm1, $0x1, v1  }
0x4d: {  	v21 =	vbroadcast v21, $0xF;
	v22 =	vadd.s32 v56, v22;
	v27, _, _ =	vpop (xrf0);
	(xrf0) =	vadd.scan.msk.s32 $0xffff, v20  }
0x4e: {  	v22 =	vbroadcast v22, $0xF;
	vm1 =	veq.s32 v23, $0x4;
	v15 =	vadd.s32 v19, v15;
	v19, _, _ =	vpop (xrf0)  }
0x4f: {  	v20 =	vsel vm1, $0x1, v1;
	vm1 =	veq.s32 v23, $0x5;
	v60 =	vbroadcast v26, $0xF;
	v62, _, _ =	vpop (xrf0)  }
0x50: {  	(xrf0) =	vadd.scan.msk.s32 $0xffff, v20;
	v20 =	vsel vm1, $0x1, v1;
	vm1 =	veq.s32 v23, $0x6;
	v19 =	vbroadcast v19, $0xF;
	v63, _, _ =	vpop (xrf0)  }
0x51: {  	(xrf0) =	vadd.scan.msk.s32 $0xffff, v20;
	v20 =	vld [tilespmem:$0x40];
	v29 =	vsel vm1, $0x1, v1;
	vm1 =	veq.s32 v23, $0x7;
	v26 =	vbroadcast v62, $0xF;
	v28, _, _ =	vpop (xrf0)  }
0x52: {  	v23, _, _ =	vpop (xrf0);
	(xrf0) =	vadd.scan.msk.s32 $0xffff, v29;
	v29 =	vsel vm1, $0x1, v1  }
0x53: {  	v19 =	vadd.s32 v19, v21;
	v21 =	vadd.s32 v26, v22;
	v22, _, _ =	vpop (xrf0);
	(xrf0) =	vadd.scan.msk.s32 $0xffff, v29  }
0x54: {  	v17 =	vbroadcast v17, $0xF;
	v22 =	vbroadcast v22, $0xF  }
0x55: {  	v16 =	vadd.s32 v25, v16;
	v25 =	vbroadcast v59, $0xF;
	v23 =	vbroadcast v23, $0xF  }
0x56: {  	v31, _, _ =	vpop (xrf0);
	vm1 =	veq.s32 v20, $0x0  }
0x57: {  	v17 =	vadd.s32 v25, v17;
	v32, _, _ =	vpop (xrf0);
	v33 =	vsel vm1, $0x1, v1;
	vm1 =	veq.s32 v20, $0x1  }
0x58: {  	(xrf0) =	vadd.scan.msk.s32 $0xffff, v33;
	v34 =	vsel vm1, $0x1, v1;
	v17 =	vadd.s32 v22, v17;
	v22, _, _ =	vpop (xrf0)  }
0x59: {  	v15 =	vadd.s32 v23, v15;
	(xrf0) =	vadd.scan.msk.s32 $0xffff, v34;
	v23, _, _ =	vpop (xrf0)  }
0x5a: {  	v16 =	vbroadcast v16, $0xF;
	v23 =	vbroadcast v23, $0xF  }
0x5b: {  	v14 =	vbroadcast v14, $0xF;
	vm1 =	veq.s32 v20, $0x2;
	v22 =	vbroadcast v22, $0xF  }
0x5c: {  	v18 =	vbroadcast v18, $0xF;
	v35 =	vsel vm1, $0x1, v1;
	vm1 =	veq.s32 v20, $0x3  }
0x5d: {  	(xrf0) =	vadd.scan.msk.s32 $0xffff, v35;
	v37 =	vsel vm1, $0x1, v1;
	vm1 =	veq.s32 v20, $0x4;
	v19 =	vadd.s32 v22, v19  }
0x5e: {  	v36 =	vld [tilespmem:$0x50];
	(xrf0) =	vadd.scan.msk.s32 $0xffff, v37;
	v22 =	vsel vm1, $0x1, v1;
	vm1 =	veq.s32 v20, $0x5;
	v21 =	vadd.s32 v23, v21;
	v23, _, _ =	vpop (xrf0)  }
0x5f: {  	v24 =	vbroadcast v58, $0xF;
	(xrf0) =	vadd.scan.msk.s32 $0xffff, v22;
	v22 =	vsel vm1, $0x1, v1;
	vm1 =	veq.s32 v20, $0x6;
	v38, _, _ =	vpop (xrf0)  }
0x60: {  	(xrf0) =	vadd.scan.msk.s32 $0xffff, v22;
	v22 =	vsel vm1, $0x1, v1;
	vm1 =	veq.s32 v20, $0x7;
	v20 =	vbroadcast v38, $0xF  }
0x61: {  	v30 =	vbroadcast v28, $0xF;
	v23 =	vbroadcast v23, $0xF  }
0x62: {  	v16 =	vadd.s32 v24, v16;
	v61 =	vbroadcast v27, $0xF;
	v27 =	vbroadcast v63, $0xF  }
0x63: {  	v16 =	vadd.s32 v30, v16;
	(xrf0) =	vadd.scan.msk.s32 $0xffff, v22;
	v22 =	vsel vm1, $0x1, v1;
	vm1 =	veq.s32 v36, $0x0  }
0x64: {  	v13 =	vadd.s32 v27, v13;
	(xrf0) =	vadd.scan.msk.s32 $0xffff, v22;
	v22 =	vsel vm1, $0x1, v1;
	v16 =	vadd.s32 v20, v16;
	v20, _, _ =	vpop (xrf0)  }
0x65: {  	vm1 =	veq.s32 v36, $0x1;
	v13 =	vadd.s32 v23, v13;
	v20 =	vbroadcast v20, $0xF;
	v23, _, _ =	vpop (xrf0)  }
0x66: {  	(xrf0) =	vadd.scan.msk.s32 $0xffff, v22;
	v22 =	vsel vm1, $0x1, v1;
	vm1 =	veq.s32 v36, $0x2;
	v23 =	vbroadcast v23, $0xF  }
0x67: {  	v39 =	vld [tilespmem:$0x60];
	v18 =	vadd.s32 v61, v18;
	(xrf0) =	vadd.scan.msk.s32 $0xffff, v22;
	v22 =	vsel vm1, $0x1, v1;
	vm1 =	veq.s32 v36, $0x3  }
0x68: {  	v40, _, _ =	vpop (xrf0);
	(xrf0) =	vadd.scan.msk.s32 $0xffff, v22;
	v22 =	vsel vm1, $0x1, v1;
	vm1 =	veq.s32 v36, $0x4;
	v15 =	vadd.s32 v20, v15  }
0x69: {  	v17 =	vadd.s32 v23, v17;
	v20, _, _ =	vpop (xrf0);
	(xrf0) =	vadd.scan.msk.s32 $0xffff, v22;
	v22 =	vsel vm1, $0x1, v1;
	vm1 =	veq.s32 v36, $0x5  }
0x6a: {  	v23, _, _ =	vpop (xrf0);
	(xrf0) =	vadd.scan.msk.s32 $0xffff, v22;
	v22 =	vsel vm1, $0x1, v1;
	vm1 =	veq.s32 v36, $0x6;
	v20 =	vbroadcast v20, $0xF  }
0x6b: {  	v26 =	vbroadcast v32, $0xF;
	v41, _, _ =	vpop (xrf0);
	(xrf0) =	vadd.scan.msk.s32 $0xffff, v22;
	v22 =	vsel vm1, $0x1, v1;
	vm1 =	veq.s32 v36, $0x7  }
0x6c: {  	v23 =	vbroadcast v23, $0xF;
	v42, _, _ =	vpop (xrf0);
	(xrf0) =	vadd.scan.msk.s32 $0xffff, v22;
	v22 =	vsel vm1, $0x1, v1;
	vm1 =	veq.s32 v39, $0x0  }
0x6d: {  	v25 =	vbroadcast v31, $0xF;
	v18 =	vadd.s32 v26, v18;
	v43, _, _ =	vpop (xrf0);
	(xrf0) =	vadd.scan.msk.s32 $0xffff, v22;
	v22 =	vsel vm1, $0x1, v1  }
0x6e: {  	v18 =	vadd.s32 v20, v18;
	v19 =	vadd.s32 v23, v19;
	v23 =	vbroadcast v41, $0xF;
	v20, _, _ =	vpop (xrf0);
	(xrf0) =	vadd.scan.msk.s32 $0xffff, v22  }
0x6f: {  	v14 =	vadd.s32 v60, v14;
	vm1 =	veq.s32 v39, $0x1;
	v44, _, _ =	vpop (xrf0);
	v20 =	vbroadcast v20, $0xF  }
0x70: {  	v14 =	vadd.s32 v25, v14;
	v22 =	vsel vm1, $0x1, v1;
	vm1 =	veq.s32 v39, $0x2;
	v45, _, _ =	vpop (xrf0)  }
0x71: {  	(xrf0) =	vadd.scan.msk.s32 $0xffff, v22;
	v22 =	vbroadcast v43, $0xF;
	v47 =	vsel vm1, $0x1, v1;
	vm1 =	veq.s32 v39, $0x3;
	v46, _, _ =	vpop (xrf0)  }
0x72: {  	v26 =	vbroadcast v40, $0xF;
	v21 =	vadd.s32 v23, v21;
	v48 =	vsel vm1, $0x1, v1;
	v23, _, _ =	vpop (xrf0);
	(xrf0) =	vadd.scan.msk.s32 $0xffff, v47  }
0x73: {  	v16 =	vadd.s32 v22, v16;
	v15 =	vadd.s32 v20, v15;
	v22 =	vbroadcast v45, $0xF;
	v20, _, _ =	vpop (xrf0);
	(xrf0) =	vadd.scan.msk.s32 $0xffff, v48  }
0x74: {  	v14 =	vadd.s32 v26, v14;
	v50, _, _ =	vpop (xrf0)  }
0x75: {  	v14 =	vadd.s32 v22, v14;
	v22 =	vbroadcast v50, $0xF  }
0x76: {  	v25 =	vbroadcast v42, $0xF;
	vm1 =	veq.s32 v39, $0x4;
	v20 =	vbroadcast v20, $0xF  }
0x77: {  	v52 =	vsel vm1, $0x1, v1;
	v51, _, _ =	vpop (xrf0)  }
0x78: {  	v13 =	vadd.s32 v25, v13;
	(xrf0) =	vadd.scan.msk.s32 $0xffff, v52;
	v20 =	vadd.s32 v20, v21;
	v21, _, _ =	vpop (xrf0)  }
0x79: {  	v13 =	vadd.s32 v22, v13;
	v22, _, _ =	vpop (xrf0)  }
0x7a: {  	v22 =	vbroadcast v22, $0xF  }
0x7b: {  	v26 =	vbroadcast v44, $0xF;
	_ =	sdelay $0x1  }
0x7c: {  	v17 =	vadd.s32 v26, v17  }
0x7d: {  	v23 =	vbroadcast v23, $0xF;
	v17 =	vadd.s32 v22, v17;
	v22, _, _ =	vpop (xrf0)  }
0x7e: {  	v54 =	vld [tilespmem:$0x70];
	vm1 =	veq.s32 v39, $0x5;
	v22 =	vbroadcast v22, $0xF  }
0x7f: {  	v19 =	vadd.s32 v23, v19;
	v23 =	vsel vm1, $0x1, v1;
	vm1 =	veq.s32 v39, $0x6  }
0x80: {  	(xrf0) =	vadd.scan.msk.s32 $0xffff, v23;
	v23 =	vsel vm1, $0x1, v1;
	v21 =	vbroadcast v21, $0xF;
	v14 =	vadd.s32 v22, v14;
	v22 =	vld [tilespmem:$0x1FFF0]  }
0x81: {  	(xrf0) =	vadd.scan.msk.s32 $0xffff, v23  }
0x82: {  	vm3 =	vcmask $0x3F20;
	vm1 =	veq.s32 v39, $0x7;
	v15 =	vadd.s32 v21, v15  }
0x83: {  	v21 =	vsel vm1, $0x1, v1;
	vm1 =	veq.s32 v54, $0x0;
	v17 =	vsel vm3, $0x0, v17  }
0x84: {  	v49 =	vbroadcast v46, $0xF;
	(xrf0) =	vadd.scan.msk.s32 $0xffff, v21;
	v21 =	vsel vm1, $0x1, v1;
	vm1 =	veq.s32 v54, $0x1  }
0x85: {  	(xrf0) =	vadd.scan.msk.s32 $0xffff, v21;
	v21 =	vsel vm1, $0x1, v1;
	vm1 =	veq.s32 v54, $0x2;
	vm3 =	vnez.u8 v22  }
0x86: {  	(xrf0) =	vadd.scan.msk.s32 $0xffff, v21;
	v21 =	vsel vm1, $0x1, v1;
	vm1 =	veq.s32 v54, $0x3;
	v14 =	vsel vm3, v17, v14;
	v17, _, _ =	vpop (xrf0)  }
0x87: {  	v18 =	vadd.s32 v49, v18;
	(xrf0) =	vadd.scan.msk.s32 $0xffff, v21;
	v21 =	vsel vm1, $0x1, v1;
	vm1 =	veq.s32 v54, $0x4;
	v22, _, _ =	vpop (xrf0)  }
0x88: {  	(xrf0) =	vadd.scan.msk.s32 $0xffff, v21;
	v21 =	vsel vm1, $0x1, v1;
	vm1 =	veq.s32 v54, $0x5;
	v22 =	vbroadcast v22, $0xF  }
0x89: {  	v17 =	vbroadcast v17, $0xF;
	(xrf0) =	vadd.scan.msk.s32 $0xffff, v21;
	v21 =	vsel vm1, $0x1, v1;
	vm1 =	veq.s32 v54, $0x6  }
0x8a: {  	v53 =	vbroadcast v51, $0xF;
	v23, _, _ =	vpop (xrf0);
	(xrf0) =	vadd.scan.msk.s32 $0xffff, v21;
	v21 =	vsel vm1, $0x1, v1;
	vm1 =	veq.s32 v54, $0x7  }
0x8b: {  	v17 =	vadd.s32 v17, v18;
	v18 =	vbroadcast v23, $0xF;
	v23, _, _ =	vpop (xrf0);
	(xrf0) =	vadd.scan.msk.s32 $0xffff, v21;
	v21 =	vsel vm1, $0x1, v1  }
0x8c: {  	v14 =	vsel vm4, v14, v17;
	v17 =	vadd.s32 v22, v19;
	v19 =	vbroadcast v23, $0xF;
	v22, _, _ =	vpop (xrf0)  }
0x8d: {  	v14 =	vsel vm5, v14, v17;
	v17 =	vadd.s32 v18, v20;
	v18 =	vbroadcast v22, $0xF  }
0x8e: {  	v16 =	vadd.s32 v53, v16;
	vm1 =	vcmask $0x30C;
	(xrf0) =	vadd.scan.msk.s32 $0xffff, v21;
	v21, _, _ =	vpop (xrf0)  }
0x8f: {  	v14 =	vsel vm6, v14, v17;
	v13 =	vadd.s32 v19, v13;
	v20, _, _ =	vpop (xrf0);
	v17 =	vbroadcast v21, $0xF  }
0x90: {  	v13 =	vsel vm7, v13, v14;
	v14 =	vadd.s32 v18, v16;
	v16 =	vbroadcast v20, $0xF  }
0x91: {  	v13 =	vsel vm1, v13, v14;
	v14 =	vadd.s32 v17, v15;
	vm1 =	vcmask $0xB14;
	v18, _, _ =	vpop (xrf0)  }
0x92: {  	v14 =	vsel vm9, v13, v14;
	v16 =	vadd.s32 v16, v13;
	v15 =	vbroadcast v18, $0xF  }
0x93: {  	v17, _, _ =	vpop (xrf0);
	v14 =	vsel vm1, v14, v16  }
0x94: {  	vm1 =	vcmask $0xF18;
	v17 =	vbroadcast v17, $0xF;
	v18, _, _ =	vpop (xrf0);
	v13 =	vadd.s32 v15, v13  }
0x95: {  	v15 =	vbroadcast v18, $0xF;
	v16, _, _ =	vpop (xrf0);
	v13 =	vsel vm1, v14, v13  }
0x96: {  	v14 =	vadd.s32 v17, v14;
	v16 =	vbroadcast v16, $0xF;
	vm1 =	vcmask $0x131C  }
0x97: {  	v14 =	vsel vm1, v13, v14;
	v13 =	vadd.s32 v15, v13;
	vm1 =	vcmask $0x1720  }
0x98: {  	v13 =	vsel vm1, v14, v13;
	v14 =	vadd.s32 v16, v14;
	vm1 =	vcmask $0x1B20  }
0x99: {  	v13 =	vsel vm1, v13, v14  }
0x9a: {  	s4 =	simm.s32 $0x18280;
	s20 =	rddreg [dreg:$0xb];
	[tilespmem:$0x18280] =	vst v13  }
0x9b: {  	[hbm4b:s20+s1] =	stream.linear.scatter [tilespmem:s4], [sflag:$0x6], $0x10, $0x38;
	[tilespmem:$0x18480] =	vst v63  }
0x9c: {  	_ =	swait.ge [sflag:s16], $0x10  }
0x9d: {  	[sflag:s16] =	ssyncset.done $0x0  }
0x9e: {  	[sflag:s16] =	ssyncadd.s32 $0xFFFFFFF0  }
0x9f: {  	[bflag:$0x0] =	sbarrier.arrive $0xFFFF  }
0xa0: {  	s21 =	rddreg [dreg:$0xc]  }
0xa1: {  	[tilespmem:s22], [sflag:$0x6] =	stream.linear.gather [hbm4b:s21+s1], $0x100, $0x38;
	[tilespmem:$0x18480] =	vst v63  }
0xa2: {  	_ =	swait.ge [sflag:s16], $0x100  }
0xa3: {  	[sflag:s16] =	ssyncset.done $0x0  }
0xa4: {  	[sflag:s16] =	ssyncadd.s32 $0xFFFFFF00  }
0xa5: {  	v13 =	vld.idx.msk [tilespmem:v2+s22+$0x0], $0xffff;
	_ =	sdelay $0x4  }
0xa6: {  	(xrf0) =	vadd.scan.msk.s32 $0xffff, v13;
	_ =	sdelay $0x4  }
0xa7: {  	v14 =	vld.idx.msk [tilespmem:v3+s22+$0x0], $0xffff  }
0xa8: {  	v18, _, _ =	vpop (xrf0)  }
0xa9: {  	v13 =	vsub.s32 v18, v13  }
0xaa: {  	v13 =	vnsel vm0, $0x0, v13  }
0xab: {  	(xrf0) =	vadd.scan.msk.s32 $0xffff, v13  }
0xac: {  	(xrf0) =	vadd.scan.msk.s32 $0xffff, v14;
	_ =	sdelay $0x4  }
0xad: {  	v15 =	vld.idx.msk [tilespmem:v4+s22+$0x0], $0xffff;
	v13, _, _ =	vpop (xrf0)  }
0xae: {  	v19, _, _ =	vpop (xrf0)  }
0xaf: {  	v14 =	vsub.s32 v19, v14  }
0xb0: {  	v14 =	vnsel vm0, $0x0, v14  }
0xb1: {  	(xrf0) =	vadd.scan.msk.s32 $0xffff, v14  }
0xb2: {  	(xrf0) =	vadd.scan.msk.s32 $0xffff, v15;
	_ =	sdelay $0x4  }
0xb3: {  	v17 =	vld.idx.msk [tilespmem:v5+s22+$0x0], $0xffff;
	v14, _, _ =	vpop (xrf0)  }
0xb4: {  	v16, _, _ =	vpop (xrf0)  }
0xb5: {  	v15 =	vsub.s32 v16, v15  }
0xb6: {  	v15 =	vnsel vm0, $0x0, v15  }
0xb7: {  	(xrf0) =	vadd.scan.msk.s32 $0xffff, v15  }
0xb8: {  	(xrf0) =	vadd.scan.msk.s32 $0xffff, v17;
	_ =	sdelay $0x4  }
0xb9: {  	v21 =	vld.idx.msk [tilespmem:v6+s22+$0x0], $0xffff;
	v20, _, _ =	vpop (xrf0)  }
0xba: {  	v15, _, _ =	vpop (xrf0)  }
0xbb: {  	v17 =	vsub.s32 v15, v17  }
0xbc: {  	v17 =	vnsel vm0, $0x0, v17  }
0xbd: {  	(xrf0) =	vadd.scan.msk.s32 $0xffff, v17  }
0xbe: {  	(v2sf) =	vpush v18, $0xF;
	(xrf0) =	vadd.scan.msk.s32 $0xffff, v21;
	_ =	sdelay $0x3  }
0xbf: {  	(v2sf) =	vpush v13, $0xF  }
0xc0: {  	v22 =	vld.idx.msk [tilespmem:v7+s22+$0x0], $0xffff;
	(v2sf) =	vpush v19, $0xF;
	v17, _, _ =	vpop (xrf0)  }
0xc1: {  	v13, _, _ =	vpop (xrf0)  }
0xc2: {  	(v2sf) =	vpush v14, $0xF;
	v14 =	vsub.s32 v13, v21  }
0xc3: {  	v14 =	vnsel vm0, $0x0, v14  }
0xc4: {  	(xrf0) =	vadd.scan.msk.s32 $0xffff, v14  }
0xc5: {  	(xrf0) =	vadd.scan.msk.s32 $0xffff, v22  }
0xc6: {  	(v2sf) =	vpush v16, $0xF;
	_ =	sdelay $0x2  }
0xc7: {  	(v2sf) =	vpush v20, $0xF  }
0xc8: {  	s25 =	spop (v2sf);
	(v2sf) =	vpush v15, $0xF;
	v21 =	vld.idx.msk [tilespmem:v8+s22+$0x0], $0xffff;
	v20, _, _ =	vpop (xrf0)  }
0xc9: {  	s13 =	sadd.s32 $0xFF, s25;
	v14, _, _ =	vpop (xrf0)  }
0xca: {  	s17 =	sand.u32 $0xFF, s13;
	s18 =	sshra.s32 s13, $0x1F;
	v22 =	vsub.s32 v14, v22  }
0xcb: {  	p1 =	slt.s32 s13, $0x1;
	p2 =	sne.s32 s17, $0x0;
	s4 =	sshrl.u32 s18, $0x18;
	v22 =	vnsel vm0, $0x0, v22  }
0xcc: {  	s17 =	simm.s32 $0x1;
	p1 =	por !p1, !p2;
	s0 =	spop (v2sf);
	(xrf0) =	vadd.scan.msk.s32 $0xffff, v22  }
0xcd: {  	s13 =	sadd.s32 s4, s13;
	p1 =	por !p1, !p1;
	s6 =	spop (v2sf);
	(xrf0) =	vadd.scan.msk.s32 $0xffff, v21  }
0xce: {  	s13 =	sshra.s32 s13, $0x8;
	s17 =	simm.s32 @!p1 $0x0;
	s18 =	sadd.s32 $0xFF, s6  }
0xcf: {  	s25 =	sand.u32 $0xFF, s18;
	s31 =	sshra.s32 s18, $0x1F;
	p3 =	slt.s32 s18, $0x1;
	(v2sf) =	vpush v17, $0xF  }
0xd0: {  	p4 =	sne.s32 s25, $0x0;
	s19 =	sshrl.u32 s31, $0x18;
	s31 =	simm.s32 $0x1;
	(v2sf) =	vpush v13, $0xF  }
0xd1: {  	s25 =	ssub.s32 s13, s17;
	p1 =	por !p3, !p4;
	s18 =	sadd.s32 s19, s18  }
0xd2: {  	s17 =	sshll.u32 s25, $0x8;
	p1 =	por !p1, !p1;
	s21 =	spop (v2sf);
	(v2sf) =	vpush v20, $0xF;
	v22 =	vld.idx.msk [tilespmem:v9+s22+$0x0], $0xffff;
	v20, _, _ =	vpop (xrf0)  }
0xd3: {  	s20 =	sshra.s32 s18, $0x8;
	s31 =	simm.s32 @!p1 $0x0;
	s28 =	spop (v2sf);
	v17, _, _ =	vpop (xrf0)  }
0xd4: {  	s6 =	ssub.s32 s20, s31;
	s4 =	sadd.s32 s3, s21;
	s18 =	sadd.s32 $0xFF, s28;
	v21 =	vsub.s32 v17, v21  }
0xd5: {  	s13 =	sadd.s32 s17, s4;
	s28 =	sshra.s32 s18, $0x1F;
	s31 =	sand.u32 $0xFF, s18;
	v21 =	vnsel vm0, $0x0, v21  }
0xd6: {  	p5 =	slt.s32 s18, $0x1;
	p6 =	sne.s32 s31, $0x0;
	s29 =	spop (v2sf);
	(xrf0) =	vadd.scan.msk.s32 $0xffff, v21  }
0xd7: {  	s28 =	sshrl.u32 s28, $0x18;
	p1 =	por !p5, !p6;
	s19 =	spop (v2sf);
	(v2sf) =	vpush v14, $0xF;
	(xrf0) =	vadd.scan.msk.s32 $0xffff, v22  }
0xd8: {  	s17 =	sadd.s32 s28, s18;
	s28 =	simm.s32 $0x1;
	p1 =	por !p1, !p1  }
0xd9: {  	s21 =	sadd.s32 s25, s6;
	s17 =	sshra.s32 s17, $0x8;
	s28 =	simm.s32 @!p1 $0x0  }
0xda: {  	s20 =	sshll.u32 s21, $0x8;
	s17 =	ssub.s32 s17, s28  }
0xdb: {  	s28 =	sadd.s32 s21, s17;
	s29 =	sadd.s32 s3, s29;
	s19 =	sadd.s32 $0xFF, s19;
	v21 =	vld [tilespmem:$0x0]  }
0xdc: {  	s31 =	sadd.s32 s20, s29;
	s4 =	sshra.s32 s19, $0x1F;
	s29 =	sand.u32 $0xFF, s19;
	v23, _, _ =	vpop (xrf0)  }
0xdd: {  	p3 =	slt.s32 s19, $0x1;
	p4 =	sne.s32 s29, $0x0;
	s17 =	sshrl.u32 s4, $0x18;
	(v2sf) =	vpush v20, $0xF;
	v20, _, _ =	vpop (xrf0)  }
0xde: {  	p1 =	por !p3, !p4;
	s17 =	sadd.s32 s17, s19;
	s18 =	spop (v2sf);
	v22 =	vsub.s32 v20, v22  }
0xdf: {  	s19 =	simm.s32 $0x1;
	p1 =	por !p1, !p1;
	s29 =	spop (v2sf);
	(v2sf) =	vpush v17, $0xF;
	v22 =	vnsel vm0, $0x0, v22  }
0xe0: {  	s17 =	sshra.s32 s17, $0x8;
	s19 =	simm.s32 @!p1 $0x0;
	vm11 =	veq.s32 v21, $0x0;
	(v2sf) =	vpush v23, $0xF;
	(xrf0) =	vadd.scan.msk.s32 $0xffff, v22  }
0xe1: {  	v63 =	vld [tilespmem:$0x10];
	s0 =	sadd.s32 s3, s0;
	s6 =	sshll.u32 s28, $0x8;
	s17 =	ssub.s32 s17, s19;
	vm13 =	veq.s32 v21, $0x1;
	v22 =	vsel vm11, $0x1, v1  }
0xe2: {  	s18 =	sadd.s32 s3, s18;
	s19 =	sadd.s32 $0xFF, s29;
	s29 =	sadd.s32 s28, s17;
	vm10 =	veq.s32 v21, $0x2;
	(xrf0) =	vadd.scan.msk.s32 $0xffff, v22;
	v22 =	vsel vm13, $0x1, v1  }
0xe3: {  	s18 =	sadd.s32 s6, s18;
	s6 =	sand.u32 $0xFF, s19;
	s17 =	sshll.u32 s29, $0x8;
	(xrf0) =	vadd.scan.msk.s32 $0xffff, v22;
	v22 =	vsel vm10, $0x1, v1  }
0xe4: {  	p6 =	slt.s32 s19, $0x1;
	p5 =	sne.s32 s6, $0x0;
	s6 =	sshra.s32 s19, $0x1F;
	vm8 =	veq.s32 v21, $0x3;
	(xrf0) =	vadd.scan.msk.s32 $0xffff, v22  }
0xe5: {  	s4 =	sshrl.u32 s6, $0x18;
	p1 =	por !p6, !p5;
	s20 =	spop (v2sf);
	v22 =	vsel vm8, $0x1, v1  }
0xe6: {  	vm1 =	veq.s32 v63, $0x2;
	s4 =	sadd.s32 s4, s19;
	s20 =	sadd.s32 s3, s20;
	s6 =	spop (v2sf);
	vm15 =	veq.s32 v21, $0x4;
	v23, _, _ =	vpop (xrf0)  }
0xe7: {  	vm3 =	veq.s32 v63, $0x4;
	p1 =	por !p1, !p1;
	s17 =	sadd.s32 s17, s20;
	s20 =	sadd.s32 $0xFF, s6;
	v55 =	vsel vm15, $0x1, v1;
	(xrf0) =	vadd.scan.msk.s32 $0xffff, v22;
	(v2sf) =	vpush v23, $0xF  }
0xe8: {  	v47 =	vsel vm1, $0x1, v1;
	s19 =	simm.s32 $0x1;
	s4 =	sshra.s32 s4, $0x8;
	s6 =	sand.u32 $0xFF, s20;
	vm14 =	veq.s32 v21, $0x5;
	vm12 =	veq.s32 v21, $0x6;
	v22, _, _ =	vpop (xrf0);
	(xrf0) =	vadd.scan.msk.s32 $0xffff, v55  }
0xe9: {  	s19 =	simm.s32 @!p1 $0x0;
	p4 =	slt.s32 s20, $0x1;
	p3 =	sne.s32 s6, $0x0;
	v59 =	vsel vm14, $0x1, v1;
	v62 =	vsel vm12, $0x1, v1;
	v23 =	vbroadcast v22, $0xF;
	v56, _, _ =	vpop (xrf0)  }
0xea: {  	s4 =	ssub.s32 s4, s19;
	s19 =	sshra.s32 s20, $0x1F;
	p1 =	por !p4, !p3;
	v22 =	vadd.s32 s0, v22;
	v57 =	vbroadcast v56, $0xF;
	v58, _, _ =	vpop (xrf0);
	v24 =	vadd.s32 s13, v56  }
0xeb: {  	s19 =	sshrl.u32 s19, $0x18;
	p1 =	por !p1, !p1;
	(xrf0) =	vadd.scan.msk.s32 $0xffff, v59;
	v22 =	vadd.s32 $0xFFFFFFFF, v22;
	v23 =	vadd.s32 s0, v23;
	v60 =	vbroadcast v58, $0xF  }
0xec: {  	s6 =	spop (v2sf);
	s0 =	sadd.s32 s19, s20;
	s19 =	simm.s32 $0x1;
	v26 =	vadd.s32 s31, v58;
	v22 =	vnsel vm11, $0x0, v22;
	vm11 =	veq.s32 v21, $0x7  }
0xed: {  	s6 =	sadd.s32 s3, s6;
	(xrf0) =	vadd.scan.msk.s32 $0xffff, v62;
	v21 =	vadd.s32 $0xFFFFFFFF, v24;
	v25 =	vadd.s32 s13, v57;
	s0 =	sshra.s32 s0, $0x8;
	s19 =	simm.s32 @!p1 $0x0;
	v32 =	vsel vm11, $0x1, v1;
	v61, _, _ =	vpop (xrf0)  }
0xee: {  	s13 =	spop (v2sf);
	v21 =	vsel vm13, v21, v22;
	v22 =	vadd.s32 $0xFFFFFFFF, v26;
	s19 =	ssub.s32 s0, s19;
	s0 =	sadd.s32 s29, s4;
	v30 =	vbroadcast v61, $0xF;
	v31, _, _ =	vpop (xrf0);
	(xrf0) =	vadd.scan.msk.s32 $0xffff, v32  }
0xef: {  	v28 =	vadd.s32 s31, v60;
	s20 =	spop (v2sf);
	s13 =	sadd.s32 $0xFF, s13;
	v21 =	vsel vm10, v22, v21;
	vm10 =	veq.s32 v63, $0x0;
	s4 =	sshll.u32 s0, $0x8  }
0xf0: {  	v29 =	vadd.s32 s18, v61;
	s31 =	sadd.s32 s0, s19;
	s19 =	sshra.s32 s13, $0x1F;
	v33 =	vsel vm10, $0x1, v1;
	v30 =	vadd.s32 s18, v30;
	s18 =	sand.u32 $0xFF, s13  }
0xf1: {  	p6 =	slt.s32 s13, $0x1;
	s4 =	sadd.s32 s4, s6;
	v40 =	vbroadcast v31, $0xF;
	v41 =	vadd.s32 s17, v31;
	v22, _, _ =	vpop (xrf0);
	v29 =	vadd.s32 $0xFFFFFFFF, v29;
	p5 =	sne.s32 s18, $0x0  }
0xf2: {  	s6 =	sshrl.u32 s19, $0x18;
	s19 =	sadd.s32 s3, s20;
	v42 =	vbroadcast v22, $0xF;
	v21 =	vsel vm8, v29, v21;
	vm8 =	veq.s32 v63, $0x1;
	p1 =	por !p6, !p5  }
0xf3: {  	s6 =	sadd.s32 s6, s13;
	s13 =	simm.s32 $0x1;
	v43, _, _ =	vpop (xrf0);
	(xrf0) =	vadd.scan.msk.s32 $0xffff, v33;
	v22 =	vadd.s32 s4, v22;
	v26 =	vadd.s32 $0xFFFFFFFF, v41;
	v45 =	vsel vm8, $0x1, v1;
	p1 =	por !p1, !p1  }
0xf4: {  	v35 =	vsel vm3, $0x1, v1;
	s18 =	sshll.u32 s31, $0x8;
	s6 =	sshra.s32 s6, $0x8;
	v21 =	vsel vm15, v26, v21;
	v22 =	vadd.s32 $0xFFFFFFFF, v22;
	(xrf0) =	vadd.scan.msk.s32 $0xffff, v45;
	s13 =	simm.s32 @!p1 $0x0;
	v46, _, _ =	vpop (xrf0)  }
0xf5: {  	v24 =	vadd.s32 s17, v40;
	s17 =	sadd.s32 s18, s19;
	v21 =	vsel vm14, v22, v21;
	s6 =	ssub.s32 s6, s13;
	v22 =	vbroadcast v46, $0xF  }
0xf6: {  	vm13 =	veq.s32 v63, $0x3;
	v44 =	vbroadcast v43, $0xF;
	v32 =	vadd.s32 s17, v43;
	s13 =	sadd.s32 s31, s6;
	s20 =	spop (v2sf)  }
0xf7: {  	v48 =	vsel vm13, $0x1, v1;
	v31 =	vadd.s32 s4, v42;
	v32 =	vadd.s32 $0xFFFFFFFF, v32;
	(xrf0) =	vadd.scan.msk.s32 $0xffff, v47;
	s6 =	sshll.u32 s13, $0x8;
	s4 =	sadd.s32 s3, s20  }
0xf8: {  	v29 =	vadd.s32 s17, v44;
	v21 =	vsel vm12, v32, v21;
	vm12 =	veq.s32 v63, $0x6;
	s4 =	sadd.s32 s6, s4  }
0xf9: {  	v58 =	vsel vm12, $0x1, v1;
	v26 =	vadd.s32 s4, v46;
	v33 =	vadd.s32 s4, v22;
	v22, _, _ =	vpop (xrf0)  }
0xfa: {  	(xrf0) =	vadd.scan.msk.s32 $0xffff, v48;
	v26 =	vadd.s32 $0xFFFFFFFF, v26;
	v34 =	vadd.s32 v23, v22;
	v22 =	vbroadcast v22, $0xF;
	v50, _, _ =	vpop (xrf0)  }
0xfb: {  	v49 =	vadd.s32 $0xFFFFFFFF, v34;
	v21 =	vsel vm11, v26, v21;
	v52 =	vadd.s32 v25, v50  }
0xfc: {  	(xrf0) =	vadd.scan.msk.s32 $0xffff, v35;
	v35 =	vld [tilespmem:$0x20];
	v53 =	vbroadcast v50, $0xF;
	vm11 =	veq.s32 v63, $0x7;
	v51 =	vnsel vm10, $0x0, v49  }
0xfd: {  	v54, _, _ =	vpop (xrf0);
	v23 =	vadd.s32 v23, v22;
	v22 =	vadd.s32 $0xFFFFFFFF, v52;
	vm10 =	veq.s32 v63, $0x5  }
0xfe: {  	v36 =	vadd.s32 v28, v54;
	v32 =	vbroadcast v54, $0xF;
	v55 =	vsel vm10, $0x1, v1  }
0xff: {  	v63 =	vsel vm11, $0x1, v1;
	v22 =	vsel vm8, v22, v51;
	v56 =	vadd.s32 $0xFFFFFFFF, v36;
	(xrf0) =	vadd.scan.msk.s32 $0xffff, v55  }
0x100: {  	v25 =	vadd.s32 v53, v25;
	v36 =	vld [tilespmem:$0x40];
	v22 =	vsel vm1, v56, v22;
	v26 =	vadd.s32 v32, v28;
	v57, _, _ =	vpop (xrf0);
	(xrf0) =	vadd.scan.msk.s32 $0xffff, v58  }
0x101: {  	vm8 =	veq.s32 v35, $0x0;
	vm1 =	veq.s32 v35, $0x2;
	v59 =	vadd.s32 v30, v57  }
0x102: {  	v60 =	vbroadcast v57, $0xF;
	v61, _, _ =	vpop (xrf0);
	(xrf0) =	vadd.scan.msk.s32 $0xffff, v63;
	v37 =	vsel vm8, $0x1, v1;
	v46 =	vsel vm1, $0x1, v1  }
0x103: {  	v28 =	vadd.s32 $0xFFFFFFFF, v59;
	v62 =	vadd.s32 v24, v61;
	v38 =	vbroadcast v61, $0xF  }
0x104: {  	v22 =	vsel vm13, v28, v22;
	v27 =	vadd.s32 $0xFFFFFFFF, v62;
	v30 =	vadd.s32 v60, v30  }
0x105: {  	vm13 =	veq.s32 v36, $0x0;
	v22 =	vsel vm3, v27, v22;
	vm3 =	veq.s32 v35, $0x1;
	v39, _, _ =	vpop (xrf0);
	(xrf0) =	vadd.scan.msk.s32 $0xffff, v37  }
0x106: {  	v43 =	vsel vm3, $0x1, v1;
	v40 =	vadd.s32 v31, v39;
	v32 =	vbroadcast v39, $0xF;
	v42, _, _ =	vpop (xrf0)  }
0x107: {  	(xrf0) =	vadd.scan.msk.s32 $0xffff, v43;
	v41 =	vadd.s32 $0xFFFFFFFF, v40;
	v44 =	vadd.s32 v29, v42;
	v28 =	vbroadcast v42, $0xF  }
0x108: {  	v45, _, _ =	vpop (xrf0);
	v22 =	vsel vm10, v41, v22;
	v27 =	vadd.s32 v32, v31;
	v31 =	vadd.s32 $0xFFFFFFFF, v44  }
0x109: {  	vm10 =	veq.s32 v35, $0x3;
	v47 =	vadd.s32 v33, v45;
	v22 =	vsel vm12, v31, v22  }
0x10a: {  	v28 =	vadd.s32 v28, v29;
	v29 =	vadd.s32 $0xFFFFFFFF, v47;
	v31 =	vbroadcast v45, $0xF  }
0x10b: {  	v24 =	vadd.s32 v38, v24;
	v49 =	vsel vm10, $0x1, v1;
	v22 =	vsel vm11, v29, v22;
	v48, _, _ =	vpop (xrf0);
	(xrf0) =	vadd.scan.msk.s32 $0xffff, v46  }
0x10c: {  	vm11 =	veq.s32 v35, $0x4;
	v31 =	vadd.s32 v31, v33;
	v33 =	vld [tilespmem:$0x30];
	v50 =	vadd.s32 v23, v48;
	(xrf0) =	vadd.scan.msk.s32 $0xffff, v49  }
0x10d: {  	v53 =	vsel vm11, $0x1, v1;
	v52, _, _ =	vpop (xrf0);
	v34 =	vbroadcast v48, $0xF;
	v51 =	vadd.s32 $0xFFFFFFFF, v50  }
0x10e: {  	v54 =	vadd.s32 v25, v52;
	(xrf0) =	vadd.scan.msk.s32 $0xffff, v53;
	v32 =	vbroadcast v52, $0xF;
	v29 =	vnsel vm8, $0x0, v51  }
0x10f: {  	vm8 =	veq.s32 v35, $0x5;
	v55 =	vadd.s32 $0xFFFFFFFF, v54;
	v34 =	vadd.s32 v23, v34  }
0x110: {  	v56 =	vsel vm8, $0x1, v1;
	v23 =	vsel vm3, v55, v29;
	vm3 =	veq.s32 v35, $0x6  }
0x111: {  	v25 =	vadd.s32 v25, v32;
	v37 =	vsel vm3, $0x1, v1;
	vm12 =	veq.s32 v33, $0x1;
	v57, _, _ =	vpop (xrf0)  }
0x112: {  	(xrf0) =	vadd.scan.msk.s32 $0xffff, v56;
	v49 =	vsel vm12, $0x1, v1;
	v58 =	vadd.s32 v26, v57;
	v59, _, _ =	vpop (xrf0);
	v29 =	vbroadcast v57, $0xF  }
0x113: {  	(xrf0) =	vadd.scan.msk.s32 $0xffff, v37;
	v32 =	vadd.s32 $0xFFFFFFFF, v58;
	v38 =	vadd.s32 v30, v59;
	v63 =	vbroadcast v59, $0xF  }
0x114: {  	v61, _, _ =	vpop (xrf0);
	v23 =	vsel vm1, v32, v23;
	v60 =	vadd.s32 $0xFFFFFFFF, v38;
	vm1 =	veq.s32 v35, $0x7  }
0x115: {  	v26 =	vadd.s32 v29, v26;
	v40 =	vadd.s32 v24, v61;
	v29 =	vbroadcast v61, $0xF  }
0x116: {  	v38 =	vld [tilespmem:$0x60];
	v23 =	vsel vm10, v60, v23;
	v62 =	vsel vm1, $0x1, v1;
	vm10 =	veq.s32 v33, $0x0  }
0x117: {  	v41 =	vadd.s32 $0xFFFFFFFF, v40;
	v30 =	vadd.s32 v63, v30;
	(xrf0) =	vadd.scan.msk.s32 $0xffff, v62;
	v43 =	vsel vm10, $0x1, v1  }
0x118: {  	v23 =	vsel vm11, v41, v23;
	v24 =	vadd.s32 v29, v24;
	vm11 =	veq.s32 v33, $0x4;
	v42, _, _ =	vpop (xrf0);
	(xrf0) =	vadd.scan.msk.s32 $0xffff, v43  }
0x119: {  	v61 =	vsel vm11, $0x1, v1;
	v44 =	vadd.s32 v27, v42;
	v46, _, _ =	vpop (xrf0);
	v47 =	vbroadcast v42, $0xF  }
0x11a: {  	(xrf0) =	vadd.scan.msk.s32 $0xffff, v49;
	v45 =	vadd.s32 $0xFFFFFFFF, v44;
	v48 =	vadd.s32 v28, v46;
	v32 =	vbroadcast v46, $0xF  }
0x11b: {  	vm14 =	veq.s32 v38, $0x3;
	v23 =	vsel vm8, v45, v23;
	v50 =	vadd.s32 $0xFFFFFFFF, v48  }
0x11c: {  	vm8 =	veq.s32 v33, $0x2;
	v27 =	vadd.s32 v47, v27;
	v23 =	vsel vm3, v50, v23  }
0x11d: {  	v52 =	vsel vm8, $0x1, v1;
	vm3 =	veq.s32 v33, $0x3;
	v28 =	vadd.s32 v32, v28;
	v51, _, _ =	vpop (xrf0)  }
0x11e: {  	(xrf0) =	vadd.scan.msk.s32 $0xffff, v52;
	v56 =	vsel vm3, $0x1, v1;
	v53 =	vadd.s32 v31, v51;
	v29 =	vbroadcast v51, $0xF;
	v55, _, _ =	vpop (xrf0)  }
0x11f: {  	(xrf0) =	vadd.scan.msk.s32 $0xffff, v56;
	v54 =	vadd.s32 $0xFFFFFFFF, v53;
	v57 =	vadd.s32 v34, v55;
	v59 =	vbroadcast v55, $0xF  }
0x120: {  	v60, _, _ =	vpop (xrf0);
	v53 =	vsel vm13, $0x1, v1;
	v23 =	vsel vm1, v54, v23;
	v29 =	vadd.s32 v29, v31  }
0x121: {  	(xrf0) =	vadd.scan.msk.s32 $0xffff, v61;
	v58 =	vadd.s32 $0xFFFFFFFF, v57;
	vm1 =	veq.s32 v33, $0x5;
	v62 =	vadd.s32 v25, v60  }
0x122: {  	v35 =	vbroadcast v60, $0xF;
	v31 =	vnsel vm10, $0x0, v58;
	v63 =	vsel vm1, $0x1, v1  }
0x123: {  	v32 =	vadd.s32 v34, v59;
	v40 =	vadd.s32 $0xFFFFFFFF, v62;
	vm10 =	veq.s32 v33, $0x6  }
0x124: {  	v31 =	vsel vm12, v40, v31;
	v25 =	vadd.s32 v25, v35;
	vm12 =	veq.s32 v33, $0x7;
	v41, _, _ =	vpop (xrf0);
	(xrf0) =	vadd.scan.msk.s32 $0xffff, v63  }
0x125: {  	v44 =	vsel vm10, $0x1, v1;
	v48 =	vsel vm12, $0x1, v1;
	v42 =	vadd.s32 v26, v41;
	v43, _, _ =	vpop (xrf0)  }
0x126: {  	v45 =	vbroadcast v41, $0xF;
	v34 =	vadd.s32 $0xFFFFFFFF, v42;
	v46 =	vadd.s32 v30, v43  }
0x127: {  	(xrf0) =	vadd.scan.msk.s32 $0xffff, v44;
	v35 =	vbroadcast v43, $0xF;
	v47, _, _ =	vpop (xrf0);
	v31 =	vsel vm8, v34, v31;
	v37 =	vadd.s32 $0xFFFFFFFF, v46  }
0x128: {  	v26 =	vadd.s32 v45, v26;
	v49 =	vadd.s32 v24, v47;
	vm8 =	veq.s32 v36, $0x1  }
0x129: {  	(xrf0) =	vadd.scan.msk.s32 $0xffff, v48;
	v33 =	vbroadcast v47, $0xF;
	v31 =	vsel vm3, v37, v31;
	v30 =	vadd.s32 v35, v30  }
0x12a: {  	v51 =	vadd.s32 $0xFFFFFFFF, v49;
	v56 =	vsel vm8, $0x1, v1;
	vm3 =	veq.s32 v36, $0x4;
	v50, _, _ =	vpop (xrf0)  }
0x12b: {  	v31 =	vsel vm11, v51, v31;
	v33 =	vadd.s32 v33, v24;
	(xrf0) =	vadd.scan.msk.s32 $0xffff, v53;
	v52 =	vadd.s32 v27, v50  }
0x12c: {  	vm11 =	veq.s32 v36, $0x3;
	v44 =	vsel vm3, $0x1, v1;
	v54 =	vadd.s32 $0xFFFFFFFF, v52  }
0x12d: {  	v55, _, _ =	vpop (xrf0);
	v37 =	vbroadcast v50, $0xF;
	(xrf0) =	vadd.scan.msk.s32 $0xffff, v56;
	v31 =	vsel vm1, v54, v31;
	vm1 =	veq.s32 v36, $0x2  }
0x12e: {  	v57 =	vadd.s32 v28, v55;
	v34 =	vbroadcast v55, $0xF;
	v59 =	vsel vm1, $0x1, v1  }
0x12f: {  	v40 =	vsel vm11, $0x1, v1;
	v61, _, _ =	vpop (xrf0);
	v58 =	vadd.s32 $0xFFFFFFFF, v57;
	v27 =	vadd.s32 v37, v27;
	(xrf0) =	vadd.scan.msk.s32 $0xffff, v59  }
0x130: {  	v62 =	vadd.s32 v29, v61;
	v60 =	vsel vm10, v58, v31;
	v28 =	vadd.s32 v34, v28  }
0x131: {  	v34 =	vadd.s32 $0xFFFFFFFF, v62;
	v31 =	vbroadcast v61, $0xF;
	vm10 =	veq.s32 v36, $0x5;
	v63, _, _ =	vpop (xrf0);
	(xrf0) =	vadd.scan.msk.s32 $0xffff, v40  }
0x132: {  	v24 =	vsel vm12, v34, v60;
	v39 =	vsel vm10, $0x1, v1;
	vm12 =	veq.s32 v36, $0x6  }
0x133: {  	v29 =	vadd.s32 v31, v29;
	v49 =	vsel vm12, $0x1, v1;
	v41 =	vadd.s32 v32, v63;
	v43, _, _ =	vpop (xrf0);
	(xrf0) =	vadd.scan.msk.s32 $0xffff, v44  }
0x134: {  	v35 =	vbroadcast v63, $0xF;
	v42 =	vadd.s32 $0xFFFFFFFF, v41;
	v45 =	vadd.s32 v25, v43  }
0x135: {  	v34 =	vbroadcast v43, $0xF;
	v31 =	vnsel vm13, $0x0, v42;
	v46 =	vadd.s32 $0xFFFFFFFF, v45;
	v47, _, _ =	vpop (xrf0)  }
0x136: {  	v32 =	vadd.s32 v32, v35;
	vm13 =	veq.s32 v36, $0x7;
	(xrf0) =	vadd.scan.msk.s32 $0xffff, v39;
	v40 =	vadd.s32 v26, v47  }
0x137: {  	v31 =	vsel vm8, v46, v31;
	v34 =	vadd.s32 v25, v34;
	v51, _, _ =	vpop (xrf0);
	v48 =	vadd.s32 $0xFFFFFFFF, v40;
	v40 =	vld [tilespmem:$0x50]  }
0x138: {  	v56 =	vsel vm13, $0x1, v1;
	(xrf0) =	vadd.scan.msk.s32 $0xffff, v49;
	v52 =	vbroadcast v47, $0xF;
	v53 =	vadd.s32 v30, v51  }
0x139: {  	v55, _, _ =	vpop (xrf0);
	v50 =	vsel vm1, v48, v31;
	v54 =	vadd.s32 $0xFFFFFFFF, v53;
	v31 =	vbroadcast v51, $0xF  }
0x13a: {  	v35 =	vadd.s32 v26, v52;
	v57 =	vadd.s32 v33, v55;
	v37 =	vbroadcast v55, $0xF  }
0x13b: {  	(xrf0) =	vadd.scan.msk.s32 $0xffff, v56;
	v25 =	vsel vm11, v54, v50;
	v26 =	vadd.s32 $0xFFFFFFFF, v57;
	v30 =	vadd.s32 v31, v30  }
0x13c: {  	v25 =	vsel vm3, v26, v25;
	v33 =	vadd.s32 v37, v33;
	v58, _, _ =	vpop (xrf0);
	vm8 =	veq.s32 v40, $0x0  }
0x13d: {  	v59 =	vadd.s32 v27, v58;
	vm3 =	veq.s32 v40, $0x1;
	v31 =	vbroadcast v58, $0xF  }
0x13e: {  	v61, _, _ =	vpop (xrf0);
	vm1 =	veq.s32 v40, $0x2;
	vm11 =	veq.s32 v40, $0x3;
	v60 =	vsel vm8, $0x1, v1  }
0x13f: {  	vm15 =	veq.s32 v40, $0x5;
	v26 =	vadd.s32 $0xFFFFFFFF, v59;
	v62 =	vadd.s32 v28, v61;
	(xrf0) =	vadd.scan.msk.s32 $0xffff, v60  }
0x140: {  	v63 =	vsel vm3, $0x1, v1;
	v43 =	vbroadcast v61, $0xF;
	v46 =	vsel vm1, $0x1, v1  }
0x141: {  	v44, _, _ =	vpop (xrf0);
	v48 =	vsel vm11, $0x1, v1;
	v54 =	vsel vm15, $0x1, v1;
	v25 =	vsel vm10, v26, v25;
	(xrf0) =	vadd.scan.msk.s32 $0xffff, v63  }
0x142: {  	v42 =	vadd.s32 $0xFFFFFFFF, v62;
	v31 =	vadd.s32 v31, v27;
	v45 =	vadd.s32 v29, v44  }
0x143: {  	v26 =	vbroadcast v44, $0xF;
	vm10 =	veq.s32 v40, $0x6;
	v25 =	vsel vm12, v42, v25;
	(xrf0) =	vadd.scan.msk.s32 $0xffff, v46  }
0x144: {  	v27 =	vadd.s32 v43, v28;
	v28 =	vadd.s32 $0xFFFFFFFF, v45;
	vm12 =	veq.s32 v40, $0x4  }
0x145: {  	v56 =	vsel vm10, $0x1, v1;
	v25 =	vsel vm13, v28, v25;
	v26 =	vadd.s32 v26, v29;
	v47, _, _ =	vpop (xrf0)  }
0x146: {  	v52 =	vsel vm12, $0x1, v1;
	vm13 =	veq.s32 v38, $0x0;
	(xrf0) =	vadd.scan.msk.s32 $0xffff, v48;
	v49 =	vadd.s32 v32, v47  }
0x147: {  	v61 =	vsel vm13, $0x1, v1;
	v28 =	vbroadcast v47, $0xF;
	v51, _, _ =	vpop (xrf0);
	(xrf0) =	vadd.scan.msk.s32 $0xffff, v52;
	v50 =	vadd.s32 $0xFFFFFFFF, v49  }
0x148: {  	v53 =	vadd.s32 v34, v51;
	v36 =	vbroadcast v51, $0xF;
	v51 =	vsel vm14, $0x1, v1  }
0x149: {  	v55, _, _ =	vpop (xrf0);
	v29 =	vnsel vm8, $0x0, v50;
	v28 =	vadd.s32 v32, v28;
	v32 =	vadd.s32 $0xFFFFFFFF, v53  }
0x14a: {  	(xrf0) =	vadd.scan.msk.s32 $0xffff, v54;
	vm8 =	veq.s32 v40, $0x7;
	v57 =	vadd.s32 v35, v55;
	v29 =	vsel vm3, v32, v29  }
0x14b: {  	(xrf0) =	vadd.scan.msk.s32 $0xffff, v56;
	v34 =	vadd.s32 v34, v36;
	v59 =	vsel vm8, $0x1, v1;
	v37 =	vadd.s32 $0xFFFFFFFF, v57  }
0x14c: {  	v36 =	vbroadcast v55, $0xF;
	vm3 =	veq.s32 v38, $0x1;
	v29 =	vsel vm1, v37, v29;
	v58, _, _ =	vpop (xrf0);
	(xrf0) =	vadd.scan.msk.s32 $0xffff, v59  }
0x14d: {  	v46 =	vsel vm3, $0x1, v1;
	vm1 =	veq.s32 v38, $0x4;
	v60 =	vadd.s32 v30, v58;
	v63, _, _ =	vpop (xrf0);
	(xrf0) =	vadd.scan.msk.s32 $0xffff, v61  }
0x14e: {  	v35 =	vadd.s32 v35, v36;
	v62 =	vadd.s32 $0xFFFFFFFF, v60;
	v44 =	vadd.s32 v33, v63  }
0x14f: {  	v43 =	vbroadcast v58, $0xF;
	v29 =	vsel vm11, v62, v29;
	v45 =	vadd.s32 $0xFFFFFFFF, v44  }
0x150: {  	v52 =	vsel vm1, $0x1, v1;
	v47, _, _ =	vpop (xrf0);
	(xrf0) =	vadd.scan.msk.s32 $0xffff, v46;
	v29 =	vsel vm12, v45, v29;
	vm12 =	veq.s32 v38, $0x2  }
0x151: {  	v48 =	vbroadcast v63, $0xF;
	v30 =	vadd.s32 v30, v43;
	v39, _, _ =	vpop (xrf0);
	v41 =	vsel vm12, $0x1, v1  }
0x152: {  	v49 =	vadd.s32 v31, v47;
	v32 =	vbroadcast v47, $0xF;
	vm11 =	veq.s32 v38, $0x5;
	v40, _, _ =	vpop (xrf0);
	(xrf0) =	vadd.scan.msk.s32 $0xffff, v41  }
0x153: {  	v37 =	vadd.s32 $0xFFFFFFFF, v49;
	v42 =	vadd.s32 v27, v39;
	v55 =	vsel vm11, $0x1, v1;
	v50, _, _ =	vpop (xrf0);
	(xrf0) =	vadd.scan.msk.s32 $0xffff, v51  }
0x154: {  	v43 =	vld [tilespmem:$0x70];
	v33 =	vadd.s32 v48, v33;
	v29 =	vsel vm15, v37, v29;
	v42 =	vadd.s32 $0xFFFFFFFF, v42;
	(xrf0) =	vadd.scan.msk.s32 $0xffff, v52  }
0x155: {  	vm15 =	veq.s32 v38, $0x7;
	v31 =	vadd.s32 v32, v31;
	v29 =	vsel vm10, v42, v29  }
0x156: {  	vm10 =	veq.s32 v38, $0x6;
	v59 =	vsel vm15, $0x1, v1;
	v37 =	vadd.s32 $0xFFFFFFFF, v50;
	v54, _, _ =	vpop (xrf0)  }
0x157: {  	v56 =	vsel vm10, $0x1, v1;
	v44 =	vadd.s32 v28, v37;
	v42 =	vadd.s32 $0xFFFFFFFF, v54  }
0x158: {  	v47 =	vadd.s32 v26, v40;
	(xrf0) =	vadd.scan.msk.s32 $0xffff, v55;
	v53 =	vnsel vm13, $0x0, v44;
	v45 =	vadd.s32 v34, v42;
	v58, _, _ =	vpop (xrf0)  }
0x159: {  	vm13 =	veq.s32 v43, $0x0;
	v57 =	vsel vm3, v45, v53;
	(xrf0) =	vadd.scan.msk.s32 $0xffff, v56;
	v60 =	vadd.s32 $0xFFFFFFFF, v58;
	v61, _, _ =	vpop (xrf0)  }
0x15a: {  	v62 =	vsel vm13, $0x1, v1;
	v63 =	vadd.s32 v35, v60;
	v41 =	vadd.s32 $0xFFFFFFFF, v61;
	v48, _, _ =	vpop (xrf0)  }
0x15b: {  	v32 =	vsel vm12, v63, v57;
	v49 =	vadd.s32 v30, v41;
	v44 =	vadd.s32 $0xFFFFFFFF, v48  }
0x15c: {  	vm3 =	veq.s32 v43, $0x1;
	(xrf0) =	vadd.scan.msk.s32 $0xffff, v59;
	v32 =	vsel vm14, v49, v32;
	v50 =	vadd.s32 v33, v44  }
0x15d: {  	v52 =	vsel vm3, $0x1, v1;
	(xrf0) =	vadd.scan.msk.s32 $0xffff, v62;
	v32 =	vsel vm1, v50, v32;
	vm1 =	veq.s32 v43, $0x2  }
0x15e: {  	v47 =	vadd.s32 $0xFFFFFFFF, v47;
	v37 =	vbroadcast v37, $0xF;
	v51, _, _ =	vpop (xrf0);
	(xrf0) =	vadd.scan.msk.s32 $0xffff, v52;
	v53 =	vsel vm1, $0x1, v1  }
0x15f: {  	v29 =	vsel vm8, v47, v29;
	vm8 =	veq.s32 v43, $0x4;
	v46, _, _ =	vpop (xrf0);
	(xrf0) =	vadd.scan.msk.s32 $0xffff, v53  }
0x160: {  	v28 =	vadd.s32 v28, v37;
	v58 =	vsel vm8, $0x1, v1;
	v36 =	vbroadcast v60, $0xF  }
0x161: {  	v61 =	vbroadcast v39, $0xF;
	vm12 =	veq.s32 v43, $0x3;
	v45 =	vadd.s32 $0xFFFFFFFF, v51  }
0x162: {  	v57 =	vbroadcast v42, $0xF;
	v54 =	vsel vm12, $0x1, v1;
	v56 =	vadd.s32 v31, v45;
	v48, _, _ =	vpop (xrf0)  }
0x163: {  	v41 =	vbroadcast v41, $0xF;
	v32 =	vsel vm11, v56, v32;
	vm11 =	veq.s32 v43, $0x5;
	v55, _, _ =	vpop (xrf0);
	(xrf0) =	vadd.scan.msk.s32 $0xffff, v54  }
0x164: {  	v35 =	vadd.s32 v35, v36;
	v27 =	vadd.s32 v61, v27;
	v60 =	vsel vm11, $0x1, v1;
	v59, _, _ =	vpop (xrf0);
	(xrf0) =	vadd.scan.msk.s32 $0xffff, v58  }
0x165: {  	v44 =	vbroadcast v44, $0xF;
	v34 =	vadd.s32 v34, v57;
	v30 =	vadd.s32 v30, v41;
	v62, _, _ =	vpop (xrf0);
	(xrf0) =	vadd.scan.msk.s32 $0xffff, v60  }
0x166: {  	v47 =	vbroadcast v45, $0xF;
	v57 =	vshrl.u32 v21, $0x3;
	v28 =	vadd.s32 v55, v28  }
0x167: {  	[tilespmem:$0x18080] =	vst v21;
	v21 =	vand.u32 $0x7, v21;
	v28 =	vnsel vm13, $0x0, v28;
	v34 =	vadd.s32 v59, v34  }
0x168: {  	v28 =	vsel vm3, v34, v28;
	vm3 =	veq.s32 v43, $0x6;
	v42 =	vadd.s32 v62, v35  }
0x169: {  	[tilespmem:$0x18090] =	vst v22;
	v49 =	vsel vm3, $0x1, v1;
	v63, _, _ =	vpop (xrf0);
	v28 =	vsel vm1, v42, v28;
	vm1 =	veq.s32 v43, $0x7  }
0x16a: {  	v56 =	vbroadcast v40, $0xF;
	v50 =	vadd.s32 $0xFFFFFFFF, v46;
	v51, _, _ =	vpop (xrf0);
	(xrf0) =	vadd.scan.msk.s32 $0xffff, v49;
	v52 =	vsel vm1, $0x1, v1  }
0x16b: {  	v31 =	vadd.s32 v31, v47;
	v54 =	vadd.s32 v27, v50;
	v22 =	vadd.s32 $0xFFFFFFFF, v48;
	v53, _, _ =	vpop (xrf0);
	(xrf0) =	vadd.scan.msk.s32 $0xffff, v52  }
0x16c: {  	[tilespmem:$0x18100] =	vst v23;
	v23 =	vadd.s32 v56, v26;
	v32 =	vsel vm10, v54, v32;
	v30 =	vadd.s32 v63, v30  }
0x16d: {  	v58 =	vbroadcast v50, $0xF;
	v59 =	vbroadcast v22, $0xF;
	v28 =	vsel vm12, v30, v28  }
0x16e: {  	v30 =	vadd.s32 v33, v44;
	v55 =	vadd.s32 v53, v31;
	v31 =	vmul.u32 $0x30, v57  }
0x16f: {  	v22 =	vadd.s32 v23, v22;
	v61 =	vadd.s32 v27, v58;
	v30 =	vadd.s32 v51, v30  }
0x170: {  	[tilespmem:$0x18110] =	vst v24;
	v23 =	vadd.s32 v23, v59;
	v28 =	vsel vm8, v30, v28;
	v60, _, _ =	vpop (xrf0);
	v21 =	vor.u32 v21, v31  }
0x171: {  	[tilespmem:$0x18180] =	vst v25;
	v28 =	vsel vm11, v55, v28;
	v24 =	vadd.s32 v60, v61;
	v63 =	vperm.xlane v21, v10;
	v62, _, _ =	vpop (xrf0)  }
0x172: {  	[tilespmem:$0x18190] =	vst v29;
	v22 =	vsel vm15, v22, v32;
	v24 =	vsel vm3, v24, v28;
	v23 =	vadd.s32 v62, v23  }
0x173: {  	[tilespmem:$0x18200] =	vst v22;
	v22 =	vsel vm1, v23, v24;
	v23 =	vadd.s32 v11, v63  }
0x174: {  	[tilespmem:$0x18210] =	vst v22  }
0x175: {  	_ =	swait.ge [sflag:s23], $0x6000  }
0x176: {  	[sflag:s23] =	ssyncset.done $0x0  }
0x177: {  	v21 =	vperm.xlane v21, v12;
	[sflag:s23] =	ssyncadd.s32 $0xFFFFA000  }
0x178: {  	[hbm4b:s2+s1] =	stream.indirect_vreg.scatter [tilespmem:s7], [sflag:$0x5], $0x80, v23, vm2, $0xb8;
	[tilespmem:$0x18480] =	vst v63  }
0x179: {  	s17 =	simm.s32 $0x880;
	v21 =	vadd.s32 v11, v21  }
0x17a: {  	[hbm4b:s11+s1] =	stream.indirect_vreg.scatter [tilespmem:s17], [sflag:$0x5], $0x80, v23, vm2, $0xb8;
	[tilespmem:$0x18480] =	vst v63  }
0x17b: {  	s18 =	simm.s32 $0x1080  }
0x17c: {  	[hbm4b:s12+s1] =	stream.indirect_vreg.scatter [tilespmem:s18], [sflag:$0x5], $0x80, v23, vm2, $0xb8;
	[tilespmem:$0x18480] =	vst v63  }
0x17d: {  	s19 =	simm.s32 $0x1880  }
0x17e: {  	[hbm4b:s2+s1] =	stream.indirect_vreg.scatter [tilespmem:s19], [sflag:$0x5], $0x80, v21, vm2, $0xb8;
	[tilespmem:$0x18480] =	vst v63  }
0x17f: {  	s20 =	simm.s32 $0x2080  }
0x180: {  	[hbm4b:s11+s1] =	stream.indirect_vreg.scatter [tilespmem:s20], [sflag:$0x5], $0x80, v21, vm2, $0xb8;
	[tilespmem:$0x18480] =	vst v63  }
0x181: {  	s6 =	simm.s32 $0x2880  }
0x182: {  	[hbm4b:s12+s1] =	stream.indirect_vreg.scatter [tilespmem:s6], [sflag:$0x5], $0x80, v21, vm2, $0xb8;
	[tilespmem:$0x18480] =	vst v63  }
0x183: {  	v21 =	vld [tilespmem:$0x18090];
	_ =	sdelay $0x4  }
0x184: {  	v22 =	vshrl.u32 v21, $0x3  }
0x185: {  	v22 =	vmul.u32 $0x30, v22  }
0x186: {  	v21 =	vand.u32 $0x7, v21  }
0x187: {  	v21 =	vor.u32 v21, v22  }
0x188: {  	v22 =	vperm.xlane v21, v10;
	_ =	sdelay $0x1  }
0x189: {  	v22 =	vadd.s32 v11, v22;
	_ =	sdelay $0x3  }
0x18a: {  	s17 =	simm.s32 $0x3080;
	v21 =	vperm.xlane v21, v12  }
0x18b: {  	[hbm4b:s2+s1] =	stream.indirect_vreg.scatter [tilespmem:s17], [sflag:$0x5], $0x80, v22, vm2, $0xb8;
	[tilespmem:$0x18480] =	vst v63  }
0x18c: {  	s18 =	simm.s32 $0x3880;
	v21 =	vadd.s32 v11, v21  }
0x18d: {  	[hbm4b:s11+s1] =	stream.indirect_vreg.scatter [tilespmem:s18], [sflag:$0x5], $0x80, v22, vm2, $0xb8;
	[tilespmem:$0x18480] =	vst v63  }
0x18e: {  	s19 =	simm.s32 $0x4080  }
0x18f: {  	[hbm4b:s12+s1] =	stream.indirect_vreg.scatter [tilespmem:s19], [sflag:$0x5], $0x80, v22, vm2, $0xb8;
	[tilespmem:$0x18480] =	vst v63  }
0x190: {  	s20 =	simm.s32 $0x4880  }
0x191: {  	[hbm4b:s2+s1] =	stream.indirect_vreg.scatter [tilespmem:s20], [sflag:$0x5], $0x80, v21, vm2, $0xb8;
	[tilespmem:$0x18480] =	vst v63  }
0x192: {  	s6 =	simm.s32 $0x5080  }
0x193: {  	[hbm4b:s11+s1] =	stream.indirect_vreg.scatter [tilespmem:s6], [sflag:$0x5], $0x80, v21, vm2, $0xb8;
	[tilespmem:$0x18480] =	vst v63  }
0x194: {  	s17 =	simm.s32 $0x5880  }
0x195: {  	[hbm4b:s12+s1] =	stream.indirect_vreg.scatter [tilespmem:s17], [sflag:$0x5], $0x80, v21, vm2, $0xb8;
	[tilespmem:$0x18480] =	vst v63  }
0x196: {  	_ =	swait.ge [sflag:s24], $0x6000  }
0x197: {  	[sflag:s24] =	ssyncset.done $0x0  }
0x198: {  	[sflag:s24] =	ssyncadd.s32 $0xFFFFA000  }
0x199: {  	v21 =	vld [tilespmem:$0x18100];
	_ =	sdelay $0x4  }
0x19a: {  	v22 =	vshrl.u32 v21, $0x3  }
0x19b: {  	v22 =	vmul.u32 $0x30, v22  }
0x19c: {  	v21 =	vand.u32 $0x7, v21  }
0x19d: {  	v21 =	vor.u32 v21, v22  }
0x19e: {  	v22 =	vperm.xlane v21, v10;
	_ =	sdelay $0x1  }
0x19f: {  	v22 =	vadd.s32 v11, v22;
	_ =	sdelay $0x3  }
0x1a0: {  	v21 =	vperm.xlane v21, v12  }
0x1a1: {  	[hbm4b:s2+s1] =	stream.indirect_vreg.scatter [tilespmem:s8], [sflag:$0x5], $0x80, v22, vm2, $0xb8;
	[tilespmem:$0x18480] =	vst v63  }
0x1a2: {  	s18 =	simm.s32 $0x6880;
	v21 =	vadd.s32 v11, v21  }
0x1a3: {  	[hbm4b:s11+s1] =	stream.indirect_vreg.scatter [tilespmem:s18], [sflag:$0x5], $0x80, v22, vm2, $0xb8;
	[tilespmem:$0x18480] =	vst v63  }
0x1a4: {  	s19 =	simm.s32 $0x7080  }
0x1a5: {  	[hbm4b:s12+s1] =	stream.indirect_vreg.scatter [tilespmem:s19], [sflag:$0x5], $0x80, v22, vm2, $0xb8;
	[tilespmem:$0x18480] =	vst v63  }
0x1a6: {  	s20 =	simm.s32 $0x7880  }
0x1a7: {  	[hbm4b:s2+s1] =	stream.indirect_vreg.scatter [tilespmem:s20], [sflag:$0x5], $0x80, v21, vm2, $0xb8;
	[tilespmem:$0x18480] =	vst v63  }
0x1a8: {  	s6 =	simm.s32 $0x8080  }
0x1a9: {  	[hbm4b:s11+s1] =	stream.indirect_vreg.scatter [tilespmem:s6], [sflag:$0x5], $0x80, v21, vm2, $0xb8;
	[tilespmem:$0x18480] =	vst v63  }
0x1aa: {  	s17 =	simm.s32 $0x8880  }
0x1ab: {  	[hbm4b:s12+s1] =	stream.indirect_vreg.scatter [tilespmem:s17], [sflag:$0x5], $0x80, v21, vm2, $0xb8;
	[tilespmem:$0x18480] =	vst v63  }
0x1ac: {  	v21 =	vld [tilespmem:$0x18110];
	_ =	sdelay $0x4  }
0x1ad: {  	v22 =	vshrl.u32 v21, $0x3  }
0x1ae: {  	v22 =	vmul.u32 $0x30, v22  }
0x1af: {  	v21 =	vand.u32 $0x7, v21  }
0x1b0: {  	v21 =	vor.u32 v21, v22  }
0x1b1: {  	v22 =	vperm.xlane v21, v10;
	_ =	sdelay $0x1  }
0x1b2: {  	v22 =	vadd.s32 v11, v22;
	_ =	sdelay $0x3  }
0x1b3: {  	s18 =	simm.s32 $0x9080;
	v21 =	vperm.xlane v21, v12  }
0x1b4: {  	[hbm4b:s2+s1] =	stream.indirect_vreg.scatter [tilespmem:s18], [sflag:$0x5], $0x80, v22, vm2, $0xb8;
	[tilespmem:$0x18480] =	vst v63  }
0x1b5: {  	s19 =	simm.s32 $0x9880;
	v21 =	vadd.s32 v11, v21  }
0x1b6: {  	[hbm4b:s11+s1] =	stream.indirect_vreg.scatter [tilespmem:s19], [sflag:$0x5], $0x80, v22, vm2, $0xb8;
	[tilespmem:$0x18480] =	vst v63  }
0x1b7: {  	s20 =	simm.s32 $0xA080  }
0x1b8: {  	[hbm4b:s12+s1] =	stream.indirect_vreg.scatter [tilespmem:s20], [sflag:$0x5], $0x80, v22, vm2, $0xb8;
	[tilespmem:$0x18480] =	vst v63  }
0x1b9: {  	s6 =	simm.s32 $0xA880  }
0x1ba: {  	[hbm4b:s2+s1] =	stream.indirect_vreg.scatter [tilespmem:s6], [sflag:$0x5], $0x80, v21, vm2, $0xb8;
	[tilespmem:$0x18480] =	vst v63  }
0x1bb: {  	s17 =	simm.s32 $0xB080  }
0x1bc: {  	[hbm4b:s11+s1] =	stream.indirect_vreg.scatter [tilespmem:s17], [sflag:$0x5], $0x80, v21, vm2, $0xb8;
	[tilespmem:$0x18480] =	vst v63  }
0x1bd: {  	s18 =	simm.s32 $0xB880  }
0x1be: {  	[hbm4b:s12+s1] =	stream.indirect_vreg.scatter [tilespmem:s18], [sflag:$0x5], $0x80, v21, vm2, $0xb8;
	[tilespmem:$0x18480] =	vst v63  }
0x1bf: {  	_ =	swait.ge [sflag:s26], $0x6000  }
0x1c0: {  	[sflag:s26] =	ssyncset.done $0x0  }
0x1c1: {  	[sflag:s26] =	ssyncadd.s32 $0xFFFFA000  }
0x1c2: {  	v21 =	vld [tilespmem:$0x18180];
	_ =	sdelay $0x4  }
0x1c3: {  	v22 =	vshrl.u32 v21, $0x3  }
0x1c4: {  	v22 =	vmul.u32 $0x30, v22  }
0x1c5: {  	v21 =	vand.u32 $0x7, v21  }
0x1c6: {  	v21 =	vor.u32 v21, v22  }
0x1c7: {  	v22 =	vperm.xlane v21, v10;
	_ =	sdelay $0x1  }
0x1c8: {  	v22 =	vadd.s32 v11, v22;
	_ =	sdelay $0x3  }
0x1c9: {  	v21 =	vperm.xlane v21, v12  }
0x1ca: {  	[hbm4b:s2+s1] =	stream.indirect_vreg.scatter [tilespmem:s9], [sflag:$0x5], $0x80, v22, vm2, $0xb8;
	[tilespmem:$0x18480] =	vst v63  }
0x1cb: {  	s19 =	simm.s32 $0xC880;
	v21 =	vadd.s32 v11, v21  }
0x1cc: {  	[hbm4b:s11+s1] =	stream.indirect_vreg.scatter [tilespmem:s19], [sflag:$0x5], $0x80, v22, vm2, $0xb8;
	[tilespmem:$0x18480] =	vst v63  }
0x1cd: {  	s20 =	simm.s32 $0xD080  }
0x1ce: {  	[hbm4b:s12+s1] =	stream.indirect_vreg.scatter [tilespmem:s20], [sflag:$0x5], $0x80, v22, vm2, $0xb8;
	[tilespmem:$0x18480] =	vst v63  }
0x1cf: {  	s6 =	simm.s32 $0xD880  }
0x1d0: {  	[hbm4b:s2+s1] =	stream.indirect_vreg.scatter [tilespmem:s6], [sflag:$0x5], $0x80, v21, vm2, $0xb8;
	[tilespmem:$0x18480] =	vst v63  }
0x1d1: {  	s17 =	simm.s32 $0xE080  }
0x1d2: {  	[hbm4b:s11+s1] =	stream.indirect_vreg.scatter [tilespmem:s17], [sflag:$0x5], $0x80, v21, vm2, $0xb8;
	[tilespmem:$0x18480] =	vst v63  }
0x1d3: {  	s18 =	simm.s32 $0xE880  }
0x1d4: {  	[hbm4b:s12+s1] =	stream.indirect_vreg.scatter [tilespmem:s18], [sflag:$0x5], $0x80, v21, vm2, $0xb8;
	[tilespmem:$0x18480] =	vst v63  }
0x1d5: {  	v21 =	vld [tilespmem:$0x18190];
	_ =	sdelay $0x4  }
0x1d6: {  	v22 =	vshrl.u32 v21, $0x3  }
0x1d7: {  	v22 =	vmul.u32 $0x30, v22  }
0x1d8: {  	v21 =	vand.u32 $0x7, v21  }
0x1d9: {  	v21 =	vor.u32 v21, v22  }
0x1da: {  	v22 =	vperm.xlane v21, v10;
	_ =	sdelay $0x1  }
0x1db: {  	v22 =	vadd.s32 v11, v22;
	_ =	sdelay $0x3  }
0x1dc: {  	s19 =	simm.s32 $0xF080;
	v21 =	vperm.xlane v21, v12  }
0x1dd: {  	[hbm4b:s2+s1] =	stream.indirect_vreg.scatter [tilespmem:s19], [sflag:$0x5], $0x80, v22, vm2, $0xb8;
	[tilespmem:$0x18480] =	vst v63  }
0x1de: {  	s20 =	simm.s32 $0xF880;
	v21 =	vadd.s32 v11, v21  }
0x1df: {  	[hbm4b:s11+s1] =	stream.indirect_vreg.scatter [tilespmem:s20], [sflag:$0x5], $0x80, v22, vm2, $0xb8;
	[tilespmem:$0x18480] =	vst v63  }
0x1e0: {  	s6 =	simm.s32 $0x10080  }
0x1e1: {  	[hbm4b:s12+s1] =	stream.indirect_vreg.scatter [tilespmem:s6], [sflag:$0x5], $0x80, v22, vm2, $0xb8;
	[tilespmem:$0x18480] =	vst v63  }
0x1e2: {  	s17 =	simm.s32 $0x10880  }
0x1e3: {  	[hbm4b:s2+s1] =	stream.indirect_vreg.scatter [tilespmem:s17], [sflag:$0x5], $0x80, v21, vm2, $0xb8;
	[tilespmem:$0x18480] =	vst v63  }
0x1e4: {  	s18 =	simm.s32 $0x11080  }
0x1e5: {  	[hbm4b:s11+s1] =	stream.indirect_vreg.scatter [tilespmem:s18], [sflag:$0x5], $0x80, v21, vm2, $0xb8;
	[tilespmem:$0x18480] =	vst v63  }
0x1e6: {  	s19 =	simm.s32 $0x11880  }
0x1e7: {  	[hbm4b:s12+s1] =	stream.indirect_vreg.scatter [tilespmem:s19], [sflag:$0x5], $0x80, v21, vm2, $0xb8;
	[tilespmem:$0x18480] =	vst v63  }
0x1e8: {  	_ =	swait.ge [sflag:s30], $0x6000  }
0x1e9: {  	[sflag:s30] =	ssyncset.done $0x0  }
0x1ea: {  	[sflag:s30] =	ssyncadd.s32 $0xFFFFA000  }
0x1eb: {  	v21 =	vld [tilespmem:$0x18200];
	_ =	sdelay $0x4  }
0x1ec: {  	v22 =	vshrl.u32 v21, $0x3  }
0x1ed: {  	v22 =	vmul.u32 $0x30, v22  }
0x1ee: {  	v21 =	vand.u32 $0x7, v21  }
0x1ef: {  	v21 =	vor.u32 v21, v22  }
0x1f0: {  	v22 =	vperm.xlane v21, v10;
	_ =	sdelay $0x1  }
0x1f1: {  	v22 =	vadd.s32 v11, v22;
	_ =	sdelay $0x3  }
0x1f2: {  	v21 =	vperm.xlane v21, v12  }
0x1f3: {  	[hbm4b:s2+s1] =	stream.indirect_vreg.scatter [tilespmem:s10], [sflag:$0x5], $0x80, v22, vm2, $0xb8;
	[tilespmem:$0x18480] =	vst v63  }
0x1f4: {  	s20 =	simm.s32 $0x12880;
	v21 =	vadd.s32 v11, v21  }
0x1f5: {  	[hbm4b:s11+s1] =	stream.indirect_vreg.scatter [tilespmem:s20], [sflag:$0x5], $0x80, v22, vm2, $0xb8;
	[tilespmem:$0x18480] =	vst v63  }
0x1f6: {  	s6 =	simm.s32 $0x13080  }
0x1f7: {  	[hbm4b:s12+s1] =	stream.indirect_vreg.scatter [tilespmem:s6], [sflag:$0x5], $0x80, v22, vm2, $0xb8;
	[tilespmem:$0x18480] =	vst v63  }
0x1f8: {  	s17 =	simm.s32 $0x13880  }
0x1f9: {  	[hbm4b:s2+s1] =	stream.indirect_vreg.scatter [tilespmem:s17], [sflag:$0x5], $0x80, v21, vm2, $0xb8;
	[tilespmem:$0x18480] =	vst v63  }
0x1fa: {  	s18 =	simm.s32 $0x14080  }
0x1fb: {  	[hbm4b:s11+s1] =	stream.indirect_vreg.scatter [tilespmem:s18], [sflag:$0x5], $0x80, v21, vm2, $0xb8;
	[tilespmem:$0x18480] =	vst v63  }
0x1fc: {  	s19 =	simm.s32 $0x14880  }
0x1fd: {  	[hbm4b:s12+s1] =	stream.indirect_vreg.scatter [tilespmem:s19], [sflag:$0x5], $0x80, v21, vm2, $0xb8;
	[tilespmem:$0x18480] =	vst v63  }
0x1fe: {  	v21 =	vld [tilespmem:$0x18210];
	_ =	sdelay $0x4  }
0x1ff: {  	v22 =	vshrl.u32 v21, $0x3  }
0x200: {  	v22 =	vmul.u32 $0x30, v22  }
0x201: {  	v21 =	vand.u32 $0x7, v21  }
0x202: {  	v21 =	vor.u32 v21, v22  }
0x203: {  	v22 =	vperm.xlane v21, v10;
	_ =	sdelay $0x1  }
0x204: {  	v22 =	vadd.s32 v11, v22;
	_ =	sdelay $0x3  }
0x205: {  	s20 =	simm.s32 $0x15080;
	v21 =	vperm.xlane v21, v12  }
0x206: {  	[hbm4b:s2+s1] =	stream.indirect_vreg.scatter [tilespmem:s20], [sflag:$0x5], $0x80, v22, vm2, $0xb8;
	[tilespmem:$0x18480] =	vst v63  }
0x207: {  	s6 =	simm.s32 $0x15880;
	v21 =	vadd.s32 v11, v21  }
0x208: {  	[hbm4b:s11+s1] =	stream.indirect_vreg.scatter [tilespmem:s6], [sflag:$0x5], $0x80, v22, vm2, $0xb8;
	[tilespmem:$0x18480] =	vst v63  }
0x209: {  	s17 =	simm.s32 $0x16080  }
0x20a: {  	[hbm4b:s12+s1] =	stream.indirect_vreg.scatter [tilespmem:s17], [sflag:$0x5], $0x80, v22, vm2, $0xb8;
	[tilespmem:$0x18480] =	vst v63  }
0x20b: {  	s18 =	simm.s32 $0x16880  }
0x20c: {  	[hbm4b:s2+s1] =	stream.indirect_vreg.scatter [tilespmem:s18], [sflag:$0x5], $0x80, v21, vm2, $0xb8;
	[tilespmem:$0x18480] =	vst v63  }
0x20d: {  	s19 =	simm.s32 $0x17080  }
0x20e: {  	[hbm4b:s11+s1] =	stream.indirect_vreg.scatter [tilespmem:s19], [sflag:$0x5], $0x80, v21, vm2, $0xb8;
	[tilespmem:$0x18480] =	vst v63  }
0x20f: {  	s20 =	simm.s32 $0x17880  }
0x210: {  	[hbm4b:s12+s1] =	stream.indirect_vreg.scatter [tilespmem:s20], [sflag:$0x5], $0x80, v21, vm2, $0xb8;
	[tilespmem:$0x18480] =	vst v63  }
0x211: {  	_ =	swait.ge [sflag:s14], $0x6000  }
0x212: {  	[sflag:s14] =	ssyncset.done $0x0  }
0x213: {  	[sflag:s14] =	ssyncadd.s32 $0xFFFFA000  }
0x214: {  	_ =	swait.ge [sflag:s14], $0x6000  }
0x215: {  	[sflag:s14] =	ssyncset.done $0x0  }
0x216: {  	[sflag:s14] =	ssyncadd.s32 $0xFFFFA000  }
0x217: {  	_ =	swait.ge [sflag:s14], $0x6000  }
.Ltmp2:
0x218: {  	[sflag:s14] =	ssyncset.done $0x0;
	(pc) =	sbr.rel @p0 .LBB2_3-.Ltmp2, $4  }
0x219: {  	[sflag:s14] =	ssyncadd.s32 $0xFFFFA000  }
0x21a: {  	_ =	swait.ge [sflag:s14], $0x6000  }
0x21b: {  	[sflag:s14] =	ssyncset.done $0x0  }
0x21c: {  	[sflag:s14] =	ssyncadd.s32 $0xFFFFA000  }
0x21d: {  	v18 =	vbroadcast v18, $0xF;
	v21 =	vmul.u32 $0xFFFFFF00, v0  }
0x21e: {  	(v2sf) =	vpush v20, $0xF;
	v22 =	vmov s25;
	v19 =	vbroadcast v19, $0xF  }
0x21f: {  	v24 =	vadd.s32 $0x1, v0;
	v47 =	vmov s21;
	v16 =	vbroadcast v16, $0xF  }
0x220: {  	v49 =	vmov s28;
	v15 =	vbroadcast v15, $0xF;
	v51 =	vmov s29  }
0x221: {  	v13 =	vbroadcast v13, $0xF;
	v54 =	vmov s0;
	v14 =	vbroadcast v14, $0xF  }
0x222: {  	v57 =	vmov s31;
	v58 =	vmov s13;
	v60 =	vbroadcast v20, $0xF  }
0x223: {  	v23 =	vshll.u32 v22, $0x8;
	vm3 =	vgt.s32 v47, v0;
	v48 =	vshll.u32 v47, $0x8  }
0x224: {  	v50 =	vshll.u32 v49, $0x8;
	v53 =	vshll.u32 v51, $0x8;
	v55 =	vshll.u32 v54, $0x8  }
0x225: {  	v59 =	vshll.u32 v57, $0x8;
	v18 =	vadd.s32 v21, v18;
	v19 =	vadd.s32 v19, v23  }
0x226: {  	v16 =	vadd.s32 v16, v48;
	v15 =	vadd.s32 v15, v50;
	v13 =	vadd.s32 v13, v53  }
0x227: {  	v14 =	vadd.s32 v14, v55;
	vm1 =	vgt.s32 v18, $0x0;
	v19 =	vadd.s32 v21, v19  }
0x228: {  	v16 =	vadd.s32 v21, v16;
	v15 =	vadd.s32 v21, v15;
	v13 =	vadd.s32 v21, v13  }
0x229: {  	v14 =	vadd.s32 v21, v14;
	v18 =	vnsel vm1, $0x0, v18;
	vm1 =	vgt.s32 v22, v0  }
0x22a: {  	vm8 =	vgt.s32 v19, $0x0;
	vm10 =	vgt.s32 v15, $0x0;
	v18 =	vmin.u32 v18, $0x100  }
0x22b: {  	v19 =	vnsel vm8, $0x0, v19;
	v18 =	vnsel vm1, $0x0, v18;
	vm1 =	vlt.s32 v22, v24  }
0x22c: {  	vm8 =	vgt.s32 v49, v0;
	v15 =	vnsel vm10, $0x0, v15;
	vm1 =	vmand vm1, vm3  }
0x22d: {  	v19 =	vmin.u32 v19, $0x100;
	vm3 =	vgt.s32 v16, $0x0;
	v25 =	vsel vm1, $0x1, v1  }
0x22e: {  	v18 =	vsel vm1, v19, v18;
	vm1 =	vlt.s32 v47, v24;
	v16 =	vnsel vm3, $0x0, v16  }
0x22f: {  	v15 =	vmin.u32 v15, $0x100;
	vm1 =	vmand vm1, vm8;
	v16 =	vmin.u32 v16, $0x100  }
0x230: {  	vm3 =	vlt.s32 v49, v24;
	vm8 =	vgt.s32 v51, v0;
	v16 =	vsel vm1, v16, v18  }
0x231: {  	v52 =	vsel vm1, $0x2, v25;
	vm1 =	vmand vm3, vm8;
	vm3 =	vgt.s32 v54, v0;
	s20 =	spop (v2sf)  }
0x232: {  	v19 =	vsel vm1, $0x3, v52;
	v15 =	vsel vm1, v15, v16;
	vm1 =	vlt.s32 v51, v24;
	s0 =	sadd.s32 $0xFF, s20  }
0x233: {  	vm10 =	vgt.s32 v57, v0;
	vm1 =	vmand vm1, vm3;
	vm3 =	vgt.s32 v13, $0x0;
	s4 =	sand.u32 $0xFF, s0  }
0x234: {  	vm8 =	vlt.s32 v54, v24;
	v13 =	vnsel vm3, $0x0, v13;
	vm3 =	vgt.s32 v14, $0x0;
	s6 =	sshra.s32 s0, $0x1F;
	p1 =	slt.s32 s0, $0x1;
	p2 =	sne.s32 s4, $0x0  }
0x235: {  	v56 =	vsel vm1, $0x4, v19;
	v13 =	vmin.u32 v13, $0x100;
	v14 =	vnsel vm3, $0x0, v14;
	s21 =	sshrl.u32 s6, $0x18;
	p1 =	por !p1, !p2  }
0x236: {  	v13 =	vsel vm1, v13, v15;
	vm1 =	vmand vm8, vm10;
	v14 =	vmin.u32 v14, $0x100;
	s4 =	simm.s32 $0x1;
	s0 =	sadd.s32 s21, s0;
	p1 =	por !p1, !p1  }
0x237: {  	v61 =	vshll.u32 v58, $0x8;
	v13 =	vsel vm1, v14, v13;
	v14 =	vbroadcast v17, $0xF;
	s0 =	sshra.s32 s0, $0x8;
	s4 =	simm.s32 @!p1 $0x0  }
0x238: {  	vm3 =	vgt.s32 v58, v0;
	vm8 =	vlt.s32 v58, v24;
	v15 =	vsel vm1, $0x5, v56;
	s0 =	ssub.s32 s0, s4  }
0x239: {  	vm1 =	vlt.s32 v57, v24;
	v17 =	vadd.s32 v60, v61;
	v14 =	vadd.s32 v14, v59;
	s0 =	sadd.s32 s13, s0  }
0x23a: {  	vm1 =	vmand vm1, vm3;
	v14 =	vadd.s32 v21, v14;
	v62 =	vmov s0  }
0x23b: {  	v63 =	vadd.s32 v21, v17;
	vm3 =	vgt.s32 v14, $0x0;
	vm10 =	vgt.s32 v62, v0  }
0x23c: {  	v14 =	vnsel vm3, $0x0, v14;
	vm3 =	vmand vm8, vm10;
	vm8 =	vgt.s32 v63, $0x0  }
0x23d: {  	v15 =	vsel vm1, $0x6, v15;
	v14 =	vmin.u32 v14, $0x100;
	v16 =	vnsel vm8, $0x0, v63  }
0x23e: {  	v13 =	vsel vm1, v14, v13;
	v14 =	vsel vm3, $0x7, v15;
	v15 =	vmin.u32 v16, $0x100  }
0x23f: {  	[tilespmem:$0x18400] =	vst v14;
	v13 =	vsel vm3, v15, v13  }
0x240: {  	s25 =	rddreg [dreg:$0x7];
	s28 =	simm.s32 $0x18400;
	[tilespmem:$0x18410] =	vst v13  }
0x241: {  	[hbm4b:s25+s1] =	stream.linear.scatter [tilespmem:s28], [sflag:$0x6], $0x10, $0x38;
	[tilespmem:$0x18480] =	vst v63  }
0x242: {  	_ =	swait.ge [sflag:s16], $0x10  }
0x243: {  	s31 =	simm.s32 $0x18410;
	[sflag:s16] =	ssyncset.done $0x0  }
.Ltmp3:
0x244: {  	s29 =	rddreg [dreg:$0x8];
	[sflag:s16] =	ssyncadd.s32 $0xFFFFFFF0;
	(pc) =	sbr.rel .LBB2_3-.Ltmp3, $4  }
0x245: {  	[hbm4b:s29+s1] =	stream.linear.scatter [tilespmem:s31], [sflag:$0x6], $0x10, $0x38;
	[tilespmem:$0x18480] =	vst v63  }
0x246: {  	_ =	swait.ge [sflag:s16], $0x10  }
0x247: {  	[sflag:s16] =	ssyncset.done $0x0  }
0x248: {  	[sflag:s16] =	ssyncadd.s32 $0xFFFFFFF0  }
.LBB2_4:
0x249: {  	_ =	sfence.sel $0x180000  }
0x24a: {  	[bflag:$0x0] =	sbarrier.arrive $0xFFFF  }
0x24b: {  	_ =	strace $0x90000047  }
0x24c: {  	[bflag:$0x2] =	sbarrier.arrive $0xFFFF  }
0x24d: {  	s0 =	rddreg [dreg:$0x4]  }
0x24e: {  	s0 =	sadd.s32 @!p0 $0x100000, s0  }
0x24f: {  	[sflag:s0] =	ssyncadd.tile.s32 @!p0 $0x1;
	_ =	shalt  }
.Lfunc_end2:
_tile_overlayer_lowered:
.L_overlay_start_2:
0x250: {  	(tag) =	ssettag $0x2  }
0x251: {  	s0 =	rddreg [dreg:$0x0];
	s2 =	stileid.u32  }
0x252: {  	s1 =	rddreg [dreg:$0x1];
	p0 =	sne.s32 s2, $0x0  }
0x253: {  	s3 =	rddreg [dreg:$0x2];
	[bflag:$0x3] =	sbarrier.arrive $0xFFFF;
	s2 =	simm.s32 @!p0 $0x1C06  }
0x254: {  	[timem:s3], [sflag:s2] =	dma.local @!p0 [hbm:s0], s1  }
0x255: {  	s0 =	simm.s32 @!p0 $0x6  }
0x256: {  	_ =	swait.ge @!p0 [sflag:s0], s1  }
0x257: {  	s1 =	ssub.s32 @!p0 $0x0, s1;
	[sflag:s0] =	ssyncset.done @!p0 $0x0  }
0x258: {  	[sflag:s0] =	ssyncadd.s32 @!p0 s1  }
0x259: {  	[bflag:$0x3] =	sbarrier.arrive $0xFFFF  }
0x25a: {  	_ =	shalt  }

</sc_bundles>
